<compile_context>
chip_gen: v7x
topology: tpu7x:2x2x1
jax: 0.10.2.dev20260603
libtpu: 0.0.44.dev20260713+nightly
codegen_flags: <defaults>
</compile_context>

<pallas_src>
import functools

import jax
import jax.numpy as jnp
from jax import lax
from jax.experimental import pallas as pl
from jax.experimental.pallas import tpu as pltpu
from jax.experimental.pallas import tpu_sc as plsc

_B = 16384
_DIM = 128
_NC = 2
_NS = 16
_NW = _NC * _NS
_HPW = _B // _NW
_RPW = 2 * _HPW
_CH = 128
_NCHUNK = _RPW // _CH
_L = 16
_G = _DIM // _L


def _lane_total(x):
    dnums = lax.GatherDimensionNumbers(
        offset_dims=(), collapsed_slice_dims=(0,), start_index_map=(0,))
    for sh in (8, 4, 2, 1):
        perm = lax.iota(jnp.int32, _L) ^ sh
        x = x + lax.gather(x, perm[:, None], dnums, slice_sizes=(1,),
                           mode=lax.GatherScatterMode.PROMISE_IN_BOUNDS)
    return x


def _sqrt16(x):
    i = plsc.bitcast(x, jnp.int32)
    g = plsc.bitcast(lax.shift_right_logical(i, 1) + 0x1FBD1DF5, jnp.float32)
    g = 0.5 * (g + x / g)
    g = 0.5 * (g + x / g)
    return g


@functools.partial(
    pl.kernel,
    mesh=plsc.VectorSubcoreMesh(core_axis_name="c", subcore_axis_name="s"),
    out_type=[jax.ShapeDtypeStruct((_B,), jnp.float32),
              jax.ShapeDtypeStruct((_B,), jnp.float32)],
    compiler_params=pltpu.CompilerParams(needs_layout_passes=False),
    scratch_types=[
        pltpu.VMEM((_RPW,), jnp.int32),
        pltpu.VMEM((_RPW,), jnp.int32),
        pltpu.VMEM((_RPW,), jnp.int32),
        pltpu.VMEM((2, _CH, _DIM), jnp.float32),
        pltpu.VMEM((2, _CH, _DIM), jnp.float32),
        pltpu.VMEM((2, _CH, _DIM), jnp.float32),
        pltpu.VMEM((_RPW,), jnp.float32),
        pltpu.SemaphoreType.DMA,
        pltpu.SemaphoreType.DMA,
        pltpu.SemaphoreType.DMA,
    ],
)
def _ttranse_sc(ps_hbm, pr_hbm, po_hbm, ns_hbm, nr_hbm, no_hbm,
                e_hbm, rel_hbm, pos_hbm, neg_hbm,
                sidx, ridx, oidx, sbuf, rbuf, obuf, res_v,
                sem0, sem1, semw):
    wid = lax.axis_index("s") * _NC + lax.axis_index("c")
    base = wid * _HPW
    sems = (sem0, sem1)
    ihp = [
        pltpu.async_copy(ps_hbm.at[pl.ds(base, _HPW)], sidx.at[pl.ds(0, _HPW)], sem0),
        pltpu.async_copy(pr_hbm.at[pl.ds(base, _HPW)], ridx.at[pl.ds(0, _HPW)], sem0),
        pltpu.async_copy(po_hbm.at[pl.ds(base, _HPW)], oidx.at[pl.ds(0, _HPW)], sem0),
    ]
    ihn = [
        pltpu.async_copy(ns_hbm.at[pl.ds(base, _HPW)], sidx.at[pl.ds(_HPW, _HPW)], semw),
        pltpu.async_copy(nr_hbm.at[pl.ds(base, _HPW)], ridx.at[pl.ds(_HPW, _HPW)], semw),
        pltpu.async_copy(no_hbm.at[pl.ds(base, _HPW)], oidx.at[pl.ds(_HPW, _HPW)], semw),
    ]
    for h in ihp:
        h.wait()
    lanes = lax.iota(jnp.int32, _L)

    def start(c):
        p = c & 1
        sem = sems[p]
        return (
            pltpu.async_copy(e_hbm.at[sidx.at[pl.ds(c * _CH, _CH)]],
                             sbuf.at[p], sem),
            pltpu.async_copy(rel_hbm.at[ridx.at[pl.ds(c * _CH, _CH)]],
                             rbuf.at[p], sem),
            pltpu.async_copy(e_hbm.at[oidx.at[pl.ds(c * _CH, _CH)]],
                             obuf.at[p], sem),
        )

    def half_done(h):
        @plsc.parallel_loop(0, _HPW // _L, unroll=4)
        def sqrt_body(i, h=h):
            off = h * _HPW + i * _L
            res_v[pl.ds(off, _L)] = _sqrt16(res_v[pl.ds(off, _L)])
        dst = pos_hbm if h == 0 else neg_hbm
        return pltpu.async_copy(res_v.at[pl.ds(h * _HPW, _HPW)],
                                dst.at[pl.ds(base, _HPW)], semw)

    wb = []
    pending = {0: start(0)}
    for c in range(_NCHUNK):
        p = c & 1
        if c + 1 < _NCHUNK:
            if c + 1 == _NCHUNK // 2:
                for h in ihn:
                    h.wait()
            pending[c + 1] = start(c + 1)
        for h in pending.pop(c):
            h.wait()

        @plsc.parallel_loop(0, _CH, unroll=4)
        def row_body(row, c=c, p=p):
            acc0 = jnp.zeros((_L,), jnp.float32)
            acc1 = jnp.zeros((_L,), jnp.float32)
            for k in range(_G):
                sv = sbuf[p, row, pl.ds(k * _L, _L)]
                rv = rbuf[p, row, pl.ds(k * _L, _L)]
                ov = obuf[p, row, pl.ds(k * _L, _L)]
                d = (sv - ov) + rv
                if k & 1:
                    acc1 = acc1 + d * d
                else:
                    acc0 = acc0 + d * d
            tot = _lane_total(acc0 + acc1)
            idxv = jnp.broadcast_to(c * _CH + row, (_L,)).astype(jnp.int32)
            plsc.store_scatter(res_v, [idxv], tot, mask=lanes == 0)

        if c == _NCHUNK // 2 - 1:
            wb.append(half_done(0))
        elif c == _NCHUNK - 1:
            wb.append(half_done(1))
    for h in wb:
        h.wait()


def kernel(pos_s, pos_r, pos_o, neg_s, neg_r, neg_o, e_embed, r_embed):
    i32 = jnp.int32
    out = _ttranse_sc(pos_s.astype(i32), pos_r.astype(i32), pos_o.astype(i32),
                      neg_s.astype(i32), neg_r.astype(i32), neg_o.astype(i32),
                      e_embed, r_embed)
    return out[0], out[1]

# --- scband reference (transcript-rebuilt; emitter-appended) ---
"""Pipeline reference for scband-ttrans-e-36361193128008 (READ-ONLY COPY).

The authoritative reference and input builder live on the scoring server;
editing this copy changes nothing except your own understanding.
"""

import jax, jax.numpy as jnp
import numpy as np

E_CNT = 100000
R_CNT = 1000
DIM = 128
B = 16384

def _l2_normalize_rows(x):
    n = jnp.sqrt(jnp.sum(x * x, axis=1, keepdims=True))
    return x / jnp.maximum(n, 1e-12)

def setup_inputs(seed: int = 0) -> dict:
    key = jax.random.key(seed)
    ks = jax.random.split(key, 8)
    # xavier-uniform-ish init then row-normalized, matching the torch ctor
    lim_e = float(np.sqrt(6.0 / (E_CNT + DIM)))
    lim_r = float(np.sqrt(6.0 / (R_CNT + DIM)))
    e_embed = _l2_normalize_rows(jax.random.uniform(ks[0], (E_CNT, DIM), minval=-lim_e, maxval=lim_e, dtype=jnp.float32))
    r_embed = _l2_normalize_rows(jax.random.uniform(ks[1], (R_CNT, DIM), minval=-lim_r, maxval=lim_r, dtype=jnp.float32))
    pos_s = jax.random.randint(ks[2], (B,), 0, E_CNT, dtype=jnp.int64 if jax.config.jax_enable_x64 else jnp.int32)
    pos_r = jax.random.randint(ks[3], (B,), 0, R_CNT, dtype=pos_s.dtype)
    pos_o = jax.random.randint(ks[4], (B,), 0, E_CNT, dtype=pos_s.dtype)
    neg_s = jax.random.randint(ks[5], (B,), 0, E_CNT, dtype=pos_s.dtype)
    neg_r = jax.random.randint(ks[6], (B,), 0, R_CNT, dtype=pos_s.dtype)
    neg_o = jax.random.randint(ks[7], (B,), 0, E_CNT, dtype=pos_s.dtype)
    return {"pos_s": pos_s, "pos_r": pos_r, "pos_o": pos_o,
            "neg_s": neg_s, "neg_r": neg_r, "neg_o": neg_o,
            "e_embed": e_embed, "r_embed": r_embed}

def _score(s, o, r):
    # l1 = False -> L2 norm along dim 1
    return jnp.sqrt(jnp.sum((s + r - o) ** 2, axis=1))

def reference(pos_s, pos_r, pos_o, neg_s, neg_r, neg_o, e_embed, r_embed):
    pos_s_e = jnp.take(e_embed, pos_s, axis=0)
    pos_o_e = jnp.take(e_embed, pos_o, axis=0)
    pos_r_e = jnp.take(r_embed, pos_r, axis=0)
    neg_s_e = jnp.take(e_embed, neg_s, axis=0)
    neg_o_e = jnp.take(e_embed, neg_o, axis=0)
    neg_r_e = jnp.take(r_embed, neg_r, axis=0)
    pos = _score(pos_s_e, pos_o_e, pos_r_e)
    neg = _score(neg_s_e, neg_o_e, neg_r_e)
    return (pos, neg)

if __name__ == "__main__":
    import jax
    _d = setup_inputs()
    print(jax.jit(kernel)(*tuple(_d.values())))

</pallas_src>

<mosaic_0001>
#map = affine_map<(d0, d1) -> (0)>
#map1 = affine_map<(d0, d1) -> (0, 0)>
module attributes {stable_mosaic.version = 14 : i64} {
  func.func @_ttranse_sc(%arg0: i32, %arg1: i32, %arg2: memref<16384xi32, #tpu.memory_space<hbm>>, %arg3: memref<16384xi32, #tpu.memory_space<hbm>>, %arg4: memref<16384xi32, #tpu.memory_space<hbm>>, %arg5: memref<16384xi32, #tpu.memory_space<hbm>>, %arg6: memref<16384xi32, #tpu.memory_space<hbm>>, %arg7: memref<16384xi32, #tpu.memory_space<hbm>>, %arg8: memref<100000x128xf32, #tpu.memory_space<hbm>>, %arg9: memref<1000x128xf32, #tpu.memory_space<hbm>>, %arg10: memref<16384xf32, #tpu.memory_space<hbm>>, %arg11: memref<16384xf32, #tpu.memory_space<hbm>>, %arg12: memref<1024xi32, #tpu.memory_space<vmem>>, %arg13: memref<1024xi32, #tpu.memory_space<vmem>>, %arg14: memref<1024xi32, #tpu.memory_space<vmem>>, %arg15: memref<2x128x128xf32, #tpu.memory_space<vmem>>, %arg16: memref<2x128x128xf32, #tpu.memory_space<vmem>>, %arg17: memref<2x128x128xf32, #tpu.memory_space<vmem>>, %arg18: memref<1024xf32, #tpu.memory_space<vmem>>, %arg19: memref<!tpu.dma_semaphore, #tpu.memory_space<semaphore_mem>>, %arg20: memref<!tpu.dma_semaphore, #tpu.memory_space<semaphore_mem>>, %arg21: memref<!tpu.dma_semaphore, #tpu.memory_space<semaphore_mem>>) attributes {dimension_semantics = [#tpu.dimension_semantics<core_parallel>, #tpu.dimension_semantics<subcore_parallel>], iteration_bounds = array<i64: 2, 16>, scalar_prefetch = 0 : i64, scratch_operands = 10 : i64, tpu.core_type = #tpu.core_type<sc_vector_subcore>, window_params = [{transform_indices = #map}, {transform_indices = #map}, {transform_indices = #map}, {transform_indices = #map}, {transform_indices = #map}, {transform_indices = #map}, {transform_indices = #map1}, {transform_indices = #map1}, {transform_indices = #map}, {transform_indices = #map}]} {
    %mul3A = arith.constant 2 : i32
    %mul3A_0 = arith.muli %arg1, %mul3A : i32
    %add3A = arith.addi %mul3A_0, %arg0 : i32
    %mul3A_1 = arith.constant 512 : i32
    %mul3A_2 = arith.muli %add3A, %mul3A_1 : i32
    %dma_start3A = arith.constant 0 : i32
    %dma_start3A_3 = tpu.memref_slice %arg12[%dma_start3A] : memref<1024xi32, #tpu.memory_space<vmem>> -> memref<512xi32, #tpu.memory_space<vmem>>
    %dma_start3A_4 = tpu.memref_slice %arg2[%mul3A_2] : memref<16384xi32, #tpu.memory_space<hbm>> -> memref<512xi32, #tpu.memory_space<hbm>>
    %dma_start3A_5 = arith.constant 0 : i32
    %dma_start3A_6 = tpu.memref_slice %arg12[%dma_start3A_5] : memref<1024xi32, #tpu.memory_space<vmem>> -> memref<512xi32, #tpu.memory_space<vmem>>
    %dma_start3A_7 = tpu.memref_slice %arg2[%mul3A_2] : memref<16384xi32, #tpu.memory_space<hbm>> -> memref<512xi32, #tpu.memory_space<hbm>>
    tpu.enqueue_dma source(%dma_start3A_7 : memref<512xi32, #tpu.memory_space<hbm>>) target(%dma_start3A_6 : memref<512xi32, #tpu.memory_space<vmem>>) target_semaphore(%arg19 : memref<!tpu.dma_semaphore, #tpu.memory_space<semaphore_mem>>)
    %dma_start3A_8 = arith.constant 0 : i32
    %dma_start3A_9 = tpu.memref_slice %arg13[%dma_start3A_8] : memref<1024xi32, #tpu.memory_space<vmem>> -> memref<512xi32, #tpu.memory_space<vmem>>
    %dma_start3A_10 = tpu.memref_slice %arg3[%mul3A_2] : memref<16384xi32, #tpu.memory_space<hbm>> -> memref<512xi32, #tpu.memory_space<hbm>>
    %dma_start3A_11 = arith.constant 0 : i32
    %dma_start3A_12 = tpu.memref_slice %arg13[%dma_start3A_11] : memref<1024xi32, #tpu.memory_space<vmem>> -> memref<512xi32, #tpu.memory_space<vmem>>
    %dma_start3A_13 = tpu.memref_slice %arg3[%mul3A_2] : memref<16384xi32, #tpu.memory_space<hbm>> -> memref<512xi32, #tpu.memory_space<hbm>>
    tpu.enqueue_dma source(%dma_start3A_13 : memref<512xi32, #tpu.memory_space<hbm>>) target(%dma_start3A_12 : memref<512xi32, #tpu.memory_space<vmem>>) target_semaphore(%arg19 : memref<!tpu.dma_semaphore, #tpu.memory_space<semaphore_mem>>)
    %dma_start3A_14 = arith.constant 0 : i32
    %dma_start3A_15 = tpu.memref_slice %arg14[%dma_start3A_14] : memref<1024xi32, #tpu.memory_space<vmem>> -> memref<512xi32, #tpu.memory_space<vmem>>
    %dma_start3A_16 = tpu.memref_slice %arg4[%mul3A_2] : memref<16384xi32, #tpu.memory_space<hbm>> -> memref<512xi32, #tpu.memory_space<hbm>>
    %dma_start3A_17 = arith.constant 0 : i32
    %dma_start3A_18 = tpu.memref_slice %arg14[%dma_start3A_17] : memref<1024xi32, #tpu.memory_space<vmem>> -> memref<512xi32, #tpu.memory_space<vmem>>
    %dma_start3A_19 = tpu.memref_slice %arg4[%mul3A_2] : memref<16384xi32, #tpu.memory_space<hbm>> -> memref<512xi32, #tpu.memory_space<hbm>>
    tpu.enqueue_dma source(%dma_start3A_19 : memref<512xi32, #tpu.memory_space<hbm>>) target(%dma_start3A_18 : memref<512xi32, #tpu.memory_space<vmem>>) target_semaphore(%arg19 : memref<!tpu.dma_semaphore, #tpu.memory_space<semaphore_mem>>)
    %dma_start3A_20 = arith.constant 512 : i32
    %dma_start3A_21 = tpu.memref_slice %arg12[%dma_start3A_20] : memref<1024xi32, #tpu.memory_space<vmem>> -> memref<512xi32, #tpu.memory_space<vmem>>
    %dma_start3A_22 = tpu.memref_slice %arg5[%mul3A_2] : memref<16384xi32, #tpu.memory_space<hbm>> -> memref<512xi32, #tpu.memory_space<hbm>>
    %dma_start3A_23 = arith.constant 512 : i32
    %dma_start3A_24 = tpu.memref_slice %arg12[%dma_start3A_23] : memref<1024xi32, #tpu.memory_space<vmem>> -> memref<512xi32, #tpu.memory_space<vmem>>
    %dma_start3A_25 = tpu.memref_slice %arg5[%mul3A_2] : memref<16384xi32, #tpu.memory_space<hbm>> -> memref<512xi32, #tpu.memory_space<hbm>>
    tpu.enqueue_dma source(%dma_start3A_25 : memref<512xi32, #tpu.memory_space<hbm>>) target(%dma_start3A_24 : memref<512xi32, #tpu.memory_space<vmem>>) target_semaphore(%arg21 : memref<!tpu.dma_semaphore, #tpu.memory_space<semaphore_mem>>)
    %dma_start3A_26 = arith.constant 512 : i32
    %dma_start3A_27 = tpu.memref_slice %arg13[%dma_start3A_26] : memref<1024xi32, #tpu.memory_space<vmem>> -> memref<512xi32, #tpu.memory_space<vmem>>
    %dma_start3A_28 = tpu.memref_slice %arg6[%mul3A_2] : memref<16384xi32, #tpu.memory_space<hbm>> -> memref<512xi32, #tpu.memory_space<hbm>>
    %dma_start3A_29 = arith.constant 512 : i32
    %dma_start3A_30 = tpu.memref_slice %arg13[%dma_start3A_29] : memref<1024xi32, #tpu.memory_space<vmem>> -> memref<512xi32, #tpu.memory_space<vmem>>
    %dma_start3A_31 = tpu.memref_slice %arg6[%mul3A_2] : memref<16384xi32, #tpu.memory_space<hbm>> -> memref<512xi32, #tpu.memory_space<hbm>>
    tpu.enqueue_dma source(%dma_start3A_31 : memref<512xi32, #tpu.memory_space<hbm>>) target(%dma_start3A_30 : memref<512xi32, #tpu.memory_space<vmem>>) target_semaphore(%arg21 : memref<!tpu.dma_semaphore, #tpu.memory_space<semaphore_mem>>)
    %dma_start3A_32 = arith.constant 512 : i32
    %dma_start3A_33 = tpu.memref_slice %arg14[%dma_start3A_32] : memref<1024xi32, #tpu.memory_space<vmem>> -> memref<512xi32, #tpu.memory_space<vmem>>
    %dma_start3A_34 = tpu.memref_slice %arg7[%mul3A_2] : memref<16384xi32, #tpu.memory_space<hbm>> -> memref<512xi32, #tpu.memory_space<hbm>>
    %dma_start3A_35 = arith.constant 512 : i32
    %dma_start3A_36 = tpu.memref_slice %arg14[%dma_start3A_35] : memref<1024xi32, #tpu.memory_space<vmem>> -> memref<512xi32, #tpu.memory_space<vmem>>
    %dma_start3A_37 = tpu.memref_slice %arg7[%mul3A_2] : memref<16384xi32, #tpu.memory_space<hbm>> -> memref<512xi32, #tpu.memory_space<hbm>>
    tpu.enqueue_dma source(%dma_start3A_37 : memref<512xi32, #tpu.memory_space<hbm>>) target(%dma_start3A_36 : memref<512xi32, #tpu.memory_space<vmem>>) target_semaphore(%arg21 : memref<!tpu.dma_semaphore, #tpu.memory_space<semaphore_mem>>)
    %dma_wait3A = arith.constant 0 : i32
    %dma_wait3A_38 = tpu.memref_slice %arg12[%dma_wait3A] : memref<1024xi32, #tpu.memory_space<vmem>> -> memref<512xi32, #tpu.memory_space<vmem>>
    %dma_wait3A_39 = tpu.memref_slice %arg2[%mul3A_2] : memref<16384xi32, #tpu.memory_space<hbm>> -> memref<512xi32, #tpu.memory_space<hbm>>
    %dma_wait3A_40 = arith.constant 0 : i32
    %dma_wait3A_41 = tpu.memref_slice %arg12[%dma_wait3A_40] : memref<1024xi32, #tpu.memory_space<vmem>> -> memref<512xi32, #tpu.memory_space<vmem>>
    %dma_wait3A_42 = tpu.memref_slice %arg2[%mul3A_2] : memref<16384xi32, #tpu.memory_space<hbm>> -> memref<512xi32, #tpu.memory_space<hbm>>
    tpu.wait_dma2 semaphore(%arg19 : memref<!tpu.dma_semaphore, #tpu.memory_space<semaphore_mem>>) src(%dma_wait3A_42 : memref<512xi32, #tpu.memory_space<hbm>>) dst(%dma_wait3A_41 : memref<512xi32, #tpu.memory_space<vmem>>)
    %dma_wait3A_43 = arith.constant 0 : i32
    %dma_wait3A_44 = tpu.memref_slice %arg13[%dma_wait3A_43] : memref<1024xi32, #tpu.memory_space<vmem>> -> memref<512xi32, #tpu.memory_space<vmem>>
    %dma_wait3A_45 = tpu.memref_slice %arg3[%mul3A_2] : memref<16384xi32, #tpu.memory_space<hbm>> -> memref<512xi32, #tpu.memory_space<hbm>>
    %dma_wait3A_46 = arith.constant 0 : i32
    %dma_wait3A_47 = tpu.memref_slice %arg13[%dma_wait3A_46] : memref<1024xi32, #tpu.memory_space<vmem>> -> memref<512xi32, #tpu.memory_space<vmem>>
    %dma_wait3A_48 = tpu.memref_slice %arg3[%mul3A_2] : memref<16384xi32, #tpu.memory_space<hbm>> -> memref<512xi32, #tpu.memory_space<hbm>>
    tpu.wait_dma2 semaphore(%arg19 : memref<!tpu.dma_semaphore, #tpu.memory_space<semaphore_mem>>) src(%dma_wait3A_48 : memref<512xi32, #tpu.memory_space<hbm>>) dst(%dma_wait3A_47 : memref<512xi32, #tpu.memory_space<vmem>>)
    %dma_wait3A_49 = arith.constant 0 : i32
    %dma_wait3A_50 = tpu.memref_slice %arg14[%dma_wait3A_49] : memref<1024xi32, #tpu.memory_space<vmem>> -> memref<512xi32, #tpu.memory_space<vmem>>
    %dma_wait3A_51 = tpu.memref_slice %arg4[%mul3A_2] : memref<16384xi32, #tpu.memory_space<hbm>> -> memref<512xi32, #tpu.memory_space<hbm>>
    %dma_wait3A_52 = arith.constant 0 : i32
    %dma_wait3A_53 = tpu.memref_slice %arg14[%dma_wait3A_52] : memref<1024xi32, #tpu.memory_space<vmem>> -> memref<512xi32, #tpu.memory_space<vmem>>
    %dma_wait3A_54 = tpu.memref_slice %arg4[%mul3A_2] : memref<16384xi32, #tpu.memory_space<hbm>> -> memref<512xi32, #tpu.memory_space<hbm>>
    tpu.wait_dma2 semaphore(%arg19 : memref<!tpu.dma_semaphore, #tpu.memory_space<semaphore_mem>>) src(%dma_wait3A_54 : memref<512xi32, #tpu.memory_space<hbm>>) dst(%dma_wait3A_53 : memref<512xi32, #tpu.memory_space<vmem>>)
    %iota3A = tpu.iota {dimensions = array<i32: 0>} : vector<16xi32>
    %dma_start3A_55 = arith.constant 0 : i32
    %dma_start3A_56 = arith.constant 0 : i32
    %dma_start3A_57 = arith.constant 0 : i32
    %dma_start3A_58 = tpu.memref_slice %arg15[%dma_start3A_55, %dma_start3A_56, %dma_start3A_57] : memref<2x128x128xf32, #tpu.memory_space<vmem>> -> memref<1x128x128xf32, #tpu.memory_space<vmem>>
    %dma_start3A_59 = tpu.memref_squeeze %dma_start3A_58 : memref<1x128x128xf32, #tpu.memory_space<vmem>> -> memref<128x128xf32, #tpu.memory_space<vmem>>
    %dma_start3A_60 = arith.constant 0 : i32
    %dma_start3A_61 = tpu.memref_slice %arg12[%dma_start3A_60] : memref<1024xi32, #tpu.memory_space<vmem>> -> memref<128xi32, #tpu.memory_space<vmem>>
    %dma_start3A_62 = arith.constant 0 : i32
    %dma_start3A_63 = arith.constant 0 : i32
    %dma_start3A_64 = tpu.memref_slice %arg8[%dma_start3A_62, %dma_start3A_63] : memref<100000x128xf32, #tpu.memory_space<hbm>> -> memref<100000x128xf32, #tpu.memory_space<hbm>>
    tpu.enqueue_indirect_dma source(%dma_start3A_64 : memref<100000x128xf32, #tpu.memory_space<hbm>>) target(%dma_start3A_59 : memref<128x128xf32, #tpu.memory_space<vmem>>) offsets(%dma_start3A_61 : memref<128xi32, #tpu.memory_space<vmem>>) semaphore(%arg19 : memref<!tpu.dma_semaphore, #tpu.memory_space<semaphore_mem>>)
    %dma_start3A_65 = arith.constant 0 : i32
    %dma_start3A_66 = arith.constant 0 : i32
    %dma_start3A_67 = arith.constant 0 : i32
    %dma_start3A_68 = tpu.memref_slice %arg16[%dma_start3A_65, %dma_start3A_66, %dma_start3A_67] : memref<2x128x128xf32, #tpu.memory_space<vmem>> -> memref<1x128x128xf32, #tpu.memory_space<vmem>>
    %dma_start3A_69 = tpu.memref_squeeze %dma_start3A_68 : memref<1x128x128xf32, #tpu.memory_space<vmem>> -> memref<128x128xf32, #tpu.memory_space<vmem>>
    %dma_start3A_70 = arith.constant 0 : i32
    %dma_start3A_71 = tpu.memref_slice %arg13[%dma_start3A_70] : memref<1024xi32, #tpu.memory_space<vmem>> -> memref<128xi32, #tpu.memory_space<vmem>>
    %dma_start3A_72 = arith.constant 0 : i32
    %dma_start3A_73 = arith.constant 0 : i32
    %dma_start3A_74 = tpu.memref_slice %arg9[%dma_start3A_72, %dma_start3A_73] : memref<1000x128xf32, #tpu.memory_space<hbm>> -> memref<1000x128xf32, #tpu.memory_space<hbm>>
    tpu.enqueue_indirect_dma source(%dma_start3A_74 : memref<1000x128xf32, #tpu.memory_space<hbm>>) target(%dma_start3A_69 : memref<128x128xf32, #tpu.memory_space<vmem>>) offsets(%dma_start3A_71 : memref<128xi32, #tpu.memory_space<vmem>>) semaphore(%arg19 : memref<!tpu.dma_semaphore, #tpu.memory_space<semaphore_mem>>)
    %dma_start3A_75 = arith.constant 0 : i32
    %dma_start3A_76 = arith.constant 0 : i32
    %dma_start3A_77 = arith.constant 0 : i32
    %dma_start3A_78 = tpu.memref_slice %arg17[%dma_start3A_75, %dma_start3A_76, %dma_start3A_77] : memref<2x128x128xf32, #tpu.memory_space<vmem>> -> memref<1x128x128xf32, #tpu.memory_space<vmem>>
    %dma_start3A_79 = tpu.memref_squeeze %dma_start3A_78 : memref<1x128x128xf32, #tpu.memory_space<vmem>> -> memref<128x128xf32, #tpu.memory_space<vmem>>
    %dma_start3A_80 = arith.constant 0 : i32
    %dma_start3A_81 = tpu.memref_slice %arg14[%dma_start3A_80] : memref<1024xi32, #tpu.memory_space<vmem>> -> memref<128xi32, #tpu.memory_space<vmem>>
    %dma_start3A_82 = arith.constant 0 : i32
    %dma_start3A_83 = arith.constant 0 : i32
    %dma_start3A_84 = tpu.memref_slice %arg8[%dma_start3A_82, %dma_start3A_83] : memref<100000x128xf32, #tpu.memory_space<hbm>> -> memref<100000x128xf32, #tpu.memory_space<hbm>>
    tpu.enqueue_indirect_dma source(%dma_start3A_84 : memref<100000x128xf32, #tpu.memory_space<hbm>>) target(%dma_start3A_79 : memref<128x128xf32, #tpu.memory_space<vmem>>) offsets(%dma_start3A_81 : memref<128xi32, #tpu.memory_space<vmem>>) semaphore(%arg19 : memref<!tpu.dma_semaphore, #tpu.memory_space<semaphore_mem>>)
    %dma_start3A_85 = arith.constant 1 : i32
    %dma_start3A_86 = arith.constant 0 : i32
    %dma_start3A_87 = arith.constant 0 : i32
    %dma_start3A_88 = tpu.memref_slice %arg15[%dma_start3A_85, %dma_start3A_86, %dma_start3A_87] : memref<2x128x128xf32, #tpu.memory_space<vmem>> -> memref<1x128x128xf32, #tpu.memory_space<vmem>>
    %dma_start3A_89 = tpu.memref_squeeze %dma_start3A_88 : memref<1x128x128xf32, #tpu.memory_space<vmem>> -> memref<128x128xf32, #tpu.memory_space<vmem>>
    %dma_start3A_90 = arith.constant 128 : i32
    %dma_start3A_91 = tpu.memref_slice %arg12[%dma_start3A_90] : memref<1024xi32, #tpu.memory_space<vmem>> -> memref<128xi32, #tpu.memory_space<vmem>>
    %dma_start3A_92 = arith.constant 0 : i32
    %dma_start3A_93 = arith.constant 0 : i32
    %dma_start3A_94 = tpu.memref_slice %arg8[%dma_start3A_92, %dma_start3A_93] : memref<100000x128xf32, #tpu.memory_space<hbm>> -> memref<100000x128xf32, #tpu.memory_space<hbm>>
    tpu.enqueue_indirect_dma source(%dma_start3A_94 : memref<100000x128xf32, #tpu.memory_space<hbm>>) target(%dma_start3A_89 : memref<128x128xf32, #tpu.memory_space<vmem>>) offsets(%dma_start3A_91 : memref<128xi32, #tpu.memory_space<vmem>>) semaphore(%arg20 : memref<!tpu.dma_semaphore, #tpu.memory_space<semaphore_mem>>)
    %dma_start3A_95 = arith.constant 1 : i32
    %dma_start3A_96 = arith.constant 0 : i32
    %dma_start3A_97 = arith.constant 0 : i32
    %dma_start3A_98 = tpu.memref_slice %arg16[%dma_start3A_95, %dma_start3A_96, %dma_start3A_97] : memref<2x128x128xf32, #tpu.memory_space<vmem>> -> memref<1x128x128xf32, #tpu.memory_space<vmem>>
    %dma_start3A_99 = tpu.memref_squeeze %dma_start3A_98 : memref<1x128x128xf32, #tpu.memory_space<vmem>> -> memref<128x128xf32, #tpu.memory_space<vmem>>
    %dma_start3A_100 = arith.constant 128 : i32
    %dma_start3A_101 = tpu.memref_slice %arg13[%dma_start3A_100] : memref<1024xi32, #tpu.memory_space<vmem>> -> memref<128xi32, #tpu.memory_space<vmem>>
    %dma_start3A_102 = arith.constant 0 : i32
    %dma_start3A_103 = arith.constant 0 : i32
    %dma_start3A_104 = tpu.memref_slice %arg9[%dma_start3A_102, %dma_start3A_103] : memref<1000x128xf32, #tpu.memory_space<hbm>> -> memref<1000x128xf32, #tpu.memory_space<hbm>>
    tpu.enqueue_indirect_dma source(%dma_start3A_104 : memref<1000x128xf32, #tpu.memory_space<hbm>>) target(%dma_start3A_99 : memref<128x128xf32, #tpu.memory_space<vmem>>) offsets(%dma_start3A_101 : memref<128xi32, #tpu.memory_space<vmem>>) semaphore(%arg20 : memref<!tpu.dma_semaphore, #tpu.memory_space<semaphore_mem>>)
    %dma_start3A_105 = arith.constant 1 : i32
    %dma_start3A_106 = arith.constant 0 : i32
    %dma_start3A_107 = arith.constant 0 : i32
    %dma_start3A_108 = tpu.memref_slice %arg17[%dma_start3A_105, %dma_start3A_106, %dma_start3A_107] : memref<2x128x128xf32, #tpu.memory_space<vmem>> -> memref<1x128x128xf32, #tpu.memory_space<vmem>>
    %dma_start3A_109 = tpu.memref_squeeze %dma_start3A_108 : memref<1x128x128xf32, #tpu.memory_space<vmem>> -> memref<128x128xf32, #tpu.memory_space<vmem>>
    %dma_start3A_110 = arith.constant 128 : i32
    %dma_start3A_111 = tpu.memref_slice %arg14[%dma_start3A_110] : memref<1024xi32, #tpu.memory_space<vmem>> -> memref<128xi32, #tpu.memory_space<vmem>>
    %dma_start3A_112 = arith.constant 0 : i32
    %dma_start3A_113 = arith.constant 0 : i32
    %dma_start3A_114 = tpu.memref_slice %arg8[%dma_start3A_112, %dma_start3A_113] : memref<100000x128xf32, #tpu.memory_space<hbm>> -> memref<100000x128xf32, #tpu.memory_space<hbm>>
    tpu.enqueue_indirect_dma source(%dma_start3A_114 : memref<100000x128xf32, #tpu.memory_space<hbm>>) target(%dma_start3A_109 : memref<128x128xf32, #tpu.memory_space<vmem>>) offsets(%dma_start3A_111 : memref<128xi32, #tpu.memory_space<vmem>>) semaphore(%arg20 : memref<!tpu.dma_semaphore, #tpu.memory_space<semaphore_mem>>)
    %dma_wait3A_115 = arith.constant 0 : i32
    %dma_wait3A_116 = arith.constant 0 : i32
    %dma_wait3A_117 = arith.constant 0 : i32
    %dma_wait3A_118 = tpu.memref_slice %arg15[%dma_wait3A_115, %dma_wait3A_116, %dma_wait3A_117] : memref<2x128x128xf32, #tpu.memory_space<vmem>> -> memref<1x128x128xf32, #tpu.memory_space<vmem>>
    %dma_wait3A_119 = tpu.memref_squeeze %dma_wait3A_118 : memref<1x128x128xf32, #tpu.memory_space<vmem>> -> memref<128x128xf32, #tpu.memory_space<vmem>>
    %dma_wait3A_120 = arith.constant 0 : i32
    %dma_wait3A_121 = tpu.memref_slice %arg12[%dma_wait3A_120] : memref<1024xi32, #tpu.memory_space<vmem>> -> memref<128xi32, #tpu.memory_space<vmem>>
    %dma_wait3A_122 = arith.constant 0 : i32
    %dma_wait3A_123 = arith.constant 0 : i32
    %dma_wait3A_124 = tpu.memref_slice %arg8[%dma_wait3A_122, %dma_wait3A_123] : memref<100000x128xf32, #tpu.memory_space<hbm>> -> memref<100000x128xf32, #tpu.memory_space<hbm>>
    tpu.wait_indirect_dma semaphore(%arg19 : memref<!tpu.dma_semaphore, #tpu.memory_space<semaphore_mem>>) src(%dma_wait3A_124 : memref<100000x128xf32, #tpu.memory_space<hbm>>) dst(%dma_wait3A_119 : memref<128x128xf32, #tpu.memory_space<vmem>>)
    %dma_wait3A_125 = arith.constant 0 : i32
    %dma_wait3A_126 = arith.constant 0 : i32
    %dma_wait3A_127 = arith.constant 0 : i32
    %dma_wait3A_128 = tpu.memref_slice %arg16[%dma_wait3A_125, %dma_wait3A_126, %dma_wait3A_127] : memref<2x128x128xf32, #tpu.memory_space<vmem>> -> memref<1x128x128xf32, #tpu.memory_space<vmem>>
    %dma_wait3A_129 = tpu.memref_squeeze %dma_wait3A_128 : memref<1x128x128xf32, #tpu.memory_space<vmem>> -> memref<128x128xf32, #tpu.memory_space<vmem>>
    %dma_wait3A_130 = arith.constant 0 : i32
    %dma_wait3A_131 = tpu.memref_slice %arg13[%dma_wait3A_130] : memref<1024xi32, #tpu.memory_space<vmem>> -> memref<128xi32, #tpu.memory_space<vmem>>
    %dma_wait3A_132 = arith.constant 0 : i32
    %dma_wait3A_133 = arith.constant 0 : i32
    %dma_wait3A_134 = tpu.memref_slice %arg9[%dma_wait3A_132, %dma_wait3A_133] : memref<1000x128xf32, #tpu.memory_space<hbm>> -> memref<1000x128xf32, #tpu.memory_space<hbm>>
    tpu.wait_indirect_dma semaphore(%arg19 : memref<!tpu.dma_semaphore, #tpu.memory_space<semaphore_mem>>) src(%dma_wait3A_134 : memref<1000x128xf32, #tpu.memory_space<hbm>>) dst(%dma_wait3A_129 : memref<128x128xf32, #tpu.memory_space<vmem>>)
    %dma_wait3A_135 = arith.constant 0 : i32
    %dma_wait3A_136 = arith.constant 0 : i32
    %dma_wait3A_137 = arith.constant 0 : i32
    %dma_wait3A_138 = tpu.memref_slice %arg17[%dma_wait3A_135, %dma_wait3A_136, %dma_wait3A_137] : memref<2x128x128xf32, #tpu.memory_space<vmem>> -> memref<1x128x128xf32, #tpu.memory_space<vmem>>
    %dma_wait3A_139 = tpu.memref_squeeze %dma_wait3A_138 : memref<1x128x128xf32, #tpu.memory_space<vmem>> -> memref<128x128xf32, #tpu.memory_space<vmem>>
    %dma_wait3A_140 = arith.constant 0 : i32
    %dma_wait3A_141 = tpu.memref_slice %arg14[%dma_wait3A_140] : memref<1024xi32, #tpu.memory_space<vmem>> -> memref<128xi32, #tpu.memory_space<vmem>>
    %dma_wait3A_142 = arith.constant 0 : i32
    %dma_wait3A_143 = arith.constant 0 : i32
    %dma_wait3A_144 = tpu.memref_slice %arg8[%dma_wait3A_142, %dma_wait3A_143] : memref<100000x128xf32, #tpu.memory_space<hbm>> -> memref<100000x128xf32, #tpu.memory_space<hbm>>
    tpu.wait_indirect_dma semaphore(%arg19 : memref<!tpu.dma_semaphore, #tpu.memory_space<semaphore_mem>>) src(%dma_wait3A_144 : memref<100000x128xf32, #tpu.memory_space<hbm>>) dst(%dma_wait3A_139 : memref<128x128xf32, #tpu.memory_space<vmem>>)
    %parallel_loop3A = arith.constant 0 : i32
    %parallel_loop3A_145 = arith.constant 128 : i32
    %parallel_loop3A_146 = arith.constant 1 : i32
    scf.for %parallel_loop3A_606 = %parallel_loop3A to %parallel_loop3A_145 step %parallel_loop3A_146  : i32 {
      %parallel_loop3A_607 = arith.constant 0.000000e+00 : f32
      %parallel_loop3A_608 = vector.broadcast %parallel_loop3A_607 : f32 to vector<16xf32>
      %parallel_loop3A_609 = arith.constant 0.000000e+00 : f32
      %parallel_loop3A_610 = vector.broadcast %parallel_loop3A_609 : f32 to vector<16xf32>
      %parallel_loop3A_611 = arith.constant 0 : i32
      %parallel_loop3A_612 = arith.index_cast %parallel_loop3A_611 : i32 to index
      %parallel_loop3A_613 = arith.index_cast %parallel_loop3A_606 : i32 to index
      %parallel_loop3A_614 = arith.constant 0 : index
      %parallel_loop3A_615 = tpu.vector_load %arg15[%parallel_loop3A_612, %parallel_loop3A_613, %parallel_loop3A_614] {strides = array<i32>} : memref<2x128x128xf32, #tpu.memory_space<vmem>>, vector<16xf32>,
      %parallel_loop3A_616 = arith.constant 0 : i32
      %parallel_loop3A_617 = arith.index_cast %parallel_loop3A_616 : i32 to index
      %parallel_loop3A_618 = arith.index_cast %parallel_loop3A_606 : i32 to index
      %parallel_loop3A_619 = arith.constant 0 : index
      %parallel_loop3A_620 = tpu.vector_load %arg16[%parallel_loop3A_617, %parallel_loop3A_618, %parallel_loop3A_619] {strides = array<i32>} : memref<2x128x128xf32, #tpu.memory_space<vmem>>, vector<16xf32>,
      %parallel_loop3A_621 = arith.constant 0 : i32
      %parallel_loop3A_622 = arith.index_cast %parallel_loop3A_621 : i32 to index
      %parallel_loop3A_623 = arith.index_cast %parallel_loop3A_606 : i32 to index
      %parallel_loop3A_624 = arith.constant 0 : index
      %parallel_loop3A_625 = tpu.vector_load %arg17[%parallel_loop3A_622, %parallel_loop3A_623, %parallel_loop3A_624] {strides = array<i32>} : memref<2x128x128xf32, #tpu.memory_space<vmem>>, vector<16xf32>,
      %parallel_loop3A_626 = arith.subf %parallel_loop3A_615, %parallel_loop3A_625 : vector<16xf32>
      %parallel_loop3A_627 = arith.addf %parallel_loop3A_626, %parallel_loop3A_620 : vector<16xf32>
      %parallel_loop3A_628 = arith.mulf %parallel_loop3A_627, %parallel_loop3A_627 : vector<16xf32>
      %parallel_loop3A_629 = arith.addf %parallel_loop3A_608, %parallel_loop3A_628 : vector<16xf32>
      %parallel_loop3A_630 = arith.constant 0 : i32
      %parallel_loop3A_631 = arith.index_cast %parallel_loop3A_630 : i32 to index
      %parallel_loop3A_632 = arith.index_cast %parallel_loop3A_606 : i32 to index
      %parallel_loop3A_633 = arith.constant 16 : index
      %parallel_loop3A_634 = tpu.vector_load %arg15[%parallel_loop3A_631, %parallel_loop3A_632, %parallel_loop3A_633] {strides = array<i32>} : memref<2x128x128xf32, #tpu.memory_space<vmem>>, vector<16xf32>,
      %parallel_loop3A_635 = arith.constant 0 : i32
      %parallel_loop3A_636 = arith.index_cast %parallel_loop3A_635 : i32 to index
      %parallel_loop3A_637 = arith.index_cast %parallel_loop3A_606 : i32 to index
      %parallel_loop3A_638 = arith.constant 16 : index
      %parallel_loop3A_639 = tpu.vector_load %arg16[%parallel_loop3A_636, %parallel_loop3A_637, %parallel_loop3A_638] {strides = array<i32>} : memref<2x128x128xf32, #tpu.memory_space<vmem>>, vector<16xf32>,
      %parallel_loop3A_640 = arith.constant 0 : i32
      %parallel_loop3A_641 = arith.index_cast %parallel_loop3A_640 : i32 to index
      %parallel_loop3A_642 = arith.index_cast %parallel_loop3A_606 : i32 to index
      %parallel_loop3A_643 = arith.constant 16 : index
      %parallel_loop3A_644 = tpu.vector_load %arg17[%parallel_loop3A_641, %parallel_loop3A_642, %parallel_loop3A_643] {strides = array<i32>} : memref<2x128x128xf32, #tpu.memory_space<vmem>>, vector<16xf32>,
      %parallel_loop3A_645 = arith.subf %parallel_loop3A_634, %parallel_loop3A_644 : vector<16xf32>
      %parallel_loop3A_646 = arith.addf %parallel_loop3A_645, %parallel_loop3A_639 : vector<16xf32>
      %parallel_loop3A_647 = arith.mulf %parallel_loop3A_646, %parallel_loop3A_646 : vector<16xf32>
      %parallel_loop3A_648 = arith.addf %parallel_loop3A_610, %parallel_loop3A_647 : vector<16xf32>
      %parallel_loop3A_649 = arith.constant 0 : i32
      %parallel_loop3A_650 = arith.index_cast %parallel_loop3A_649 : i32 to index
      %parallel_loop3A_651 = arith.index_cast %parallel_loop3A_606 : i32 to index
      %parallel_loop3A_652 = arith.constant 32 : index
      %parallel_loop3A_653 = tpu.vector_load %arg15[%parallel_loop3A_650, %parallel_loop3A_651, %parallel_loop3A_652] {strides = array<i32>} : memref<2x128x128xf32, #tpu.memory_space<vmem>>, vector<16xf32>,
      %parallel_loop3A_654 = arith.constant 0 : i32
      %parallel_loop3A_655 = arith.index_cast %parallel_loop3A_654 : i32 to index
      %parallel_loop3A_656 = arith.index_cast %parallel_loop3A_606 : i32 to index
      %parallel_loop3A_657 = arith.constant 32 : index
      %parallel_loop3A_658 = tpu.vector_load %arg16[%parallel_loop3A_655, %parallel_loop3A_656, %parallel_loop3A_657] {strides = array<i32>} : memref<2x128x128xf32, #tpu.memory_space<vmem>>, vector<16xf32>,
      %parallel_loop3A_659 = arith.constant 0 : i32
      %parallel_loop3A_660 = arith.index_cast %parallel_loop3A_659 : i32 to index
      %parallel_loop3A_661 = arith.index_cast %parallel_loop3A_606 : i32 to index
      %parallel_loop3A_662 = arith.constant 32 : index
      %parallel_loop3A_663 = tpu.vector_load %arg17[%parallel_loop3A_660, %parallel_loop3A_661, %parallel_loop3A_662] {strides = array<i32>} : memref<2x128x128xf32, #tpu.memory_space<vmem>>, vector<16xf32>,
      %parallel_loop3A_664 = arith.subf %parallel_loop3A_653, %parallel_loop3A_663 : vector<16xf32>
      %parallel_loop3A_665 = arith.addf %parallel_loop3A_664, %parallel_loop3A_658 : vector<16xf32>
      %parallel_loop3A_666 = arith.mulf %parallel_loop3A_665, %parallel_loop3A_665 : vector<16xf32>
      %parallel_loop3A_667 = arith.addf %parallel_loop3A_629, %parallel_loop3A_666 : vector<16xf32>
      %parallel_loop3A_668 = arith.constant 0 : i32
      %parallel_loop3A_669 = arith.index_cast %parallel_loop3A_668 : i32 to index
      %parallel_loop3A_670 = arith.index_cast %parallel_loop3A_606 : i32 to index
      %parallel_loop3A_671 = arith.constant 48 : index
      %parallel_loop3A_672 = tpu.vector_load %arg15[%parallel_loop3A_669, %parallel_loop3A_670, %parallel_loop3A_671] {strides = array<i32>} : memref<2x128x128xf32, #tpu.memory_space<vmem>>, vector<16xf32>,
      %parallel_loop3A_673 = arith.constant 0 : i32
      %parallel_loop3A_674 = arith.index_cast %parallel_loop3A_673 : i32 to index
      %parallel_loop3A_675 = arith.index_cast %parallel_loop3A_606 : i32 to index
      %parallel_loop3A_676 = arith.constant 48 : index
      %parallel_loop3A_677 = tpu.vector_load %arg16[%parallel_loop3A_674, %parallel_loop3A_675, %parallel_loop3A_676] {strides = array<i32>} : memref<2x128x128xf32, #tpu.memory_space<vmem>>, vector<16xf32>,
      %parallel_loop3A_678 = arith.constant 0 : i32
      %parallel_loop3A_679 = arith.index_cast %parallel_loop3A_678 : i32 to index
      %parallel_loop3A_680 = arith.index_cast %parallel_loop3A_606 : i32 to index
      %parallel_loop3A_681 = arith.constant 48 : index
      %parallel_loop3A_682 = tpu.vector_load %arg17[%parallel_loop3A_679, %parallel_loop3A_680, %parallel_loop3A_681] {strides = array<i32>} : memref<2x128x128xf32, #tpu.memory_space<vmem>>, vector<16xf32>,
      %parallel_loop3A_683 = arith.subf %parallel_loop3A_672, %parallel_loop3A_682 : vector<16xf32>
      %parallel_loop3A_684 = arith.addf %parallel_loop3A_683, %parallel_loop3A_677 : vector<16xf32>
      %parallel_loop3A_685 = arith.mulf %parallel_loop3A_684, %parallel_loop3A_684 : vector<16xf32>
      %parallel_loop3A_686 = arith.addf %parallel_loop3A_648, %parallel_loop3A_685 : vector<16xf32>
      %parallel_loop3A_687 = arith.constant 0 : i32
      %parallel_loop3A_688 = arith.index_cast %parallel_loop3A_687 : i32 to index
      %parallel_loop3A_689 = arith.index_cast %parallel_loop3A_606 : i32 to index
      %parallel_loop3A_690 = arith.constant 64 : index
      %parallel_loop3A_691 = tpu.vector_load %arg15[%parallel_loop3A_688, %parallel_loop3A_689, %parallel_loop3A_690] {strides = array<i32>} : memref<2x128x128xf32, #tpu.memory_space<vmem>>, vector<16xf32>,
      %parallel_loop3A_692 = arith.constant 0 : i32
      %parallel_loop3A_693 = arith.index_cast %parallel_loop3A_692 : i32 to index
      %parallel_loop3A_694 = arith.index_cast %parallel_loop3A_606 : i32 to index
      %parallel_loop3A_695 = arith.constant 64 : index
      %parallel_loop3A_696 = tpu.vector_load %arg16[%parallel_loop3A_693, %parallel_loop3A_694, %parallel_loop3A_695] {strides = array<i32>} : memref<2x128x128xf32, #tpu.memory_space<vmem>>, vector<16xf32>,
      %parallel_loop3A_697 = arith.constant 0 : i32
      %parallel_loop3A_698 = arith.index_cast %parallel_loop3A_697 : i32 to index
      %parallel_loop3A_699 = arith.index_cast %parallel_loop3A_606 : i32 to index
      %parallel_loop3A_700 = arith.constant 64 : index
      %parallel_loop3A_701 = tpu.vector_load %arg17[%parallel_loop3A_698, %parallel_loop3A_699, %parallel_loop3A_700] {strides = array<i32>} : memref<2x128x128xf32, #tpu.memory_space<vmem>>, vector<16xf32>,
      %parallel_loop3A_702 = arith.subf %parallel_loop3A_691, %parallel_loop3A_701 : vector<16xf32>
      %parallel_loop3A_703 = arith.addf %parallel_loop3A_702, %parallel_loop3A_696 : vector<16xf32>
      %parallel_loop3A_704 = arith.mulf %parallel_loop3A_703, %parallel_loop3A_703 : vector<16xf32>
      %parallel_loop3A_705 = arith.addf %parallel_loop3A_667, %parallel_loop3A_704 : vector<16xf32>
      %parallel_loop3A_706 = arith.constant 0 : i32
      %parallel_loop3A_707 = arith.index_cast %parallel_loop3A_706 : i32 to index
      %parallel_loop3A_708 = arith.index_cast %parallel_loop3A_606 : i32 to index
      %parallel_loop3A_709 = arith.constant 80 : index
      %parallel_loop3A_710 = tpu.vector_load %arg15[%parallel_loop3A_707, %parallel_loop3A_708, %parallel_loop3A_709] {strides = array<i32>} : memref<2x128x128xf32, #tpu.memory_space<vmem>>, vector<16xf32>,
      %parallel_loop3A_711 = arith.constant 0 : i32
      %parallel_loop3A_712 = arith.index_cast %parallel_loop3A_711 : i32 to index
      %parallel_loop3A_713 = arith.index_cast %parallel_loop3A_606 : i32 to index
      %parallel_loop3A_714 = arith.constant 80 : index
      %parallel_loop3A_715 = tpu.vector_load %arg16[%parallel_loop3A_712, %parallel_loop3A_713, %parallel_loop3A_714] {strides = array<i32>} : memref<2x128x128xf32, #tpu.memory_space<vmem>>, vector<16xf32>,
      %parallel_loop3A_716 = arith.constant 0 : i32
      %parallel_loop3A_717 = arith.index_cast %parallel_loop3A_716 : i32 to index
      %parallel_loop3A_718 = arith.index_cast %parallel_loop3A_606 : i32 to index
      %parallel_loop3A_719 = arith.constant 80 : index
      %parallel_loop3A_720 = tpu.vector_load %arg17[%parallel_loop3A_717, %parallel_loop3A_718, %parallel_loop3A_719] {strides = array<i32>} : memref<2x128x128xf32, #tpu.memory_space<vmem>>, vector<16xf32>,
      %parallel_loop3A_721 = arith.subf %parallel_loop3A_710, %parallel_loop3A_720 : vector<16xf32>
      %parallel_loop3A_722 = arith.addf %parallel_loop3A_721, %parallel_loop3A_715 : vector<16xf32>
      %parallel_loop3A_723 = arith.mulf %parallel_loop3A_722, %parallel_loop3A_722 : vector<16xf32>
      %parallel_loop3A_724 = arith.addf %parallel_loop3A_686, %parallel_loop3A_723 : vector<16xf32>
      %parallel_loop3A_725 = arith.constant 0 : i32
      %parallel_loop3A_726 = arith.index_cast %parallel_loop3A_725 : i32 to index
      %parallel_loop3A_727 = arith.index_cast %parallel_loop3A_606 : i32 to index
      %parallel_loop3A_728 = arith.constant 96 : index
      %parallel_loop3A_729 = tpu.vector_load %arg15[%parallel_loop3A_726, %parallel_loop3A_727, %parallel_loop3A_728] {strides = array<i32>} : memref<2x128x128xf32, #tpu.memory_space<vmem>>, vector<16xf32>,
      %parallel_loop3A_730 = arith.constant 0 : i32
      %parallel_loop3A_731 = arith.index_cast %parallel_loop3A_730 : i32 to index
      %parallel_loop3A_732 = arith.index_cast %parallel_loop3A_606 : i32 to index
      %parallel_loop3A_733 = arith.constant 96 : index
      %parallel_loop3A_734 = tpu.vector_load %arg16[%parallel_loop3A_731, %parallel_loop3A_732, %parallel_loop3A_733] {strides = array<i32>} : memref<2x128x128xf32, #tpu.memory_space<vmem>>, vector<16xf32>,
      %parallel_loop3A_735 = arith.constant 0 : i32
      %parallel_loop3A_736 = arith.index_cast %parallel_loop3A_735 : i32 to index
      %parallel_loop3A_737 = arith.index_cast %parallel_loop3A_606 : i32 to index
      %parallel_loop3A_738 = arith.constant 96 : index
      %parallel_loop3A_739 = tpu.vector_load %arg17[%parallel_loop3A_736, %parallel_loop3A_737, %parallel_loop3A_738] {strides = array<i32>} : memref<2x128x128xf32, #tpu.memory_space<vmem>>, vector<16xf32>,
      %parallel_loop3A_740 = arith.subf %parallel_loop3A_729, %parallel_loop3A_739 : vector<16xf32>
      %parallel_loop3A_741 = arith.addf %parallel_loop3A_740, %parallel_loop3A_734 : vector<16xf32>
      %parallel_loop3A_742 = arith.mulf %parallel_loop3A_741, %parallel_loop3A_741 : vector<16xf32>
      %parallel_loop3A_743 = arith.addf %parallel_loop3A_705, %parallel_loop3A_742 : vector<16xf32>
      %parallel_loop3A_744 = arith.constant 0 : i32
      %parallel_loop3A_745 = arith.index_cast %parallel_loop3A_744 : i32 to index
      %parallel_loop3A_746 = arith.index_cast %parallel_loop3A_606 : i32 to index
      %parallel_loop3A_747 = arith.constant 112 : index
      %parallel_loop3A_748 = tpu.vector_load %arg15[%parallel_loop3A_745, %parallel_loop3A_746, %parallel_loop3A_747] {strides = array<i32>} : memref<2x128x128xf32, #tpu.memory_space<vmem>>, vector<16xf32>,
      %parallel_loop3A_749 = arith.constant 0 : i32
      %parallel_loop3A_750 = arith.index_cast %parallel_loop3A_749 : i32 to index
      %parallel_loop3A_751 = arith.index_cast %parallel_loop3A_606 : i32 to index
      %parallel_loop3A_752 = arith.constant 112 : index
      %parallel_loop3A_753 = tpu.vector_load %arg16[%parallel_loop3A_750, %parallel_loop3A_751, %parallel_loop3A_752] {strides = array<i32>} : memref<2x128x128xf32, #tpu.memory_space<vmem>>, vector<16xf32>,
      %parallel_loop3A_754 = arith.constant 0 : i32
      %parallel_loop3A_755 = arith.index_cast %parallel_loop3A_754 : i32 to index
      %parallel_loop3A_756 = arith.index_cast %parallel_loop3A_606 : i32 to index
      %parallel_loop3A_757 = arith.constant 112 : index
      %parallel_loop3A_758 = tpu.vector_load %arg17[%parallel_loop3A_755, %parallel_loop3A_756, %parallel_loop3A_757] {strides = array<i32>} : memref<2x128x128xf32, #tpu.memory_space<vmem>>, vector<16xf32>,
      %parallel_loop3A_759 = arith.subf %parallel_loop3A_748, %parallel_loop3A_758 : vector<16xf32>
      %parallel_loop3A_760 = arith.addf %parallel_loop3A_759, %parallel_loop3A_753 : vector<16xf32>
      %parallel_loop3A_761 = arith.mulf %parallel_loop3A_760, %parallel_loop3A_760 : vector<16xf32>
      %parallel_loop3A_762 = arith.addf %parallel_loop3A_724, %parallel_loop3A_761 : vector<16xf32>
      %parallel_loop3A_763 = arith.addf %parallel_loop3A_743, %parallel_loop3A_762 : vector<16xf32>
      %parallel_loop3A_764 = tpu.iota {dimensions = array<i32: 0>} : vector<16xi32>
      %parallel_loop3A_765 = arith.constant 8 : i32
      %parallel_loop3A_766 = vector.broadcast %parallel_loop3A_765 : i32 to vector<16xi32>
      %parallel_loop3A_767 = arith.xori %parallel_loop3A_764, %parallel_loop3A_766 : vector<16xi32>
      %parallel_loop3A_768 = vector.shape_cast %parallel_loop3A_767 : vector<16xi32> to vector<16x1xi32>
      %parallel_loop3A_769 = vector.shape_cast %parallel_loop3A_768 : vector<16x1xi32> to vector<16xi32>
      %parallel_loop3A_770 = tpu.dynamic_gather %parallel_loop3A_763[%parallel_loop3A_769] in [0] : vector<16xf32>, vector<16xi32> -> vector<16xf32>
      %parallel_loop3A_771 = arith.addf %parallel_loop3A_763, %parallel_loop3A_770 : vector<16xf32>
      %parallel_loop3A_772 = tpu.iota {dimensions = array<i32: 0>} : vector<16xi32>
      %parallel_loop3A_773 = arith.constant 4 : i32
      %parallel_loop3A_774 = vector.broadcast %parallel_loop3A_773 : i32 to vector<16xi32>
      %parallel_loop3A_775 = arith.xori %parallel_loop3A_772, %parallel_loop3A_774 : vector<16xi32>
      %parallel_loop3A_776 = vector.shape_cast %parallel_loop3A_775 : vector<16xi32> to vector<16x1xi32>
      %parallel_loop3A_777 = vector.shape_cast %parallel_loop3A_776 : vector<16x1xi32> to vector<16xi32>
      %parallel_loop3A_778 = tpu.dynamic_gather %parallel_loop3A_771[%parallel_loop3A_777] in [0] : vector<16xf32>, vector<16xi32> -> vector<16xf32>
      %parallel_loop3A_779 = arith.addf %parallel_loop3A_771, %parallel_loop3A_778 : vector<16xf32>
      %parallel_loop3A_780 = tpu.iota {dimensions = array<i32: 0>} : vector<16xi32>
      %parallel_loop3A_781 = arith.constant 2 : i32
      %parallel_loop3A_782 = vector.broadcast %parallel_loop3A_781 : i32 to vector<16xi32>
      %parallel_loop3A_783 = arith.xori %parallel_loop3A_780, %parallel_loop3A_782 : vector<16xi32>
      %parallel_loop3A_784 = vector.shape_cast %parallel_loop3A_783 : vector<16xi32> to vector<16x1xi32>
      %parallel_loop3A_785 = vector.shape_cast %parallel_loop3A_784 : vector<16x1xi32> to vector<16xi32>
      %parallel_loop3A_786 = tpu.dynamic_gather %parallel_loop3A_779[%parallel_loop3A_785] in [0] : vector<16xf32>, vector<16xi32> -> vector<16xf32>
      %parallel_loop3A_787 = arith.addf %parallel_loop3A_779, %parallel_loop3A_786 : vector<16xf32>
      %parallel_loop3A_788 = tpu.iota {dimensions = array<i32: 0>} : vector<16xi32>
      %parallel_loop3A_789 = arith.constant 1 : i32
      %parallel_loop3A_790 = vector.broadcast %parallel_loop3A_789 : i32 to vector<16xi32>
      %parallel_loop3A_791 = arith.xori %parallel_loop3A_788, %parallel_loop3A_790 : vector<16xi32>
      %parallel_loop3A_792 = vector.shape_cast %parallel_loop3A_791 : vector<16xi32> to vector<16x1xi32>
      %parallel_loop3A_793 = vector.shape_cast %parallel_loop3A_792 : vector<16x1xi32> to vector<16xi32>
      %parallel_loop3A_794 = tpu.dynamic_gather %parallel_loop3A_787[%parallel_loop3A_793] in [0] : vector<16xf32>, vector<16xi32> -> vector<16xf32>
      %parallel_loop3A_795 = arith.addf %parallel_loop3A_787, %parallel_loop3A_794 : vector<16xf32>
      %parallel_loop3A_796 = arith.constant 0 : i32
      %parallel_loop3A_797 = arith.addi %parallel_loop3A_796, %parallel_loop3A_606 : i32
      %parallel_loop3A_798 = vector.broadcast %parallel_loop3A_797 : i32 to vector<16xi32>
      %parallel_loop3A_799 = arith.constant 0 : i32
      %parallel_loop3A_800 = vector.broadcast %parallel_loop3A_799 : i32 to vector<16xi32>
      %parallel_loop3A_801 = arith.cmpi eq, %iota3A, %parallel_loop3A_800 : vector<16xi32>
      tpu.vector_store_idx %arg18[%parallel_loop3A_798], %parallel_loop3A_795 masked %parallel_loop3A_801 : memref<1024xf32, #tpu.memory_space<vmem>>[vector<16xi32>], vector<16xf32>, vector<16xi1>
    } {sc.loop_unroll_factor = 4 : i64, sc.parallel_access}
    %dma_start3A_147 = arith.constant 0 : i32
    %dma_start3A_148 = arith.constant 0 : i32
    %dma_start3A_149 = arith.constant 0 : i32
    %dma_start3A_150 = tpu.memref_slice %arg15[%dma_start3A_147, %dma_start3A_148, %dma_start3A_149] : memref<2x128x128xf32, #tpu.memory_space<vmem>> -> memref<1x128x128xf32, #tpu.memory_space<vmem>>
    %dma_start3A_151 = tpu.memref_squeeze %dma_start3A_150 : memref<1x128x128xf32, #tpu.memory_space<vmem>> -> memref<128x128xf32, #tpu.memory_space<vmem>>
    %dma_start3A_152 = arith.constant 256 : i32
    %dma_start3A_153 = tpu.memref_slice %arg12[%dma_start3A_152] : memref<1024xi32, #tpu.memory_space<vmem>> -> memref<128xi32, #tpu.memory_space<vmem>>
    %dma_start3A_154 = arith.constant 0 : i32
    %dma_start3A_155 = arith.constant 0 : i32
    %dma_start3A_156 = tpu.memref_slice %arg8[%dma_start3A_154, %dma_start3A_155] : memref<100000x128xf32, #tpu.memory_space<hbm>> -> memref<100000x128xf32, #tpu.memory_space<hbm>>
    tpu.enqueue_indirect_dma source(%dma_start3A_156 : memref<100000x128xf32, #tpu.memory_space<hbm>>) target(%dma_start3A_151 : memref<128x128xf32, #tpu.memory_space<vmem>>) offsets(%dma_start3A_153 : memref<128xi32, #tpu.memory_space<vmem>>) semaphore(%arg19 : memref<!tpu.dma_semaphore, #tpu.memory_space<semaphore_mem>>)
    %dma_start3A_157 = arith.constant 0 : i32
    %dma_start3A_158 = arith.constant 0 : i32
    %dma_start3A_159 = arith.constant 0 : i32
    %dma_start3A_160 = tpu.memref_slice %arg16[%dma_start3A_157, %dma_start3A_158, %dma_start3A_159] : memref<2x128x128xf32, #tpu.memory_space<vmem>> -> memref<1x128x128xf32, #tpu.memory_space<vmem>>
    %dma_start3A_161 = tpu.memref_squeeze %dma_start3A_160 : memref<1x128x128xf32, #tpu.memory_space<vmem>> -> memref<128x128xf32, #tpu.memory_space<vmem>>
    %dma_start3A_162 = arith.constant 256 : i32
    %dma_start3A_163 = tpu.memref_slice %arg13[%dma_start3A_162] : memref<1024xi32, #tpu.memory_space<vmem>> -> memref<128xi32, #tpu.memory_space<vmem>>
    %dma_start3A_164 = arith.constant 0 : i32
    %dma_start3A_165 = arith.constant 0 : i32
    %dma_start3A_166 = tpu.memref_slice %arg9[%dma_start3A_164, %dma_start3A_165] : memref<1000x128xf32, #tpu.memory_space<hbm>> -> memref<1000x128xf32, #tpu.memory_space<hbm>>
    tpu.enqueue_indirect_dma source(%dma_start3A_166 : memref<1000x128xf32, #tpu.memory_space<hbm>>) target(%dma_start3A_161 : memref<128x128xf32, #tpu.memory_space<vmem>>) offsets(%dma_start3A_163 : memref<128xi32, #tpu.memory_space<vmem>>) semaphore(%arg19 : memref<!tpu.dma_semaphore, #tpu.memory_space<semaphore_mem>>)
    %dma_start3A_167 = arith.constant 0 : i32
    %dma_start3A_168 = arith.constant 0 : i32
    %dma_start3A_169 = arith.constant 0 : i32
    %dma_start3A_170 = tpu.memref_slice %arg17[%dma_start3A_167, %dma_start3A_168, %dma_start3A_169] : memref<2x128x128xf32, #tpu.memory_space<vmem>> -> memref<1x128x128xf32, #tpu.memory_space<vmem>>
    %dma_start3A_171 = tpu.memref_squeeze %dma_start3A_170 : memref<1x128x128xf32, #tpu.memory_space<vmem>> -> memref<128x128xf32, #tpu.memory_space<vmem>>
    %dma_start3A_172 = arith.constant 256 : i32
    %dma_start3A_173 = tpu.memref_slice %arg14[%dma_start3A_172] : memref<1024xi32, #tpu.memory_space<vmem>> -> memref<128xi32, #tpu.memory_space<vmem>>
    %dma_start3A_174 = arith.constant 0 : i32
    %dma_start3A_175 = arith.constant 0 : i32
    %dma_start3A_176 = tpu.memref_slice %arg8[%dma_start3A_174, %dma_start3A_175] : memref<100000x128xf32, #tpu.memory_space<hbm>> -> memref<100000x128xf32, #tpu.memory_space<hbm>>
    tpu.enqueue_indirect_dma source(%dma_start3A_176 : memref<100000x128xf32, #tpu.memory_space<hbm>>) target(%dma_start3A_171 : memref<128x128xf32, #tpu.memory_space<vmem>>) offsets(%dma_start3A_173 : memref<128xi32, #tpu.memory_space<vmem>>) semaphore(%arg19 : memref<!tpu.dma_semaphore, #tpu.memory_space<semaphore_mem>>)
    %dma_wait3A_177 = arith.constant 1 : i32
    %dma_wait3A_178 = arith.constant 0 : i32
    %dma_wait3A_179 = arith.constant 0 : i32
    %dma_wait3A_180 = tpu.memref_slice %arg15[%dma_wait3A_177, %dma_wait3A_178, %dma_wait3A_179] : memref<2x128x128xf32, #tpu.memory_space<vmem>> -> memref<1x128x128xf32, #tpu.memory_space<vmem>>
    %dma_wait3A_181 = tpu.memref_squeeze %dma_wait3A_180 : memref<1x128x128xf32, #tpu.memory_space<vmem>> -> memref<128x128xf32, #tpu.memory_space<vmem>>
    %dma_wait3A_182 = arith.constant 128 : i32
    %dma_wait3A_183 = tpu.memref_slice %arg12[%dma_wait3A_182] : memref<1024xi32, #tpu.memory_space<vmem>> -> memref<128xi32, #tpu.memory_space<vmem>>
    %dma_wait3A_184 = arith.constant 0 : i32
    %dma_wait3A_185 = arith.constant 0 : i32
    %dma_wait3A_186 = tpu.memref_slice %arg8[%dma_wait3A_184, %dma_wait3A_185] : memref<100000x128xf32, #tpu.memory_space<hbm>> -> memref<100000x128xf32, #tpu.memory_space<hbm>>
    tpu.wait_indirect_dma semaphore(%arg20 : memref<!tpu.dma_semaphore, #tpu.memory_space<semaphore_mem>>) src(%dma_wait3A_186 : memref<100000x128xf32, #tpu.memory_space<hbm>>) dst(%dma_wait3A_181 : memref<128x128xf32, #tpu.memory_space<vmem>>)
    %dma_wait3A_187 = arith.constant 1 : i32
    %dma_wait3A_188 = arith.constant 0 : i32
    %dma_wait3A_189 = arith.constant 0 : i32
    %dma_wait3A_190 = tpu.memref_slice %arg16[%dma_wait3A_187, %dma_wait3A_188, %dma_wait3A_189] : memref<2x128x128xf32, #tpu.memory_space<vmem>> -> memref<1x128x128xf32, #tpu.memory_space<vmem>>
    %dma_wait3A_191 = tpu.memref_squeeze %dma_wait3A_190 : memref<1x128x128xf32, #tpu.memory_space<vmem>> -> memref<128x128xf32, #tpu.memory_space<vmem>>
    %dma_wait3A_192 = arith.constant 128 : i32
    %dma_wait3A_193 = tpu.memref_slice %arg13[%dma_wait3A_192] : memref<1024xi32, #tpu.memory_space<vmem>> -> memref<128xi32, #tpu.memory_space<vmem>>
    %dma_wait3A_194 = arith.constant 0 : i32
    %dma_wait3A_195 = arith.constant 0 : i32
    %dma_wait3A_196 = tpu.memref_slice %arg9[%dma_wait3A_194, %dma_wait3A_195] : memref<1000x128xf32, #tpu.memory_space<hbm>> -> memref<1000x128xf32, #tpu.memory_space<hbm>>
    tpu.wait_indirect_dma semaphore(%arg20 : memref<!tpu.dma_semaphore, #tpu.memory_space<semaphore_mem>>) src(%dma_wait3A_196 : memref<1000x128xf32, #tpu.memory_space<hbm>>) dst(%dma_wait3A_191 : memref<128x128xf32, #tpu.memory_space<vmem>>)
    %dma_wait3A_197 = arith.constant 1 : i32
    %dma_wait3A_198 = arith.constant 0 : i32
    %dma_wait3A_199 = arith.constant 0 : i32
    %dma_wait3A_200 = tpu.memref_slice %arg17[%dma_wait3A_197, %dma_wait3A_198, %dma_wait3A_199] : memref<2x128x128xf32, #tpu.memory_space<vmem>> -> memref<1x128x128xf32, #tpu.memory_space<vmem>>
    %dma_wait3A_201 = tpu.memref_squeeze %dma_wait3A_200 : memref<1x128x128xf32, #tpu.memory_space<vmem>> -> memref<128x128xf32, #tpu.memory_space<vmem>>
    %dma_wait3A_202 = arith.constant 128 : i32
    %dma_wait3A_203 = tpu.memref_slice %arg14[%dma_wait3A_202] : memref<1024xi32, #tpu.memory_space<vmem>> -> memref<128xi32, #tpu.memory_space<vmem>>
    %dma_wait3A_204 = arith.constant 0 : i32
    %dma_wait3A_205 = arith.constant 0 : i32
    %dma_wait3A_206 = tpu.memref_slice %arg8[%dma_wait3A_204, %dma_wait3A_205] : memref<100000x128xf32, #tpu.memory_space<hbm>> -> memref<100000x128xf32, #tpu.memory_space<hbm>>
    tpu.wait_indirect_dma semaphore(%arg20 : memref<!tpu.dma_semaphore, #tpu.memory_space<semaphore_mem>>) src(%dma_wait3A_206 : memref<100000x128xf32, #tpu.memory_space<hbm>>) dst(%dma_wait3A_201 : memref<128x128xf32, #tpu.memory_space<vmem>>)
    %parallel_loop3A_207 = arith.constant 0 : i32
    %parallel_loop3A_208 = arith.constant 128 : i32
    %parallel_loop3A_209 = arith.constant 1 : i32
    scf.for %parallel_loop3A_606 = %parallel_loop3A_207 to %parallel_loop3A_208 step %parallel_loop3A_209  : i32 {
      %parallel_loop3A_607 = arith.constant 0.000000e+00 : f32
      %parallel_loop3A_608 = vector.broadcast %parallel_loop3A_607 : f32 to vector<16xf32>
      %parallel_loop3A_609 = arith.constant 0.000000e+00 : f32
      %parallel_loop3A_610 = vector.broadcast %parallel_loop3A_609 : f32 to vector<16xf32>
      %parallel_loop3A_611 = arith.constant 1 : i32
      %parallel_loop3A_612 = arith.index_cast %parallel_loop3A_611 : i32 to index
      %parallel_loop3A_613 = arith.index_cast %parallel_loop3A_606 : i32 to index
      %parallel_loop3A_614 = arith.constant 0 : index
      %parallel_loop3A_615 = tpu.vector_load %arg15[%parallel_loop3A_612, %parallel_loop3A_613, %parallel_loop3A_614] {strides = array<i32>} : memref<2x128x128xf32, #tpu.memory_space<vmem>>, vector<16xf32>,
      %parallel_loop3A_616 = arith.constant 1 : i32
      %parallel_loop3A_617 = arith.index_cast %parallel_loop3A_616 : i32 to index
      %parallel_loop3A_618 = arith.index_cast %parallel_loop3A_606 : i32 to index
      %parallel_loop3A_619 = arith.constant 0 : index
      %parallel_loop3A_620 = tpu.vector_load %arg16[%parallel_loop3A_617, %parallel_loop3A_618, %parallel_loop3A_619] {strides = array<i32>} : memref<2x128x128xf32, #tpu.memory_space<vmem>>, vector<16xf32>,
      %parallel_loop3A_621 = arith.constant 1 : i32
      %parallel_loop3A_622 = arith.index_cast %parallel_loop3A_621 : i32 to index
      %parallel_loop3A_623 = arith.index_cast %parallel_loop3A_606 : i32 to index
      %parallel_loop3A_624 = arith.constant 0 : index
      %parallel_loop3A_625 = tpu.vector_load %arg17[%parallel_loop3A_622, %parallel_loop3A_623, %parallel_loop3A_624] {strides = array<i32>} : memref<2x128x128xf32, #tpu.memory_space<vmem>>, vector<16xf32>,
      %parallel_loop3A_626 = arith.subf %parallel_loop3A_615, %parallel_loop3A_625 : vector<16xf32>
      %parallel_loop3A_627 = arith.addf %parallel_loop3A_626, %parallel_loop3A_620 : vector<16xf32>
      %parallel_loop3A_628 = arith.mulf %parallel_loop3A_627, %parallel_loop3A_627 : vector<16xf32>
      %parallel_loop3A_629 = arith.addf %parallel_loop3A_608, %parallel_loop3A_628 : vector<16xf32>
      %parallel_loop3A_630 = arith.constant 1 : i32
      %parallel_loop3A_631 = arith.index_cast %parallel_loop3A_630 : i32 to index
      %parallel_loop3A_632 = arith.index_cast %parallel_loop3A_606 : i32 to index
      %parallel_loop3A_633 = arith.constant 16 : index
      %parallel_loop3A_634 = tpu.vector_load %arg15[%parallel_loop3A_631, %parallel_loop3A_632, %parallel_loop3A_633] {strides = array<i32>} : memref<2x128x128xf32, #tpu.memory_space<vmem>>, vector<16xf32>,
      %parallel_loop3A_635 = arith.constant 1 : i32
      %parallel_loop3A_636 = arith.index_cast %parallel_loop3A_635 : i32 to index
      %parallel_loop3A_637 = arith.index_cast %parallel_loop3A_606 : i32 to index
      %parallel_loop3A_638 = arith.constant 16 : index
      %parallel_loop3A_639 = tpu.vector_load %arg16[%parallel_loop3A_636, %parallel_loop3A_637, %parallel_loop3A_638] {strides = array<i32>} : memref<2x128x128xf32, #tpu.memory_space<vmem>>, vector<16xf32>,
      %parallel_loop3A_640 = arith.constant 1 : i32
      %parallel_loop3A_641 = arith.index_cast %parallel_loop3A_640 : i32 to index
      %parallel_loop3A_642 = arith.index_cast %parallel_loop3A_606 : i32 to index
      %parallel_loop3A_643 = arith.constant 16 : index
      %parallel_loop3A_644 = tpu.vector_load %arg17[%parallel_loop3A_641, %parallel_loop3A_642, %parallel_loop3A_643] {strides = array<i32>} : memref<2x128x128xf32, #tpu.memory_space<vmem>>, vector<16xf32>,
      %parallel_loop3A_645 = arith.subf %parallel_loop3A_634, %parallel_loop3A_644 : vector<16xf32>
      %parallel_loop3A_646 = arith.addf %parallel_loop3A_645, %parallel_loop3A_639 : vector<16xf32>
      %parallel_loop3A_647 = arith.mulf %parallel_loop3A_646, %parallel_loop3A_646 : vector<16xf32>
      %parallel_loop3A_648 = arith.addf %parallel_loop3A_610, %parallel_loop3A_647 : vector<16xf32>
      %parallel_loop3A_649 = arith.constant 1 : i32
      %parallel_loop3A_650 = arith.index_cast %parallel_loop3A_649 : i32 to index
      %parallel_loop3A_651 = arith.index_cast %parallel_loop3A_606 : i32 to index
      %parallel_loop3A_652 = arith.constant 32 : index
      %parallel_loop3A_653 = tpu.vector_load %arg15[%parallel_loop3A_650, %parallel_loop3A_651, %parallel_loop3A_652] {strides = array<i32>} : memref<2x128x128xf32, #tpu.memory_space<vmem>>, vector<16xf32>,
      %parallel_loop3A_654 = arith.constant 1 : i32
      %parallel_loop3A_655 = arith.index_cast %parallel_loop3A_654 : i32 to index
      %parallel_loop3A_656 = arith.index_cast %parallel_loop3A_606 : i32 to index
      %parallel_loop3A_657 = arith.constant 32 : index
      %parallel_loop3A_658 = tpu.vector_load %arg16[%parallel_loop3A_655, %parallel_loop3A_656, %parallel_loop3A_657] {strides = array<i32>} : memref<2x128x128xf32, #tpu.memory_space<vmem>>, vector<16xf32>,
      %parallel_loop3A_659 = arith.constant 1 : i32
      %parallel_loop3A_660 = arith.index_cast %parallel_loop3A_659 : i32 to index
      %parallel_loop3A_661 = arith.index_cast %parallel_loop3A_606 : i32 to index
      %parallel_loop3A_662 = arith.constant 32 : index
      %parallel_loop3A_663 = tpu.vector_load %arg17[%parallel_loop3A_660, %parallel_loop3A_661, %parallel_loop3A_662] {strides = array<i32>} : memref<2x128x128xf32, #tpu.memory_space<vmem>>, vector<16xf32>,
      %parallel_loop3A_664 = arith.subf %parallel_loop3A_653, %parallel_loop3A_663 : vector<16xf32>
      %parallel_loop3A_665 = arith.addf %parallel_loop3A_664, %parallel_loop3A_658 : vector<16xf32>
      %parallel_loop3A_666 = arith.mulf %parallel_loop3A_665, %parallel_loop3A_665 : vector<16xf32>
      %parallel_loop3A_667 = arith.addf %parallel_loop3A_629, %parallel_loop3A_666 : vector<16xf32>
      %parallel_loop3A_668 = arith.constant 1 : i32
      %parallel_loop3A_669 = arith.index_cast %parallel_loop3A_668 : i32 to index
      %parallel_loop3A_670 = arith.index_cast %parallel_loop3A_606 : i32 to index
      %parallel_loop3A_671 = arith.constant 48 : index
      %parallel_loop3A_672 = tpu.vector_load %arg15[%parallel_loop3A_669, %parallel_loop3A_670, %parallel_loop3A_671] {strides = array<i32>} : memref<2x128x128xf32, #tpu.memory_space<vmem>>, vector<16xf32>,
      %parallel_loop3A_673 = arith.constant 1 : i32
      %parallel_loop3A_674 = arith.index_cast %parallel_loop3A_673 : i32 to index
      %parallel_loop3A_675 = arith.index_cast %parallel_loop3A_606 : i32 to index
      %parallel_loop3A_676 = arith.constant 48 : index
      %parallel_loop3A_677 = tpu.vector_load %arg16[%parallel_loop3A_674, %parallel_loop3A_675, %parallel_loop3A_676] {strides = array<i32>} : memref<2x128x128xf32, #tpu.memory_space<vmem>>, vector<16xf32>,
      %parallel_loop3A_678 = arith.constant 1 : i32
      %parallel_loop3A_679 = arith.index_cast %parallel_loop3A_678 : i32 to index
      %parallel_loop3A_680 = arith.index_cast %parallel_loop3A_606 : i32 to index
      %parallel_loop3A_681 = arith.constant 48 : index
      %parallel_loop3A_682 = tpu.vector_load %arg17[%parallel_loop3A_679, %parallel_loop3A_680, %parallel_loop3A_681] {strides = array<i32>} : memref<2x128x128xf32, #tpu.memory_space<vmem>>, vector<16xf32>,
      %parallel_loop3A_683 = arith.subf %parallel_loop3A_672, %parallel_loop3A_682 : vector<16xf32>
      %parallel_loop3A_684 = arith.addf %parallel_loop3A_683, %parallel_loop3A_677 : vector<16xf32>
      %parallel_loop3A_685 = arith.mulf %parallel_loop3A_684, %parallel_loop3A_684 : vector<16xf32>
      %parallel_loop3A_686 = arith.addf %parallel_loop3A_648, %parallel_loop3A_685 : vector<16xf32>
      %parallel_loop3A_687 = arith.constant 1 : i32
      %parallel_loop3A_688 = arith.index_cast %parallel_loop3A_687 : i32 to index
      %parallel_loop3A_689 = arith.index_cast %parallel_loop3A_606 : i32 to index
      %parallel_loop3A_690 = arith.constant 64 : index
      %parallel_loop3A_691 = tpu.vector_load %arg15[%parallel_loop3A_688, %parallel_loop3A_689, %parallel_loop3A_690] {strides = array<i32>} : memref<2x128x128xf32, #tpu.memory_space<vmem>>, vector<16xf32>,
      %parallel_loop3A_692 = arith.constant 1 : i32
      %parallel_loop3A_693 = arith.index_cast %parallel_loop3A_692 : i32 to index
      %parallel_loop3A_694 = arith.index_cast %parallel_loop3A_606 : i32 to index
      %parallel_loop3A_695 = arith.constant 64 : index
      %parallel_loop3A_696 = tpu.vector_load %arg16[%parallel_loop3A_693, %parallel_loop3A_694, %parallel_loop3A_695] {strides = array<i32>} : memref<2x128x128xf32, #tpu.memory_space<vmem>>, vector<16xf32>,
      %parallel_loop3A_697 = arith.constant 1 : i32
      %parallel_loop3A_698 = arith.index_cast %parallel_loop3A_697 : i32 to index
      %parallel_loop3A_699 = arith.index_cast %parallel_loop3A_606 : i32 to index
      %parallel_loop3A_700 = arith.constant 64 : index
      %parallel_loop3A_701 = tpu.vector_load %arg17[%parallel_loop3A_698, %parallel_loop3A_699, %parallel_loop3A_700] {strides = array<i32>} : memref<2x128x128xf32, #tpu.memory_space<vmem>>, vector<16xf32>,
      %parallel_loop3A_702 = arith.subf %parallel_loop3A_691, %parallel_loop3A_701 : vector<16xf32>
      %parallel_loop3A_703 = arith.addf %parallel_loop3A_702, %parallel_loop3A_696 : vector<16xf32>
      %parallel_loop3A_704 = arith.mulf %parallel_loop3A_703, %parallel_loop3A_703 : vector<16xf32>
      %parallel_loop3A_705 = arith.addf %parallel_loop3A_667, %parallel_loop3A_704 : vector<16xf32>
      %parallel_loop3A_706 = arith.constant 1 : i32
      %parallel_loop3A_707 = arith.index_cast %parallel_loop3A_706 : i32 to index
      %parallel_loop3A_708 = arith.index_cast %parallel_loop3A_606 : i32 to index
      %parallel_loop3A_709 = arith.constant 80 : index
      %parallel_loop3A_710 = tpu.vector_load %arg15[%parallel_loop3A_707, %parallel_loop3A_708, %parallel_loop3A_709] {strides = array<i32>} : memref<2x128x128xf32, #tpu.memory_space<vmem>>, vector<16xf32>,
      %parallel_loop3A_711 = arith.constant 1 : i32
      %parallel_loop3A_712 = arith.index_cast %parallel_loop3A_711 : i32 to index
      %parallel_loop3A_713 = arith.index_cast %parallel_loop3A_606 : i32 to index
      %parallel_loop3A_714 = arith.constant 80 : index
      %parallel_loop3A_715 = tpu.vector_load %arg16[%parallel_loop3A_712, %parallel_loop3A_713, %parallel_loop3A_714] {strides = array<i32>} : memref<2x128x128xf32, #tpu.memory_space<vmem>>, vector<16xf32>,
      %parallel_loop3A_716 = arith.constant 1 : i32
      %parallel_loop3A_717 = arith.index_cast %parallel_loop3A_716 : i32 to index
      %parallel_loop3A_718 = arith.index_cast %parallel_loop3A_606 : i32 to index
      %parallel_loop3A_719 = arith.constant 80 : index
      %parallel_loop3A_720 = tpu.vector_load %arg17[%parallel_loop3A_717, %parallel_loop3A_718, %parallel_loop3A_719] {strides = array<i32>} : memref<2x128x128xf32, #tpu.memory_space<vmem>>, vector<16xf32>,
      %parallel_loop3A_721 = arith.subf %parallel_loop3A_710, %parallel_loop3A_720 : vector<16xf32>
      %parallel_loop3A_722 = arith.addf %parallel_loop3A_721, %parallel_loop3A_715 : vector<16xf32>
      %parallel_loop3A_723 = arith.mulf %parallel_loop3A_722, %parallel_loop3A_722 : vector<16xf32>
      %parallel_loop3A_724 = arith.addf %parallel_loop3A_686, %parallel_loop3A_723 : vector<16xf32>
      %parallel_loop3A_725 = arith.constant 1 : i32
      %parallel_loop3A_726 = arith.index_cast %parallel_loop3A_725 : i32 to index
      %parallel_loop3A_727 = arith.index_cast %parallel_loop3A_606 : i32 to index
      %parallel_loop3A_728 = arith.constant 96 : index
      %parallel_loop3A_729 = tpu.vector_load %arg15[%parallel_loop3A_726, %parallel_loop3A_727, %parallel_loop3A_728] {strides = array<i32>} : memref<2x128x128xf32, #tpu.memory_space<vmem>>, vector<16xf32>,
      %parallel_loop3A_730 = arith.constant 1 : i32
      %parallel_loop3A_731 = arith.index_cast %parallel_loop3A_730 : i32 to index
      %parallel_loop3A_732 = arith.index_cast %parallel_loop3A_606 : i32 to index
      %parallel_loop3A_733 = arith.constant 96 : index
      %parallel_loop3A_734 = tpu.vector_load %arg16[%parallel_loop3A_731, %parallel_loop3A_732, %parallel_loop3A_733] {strides = array<i32>} : memref<2x128x128xf32, #tpu.memory_space<vmem>>, vector<16xf32>,
      %parallel_loop3A_735 = arith.constant 1 : i32
      %parallel_loop3A_736 = arith.index_cast %parallel_loop3A_735 : i32 to index
      %parallel_loop3A_737 = arith.index_cast %parallel_loop3A_606 : i32 to index
      %parallel_loop3A_738 = arith.constant 96 : index
      %parallel_loop3A_739 = tpu.vector_load %arg17[%parallel_loop3A_736, %parallel_loop3A_737, %parallel_loop3A_738] {strides = array<i32>} : memref<2x128x128xf32, #tpu.memory_space<vmem>>, vector<16xf32>,
      %parallel_loop3A_740 = arith.subf %parallel_loop3A_729, %parallel_loop3A_739 : vector<16xf32>
      %parallel_loop3A_741 = arith.addf %parallel_loop3A_740, %parallel_loop3A_734 : vector<16xf32>
      %parallel_loop3A_742 = arith.mulf %parallel_loop3A_741, %parallel_loop3A_741 : vector<16xf32>
      %parallel_loop3A_743 = arith.addf %parallel_loop3A_705, %parallel_loop3A_742 : vector<16xf32>
      %parallel_loop3A_744 = arith.constant 1 : i32
      %parallel_loop3A_745 = arith.index_cast %parallel_loop3A_744 : i32 to index
      %parallel_loop3A_746 = arith.index_cast %parallel_loop3A_606 : i32 to index
      %parallel_loop3A_747 = arith.constant 112 : index
      %parallel_loop3A_748 = tpu.vector_load %arg15[%parallel_loop3A_745, %parallel_loop3A_746, %parallel_loop3A_747] {strides = array<i32>} : memref<2x128x128xf32, #tpu.memory_space<vmem>>, vector<16xf32>,
      %parallel_loop3A_749 = arith.constant 1 : i32
      %parallel_loop3A_750 = arith.index_cast %parallel_loop3A_749 : i32 to index
      %parallel_loop3A_751 = arith.index_cast %parallel_loop3A_606 : i32 to index
      %parallel_loop3A_752 = arith.constant 112 : index
      %parallel_loop3A_753 = tpu.vector_load %arg16[%parallel_loop3A_750, %parallel_loop3A_751, %parallel_loop3A_752] {strides = array<i32>} : memref<2x128x128xf32, #tpu.memory_space<vmem>>, vector<16xf32>,
      %parallel_loop3A_754 = arith.constant 1 : i32
      %parallel_loop3A_755 = arith.index_cast %parallel_loop3A_754 : i32 to index
      %parallel_loop3A_756 = arith.index_cast %parallel_loop3A_606 : i32 to index
      %parallel_loop3A_757 = arith.constant 112 : index
      %parallel_loop3A_758 = tpu.vector_load %arg17[%parallel_loop3A_755, %parallel_loop3A_756, %parallel_loop3A_757] {strides = array<i32>} : memref<2x128x128xf32, #tpu.memory_space<vmem>>, vector<16xf32>,
      %parallel_loop3A_759 = arith.subf %parallel_loop3A_748, %parallel_loop3A_758 : vector<16xf32>
      %parallel_loop3A_760 = arith.addf %parallel_loop3A_759, %parallel_loop3A_753 : vector<16xf32>
      %parallel_loop3A_761 = arith.mulf %parallel_loop3A_760, %parallel_loop3A_760 : vector<16xf32>
      %parallel_loop3A_762 = arith.addf %parallel_loop3A_724, %parallel_loop3A_761 : vector<16xf32>
      %parallel_loop3A_763 = arith.addf %parallel_loop3A_743, %parallel_loop3A_762 : vector<16xf32>
      %parallel_loop3A_764 = tpu.iota {dimensions = array<i32: 0>} : vector<16xi32>
      %parallel_loop3A_765 = arith.constant 8 : i32
      %parallel_loop3A_766 = vector.broadcast %parallel_loop3A_765 : i32 to vector<16xi32>
      %parallel_loop3A_767 = arith.xori %parallel_loop3A_764, %parallel_loop3A_766 : vector<16xi32>
      %parallel_loop3A_768 = vector.shape_cast %parallel_loop3A_767 : vector<16xi32> to vector<16x1xi32>
      %parallel_loop3A_769 = vector.shape_cast %parallel_loop3A_768 : vector<16x1xi32> to vector<16xi32>
      %parallel_loop3A_770 = tpu.dynamic_gather %parallel_loop3A_763[%parallel_loop3A_769] in [0] : vector<16xf32>, vector<16xi32> -> vector<16xf32>
      %parallel_loop3A_771 = arith.addf %parallel_loop3A_763, %parallel_loop3A_770 : vector<16xf32>
      %parallel_loop3A_772 = tpu.iota {dimensions = array<i32: 0>} : vector<16xi32>
      %parallel_loop3A_773 = arith.constant 4 : i32
      %parallel_loop3A_774 = vector.broadcast %parallel_loop3A_773 : i32 to vector<16xi32>
      %parallel_loop3A_775 = arith.xori %parallel_loop3A_772, %parallel_loop3A_774 : vector<16xi32>
      %parallel_loop3A_776 = vector.shape_cast %parallel_loop3A_775 : vector<16xi32> to vector<16x1xi32>
      %parallel_loop3A_777 = vector.shape_cast %parallel_loop3A_776 : vector<16x1xi32> to vector<16xi32>
      %parallel_loop3A_778 = tpu.dynamic_gather %parallel_loop3A_771[%parallel_loop3A_777] in [0] : vector<16xf32>, vector<16xi32> -> vector<16xf32>
      %parallel_loop3A_779 = arith.addf %parallel_loop3A_771, %parallel_loop3A_778 : vector<16xf32>
      %parallel_loop3A_780 = tpu.iota {dimensions = array<i32: 0>} : vector<16xi32>
      %parallel_loop3A_781 = arith.constant 2 : i32
      %parallel_loop3A_782 = vector.broadcast %parallel_loop3A_781 : i32 to vector<16xi32>
      %parallel_loop3A_783 = arith.xori %parallel_loop3A_780, %parallel_loop3A_782 : vector<16xi32>
      %parallel_loop3A_784 = vector.shape_cast %parallel_loop3A_783 : vector<16xi32> to vector<16x1xi32>
      %parallel_loop3A_785 = vector.shape_cast %parallel_loop3A_784 : vector<16x1xi32> to vector<16xi32>
      %parallel_loop3A_786 = tpu.dynamic_gather %parallel_loop3A_779[%parallel_loop3A_785] in [0] : vector<16xf32>, vector<16xi32> -> vector<16xf32>
      %parallel_loop3A_787 = arith.addf %parallel_loop3A_779, %parallel_loop3A_786 : vector<16xf32>
      %parallel_loop3A_788 = tpu.iota {dimensions = array<i32: 0>} : vector<16xi32>
      %parallel_loop3A_789 = arith.constant 1 : i32
      %parallel_loop3A_790 = vector.broadcast %parallel_loop3A_789 : i32 to vector<16xi32>
      %parallel_loop3A_791 = arith.xori %parallel_loop3A_788, %parallel_loop3A_790 : vector<16xi32>
      %parallel_loop3A_792 = vector.shape_cast %parallel_loop3A_791 : vector<16xi32> to vector<16x1xi32>
      %parallel_loop3A_793 = vector.shape_cast %parallel_loop3A_792 : vector<16x1xi32> to vector<16xi32>
      %parallel_loop3A_794 = tpu.dynamic_gather %parallel_loop3A_787[%parallel_loop3A_793] in [0] : vector<16xf32>, vector<16xi32> -> vector<16xf32>
      %parallel_loop3A_795 = arith.addf %parallel_loop3A_787, %parallel_loop3A_794 : vector<16xf32>
      %parallel_loop3A_796 = arith.constant 128 : i32
      %parallel_loop3A_797 = arith.addi %parallel_loop3A_796, %parallel_loop3A_606 : i32
      %parallel_loop3A_798 = vector.broadcast %parallel_loop3A_797 : i32 to vector<16xi32>
      %parallel_loop3A_799 = arith.constant 0 : i32
      %parallel_loop3A_800 = vector.broadcast %parallel_loop3A_799 : i32 to vector<16xi32>
      %parallel_loop3A_801 = arith.cmpi eq, %iota3A, %parallel_loop3A_800 : vector<16xi32>
      tpu.vector_store_idx %arg18[%parallel_loop3A_798], %parallel_loop3A_795 masked %parallel_loop3A_801 : memref<1024xf32, #tpu.memory_space<vmem>>[vector<16xi32>], vector<16xf32>, vector<16xi1>
    } {sc.loop_unroll_factor = 4 : i64, sc.parallel_access}
    %dma_start3A_210 = arith.constant 1 : i32
    %dma_start3A_211 = arith.constant 0 : i32
    %dma_start3A_212 = arith.constant 0 : i32
    %dma_start3A_213 = tpu.memref_slice %arg15[%dma_start3A_210, %dma_start3A_211, %dma_start3A_212] : memref<2x128x128xf32, #tpu.memory_space<vmem>> -> memref<1x128x128xf32, #tpu.memory_space<vmem>>
    %dma_start3A_214 = tpu.memref_squeeze %dma_start3A_213 : memref<1x128x128xf32, #tpu.memory_space<vmem>> -> memref<128x128xf32, #tpu.memory_space<vmem>>
    %dma_start3A_215 = arith.constant 384 : i32
    %dma_start3A_216 = tpu.memref_slice %arg12[%dma_start3A_215] : memref<1024xi32, #tpu.memory_space<vmem>> -> memref<128xi32, #tpu.memory_space<vmem>>
    %dma_start3A_217 = arith.constant 0 : i32
    %dma_start3A_218 = arith.constant 0 : i32
    %dma_start3A_219 = tpu.memref_slice %arg8[%dma_start3A_217, %dma_start3A_218] : memref<100000x128xf32, #tpu.memory_space<hbm>> -> memref<100000x128xf32, #tpu.memory_space<hbm>>
    tpu.enqueue_indirect_dma source(%dma_start3A_219 : memref<100000x128xf32, #tpu.memory_space<hbm>>) target(%dma_start3A_214 : memref<128x128xf32, #tpu.memory_space<vmem>>) offsets(%dma_start3A_216 : memref<128xi32, #tpu.memory_space<vmem>>) semaphore(%arg20 : memref<!tpu.dma_semaphore, #tpu.memory_space<semaphore_mem>>)
    %dma_start3A_220 = arith.constant 1 : i32
    %dma_start3A_221 = arith.constant 0 : i32
    %dma_start3A_222 = arith.constant 0 : i32
    %dma_start3A_223 = tpu.memref_slice %arg16[%dma_start3A_220, %dma_start3A_221, %dma_start3A_222] : memref<2x128x128xf32, #tpu.memory_space<vmem>> -> memref<1x128x128xf32, #tpu.memory_space<vmem>>
    %dma_start3A_224 = tpu.memref_squeeze %dma_start3A_223 : memref<1x128x128xf32, #tpu.memory_space<vmem>> -> memref<128x128xf32, #tpu.memory_space<vmem>>
    %dma_start3A_225 = arith.constant 384 : i32
    %dma_start3A_226 = tpu.memref_slice %arg13[%dma_start3A_225] : memref<1024xi32, #tpu.memory_space<vmem>> -> memref<128xi32, #tpu.memory_space<vmem>>
    %dma_start3A_227 = arith.constant 0 : i32
    %dma_start3A_228 = arith.constant 0 : i32
    %dma_start3A_229 = tpu.memref_slice %arg9[%dma_start3A_227, %dma_start3A_228] : memref<1000x128xf32, #tpu.memory_space<hbm>> -> memref<1000x128xf32, #tpu.memory_space<hbm>>
    tpu.enqueue_indirect_dma source(%dma_start3A_229 : memref<1000x128xf32, #tpu.memory_space<hbm>>) target(%dma_start3A_224 : memref<128x128xf32, #tpu.memory_space<vmem>>) offsets(%dma_start3A_226 : memref<128xi32, #tpu.memory_space<vmem>>) semaphore(%arg20 : memref<!tpu.dma_semaphore, #tpu.memory_space<semaphore_mem>>)
    %dma_start3A_230 = arith.constant 1 : i32
    %dma_start3A_231 = arith.constant 0 : i32
    %dma_start3A_232 = arith.constant 0 : i32
    %dma_start3A_233 = tpu.memref_slice %arg17[%dma_start3A_230, %dma_start3A_231, %dma_start3A_232] : memref<2x128x128xf32, #tpu.memory_space<vmem>> -> memref<1x128x128xf32, #tpu.memory_space<vmem>>
    %dma_start3A_234 = tpu.memref_squeeze %dma_start3A_233 : memref<1x128x128xf32, #tpu.memory_space<vmem>> -> memref<128x128xf32, #tpu.memory_space<vmem>>
    %dma_start3A_235 = arith.constant 384 : i32
    %dma_start3A_236 = tpu.memref_slice %arg14[%dma_start3A_235] : memref<1024xi32, #tpu.memory_space<vmem>> -> memref<128xi32, #tpu.memory_space<vmem>>
    %dma_start3A_237 = arith.constant 0 : i32
    %dma_start3A_238 = arith.constant 0 : i32
    %dma_start3A_239 = tpu.memref_slice %arg8[%dma_start3A_237, %dma_start3A_238] : memref<100000x128xf32, #tpu.memory_space<hbm>> -> memref<100000x128xf32, #tpu.memory_space<hbm>>
    tpu.enqueue_indirect_dma source(%dma_start3A_239 : memref<100000x128xf32, #tpu.memory_space<hbm>>) target(%dma_start3A_234 : memref<128x128xf32, #tpu.memory_space<vmem>>) offsets(%dma_start3A_236 : memref<128xi32, #tpu.memory_space<vmem>>) semaphore(%arg20 : memref<!tpu.dma_semaphore, #tpu.memory_space<semaphore_mem>>)
    %dma_wait3A_240 = arith.constant 0 : i32
    %dma_wait3A_241 = arith.constant 0 : i32
    %dma_wait3A_242 = arith.constant 0 : i32
    %dma_wait3A_243 = tpu.memref_slice %arg15[%dma_wait3A_240, %dma_wait3A_241, %dma_wait3A_242] : memref<2x128x128xf32, #tpu.memory_space<vmem>> -> memref<1x128x128xf32, #tpu.memory_space<vmem>>
    %dma_wait3A_244 = tpu.memref_squeeze %dma_wait3A_243 : memref<1x128x128xf32, #tpu.memory_space<vmem>> -> memref<128x128xf32, #tpu.memory_space<vmem>>
    %dma_wait3A_245 = arith.constant 256 : i32
    %dma_wait3A_246 = tpu.memref_slice %arg12[%dma_wait3A_245] : memref<1024xi32, #tpu.memory_space<vmem>> -> memref<128xi32, #tpu.memory_space<vmem>>
    %dma_wait3A_247 = arith.constant 0 : i32
    %dma_wait3A_248 = arith.constant 0 : i32
    %dma_wait3A_249 = tpu.memref_slice %arg8[%dma_wait3A_247, %dma_wait3A_248] : memref<100000x128xf32, #tpu.memory_space<hbm>> -> memref<100000x128xf32, #tpu.memory_space<hbm>>
    tpu.wait_indirect_dma semaphore(%arg19 : memref<!tpu.dma_semaphore, #tpu.memory_space<semaphore_mem>>) src(%dma_wait3A_249 : memref<100000x128xf32, #tpu.memory_space<hbm>>) dst(%dma_wait3A_244 : memref<128x128xf32, #tpu.memory_space<vmem>>)
    %dma_wait3A_250 = arith.constant 0 : i32
    %dma_wait3A_251 = arith.constant 0 : i32
    %dma_wait3A_252 = arith.constant 0 : i32
    %dma_wait3A_253 = tpu.memref_slice %arg16[%dma_wait3A_250, %dma_wait3A_251, %dma_wait3A_252] : memref<2x128x128xf32, #tpu.memory_space<vmem>> -> memref<1x128x128xf32, #tpu.memory_space<vmem>>
    %dma_wait3A_254 = tpu.memref_squeeze %dma_wait3A_253 : memref<1x128x128xf32, #tpu.memory_space<vmem>> -> memref<128x128xf32, #tpu.memory_space<vmem>>
    %dma_wait3A_255 = arith.constant 256 : i32
    %dma_wait3A_256 = tpu.memref_slice %arg13[%dma_wait3A_255] : memref<1024xi32, #tpu.memory_space<vmem>> -> memref<128xi32, #tpu.memory_space<vmem>>
    %dma_wait3A_257 = arith.constant 0 : i32
    %dma_wait3A_258 = arith.constant 0 : i32
    %dma_wait3A_259 = tpu.memref_slice %arg9[%dma_wait3A_257, %dma_wait3A_258] : memref<1000x128xf32, #tpu.memory_space<hbm>> -> memref<1000x128xf32, #tpu.memory_space<hbm>>
    tpu.wait_indirect_dma semaphore(%arg19 : memref<!tpu.dma_semaphore, #tpu.memory_space<semaphore_mem>>) src(%dma_wait3A_259 : memref<1000x128xf32, #tpu.memory_space<hbm>>) dst(%dma_wait3A_254 : memref<128x128xf32, #tpu.memory_space<vmem>>)
    %dma_wait3A_260 = arith.constant 0 : i32
    %dma_wait3A_261 = arith.constant 0 : i32
    %dma_wait3A_262 = arith.constant 0 : i32
    %dma_wait3A_263 = tpu.memref_slice %arg17[%dma_wait3A_260, %dma_wait3A_261, %dma_wait3A_262] : memref<2x128x128xf32, #tpu.memory_space<vmem>> -> memref<1x128x128xf32, #tpu.memory_space<vmem>>
    %dma_wait3A_264 = tpu.memref_squeeze %dma_wait3A_263 : memref<1x128x128xf32, #tpu.memory_space<vmem>> -> memref<128x128xf32, #tpu.memory_space<vmem>>
    %dma_wait3A_265 = arith.constant 256 : i32
    %dma_wait3A_266 = tpu.memref_slice %arg14[%dma_wait3A_265] : memref<1024xi32, #tpu.memory_space<vmem>> -> memref<128xi32, #tpu.memory_space<vmem>>
    %dma_wait3A_267 = arith.constant 0 : i32
    %dma_wait3A_268 = arith.constant 0 : i32
    %dma_wait3A_269 = tpu.memref_slice %arg8[%dma_wait3A_267, %dma_wait3A_268] : memref<100000x128xf32, #tpu.memory_space<hbm>> -> memref<100000x128xf32, #tpu.memory_space<hbm>>
    tpu.wait_indirect_dma semaphore(%arg19 : memref<!tpu.dma_semaphore, #tpu.memory_space<semaphore_mem>>) src(%dma_wait3A_269 : memref<100000x128xf32, #tpu.memory_space<hbm>>) dst(%dma_wait3A_264 : memref<128x128xf32, #tpu.memory_space<vmem>>)
    %parallel_loop3A_270 = arith.constant 0 : i32
    %parallel_loop3A_271 = arith.constant 128 : i32
    %parallel_loop3A_272 = arith.constant 1 : i32
    scf.for %parallel_loop3A_606 = %parallel_loop3A_270 to %parallel_loop3A_271 step %parallel_loop3A_272  : i32 {
      %parallel_loop3A_607 = arith.constant 0.000000e+00 : f32
      %parallel_loop3A_608 = vector.broadcast %parallel_loop3A_607 : f32 to vector<16xf32>
      %parallel_loop3A_609 = arith.constant 0.000000e+00 : f32
      %parallel_loop3A_610 = vector.broadcast %parallel_loop3A_609 : f32 to vector<16xf32>
      %parallel_loop3A_611 = arith.constant 0 : i32
      %parallel_loop3A_612 = arith.index_cast %parallel_loop3A_611 : i32 to index
      %parallel_loop3A_613 = arith.index_cast %parallel_loop3A_606 : i32 to index
      %parallel_loop3A_614 = arith.constant 0 : index
      %parallel_loop3A_615 = tpu.vector_load %arg15[%parallel_loop3A_612, %parallel_loop3A_613, %parallel_loop3A_614] {strides = array<i32>} : memref<2x128x128xf32, #tpu.memory_space<vmem>>, vector<16xf32>,
      %parallel_loop3A_616 = arith.constant 0 : i32
      %parallel_loop3A_617 = arith.index_cast %parallel_loop3A_616 : i32 to index
      %parallel_loop3A_618 = arith.index_cast %parallel_loop3A_606 : i32 to index
      %parallel_loop3A_619 = arith.constant 0 : index
      %parallel_loop3A_620 = tpu.vector_load %arg16[%parallel_loop3A_617, %parallel_loop3A_618, %parallel_loop3A_619] {strides = array<i32>} : memref<2x128x128xf32, #tpu.memory_space<vmem>>, vector<16xf32>,
      %parallel_loop3A_621 = arith.constant 0 : i32
      %parallel_loop3A_622 = arith.index_cast %parallel_loop3A_621 : i32 to index
      %parallel_loop3A_623 = arith.index_cast %parallel_loop3A_606 : i32 to index
      %parallel_loop3A_624 = arith.constant 0 : index
      %parallel_loop3A_625 = tpu.vector_load %arg17[%parallel_loop3A_622, %parallel_loop3A_623, %parallel_loop3A_624] {strides = array<i32>} : memref<2x128x128xf32, #tpu.memory_space<vmem>>, vector<16xf32>,
      %parallel_loop3A_626 = arith.subf %parallel_loop3A_615, %parallel_loop3A_625 : vector<16xf32>
      %parallel_loop3A_627 = arith.addf %parallel_loop3A_626, %parallel_loop3A_620 : vector<16xf32>
      %parallel_loop3A_628 = arith.mulf %parallel_loop3A_627, %parallel_loop3A_627 : vector<16xf32>
      %parallel_loop3A_629 = arith.addf %parallel_loop3A_608, %parallel_loop3A_628 : vector<16xf32>
      %parallel_loop3A_630 = arith.constant 0 : i32
      %parallel_loop3A_631 = arith.index_cast %parallel_loop3A_630 : i32 to index
      %parallel_loop3A_632 = arith.index_cast %parallel_loop3A_606 : i32 to index
      %parallel_loop3A_633 = arith.constant 16 : index
      %parallel_loop3A_634 = tpu.vector_load %arg15[%parallel_loop3A_631, %parallel_loop3A_632, %parallel_loop3A_633] {strides = array<i32>} : memref<2x128x128xf32, #tpu.memory_space<vmem>>, vector<16xf32>,
      %parallel_loop3A_635 = arith.constant 0 : i32
      %parallel_loop3A_636 = arith.index_cast %parallel_loop3A_635 : i32 to index
      %parallel_loop3A_637 = arith.index_cast %parallel_loop3A_606 : i32 to index
      %parallel_loop3A_638 = arith.constant 16 : index
      %parallel_loop3A_639 = tpu.vector_load %arg16[%parallel_loop3A_636, %parallel_loop3A_637, %parallel_loop3A_638] {strides = array<i32>} : memref<2x128x128xf32, #tpu.memory_space<vmem>>, vector<16xf32>,
      %parallel_loop3A_640 = arith.constant 0 : i32
      %parallel_loop3A_641 = arith.index_cast %parallel_loop3A_640 : i32 to index
      %parallel_loop3A_642 = arith.index_cast %parallel_loop3A_606 : i32 to index
      %parallel_loop3A_643 = arith.constant 16 : index
      %parallel_loop3A_644 = tpu.vector_load %arg17[%parallel_loop3A_641, %parallel_loop3A_642, %parallel_loop3A_643] {strides = array<i32>} : memref<2x128x128xf32, #tpu.memory_space<vmem>>, vector<16xf32>,
      %parallel_loop3A_645 = arith.subf %parallel_loop3A_634, %parallel_loop3A_644 : vector<16xf32>
      %parallel_loop3A_646 = arith.addf %parallel_loop3A_645, %parallel_loop3A_639 : vector<16xf32>
      %parallel_loop3A_647 = arith.mulf %parallel_loop3A_646, %parallel_loop3A_646 : vector<16xf32>
      %parallel_loop3A_648 = arith.addf %parallel_loop3A_610, %parallel_loop3A_647 : vector<16xf32>
      %parallel_loop3A_649 = arith.constant 0 : i32
      %parallel_loop3A_650 = arith.index_cast %parallel_loop3A_649 : i32 to index
      %parallel_loop3A_651 = arith.index_cast %parallel_loop3A_606 : i32 to index
      %parallel_loop3A_652 = arith.constant 32 : index
      %parallel_loop3A_653 = tpu.vector_load %arg15[%parallel_loop3A_650, %parallel_loop3A_651, %parallel_loop3A_652] {strides = array<i32>} : memref<2x128x128xf32, #tpu.memory_space<vmem>>, vector<16xf32>,
      %parallel_loop3A_654 = arith.constant 0 : i32
      %parallel_loop3A_655 = arith.index_cast %parallel_loop3A_654 : i32 to index
      %parallel_loop3A_656 = arith.index_cast %parallel_loop3A_606 : i32 to index
      %parallel_loop3A_657 = arith.constant 32 : index
      %parallel_loop3A_658 = tpu.vector_load %arg16[%parallel_loop3A_655, %parallel_loop3A_656, %parallel_loop3A_657] {strides = array<i32>} : memref<2x128x128xf32, #tpu.memory_space<vmem>>, vector<16xf32>,
      %parallel_loop3A_659 = arith.constant 0 : i32
      %parallel_loop3A_660 = arith.index_cast %parallel_loop3A_659 : i32 to index
      %parallel_loop3A_661 = arith.index_cast %parallel_loop3A_606 : i32 to index
      %parallel_loop3A_662 = arith.constant 32 : index
      %parallel_loop3A_663 = tpu.vector_load %arg17[%parallel_loop3A_660, %parallel_loop3A_661, %parallel_loop3A_662] {strides = array<i32>} : memref<2x128x128xf32, #tpu.memory_space<vmem>>, vector<16xf32>,
      %parallel_loop3A_664 = arith.subf %parallel_loop3A_653, %parallel_loop3A_663 : vector<16xf32>
      %parallel_loop3A_665 = arith.addf %parallel_loop3A_664, %parallel_loop3A_658 : vector<16xf32>
      %parallel_loop3A_666 = arith.mulf %parallel_loop3A_665, %parallel_loop3A_665 : vector<16xf32>
      %parallel_loop3A_667 = arith.addf %parallel_loop3A_629, %parallel_loop3A_666 : vector<16xf32>
      %parallel_loop3A_668 = arith.constant 0 : i32
      %parallel_loop3A_669 = arith.index_cast %parallel_loop3A_668 : i32 to index
      %parallel_loop3A_670 = arith.index_cast %parallel_loop3A_606 : i32 to index
      %parallel_loop3A_671 = arith.constant 48 : index
      %parallel_loop3A_672 = tpu.vector_load %arg15[%parallel_loop3A_669, %parallel_loop3A_670, %parallel_loop3A_671] {strides = array<i32>} : memref<2x128x128xf32, #tpu.memory_space<vmem>>, vector<16xf32>,
      %parallel_loop3A_673 = arith.constant 0 : i32
      %parallel_loop3A_674 = arith.index_cast %parallel_loop3A_673 : i32 to index
      %parallel_loop3A_675 = arith.index_cast %parallel_loop3A_606 : i32 to index
      %parallel_loop3A_676 = arith.constant 48 : index
      %parallel_loop3A_677 = tpu.vector_load %arg16[%parallel_loop3A_674, %parallel_loop3A_675, %parallel_loop3A_676] {strides = array<i32>} : memref<2x128x128xf32, #tpu.memory_space<vmem>>, vector<16xf32>,
      %parallel_loop3A_678 = arith.constant 0 : i32
      %parallel_loop3A_679 = arith.index_cast %parallel_loop3A_678 : i32 to index
      %parallel_loop3A_680 = arith.index_cast %parallel_loop3A_606 : i32 to index
      %parallel_loop3A_681 = arith.constant 48 : index
      %parallel_loop3A_682 = tpu.vector_load %arg17[%parallel_loop3A_679, %parallel_loop3A_680, %parallel_loop3A_681] {strides = array<i32>} : memref<2x128x128xf32, #tpu.memory_space<vmem>>, vector<16xf32>,
      %parallel_loop3A_683 = arith.subf %parallel_loop3A_672, %parallel_loop3A_682 : vector<16xf32>
      %parallel_loop3A_684 = arith.addf %parallel_loop3A_683, %parallel_loop3A_677 : vector<16xf32>
      %parallel_loop3A_685 = arith.mulf %parallel_loop3A_684, %parallel_loop3A_684 : vector<16xf32>
      %parallel_loop3A_686 = arith.addf %parallel_loop3A_648, %parallel_loop3A_685 : vector<16xf32>
      %parallel_loop3A_687 = arith.constant 0 : i32
      %parallel_loop3A_688 = arith.index_cast %parallel_loop3A_687 : i32 to index
      %parallel_loop3A_689 = arith.index_cast %parallel_loop3A_606 : i32 to index
      %parallel_loop3A_690 = arith.constant 64 : index
      %parallel_loop3A_691 = tpu.vector_load %arg15[%parallel_loop3A_688, %parallel_loop3A_689, %parallel_loop3A_690] {strides = array<i32>} : memref<2x128x128xf32, #tpu.memory_space<vmem>>, vector<16xf32>,
      %parallel_loop3A_692 = arith.constant 0 : i32
      %parallel_loop3A_693 = arith.index_cast %parallel_loop3A_692 : i32 to index
      %parallel_loop3A_694 = arith.index_cast %parallel_loop3A_606 : i32 to index
      %parallel_loop3A_695 = arith.constant 64 : index
      %parallel_loop3A_696 = tpu.vector_load %arg16[%parallel_loop3A_693, %parallel_loop3A_694, %parallel_loop3A_695] {strides = array<i32>} : memref<2x128x128xf32, #tpu.memory_space<vmem>>, vector<16xf32>,
      %parallel_loop3A_697 = arith.constant 0 : i32
      %parallel_loop3A_698 = arith.index_cast %parallel_loop3A_697 : i32 to index
      %parallel_loop3A_699 = arith.index_cast %parallel_loop3A_606 : i32 to index
      %parallel_loop3A_700 = arith.constant 64 : index
      %parallel_loop3A_701 = tpu.vector_load %arg17[%parallel_loop3A_698, %parallel_loop3A_699, %parallel_loop3A_700] {strides = array<i32>} : memref<2x128x128xf32, #tpu.memory_space<vmem>>, vector<16xf32>,
      %parallel_loop3A_702 = arith.subf %parallel_loop3A_691, %parallel_loop3A_701 : vector<16xf32>
      %parallel_loop3A_703 = arith.addf %parallel_loop3A_702, %parallel_loop3A_696 : vector<16xf32>
      %parallel_loop3A_704 = arith.mulf %parallel_loop3A_703, %parallel_loop3A_703 : vector<16xf32>
      %parallel_loop3A_705 = arith.addf %parallel_loop3A_667, %parallel_loop3A_704 : vector<16xf32>
      %parallel_loop3A_706 = arith.constant 0 : i32
      %parallel_loop3A_707 = arith.index_cast %parallel_loop3A_706 : i32 to index
      %parallel_loop3A_708 = arith.index_cast %parallel_loop3A_606 : i32 to index
      %parallel_loop3A_709 = arith.constant 80 : index
      %parallel_loop3A_710 = tpu.vector_load %arg15[%parallel_loop3A_707, %parallel_loop3A_708, %parallel_loop3A_709] {strides = array<i32>} : memref<2x128x128xf32, #tpu.memory_space<vmem>>, vector<16xf32>,
      %parallel_loop3A_711 = arith.constant 0 : i32
      %parallel_loop3A_712 = arith.index_cast %parallel_loop3A_711 : i32 to index
      %parallel_loop3A_713 = arith.index_cast %parallel_loop3A_606 : i32 to index
      %parallel_loop3A_714 = arith.constant 80 : index
      %parallel_loop3A_715 = tpu.vector_load %arg16[%parallel_loop3A_712, %parallel_loop3A_713, %parallel_loop3A_714] {strides = array<i32>} : memref<2x128x128xf32, #tpu.memory_space<vmem>>, vector<16xf32>,
      %parallel_loop3A_716 = arith.constant 0 : i32
      %parallel_loop3A_717 = arith.index_cast %parallel_loop3A_716 : i32 to index
      %parallel_loop3A_718 = arith.index_cast %parallel_loop3A_606 : i32 to index
      %parallel_loop3A_719 = arith.constant 80 : index
      %parallel_loop3A_720 = tpu.vector_load %arg17[%parallel_loop3A_717, %parallel_loop3A_718, %parallel_loop3A_719] {strides = array<i32>} : memref<2x128x128xf32, #tpu.memory_space<vmem>>, vector<16xf32>,
      %parallel_loop3A_721 = arith.subf %parallel_loop3A_710, %parallel_loop3A_720 : vector<16xf32>
      %parallel_loop3A_722 = arith.addf %parallel_loop3A_721, %parallel_loop3A_715 : vector<16xf32>
      %parallel_loop3A_723 = arith.mulf %parallel_loop3A_722, %parallel_loop3A_722 : vector<16xf32>
      %parallel_loop3A_724 = arith.addf %parallel_loop3A_686, %parallel_loop3A_723 : vector<16xf32>
      %parallel_loop3A_725 = arith.constant 0 : i32
      %parallel_loop3A_726 = arith.index_cast %parallel_loop3A_725 : i32 to index
      %parallel_loop3A_727 = arith.index_cast %parallel_loop3A_606 : i32 to index
      %parallel_loop3A_728 = arith.constant 96 : index
      %parallel_loop3A_729 = tpu.vector_load %arg15[%parallel_loop3A_726, %parallel_loop3A_727, %parallel_loop3A_728] {strides = array<i32>} : memref<2x128x128xf32, #tpu.memory_space<vmem>>, vector<16xf32>,
      %parallel_loop3A_730 = arith.constant 0 : i32
      %parallel_loop3A_731 = arith.index_cast %parallel_loop3A_730 : i32 to index
      %parallel_loop3A_732 = arith.index_cast %parallel_loop3A_606 : i32 to index
      %parallel_loop3A_733 = arith.constant 96 : index
      %parallel_loop3A_734 = tpu.vector_load %arg16[%parallel_loop3A_731, %parallel_loop3A_732, %parallel_loop3A_733] {strides = array<i32>} : memref<2x128x128xf32, #tpu.memory_space<vmem>>, vector<16xf32>,
      %parallel_loop3A_735 = arith.constant 0 : i32
      %parallel_loop3A_736 = arith.index_cast %parallel_loop3A_735 : i32 to index
      %parallel_loop3A_737 = arith.index_cast %parallel_loop3A_606 : i32 to index
      %parallel_loop3A_738 = arith.constant 96 : index
      %parallel_loop3A_739 = tpu.vector_load %arg17[%parallel_loop3A_736, %parallel_loop3A_737, %parallel_loop3A_738] {strides = array<i32>} : memref<2x128x128xf32, #tpu.memory_space<vmem>>, vector<16xf32>,
      %parallel_loop3A_740 = arith.subf %parallel_loop3A_729, %parallel_loop3A_739 : vector<16xf32>
      %parallel_loop3A_741 = arith.addf %parallel_loop3A_740, %parallel_loop3A_734 : vector<16xf32>
      %parallel_loop3A_742 = arith.mulf %parallel_loop3A_741, %parallel_loop3A_741 : vector<16xf32>
      %parallel_loop3A_743 = arith.addf %parallel_loop3A_705, %parallel_loop3A_742 : vector<16xf32>
      %parallel_loop3A_744 = arith.constant 0 : i32
      %parallel_loop3A_745 = arith.index_cast %parallel_loop3A_744 : i32 to index
      %parallel_loop3A_746 = arith.index_cast %parallel_loop3A_606 : i32 to index
      %parallel_loop3A_747 = arith.constant 112 : index
      %parallel_loop3A_748 = tpu.vector_load %arg15[%parallel_loop3A_745, %parallel_loop3A_746, %parallel_loop3A_747] {strides = array<i32>} : memref<2x128x128xf32, #tpu.memory_space<vmem>>, vector<16xf32>,
      %parallel_loop3A_749 = arith.constant 0 : i32
      %parallel_loop3A_750 = arith.index_cast %parallel_loop3A_749 : i32 to index
      %parallel_loop3A_751 = arith.index_cast %parallel_loop3A_606 : i32 to index
      %parallel_loop3A_752 = arith.constant 112 : index
      %parallel_loop3A_753 = tpu.vector_load %arg16[%parallel_loop3A_750, %parallel_loop3A_751, %parallel_loop3A_752] {strides = array<i32>} : memref<2x128x128xf32, #tpu.memory_space<vmem>>, vector<16xf32>,
      %parallel_loop3A_754 = arith.constant 0 : i32
      %parallel_loop3A_755 = arith.index_cast %parallel_loop3A_754 : i32 to index
      %parallel_loop3A_756 = arith.index_cast %parallel_loop3A_606 : i32 to index
      %parallel_loop3A_757 = arith.constant 112 : index
      %parallel_loop3A_758 = tpu.vector_load %arg17[%parallel_loop3A_755, %parallel_loop3A_756, %parallel_loop3A_757] {strides = array<i32>} : memref<2x128x128xf32, #tpu.memory_space<vmem>>, vector<16xf32>,
      %parallel_loop3A_759 = arith.subf %parallel_loop3A_748, %parallel_loop3A_758 : vector<16xf32>
      %parallel_loop3A_760 = arith.addf %parallel_loop3A_759, %parallel_loop3A_753 : vector<16xf32>
      %parallel_loop3A_761 = arith.mulf %parallel_loop3A_760, %parallel_loop3A_760 : vector<16xf32>
      %parallel_loop3A_762 = arith.addf %parallel_loop3A_724, %parallel_loop3A_761 : vector<16xf32>
      %parallel_loop3A_763 = arith.addf %parallel_loop3A_743, %parallel_loop3A_762 : vector<16xf32>
      %parallel_loop3A_764 = tpu.iota {dimensions = array<i32: 0>} : vector<16xi32>
      %parallel_loop3A_765 = arith.constant 8 : i32
      %parallel_loop3A_766 = vector.broadcast %parallel_loop3A_765 : i32 to vector<16xi32>
      %parallel_loop3A_767 = arith.xori %parallel_loop3A_764, %parallel_loop3A_766 : vector<16xi32>
      %parallel_loop3A_768 = vector.shape_cast %parallel_loop3A_767 : vector<16xi32> to vector<16x1xi32>
      %parallel_loop3A_769 = vector.shape_cast %parallel_loop3A_768 : vector<16x1xi32> to vector<16xi32>
      %parallel_loop3A_770 = tpu.dynamic_gather %parallel_loop3A_763[%parallel_loop3A_769] in [0] : vector<16xf32>, vector<16xi32> -> vector<16xf32>
      %parallel_loop3A_771 = arith.addf %parallel_loop3A_763, %parallel_loop3A_770 : vector<16xf32>
      %parallel_loop3A_772 = tpu.iota {dimensions = array<i32: 0>} : vector<16xi32>
      %parallel_loop3A_773 = arith.constant 4 : i32
      %parallel_loop3A_774 = vector.broadcast %parallel_loop3A_773 : i32 to vector<16xi32>
      %parallel_loop3A_775 = arith.xori %parallel_loop3A_772, %parallel_loop3A_774 : vector<16xi32>
      %parallel_loop3A_776 = vector.shape_cast %parallel_loop3A_775 : vector<16xi32> to vector<16x1xi32>
      %parallel_loop3A_777 = vector.shape_cast %parallel_loop3A_776 : vector<16x1xi32> to vector<16xi32>
      %parallel_loop3A_778 = tpu.dynamic_gather %parallel_loop3A_771[%parallel_loop3A_777] in [0] : vector<16xf32>, vector<16xi32> -> vector<16xf32>
      %parallel_loop3A_779 = arith.addf %parallel_loop3A_771, %parallel_loop3A_778 : vector<16xf32>
      %parallel_loop3A_780 = tpu.iota {dimensions = array<i32: 0>} : vector<16xi32>
      %parallel_loop3A_781 = arith.constant 2 : i32
      %parallel_loop3A_782 = vector.broadcast %parallel_loop3A_781 : i32 to vector<16xi32>
      %parallel_loop3A_783 = arith.xori %parallel_loop3A_780, %parallel_loop3A_782 : vector<16xi32>
      %parallel_loop3A_784 = vector.shape_cast %parallel_loop3A_783 : vector<16xi32> to vector<16x1xi32>
      %parallel_loop3A_785 = vector.shape_cast %parallel_loop3A_784 : vector<16x1xi32> to vector<16xi32>
      %parallel_loop3A_786 = tpu.dynamic_gather %parallel_loop3A_779[%parallel_loop3A_785] in [0] : vector<16xf32>, vector<16xi32> -> vector<16xf32>
      %parallel_loop3A_787 = arith.addf %parallel_loop3A_779, %parallel_loop3A_786 : vector<16xf32>
      %parallel_loop3A_788 = tpu.iota {dimensions = array<i32: 0>} : vector<16xi32>
      %parallel_loop3A_789 = arith.constant 1 : i32
      %parallel_loop3A_790 = vector.broadcast %parallel_loop3A_789 : i32 to vector<16xi32>
      %parallel_loop3A_791 = arith.xori %parallel_loop3A_788, %parallel_loop3A_790 : vector<16xi32>
      %parallel_loop3A_792 = vector.shape_cast %parallel_loop3A_791 : vector<16xi32> to vector<16x1xi32>
      %parallel_loop3A_793 = vector.shape_cast %parallel_loop3A_792 : vector<16x1xi32> to vector<16xi32>
      %parallel_loop3A_794 = tpu.dynamic_gather %parallel_loop3A_787[%parallel_loop3A_793] in [0] : vector<16xf32>, vector<16xi32> -> vector<16xf32>
      %parallel_loop3A_795 = arith.addf %parallel_loop3A_787, %parallel_loop3A_794 : vector<16xf32>
      %parallel_loop3A_796 = arith.constant 256 : i32
      %parallel_loop3A_797 = arith.addi %parallel_loop3A_796, %parallel_loop3A_606 : i32
      %parallel_loop3A_798 = vector.broadcast %parallel_loop3A_797 : i32 to vector<16xi32>
      %parallel_loop3A_799 = arith.constant 0 : i32
      %parallel_loop3A_800 = vector.broadcast %parallel_loop3A_799 : i32 to vector<16xi32>
      %parallel_loop3A_801 = arith.cmpi eq, %iota3A, %parallel_loop3A_800 : vector<16xi32>
      tpu.vector_store_idx %arg18[%parallel_loop3A_798], %parallel_loop3A_795 masked %parallel_loop3A_801 : memref<1024xf32, #tpu.memory_space<vmem>>[vector<16xi32>], vector<16xf32>, vector<16xi1>
    } {sc.loop_unroll_factor = 4 : i64, sc.parallel_access}
    %dma_wait3A_273 = arith.constant 512 : i32
    %dma_wait3A_274 = tpu.memref_slice %arg12[%dma_wait3A_273] : memref<1024xi32, #tpu.memory_space<vmem>> -> memref<512xi32, #tpu.memory_space<vmem>>
    %dma_wait3A_275 = tpu.memref_slice %arg5[%mul3A_2] : memref<16384xi32, #tpu.memory_space<hbm>> -> memref<512xi32, #tpu.memory_space<hbm>>
    %dma_wait3A_276 = arith.constant 512 : i32
    %dma_wait3A_277 = tpu.memref_slice %arg12[%dma_wait3A_276] : memref<1024xi32, #tpu.memory_space<vmem>> -> memref<512xi32, #tpu.memory_space<vmem>>
    %dma_wait3A_278 = tpu.memref_slice %arg5[%mul3A_2] : memref<16384xi32, #tpu.memory_space<hbm>> -> memref<512xi32, #tpu.memory_space<hbm>>
    tpu.wait_dma2 semaphore(%arg21 : memref<!tpu.dma_semaphore, #tpu.memory_space<semaphore_mem>>) src(%dma_wait3A_278 : memref<512xi32, #tpu.memory_space<hbm>>) dst(%dma_wait3A_277 : memref<512xi32, #tpu.memory_space<vmem>>)
    %dma_wait3A_279 = arith.constant 512 : i32
    %dma_wait3A_280 = tpu.memref_slice %arg13[%dma_wait3A_279] : memref<1024xi32, #tpu.memory_space<vmem>> -> memref<512xi32, #tpu.memory_space<vmem>>
    %dma_wait3A_281 = tpu.memref_slice %arg6[%mul3A_2] : memref<16384xi32, #tpu.memory_space<hbm>> -> memref<512xi32, #tpu.memory_space<hbm>>
    %dma_wait3A_282 = arith.constant 512 : i32
    %dma_wait3A_283 = tpu.memref_slice %arg13[%dma_wait3A_282] : memref<1024xi32, #tpu.memory_space<vmem>> -> memref<512xi32, #tpu.memory_space<vmem>>
    %dma_wait3A_284 = tpu.memref_slice %arg6[%mul3A_2] : memref<16384xi32, #tpu.memory_space<hbm>> -> memref<512xi32, #tpu.memory_space<hbm>>
    tpu.wait_dma2 semaphore(%arg21 : memref<!tpu.dma_semaphore, #tpu.memory_space<semaphore_mem>>) src(%dma_wait3A_284 : memref<512xi32, #tpu.memory_space<hbm>>) dst(%dma_wait3A_283 : memref<512xi32, #tpu.memory_space<vmem>>)
    %dma_wait3A_285 = arith.constant 512 : i32
    %dma_wait3A_286 = tpu.memref_slice %arg14[%dma_wait3A_285] : memref<1024xi32, #tpu.memory_space<vmem>> -> memref<512xi32, #tpu.memory_space<vmem>>
    %dma_wait3A_287 = tpu.memref_slice %arg7[%mul3A_2] : memref<16384xi32, #tpu.memory_space<hbm>> -> memref<512xi32, #tpu.memory_space<hbm>>
    %dma_wait3A_288 = arith.constant 512 : i32
    %dma_wait3A_289 = tpu.memref_slice %arg14[%dma_wait3A_288] : memref<1024xi32, #tpu.memory_space<vmem>> -> memref<512xi32, #tpu.memory_space<vmem>>
    %dma_wait3A_290 = tpu.memref_slice %arg7[%mul3A_2] : memref<16384xi32, #tpu.memory_space<hbm>> -> memref<512xi32, #tpu.memory_space<hbm>>
    tpu.wait_dma2 semaphore(%arg21 : memref<!tpu.dma_semaphore, #tpu.memory_space<semaphore_mem>>) src(%dma_wait3A_290 : memref<512xi32, #tpu.memory_space<hbm>>) dst(%dma_wait3A_289 : memref<512xi32, #tpu.memory_space<vmem>>)
    %dma_start3A_291 = arith.constant 0 : i32
    %dma_start3A_292 = arith.constant 0 : i32
    %dma_start3A_293 = arith.constant 0 : i32
    %dma_start3A_294 = tpu.memref_slice %arg15[%dma_start3A_291, %dma_start3A_292, %dma_start3A_293] : memref<2x128x128xf32, #tpu.memory_space<vmem>> -> memref<1x128x128xf32, #tpu.memory_space<vmem>>
    %dma_start3A_295 = tpu.memref_squeeze %dma_start3A_294 : memref<1x128x128xf32, #tpu.memory_space<vmem>> -> memref<128x128xf32, #tpu.memory_space<vmem>>
    %dma_start3A_296 = arith.constant 512 : i32
    %dma_start3A_297 = tpu.memref_slice %arg12[%dma_start3A_296] : memref<1024xi32, #tpu.memory_space<vmem>> -> memref<128xi32, #tpu.memory_space<vmem>>
    %dma_start3A_298 = arith.constant 0 : i32
    %dma_start3A_299 = arith.constant 0 : i32
    %dma_start3A_300 = tpu.memref_slice %arg8[%dma_start3A_298, %dma_start3A_299] : memref<100000x128xf32, #tpu.memory_space<hbm>> -> memref<100000x128xf32, #tpu.memory_space<hbm>>
    tpu.enqueue_indirect_dma source(%dma_start3A_300 : memref<100000x128xf32, #tpu.memory_space<hbm>>) target(%dma_start3A_295 : memref<128x128xf32, #tpu.memory_space<vmem>>) offsets(%dma_start3A_297 : memref<128xi32, #tpu.memory_space<vmem>>) semaphore(%arg19 : memref<!tpu.dma_semaphore, #tpu.memory_space<semaphore_mem>>)
    %dma_start3A_301 = arith.constant 0 : i32
    %dma_start3A_302 = arith.constant 0 : i32
    %dma_start3A_303 = arith.constant 0 : i32
    %dma_start3A_304 = tpu.memref_slice %arg16[%dma_start3A_301, %dma_start3A_302, %dma_start3A_303] : memref<2x128x128xf32, #tpu.memory_space<vmem>> -> memref<1x128x128xf32, #tpu.memory_space<vmem>>
    %dma_start3A_305 = tpu.memref_squeeze %dma_start3A_304 : memref<1x128x128xf32, #tpu.memory_space<vmem>> -> memref<128x128xf32, #tpu.memory_space<vmem>>
    %dma_start3A_306 = arith.constant 512 : i32
    %dma_start3A_307 = tpu.memref_slice %arg13[%dma_start3A_306] : memref<1024xi32, #tpu.memory_space<vmem>> -> memref<128xi32, #tpu.memory_space<vmem>>
    %dma_start3A_308 = arith.constant 0 : i32
    %dma_start3A_309 = arith.constant 0 : i32
    %dma_start3A_310 = tpu.memref_slice %arg9[%dma_start3A_308, %dma_start3A_309] : memref<1000x128xf32, #tpu.memory_space<hbm>> -> memref<1000x128xf32, #tpu.memory_space<hbm>>
    tpu.enqueue_indirect_dma source(%dma_start3A_310 : memref<1000x128xf32, #tpu.memory_space<hbm>>) target(%dma_start3A_305 : memref<128x128xf32, #tpu.memory_space<vmem>>) offsets(%dma_start3A_307 : memref<128xi32, #tpu.memory_space<vmem>>) semaphore(%arg19 : memref<!tpu.dma_semaphore, #tpu.memory_space<semaphore_mem>>)
    %dma_start3A_311 = arith.constant 0 : i32
    %dma_start3A_312 = arith.constant 0 : i32
    %dma_start3A_313 = arith.constant 0 : i32
    %dma_start3A_314 = tpu.memref_slice %arg17[%dma_start3A_311, %dma_start3A_312, %dma_start3A_313] : memref<2x128x128xf32, #tpu.memory_space<vmem>> -> memref<1x128x128xf32, #tpu.memory_space<vmem>>
    %dma_start3A_315 = tpu.memref_squeeze %dma_start3A_314 : memref<1x128x128xf32, #tpu.memory_space<vmem>> -> memref<128x128xf32, #tpu.memory_space<vmem>>
    %dma_start3A_316 = arith.constant 512 : i32
    %dma_start3A_317 = tpu.memref_slice %arg14[%dma_start3A_316] : memref<1024xi32, #tpu.memory_space<vmem>> -> memref<128xi32, #tpu.memory_space<vmem>>
    %dma_start3A_318 = arith.constant 0 : i32
    %dma_start3A_319 = arith.constant 0 : i32
    %dma_start3A_320 = tpu.memref_slice %arg8[%dma_start3A_318, %dma_start3A_319] : memref<100000x128xf32, #tpu.memory_space<hbm>> -> memref<100000x128xf32, #tpu.memory_space<hbm>>
    tpu.enqueue_indirect_dma source(%dma_start3A_320 : memref<100000x128xf32, #tpu.memory_space<hbm>>) target(%dma_start3A_315 : memref<128x128xf32, #tpu.memory_space<vmem>>) offsets(%dma_start3A_317 : memref<128xi32, #tpu.memory_space<vmem>>) semaphore(%arg19 : memref<!tpu.dma_semaphore, #tpu.memory_space<semaphore_mem>>)
    %dma_wait3A_321 = arith.constant 1 : i32
    %dma_wait3A_322 = arith.constant 0 : i32
    %dma_wait3A_323 = arith.constant 0 : i32
    %dma_wait3A_324 = tpu.memref_slice %arg15[%dma_wait3A_321, %dma_wait3A_322, %dma_wait3A_323] : memref<2x128x128xf32, #tpu.memory_space<vmem>> -> memref<1x128x128xf32, #tpu.memory_space<vmem>>
    %dma_wait3A_325 = tpu.memref_squeeze %dma_wait3A_324 : memref<1x128x128xf32, #tpu.memory_space<vmem>> -> memref<128x128xf32, #tpu.memory_space<vmem>>
    %dma_wait3A_326 = arith.constant 384 : i32
    %dma_wait3A_327 = tpu.memref_slice %arg12[%dma_wait3A_326] : memref<1024xi32, #tpu.memory_space<vmem>> -> memref<128xi32, #tpu.memory_space<vmem>>
    %dma_wait3A_328 = arith.constant 0 : i32
    %dma_wait3A_329 = arith.constant 0 : i32
    %dma_wait3A_330 = tpu.memref_slice %arg8[%dma_wait3A_328, %dma_wait3A_329] : memref<100000x128xf32, #tpu.memory_space<hbm>> -> memref<100000x128xf32, #tpu.memory_space<hbm>>
    tpu.wait_indirect_dma semaphore(%arg20 : memref<!tpu.dma_semaphore, #tpu.memory_space<semaphore_mem>>) src(%dma_wait3A_330 : memref<100000x128xf32, #tpu.memory_space<hbm>>) dst(%dma_wait3A_325 : memref<128x128xf32, #tpu.memory_space<vmem>>)
    %dma_wait3A_331 = arith.constant 1 : i32
    %dma_wait3A_332 = arith.constant 0 : i32
    %dma_wait3A_333 = arith.constant 0 : i32
    %dma_wait3A_334 = tpu.memref_slice %arg16[%dma_wait3A_331, %dma_wait3A_332, %dma_wait3A_333] : memref<2x128x128xf32, #tpu.memory_space<vmem>> -> memref<1x128x128xf32, #tpu.memory_space<vmem>>
    %dma_wait3A_335 = tpu.memref_squeeze %dma_wait3A_334 : memref<1x128x128xf32, #tpu.memory_space<vmem>> -> memref<128x128xf32, #tpu.memory_space<vmem>>
    %dma_wait3A_336 = arith.constant 384 : i32
    %dma_wait3A_337 = tpu.memref_slice %arg13[%dma_wait3A_336] : memref<1024xi32, #tpu.memory_space<vmem>> -> memref<128xi32, #tpu.memory_space<vmem>>
    %dma_wait3A_338 = arith.constant 0 : i32
    %dma_wait3A_339 = arith.constant 0 : i32
    %dma_wait3A_340 = tpu.memref_slice %arg9[%dma_wait3A_338, %dma_wait3A_339] : memref<1000x128xf32, #tpu.memory_space<hbm>> -> memref<1000x128xf32, #tpu.memory_space<hbm>>
    tpu.wait_indirect_dma semaphore(%arg20 : memref<!tpu.dma_semaphore, #tpu.memory_space<semaphore_mem>>) src(%dma_wait3A_340 : memref<1000x128xf32, #tpu.memory_space<hbm>>) dst(%dma_wait3A_335 : memref<128x128xf32, #tpu.memory_space<vmem>>)
    %dma_wait3A_341 = arith.constant 1 : i32
    %dma_wait3A_342 = arith.constant 0 : i32
    %dma_wait3A_343 = arith.constant 0 : i32
    %dma_wait3A_344 = tpu.memref_slice %arg17[%dma_wait3A_341, %dma_wait3A_342, %dma_wait3A_343] : memref<2x128x128xf32, #tpu.memory_space<vmem>> -> memref<1x128x128xf32, #tpu.memory_space<vmem>>
    %dma_wait3A_345 = tpu.memref_squeeze %dma_wait3A_344 : memref<1x128x128xf32, #tpu.memory_space<vmem>> -> memref<128x128xf32, #tpu.memory_space<vmem>>
    %dma_wait3A_346 = arith.constant 384 : i32
    %dma_wait3A_347 = tpu.memref_slice %arg14[%dma_wait3A_346] : memref<1024xi32, #tpu.memory_space<vmem>> -> memref<128xi32, #tpu.memory_space<vmem>>
    %dma_wait3A_348 = arith.constant 0 : i32
    %dma_wait3A_349 = arith.constant 0 : i32
    %dma_wait3A_350 = tpu.memref_slice %arg8[%dma_wait3A_348, %dma_wait3A_349] : memref<100000x128xf32, #tpu.memory_space<hbm>> -> memref<100000x128xf32, #tpu.memory_space<hbm>>
    tpu.wait_indirect_dma semaphore(%arg20 : memref<!tpu.dma_semaphore, #tpu.memory_space<semaphore_mem>>) src(%dma_wait3A_350 : memref<100000x128xf32, #tpu.memory_space<hbm>>) dst(%dma_wait3A_345 : memref<128x128xf32, #tpu.memory_space<vmem>>)
    %parallel_loop3A_351 = arith.constant 0 : i32
    %parallel_loop3A_352 = arith.constant 128 : i32
    %parallel_loop3A_353 = arith.constant 1 : i32
    scf.for %parallel_loop3A_606 = %parallel_loop3A_351 to %parallel_loop3A_352 step %parallel_loop3A_353  : i32 {
      %parallel_loop3A_607 = arith.constant 0.000000e+00 : f32
      %parallel_loop3A_608 = vector.broadcast %parallel_loop3A_607 : f32 to vector<16xf32>
      %parallel_loop3A_609 = arith.constant 0.000000e+00 : f32
      %parallel_loop3A_610 = vector.broadcast %parallel_loop3A_609 : f32 to vector<16xf32>
      %parallel_loop3A_611 = arith.constant 1 : i32
      %parallel_loop3A_612 = arith.index_cast %parallel_loop3A_611 : i32 to index
      %parallel_loop3A_613 = arith.index_cast %parallel_loop3A_606 : i32 to index
      %parallel_loop3A_614 = arith.constant 0 : index
      %parallel_loop3A_615 = tpu.vector_load %arg15[%parallel_loop3A_612, %parallel_loop3A_613, %parallel_loop3A_614] {strides = array<i32>} : memref<2x128x128xf32, #tpu.memory_space<vmem>>, vector<16xf32>,
      %parallel_loop3A_616 = arith.constant 1 : i32
      %parallel_loop3A_617 = arith.index_cast %parallel_loop3A_616 : i32 to index
      %parallel_loop3A_618 = arith.index_cast %parallel_loop3A_606 : i32 to index
      %parallel_loop3A_619 = arith.constant 0 : index
      %parallel_loop3A_620 = tpu.vector_load %arg16[%parallel_loop3A_617, %parallel_loop3A_618, %parallel_loop3A_619] {strides = array<i32>} : memref<2x128x128xf32, #tpu.memory_space<vmem>>, vector<16xf32>,
      %parallel_loop3A_621 = arith.constant 1 : i32
      %parallel_loop3A_622 = arith.index_cast %parallel_loop3A_621 : i32 to index
      %parallel_loop3A_623 = arith.index_cast %parallel_loop3A_606 : i32 to index
      %parallel_loop3A_624 = arith.constant 0 : index
      %parallel_loop3A_625 = tpu.vector_load %arg17[%parallel_loop3A_622, %parallel_loop3A_623, %parallel_loop3A_624] {strides = array<i32>} : memref<2x128x128xf32, #tpu.memory_space<vmem>>, vector<16xf32>,
      %parallel_loop3A_626 = arith.subf %parallel_loop3A_615, %parallel_loop3A_625 : vector<16xf32>
      %parallel_loop3A_627 = arith.addf %parallel_loop3A_626, %parallel_loop3A_620 : vector<16xf32>
      %parallel_loop3A_628 = arith.mulf %parallel_loop3A_627, %parallel_loop3A_627 : vector<16xf32>
      %parallel_loop3A_629 = arith.addf %parallel_loop3A_608, %parallel_loop3A_628 : vector<16xf32>
      %parallel_loop3A_630 = arith.constant 1 : i32
      %parallel_loop3A_631 = arith.index_cast %parallel_loop3A_630 : i32 to index
      %parallel_loop3A_632 = arith.index_cast %parallel_loop3A_606 : i32 to index
      %parallel_loop3A_633 = arith.constant 16 : index
      %parallel_loop3A_634 = tpu.vector_load %arg15[%parallel_loop3A_631, %parallel_loop3A_632, %parallel_loop3A_633] {strides = array<i32>} : memref<2x128x128xf32, #tpu.memory_space<vmem>>, vector<16xf32>,
      %parallel_loop3A_635 = arith.constant 1 : i32
      %parallel_loop3A_636 = arith.index_cast %parallel_loop3A_635 : i32 to index
      %parallel_loop3A_637 = arith.index_cast %parallel_loop3A_606 : i32 to index
      %parallel_loop3A_638 = arith.constant 16 : index
      %parallel_loop3A_639 = tpu.vector_load %arg16[%parallel_loop3A_636, %parallel_loop3A_637, %parallel_loop3A_638] {strides = array<i32>} : memref<2x128x128xf32, #tpu.memory_space<vmem>>, vector<16xf32>,
      %parallel_loop3A_640 = arith.constant 1 : i32
      %parallel_loop3A_641 = arith.index_cast %parallel_loop3A_640 : i32 to index
      %parallel_loop3A_642 = arith.index_cast %parallel_loop3A_606 : i32 to index
      %parallel_loop3A_643 = arith.constant 16 : index
      %parallel_loop3A_644 = tpu.vector_load %arg17[%parallel_loop3A_641, %parallel_loop3A_642, %parallel_loop3A_643] {strides = array<i32>} : memref<2x128x128xf32, #tpu.memory_space<vmem>>, vector<16xf32>,
      %parallel_loop3A_645 = arith.subf %parallel_loop3A_634, %parallel_loop3A_644 : vector<16xf32>
      %parallel_loop3A_646 = arith.addf %parallel_loop3A_645, %parallel_loop3A_639 : vector<16xf32>
      %parallel_loop3A_647 = arith.mulf %parallel_loop3A_646, %parallel_loop3A_646 : vector<16xf32>
      %parallel_loop3A_648 = arith.addf %parallel_loop3A_610, %parallel_loop3A_647 : vector<16xf32>
      %parallel_loop3A_649 = arith.constant 1 : i32
      %parallel_loop3A_650 = arith.index_cast %parallel_loop3A_649 : i32 to index
      %parallel_loop3A_651 = arith.index_cast %parallel_loop3A_606 : i32 to index
      %parallel_loop3A_652 = arith.constant 32 : index
      %parallel_loop3A_653 = tpu.vector_load %arg15[%parallel_loop3A_650, %parallel_loop3A_651, %parallel_loop3A_652] {strides = array<i32>} : memref<2x128x128xf32, #tpu.memory_space<vmem>>, vector<16xf32>,
      %parallel_loop3A_654 = arith.constant 1 : i32
      %parallel_loop3A_655 = arith.index_cast %parallel_loop3A_654 : i32 to index
      %parallel_loop3A_656 = arith.index_cast %parallel_loop3A_606 : i32 to index
      %parallel_loop3A_657 = arith.constant 32 : index
      %parallel_loop3A_658 = tpu.vector_load %arg16[%parallel_loop3A_655, %parallel_loop3A_656, %parallel_loop3A_657] {strides = array<i32>} : memref<2x128x128xf32, #tpu.memory_space<vmem>>, vector<16xf32>,
      %parallel_loop3A_659 = arith.constant 1 : i32
      %parallel_loop3A_660 = arith.index_cast %parallel_loop3A_659 : i32 to index
      %parallel_loop3A_661 = arith.index_cast %parallel_loop3A_606 : i32 to index
      %parallel_loop3A_662 = arith.constant 32 : index
      %parallel_loop3A_663 = tpu.vector_load %arg17[%parallel_loop3A_660, %parallel_loop3A_661, %parallel_loop3A_662] {strides = array<i32>} : memref<2x128x128xf32, #tpu.memory_space<vmem>>, vector<16xf32>,
      %parallel_loop3A_664 = arith.subf %parallel_loop3A_653, %parallel_loop3A_663 : vector<16xf32>
      %parallel_loop3A_665 = arith.addf %parallel_loop3A_664, %parallel_loop3A_658 : vector<16xf32>
      %parallel_loop3A_666 = arith.mulf %parallel_loop3A_665, %parallel_loop3A_665 : vector<16xf32>
      %parallel_loop3A_667 = arith.addf %parallel_loop3A_629, %parallel_loop3A_666 : vector<16xf32>
      %parallel_loop3A_668 = arith.constant 1 : i32
      %parallel_loop3A_669 = arith.index_cast %parallel_loop3A_668 : i32 to index
      %parallel_loop3A_670 = arith.index_cast %parallel_loop3A_606 : i32 to index
      %parallel_loop3A_671 = arith.constant 48 : index
      %parallel_loop3A_672 = tpu.vector_load %arg15[%parallel_loop3A_669, %parallel_loop3A_670, %parallel_loop3A_671] {strides = array<i32>} : memref<2x128x128xf32, #tpu.memory_space<vmem>>, vector<16xf32>,
      %parallel_loop3A_673 = arith.constant 1 : i32
      %parallel_loop3A_674 = arith.index_cast %parallel_loop3A_673 : i32 to index
      %parallel_loop3A_675 = arith.index_cast %parallel_loop3A_606 : i32 to index
      %parallel_loop3A_676 = arith.constant 48 : index
      %parallel_loop3A_677 = tpu.vector_load %arg16[%parallel_loop3A_674, %parallel_loop3A_675, %parallel_loop3A_676] {strides = array<i32>} : memref<2x128x128xf32, #tpu.memory_space<vmem>>, vector<16xf32>,
      %parallel_loop3A_678 = arith.constant 1 : i32
      %parallel_loop3A_679 = arith.index_cast %parallel_loop3A_678 : i32 to index
      %parallel_loop3A_680 = arith.index_cast %parallel_loop3A_606 : i32 to index
      %parallel_loop3A_681 = arith.constant 48 : index
      %parallel_loop3A_682 = tpu.vector_load %arg17[%parallel_loop3A_679, %parallel_loop3A_680, %parallel_loop3A_681] {strides = array<i32>} : memref<2x128x128xf32, #tpu.memory_space<vmem>>, vector<16xf32>,
      %parallel_loop3A_683 = arith.subf %parallel_loop3A_672, %parallel_loop3A_682 : vector<16xf32>
      %parallel_loop3A_684 = arith.addf %parallel_loop3A_683, %parallel_loop3A_677 : vector<16xf32>
      %parallel_loop3A_685 = arith.mulf %parallel_loop3A_684, %parallel_loop3A_684 : vector<16xf32>
      %parallel_loop3A_686 = arith.addf %parallel_loop3A_648, %parallel_loop3A_685 : vector<16xf32>
      %parallel_loop3A_687 = arith.constant 1 : i32
      %parallel_loop3A_688 = arith.index_cast %parallel_loop3A_687 : i32 to index
      %parallel_loop3A_689 = arith.index_cast %parallel_loop3A_606 : i32 to index
      %parallel_loop3A_690 = arith.constant 64 : index
      %parallel_loop3A_691 = tpu.vector_load %arg15[%parallel_loop3A_688, %parallel_loop3A_689, %parallel_loop3A_690] {strides = array<i32>} : memref<2x128x128xf32, #tpu.memory_space<vmem>>, vector<16xf32>,
      %parallel_loop3A_692 = arith.constant 1 : i32
      %parallel_loop3A_693 = arith.index_cast %parallel_loop3A_692 : i32 to index
      %parallel_loop3A_694 = arith.index_cast %parallel_loop3A_606 : i32 to index
      %parallel_loop3A_695 = arith.constant 64 : index
      %parallel_loop3A_696 = tpu.vector_load %arg16[%parallel_loop3A_693, %parallel_loop3A_694, %parallel_loop3A_695] {strides = array<i32>} : memref<2x128x128xf32, #tpu.memory_space<vmem>>, vector<16xf32>,
      %parallel_loop3A_697 = arith.constant 1 : i32
      %parallel_loop3A_698 = arith.index_cast %parallel_loop3A_697 : i32 to index
      %parallel_loop3A_699 = arith.index_cast %parallel_loop3A_606 : i32 to index
      %parallel_loop3A_700 = arith.constant 64 : index
      %parallel_loop3A_701 = tpu.vector_load %arg17[%parallel_loop3A_698, %parallel_loop3A_699, %parallel_loop3A_700] {strides = array<i32>} : memref<2x128x128xf32, #tpu.memory_space<vmem>>, vector<16xf32>,
      %parallel_loop3A_702 = arith.subf %parallel_loop3A_691, %parallel_loop3A_701 : vector<16xf32>
      %parallel_loop3A_703 = arith.addf %parallel_loop3A_702, %parallel_loop3A_696 : vector<16xf32>
      %parallel_loop3A_704 = arith.mulf %parallel_loop3A_703, %parallel_loop3A_703 : vector<16xf32>
      %parallel_loop3A_705 = arith.addf %parallel_loop3A_667, %parallel_loop3A_704 : vector<16xf32>
      %parallel_loop3A_706 = arith.constant 1 : i32
      %parallel_loop3A_707 = arith.index_cast %parallel_loop3A_706 : i32 to index
      %parallel_loop3A_708 = arith.index_cast %parallel_loop3A_606 : i32 to index
      %parallel_loop3A_709 = arith.constant 80 : index
      %parallel_loop3A_710 = tpu.vector_load %arg15[%parallel_loop3A_707, %parallel_loop3A_708, %parallel_loop3A_709] {strides = array<i32>} : memref<2x128x128xf32, #tpu.memory_space<vmem>>, vector<16xf32>,
      %parallel_loop3A_711 = arith.constant 1 : i32
      %parallel_loop3A_712 = arith.index_cast %parallel_loop3A_711 : i32 to index
      %parallel_loop3A_713 = arith.index_cast %parallel_loop3A_606 : i32 to index
      %parallel_loop3A_714 = arith.constant 80 : index
      %parallel_loop3A_715 = tpu.vector_load %arg16[%parallel_loop3A_712, %parallel_loop3A_713, %parallel_loop3A_714] {strides = array<i32>} : memref<2x128x128xf32, #tpu.memory_space<vmem>>, vector<16xf32>,
      %parallel_loop3A_716 = arith.constant 1 : i32
      %parallel_loop3A_717 = arith.index_cast %parallel_loop3A_716 : i32 to index
      %parallel_loop3A_718 = arith.index_cast %parallel_loop3A_606 : i32 to index
      %parallel_loop3A_719 = arith.constant 80 : index
      %parallel_loop3A_720 = tpu.vector_load %arg17[%parallel_loop3A_717, %parallel_loop3A_718, %parallel_loop3A_719] {strides = array<i32>} : memref<2x128x128xf32, #tpu.memory_space<vmem>>, vector<16xf32>,
      %parallel_loop3A_721 = arith.subf %parallel_loop3A_710, %parallel_loop3A_720 : vector<16xf32>
      %parallel_loop3A_722 = arith.addf %parallel_loop3A_721, %parallel_loop3A_715 : vector<16xf32>
      %parallel_loop3A_723 = arith.mulf %parallel_loop3A_722, %parallel_loop3A_722 : vector<16xf32>
      %parallel_loop3A_724 = arith.addf %parallel_loop3A_686, %parallel_loop3A_723 : vector<16xf32>
      %parallel_loop3A_725 = arith.constant 1 : i32
      %parallel_loop3A_726 = arith.index_cast %parallel_loop3A_725 : i32 to index
      %parallel_loop3A_727 = arith.index_cast %parallel_loop3A_606 : i32 to index
      %parallel_loop3A_728 = arith.constant 96 : index
      %parallel_loop3A_729 = tpu.vector_load %arg15[%parallel_loop3A_726, %parallel_loop3A_727, %parallel_loop3A_728] {strides = array<i32>} : memref<2x128x128xf32, #tpu.memory_space<vmem>>, vector<16xf32>,
      %parallel_loop3A_730 = arith.constant 1 : i32
      %parallel_loop3A_731 = arith.index_cast %parallel_loop3A_730 : i32 to index
      %parallel_loop3A_732 = arith.index_cast %parallel_loop3A_606 : i32 to index
      %parallel_loop3A_733 = arith.constant 96 : index
      %parallel_loop3A_734 = tpu.vector_load %arg16[%parallel_loop3A_731, %parallel_loop3A_732, %parallel_loop3A_733] {strides = array<i32>} : memref<2x128x128xf32, #tpu.memory_space<vmem>>, vector<16xf32>,
      %parallel_loop3A_735 = arith.constant 1 : i32
      %parallel_loop3A_736 = arith.index_cast %parallel_loop3A_735 : i32 to index
      %parallel_loop3A_737 = arith.index_cast %parallel_loop3A_606 : i32 to index
      %parallel_loop3A_738 = arith.constant 96 : index
      %parallel_loop3A_739 = tpu.vector_load %arg17[%parallel_loop3A_736, %parallel_loop3A_737, %parallel_loop3A_738] {strides = array<i32>} : memref<2x128x128xf32, #tpu.memory_space<vmem>>, vector<16xf32>,
      %parallel_loop3A_740 = arith.subf %parallel_loop3A_729, %parallel_loop3A_739 : vector<16xf32>
      %parallel_loop3A_741 = arith.addf %parallel_loop3A_740, %parallel_loop3A_734 : vector<16xf32>
      %parallel_loop3A_742 = arith.mulf %parallel_loop3A_741, %parallel_loop3A_741 : vector<16xf32>
      %parallel_loop3A_743 = arith.addf %parallel_loop3A_705, %parallel_loop3A_742 : vector<16xf32>
      %parallel_loop3A_744 = arith.constant 1 : i32
      %parallel_loop3A_745 = arith.index_cast %parallel_loop3A_744 : i32 to index
      %parallel_loop3A_746 = arith.index_cast %parallel_loop3A_606 : i32 to index
      %parallel_loop3A_747 = arith.constant 112 : index
      %parallel_loop3A_748 = tpu.vector_load %arg15[%parallel_loop3A_745, %parallel_loop3A_746, %parallel_loop3A_747] {strides = array<i32>} : memref<2x128x128xf32, #tpu.memory_space<vmem>>, vector<16xf32>,
      %parallel_loop3A_749 = arith.constant 1 : i32
      %parallel_loop3A_750 = arith.index_cast %parallel_loop3A_749 : i32 to index
      %parallel_loop3A_751 = arith.index_cast %parallel_loop3A_606 : i32 to index
      %parallel_loop3A_752 = arith.constant 112 : index
      %parallel_loop3A_753 = tpu.vector_load %arg16[%parallel_loop3A_750, %parallel_loop3A_751, %parallel_loop3A_752] {strides = array<i32>} : memref<2x128x128xf32, #tpu.memory_space<vmem>>, vector<16xf32>,
      %parallel_loop3A_754 = arith.constant 1 : i32
      %parallel_loop3A_755 = arith.index_cast %parallel_loop3A_754 : i32 to index
      %parallel_loop3A_756 = arith.index_cast %parallel_loop3A_606 : i32 to index
      %parallel_loop3A_757 = arith.constant 112 : index
      %parallel_loop3A_758 = tpu.vector_load %arg17[%parallel_loop3A_755, %parallel_loop3A_756, %parallel_loop3A_757] {strides = array<i32>} : memref<2x128x128xf32, #tpu.memory_space<vmem>>, vector<16xf32>,
      %parallel_loop3A_759 = arith.subf %parallel_loop3A_748, %parallel_loop3A_758 : vector<16xf32>
      %parallel_loop3A_760 = arith.addf %parallel_loop3A_759, %parallel_loop3A_753 : vector<16xf32>
      %parallel_loop3A_761 = arith.mulf %parallel_loop3A_760, %parallel_loop3A_760 : vector<16xf32>
      %parallel_loop3A_762 = arith.addf %parallel_loop3A_724, %parallel_loop3A_761 : vector<16xf32>
      %parallel_loop3A_763 = arith.addf %parallel_loop3A_743, %parallel_loop3A_762 : vector<16xf32>
      %parallel_loop3A_764 = tpu.iota {dimensions = array<i32: 0>} : vector<16xi32>
      %parallel_loop3A_765 = arith.constant 8 : i32
      %parallel_loop3A_766 = vector.broadcast %parallel_loop3A_765 : i32 to vector<16xi32>
      %parallel_loop3A_767 = arith.xori %parallel_loop3A_764, %parallel_loop3A_766 : vector<16xi32>
      %parallel_loop3A_768 = vector.shape_cast %parallel_loop3A_767 : vector<16xi32> to vector<16x1xi32>
      %parallel_loop3A_769 = vector.shape_cast %parallel_loop3A_768 : vector<16x1xi32> to vector<16xi32>
      %parallel_loop3A_770 = tpu.dynamic_gather %parallel_loop3A_763[%parallel_loop3A_769] in [0] : vector<16xf32>, vector<16xi32> -> vector<16xf32>
      %parallel_loop3A_771 = arith.addf %parallel_loop3A_763, %parallel_loop3A_770 : vector<16xf32>
      %parallel_loop3A_772 = tpu.iota {dimensions = array<i32: 0>} : vector<16xi32>
      %parallel_loop3A_773 = arith.constant 4 : i32
      %parallel_loop3A_774 = vector.broadcast %parallel_loop3A_773 : i32 to vector<16xi32>
      %parallel_loop3A_775 = arith.xori %parallel_loop3A_772, %parallel_loop3A_774 : vector<16xi32>
      %parallel_loop3A_776 = vector.shape_cast %parallel_loop3A_775 : vector<16xi32> to vector<16x1xi32>
      %parallel_loop3A_777 = vector.shape_cast %parallel_loop3A_776 : vector<16x1xi32> to vector<16xi32>
      %parallel_loop3A_778 = tpu.dynamic_gather %parallel_loop3A_771[%parallel_loop3A_777] in [0] : vector<16xf32>, vector<16xi32> -> vector<16xf32>
      %parallel_loop3A_779 = arith.addf %parallel_loop3A_771, %parallel_loop3A_778 : vector<16xf32>
      %parallel_loop3A_780 = tpu.iota {dimensions = array<i32: 0>} : vector<16xi32>
      %parallel_loop3A_781 = arith.constant 2 : i32
      %parallel_loop3A_782 = vector.broadcast %parallel_loop3A_781 : i32 to vector<16xi32>
      %parallel_loop3A_783 = arith.xori %parallel_loop3A_780, %parallel_loop3A_782 : vector<16xi32>
      %parallel_loop3A_784 = vector.shape_cast %parallel_loop3A_783 : vector<16xi32> to vector<16x1xi32>
      %parallel_loop3A_785 = vector.shape_cast %parallel_loop3A_784 : vector<16x1xi32> to vector<16xi32>
      %parallel_loop3A_786 = tpu.dynamic_gather %parallel_loop3A_779[%parallel_loop3A_785] in [0] : vector<16xf32>, vector<16xi32> -> vector<16xf32>
      %parallel_loop3A_787 = arith.addf %parallel_loop3A_779, %parallel_loop3A_786 : vector<16xf32>
      %parallel_loop3A_788 = tpu.iota {dimensions = array<i32: 0>} : vector<16xi32>
      %parallel_loop3A_789 = arith.constant 1 : i32
      %parallel_loop3A_790 = vector.broadcast %parallel_loop3A_789 : i32 to vector<16xi32>
      %parallel_loop3A_791 = arith.xori %parallel_loop3A_788, %parallel_loop3A_790 : vector<16xi32>
      %parallel_loop3A_792 = vector.shape_cast %parallel_loop3A_791 : vector<16xi32> to vector<16x1xi32>
      %parallel_loop3A_793 = vector.shape_cast %parallel_loop3A_792 : vector<16x1xi32> to vector<16xi32>
      %parallel_loop3A_794 = tpu.dynamic_gather %parallel_loop3A_787[%parallel_loop3A_793] in [0] : vector<16xf32>, vector<16xi32> -> vector<16xf32>
      %parallel_loop3A_795 = arith.addf %parallel_loop3A_787, %parallel_loop3A_794 : vector<16xf32>
      %parallel_loop3A_796 = arith.constant 384 : i32
      %parallel_loop3A_797 = arith.addi %parallel_loop3A_796, %parallel_loop3A_606 : i32
      %parallel_loop3A_798 = vector.broadcast %parallel_loop3A_797 : i32 to vector<16xi32>
      %parallel_loop3A_799 = arith.constant 0 : i32
      %parallel_loop3A_800 = vector.broadcast %parallel_loop3A_799 : i32 to vector<16xi32>
      %parallel_loop3A_801 = arith.cmpi eq, %iota3A, %parallel_loop3A_800 : vector<16xi32>
      tpu.vector_store_idx %arg18[%parallel_loop3A_798], %parallel_loop3A_795 masked %parallel_loop3A_801 : memref<1024xf32, #tpu.memory_space<vmem>>[vector<16xi32>], vector<16xf32>, vector<16xi1>
    } {sc.loop_unroll_factor = 4 : i64, sc.parallel_access}
    %parallel_loop3A_354 = arith.constant 0 : i32
    %parallel_loop3A_355 = arith.constant 32 : i32
    %parallel_loop3A_356 = arith.constant 1 : i32
    scf.for %parallel_loop3A_606 = %parallel_loop3A_354 to %parallel_loop3A_355 step %parallel_loop3A_356  : i32 {
      %parallel_loop3A_607 = arith.constant 16 : i32
      %parallel_loop3A_608 = arith.muli %parallel_loop3A_606, %parallel_loop3A_607 : i32
      %parallel_loop3A_609 = arith.constant 0 : i32
      %parallel_loop3A_610 = arith.addi %parallel_loop3A_609, %parallel_loop3A_608 : i32
      %parallel_loop3A_611 = arith.index_cast %parallel_loop3A_610 : i32 to index
      %parallel_loop3A_612 = tpu.vector_load %arg18[%parallel_loop3A_611] {strides = array<i32>} : memref<1024xf32, #tpu.memory_space<vmem>>, vector<16xf32>,
      %parallel_loop3A_613 = vector.bitcast %parallel_loop3A_612 : vector<16xf32> to vector<16xi32>
      %parallel_loop3A_614 = arith.constant 1 : i32
      %parallel_loop3A_615 = vector.broadcast %parallel_loop3A_614 : i32 to vector<16xi32>
      %parallel_loop3A_616 = arith.shrui %parallel_loop3A_613, %parallel_loop3A_615 : vector<16xi32>
      %parallel_loop3A_617 = arith.constant 532487669 : i32
      %parallel_loop3A_618 = vector.broadcast %parallel_loop3A_617 : i32 to vector<16xi32>
      %parallel_loop3A_619 = arith.addi %parallel_loop3A_616, %parallel_loop3A_618 : vector<16xi32>
      %parallel_loop3A_620 = vector.bitcast %parallel_loop3A_619 : vector<16xi32> to vector<16xf32>
      %parallel_loop3A_621 = arith.divf %parallel_loop3A_612, %parallel_loop3A_620 : vector<16xf32>
      %parallel_loop3A_622 = arith.addf %parallel_loop3A_620, %parallel_loop3A_621 : vector<16xf32>
      %parallel_loop3A_623 = arith.constant 5.000000e-01 : f32
      %parallel_loop3A_624 = vector.broadcast %parallel_loop3A_623 : f32 to vector<16xf32>
      %parallel_loop3A_625 = arith.mulf %parallel_loop3A_624, %parallel_loop3A_622 : vector<16xf32>
      %parallel_loop3A_626 = arith.divf %parallel_loop3A_612, %parallel_loop3A_625 : vector<16xf32>
      %parallel_loop3A_627 = arith.addf %parallel_loop3A_625, %parallel_loop3A_626 : vector<16xf32>
      %parallel_loop3A_628 = arith.constant 5.000000e-01 : f32
      %parallel_loop3A_629 = vector.broadcast %parallel_loop3A_628 : f32 to vector<16xf32>
      %parallel_loop3A_630 = arith.mulf %parallel_loop3A_629, %parallel_loop3A_627 : vector<16xf32>
      %parallel_loop3A_631 = arith.index_cast %parallel_loop3A_610 : i32 to index
      %parallel_loop3A_632 = tpu.vector_load %arg18[%parallel_loop3A_631] {strides = array<i32>} : memref<1024xf32, #tpu.memory_space<vmem>>, vector<16xf32>,
      tpu.vector_store %arg18[%parallel_loop3A_631], %parallel_loop3A_630 {strides = array<i32>} : memref<1024xf32, #tpu.memory_space<vmem>>, vector<16xf32>,
    } {sc.loop_unroll_factor = 4 : i64, sc.parallel_access}
    %dma_start3A_357 = arith.constant 0 : i32
    %dma_start3A_358 = tpu.memref_slice %arg18[%dma_start3A_357] : memref<1024xf32, #tpu.memory_space<vmem>> -> memref<512xf32, #tpu.memory_space<vmem>>
    %dma_start3A_359 = tpu.memref_slice %arg10[%mul3A_2] : memref<16384xf32, #tpu.memory_space<hbm>> -> memref<512xf32, #tpu.memory_space<hbm>>
    %dma_start3A_360 = tpu.memref_slice %arg10[%mul3A_2] : memref<16384xf32, #tpu.memory_space<hbm>> -> memref<512xf32, #tpu.memory_space<hbm>>
    %dma_start3A_361 = arith.constant 0 : i32
    %dma_start3A_362 = tpu.memref_slice %arg18[%dma_start3A_361] : memref<1024xf32, #tpu.memory_space<vmem>> -> memref<512xf32, #tpu.memory_space<vmem>>
    tpu.enqueue_dma source(%dma_start3A_362 : memref<512xf32, #tpu.memory_space<vmem>>) target(%dma_start3A_360 : memref<512xf32, #tpu.memory_space<hbm>>) target_semaphore(%arg21 : memref<!tpu.dma_semaphore, #tpu.memory_space<semaphore_mem>>)
    %dma_start3A_363 = arith.constant 1 : i32
    %dma_start3A_364 = arith.constant 0 : i32
    %dma_start3A_365 = arith.constant 0 : i32
    %dma_start3A_366 = tpu.memref_slice %arg15[%dma_start3A_363, %dma_start3A_364, %dma_start3A_365] : memref<2x128x128xf32, #tpu.memory_space<vmem>> -> memref<1x128x128xf32, #tpu.memory_space<vmem>>
    %dma_start3A_367 = tpu.memref_squeeze %dma_start3A_366 : memref<1x128x128xf32, #tpu.memory_space<vmem>> -> memref<128x128xf32, #tpu.memory_space<vmem>>
    %dma_start3A_368 = arith.constant 640 : i32
    %dma_start3A_369 = tpu.memref_slice %arg12[%dma_start3A_368] : memref<1024xi32, #tpu.memory_space<vmem>> -> memref<128xi32, #tpu.memory_space<vmem>>
    %dma_start3A_370 = arith.constant 0 : i32
    %dma_start3A_371 = arith.constant 0 : i32
    %dma_start3A_372 = tpu.memref_slice %arg8[%dma_start3A_370, %dma_start3A_371] : memref<100000x128xf32, #tpu.memory_space<hbm>> -> memref<100000x128xf32, #tpu.memory_space<hbm>>
    tpu.enqueue_indirect_dma source(%dma_start3A_372 : memref<100000x128xf32, #tpu.memory_space<hbm>>) target(%dma_start3A_367 : memref<128x128xf32, #tpu.memory_space<vmem>>) offsets(%dma_start3A_369 : memref<128xi32, #tpu.memory_space<vmem>>) semaphore(%arg20 : memref<!tpu.dma_semaphore, #tpu.memory_space<semaphore_mem>>)
    %dma_start3A_373 = arith.constant 1 : i32
    %dma_start3A_374 = arith.constant 0 : i32
    %dma_start3A_375 = arith.constant 0 : i32
    %dma_start3A_376 = tpu.memref_slice %arg16[%dma_start3A_373, %dma_start3A_374, %dma_start3A_375] : memref<2x128x128xf32, #tpu.memory_space<vmem>> -> memref<1x128x128xf32, #tpu.memory_space<vmem>>
    %dma_start3A_377 = tpu.memref_squeeze %dma_start3A_376 : memref<1x128x128xf32, #tpu.memory_space<vmem>> -> memref<128x128xf32, #tpu.memory_space<vmem>>
    %dma_start3A_378 = arith.constant 640 : i32
    %dma_start3A_379 = tpu.memref_slice %arg13[%dma_start3A_378] : memref<1024xi32, #tpu.memory_space<vmem>> -> memref<128xi32, #tpu.memory_space<vmem>>
    %dma_start3A_380 = arith.constant 0 : i32
    %dma_start3A_381 = arith.constant 0 : i32
    %dma_start3A_382 = tpu.memref_slice %arg9[%dma_start3A_380, %dma_start3A_381] : memref<1000x128xf32, #tpu.memory_space<hbm>> -> memref<1000x128xf32, #tpu.memory_space<hbm>>
    tpu.enqueue_indirect_dma source(%dma_start3A_382 : memref<1000x128xf32, #tpu.memory_space<hbm>>) target(%dma_start3A_377 : memref<128x128xf32, #tpu.memory_space<vmem>>) offsets(%dma_start3A_379 : memref<128xi32, #tpu.memory_space<vmem>>) semaphore(%arg20 : memref<!tpu.dma_semaphore, #tpu.memory_space<semaphore_mem>>)
    %dma_start3A_383 = arith.constant 1 : i32
    %dma_start3A_384 = arith.constant 0 : i32
    %dma_start3A_385 = arith.constant 0 : i32
    %dma_start3A_386 = tpu.memref_slice %arg17[%dma_start3A_383, %dma_start3A_384, %dma_start3A_385] : memref<2x128x128xf32, #tpu.memory_space<vmem>> -> memref<1x128x128xf32, #tpu.memory_space<vmem>>
    %dma_start3A_387 = tpu.memref_squeeze %dma_start3A_386 : memref<1x128x128xf32, #tpu.memory_space<vmem>> -> memref<128x128xf32, #tpu.memory_space<vmem>>
    %dma_start3A_388 = arith.constant 640 : i32
    %dma_start3A_389 = tpu.memref_slice %arg14[%dma_start3A_388] : memref<1024xi32, #tpu.memory_space<vmem>> -> memref<128xi32, #tpu.memory_space<vmem>>
    %dma_start3A_390 = arith.constant 0 : i32
    %dma_start3A_391 = arith.constant 0 : i32
    %dma_start3A_392 = tpu.memref_slice %arg8[%dma_start3A_390, %dma_start3A_391] : memref<100000x128xf32, #tpu.memory_space<hbm>> -> memref<100000x128xf32, #tpu.memory_space<hbm>>
    tpu.enqueue_indirect_dma source(%dma_start3A_392 : memref<100000x128xf32, #tpu.memory_space<hbm>>) target(%dma_start3A_387 : memref<128x128xf32, #tpu.memory_space<vmem>>) offsets(%dma_start3A_389 : memref<128xi32, #tpu.memory_space<vmem>>) semaphore(%arg20 : memref<!tpu.dma_semaphore, #tpu.memory_space<semaphore_mem>>)
    %dma_wait3A_393 = arith.constant 0 : i32
    %dma_wait3A_394 = arith.constant 0 : i32
    %dma_wait3A_395 = arith.constant 0 : i32
    %dma_wait3A_396 = tpu.memref_slice %arg15[%dma_wait3A_393, %dma_wait3A_394, %dma_wait3A_395] : memref<2x128x128xf32, #tpu.memory_space<vmem>> -> memref<1x128x128xf32, #tpu.memory_space<vmem>>
    %dma_wait3A_397 = tpu.memref_squeeze %dma_wait3A_396 : memref<1x128x128xf32, #tpu.memory_space<vmem>> -> memref<128x128xf32, #tpu.memory_space<vmem>>
    %dma_wait3A_398 = arith.constant 512 : i32
    %dma_wait3A_399 = tpu.memref_slice %arg12[%dma_wait3A_398] : memref<1024xi32, #tpu.memory_space<vmem>> -> memref<128xi32, #tpu.memory_space<vmem>>
    %dma_wait3A_400 = arith.constant 0 : i32
    %dma_wait3A_401 = arith.constant 0 : i32
    %dma_wait3A_402 = tpu.memref_slice %arg8[%dma_wait3A_400, %dma_wait3A_401] : memref<100000x128xf32, #tpu.memory_space<hbm>> -> memref<100000x128xf32, #tpu.memory_space<hbm>>
    tpu.wait_indirect_dma semaphore(%arg19 : memref<!tpu.dma_semaphore, #tpu.memory_space<semaphore_mem>>) src(%dma_wait3A_402 : memref<100000x128xf32, #tpu.memory_space<hbm>>) dst(%dma_wait3A_397 : memref<128x128xf32, #tpu.memory_space<vmem>>)
    %dma_wait3A_403 = arith.constant 0 : i32
    %dma_wait3A_404 = arith.constant 0 : i32
    %dma_wait3A_405 = arith.constant 0 : i32
    %dma_wait3A_406 = tpu.memref_slice %arg16[%dma_wait3A_403, %dma_wait3A_404, %dma_wait3A_405] : memref<2x128x128xf32, #tpu.memory_space<vmem>> -> memref<1x128x128xf32, #tpu.memory_space<vmem>>
    %dma_wait3A_407 = tpu.memref_squeeze %dma_wait3A_406 : memref<1x128x128xf32, #tpu.memory_space<vmem>> -> memref<128x128xf32, #tpu.memory_space<vmem>>
    %dma_wait3A_408 = arith.constant 512 : i32
    %dma_wait3A_409 = tpu.memref_slice %arg13[%dma_wait3A_408] : memref<1024xi32, #tpu.memory_space<vmem>> -> memref<128xi32, #tpu.memory_space<vmem>>
    %dma_wait3A_410 = arith.constant 0 : i32
    %dma_wait3A_411 = arith.constant 0 : i32
    %dma_wait3A_412 = tpu.memref_slice %arg9[%dma_wait3A_410, %dma_wait3A_411] : memref<1000x128xf32, #tpu.memory_space<hbm>> -> memref<1000x128xf32, #tpu.memory_space<hbm>>
    tpu.wait_indirect_dma semaphore(%arg19 : memref<!tpu.dma_semaphore, #tpu.memory_space<semaphore_mem>>) src(%dma_wait3A_412 : memref<1000x128xf32, #tpu.memory_space<hbm>>) dst(%dma_wait3A_407 : memref<128x128xf32, #tpu.memory_space<vmem>>)
    %dma_wait3A_413 = arith.constant 0 : i32
    %dma_wait3A_414 = arith.constant 0 : i32
    %dma_wait3A_415 = arith.constant 0 : i32
    %dma_wait3A_416 = tpu.memref_slice %arg17[%dma_wait3A_413, %dma_wait3A_414, %dma_wait3A_415] : memref<2x128x128xf32, #tpu.memory_space<vmem>> -> memref<1x128x128xf32, #tpu.memory_space<vmem>>
    %dma_wait3A_417 = tpu.memref_squeeze %dma_wait3A_416 : memref<1x128x128xf32, #tpu.memory_space<vmem>> -> memref<128x128xf32, #tpu.memory_space<vmem>>
    %dma_wait3A_418 = arith.constant 512 : i32
    %dma_wait3A_419 = tpu.memref_slice %arg14[%dma_wait3A_418] : memref<1024xi32, #tpu.memory_space<vmem>> -> memref<128xi32, #tpu.memory_space<vmem>>
    %dma_wait3A_420 = arith.constant 0 : i32
    %dma_wait3A_421 = arith.constant 0 : i32
    %dma_wait3A_422 = tpu.memref_slice %arg8[%dma_wait3A_420, %dma_wait3A_421] : memref<100000x128xf32, #tpu.memory_space<hbm>> -> memref<100000x128xf32, #tpu.memory_space<hbm>>
    tpu.wait_indirect_dma semaphore(%arg19 : memref<!tpu.dma_semaphore, #tpu.memory_space<semaphore_mem>>) src(%dma_wait3A_422 : memref<100000x128xf32, #tpu.memory_space<hbm>>) dst(%dma_wait3A_417 : memref<128x128xf32, #tpu.memory_space<vmem>>)
    %parallel_loop3A_423 = arith.constant 0 : i32
    %parallel_loop3A_424 = arith.constant 128 : i32
    %parallel_loop3A_425 = arith.constant 1 : i32
    scf.for %parallel_loop3A_606 = %parallel_loop3A_423 to %parallel_loop3A_424 step %parallel_loop3A_425  : i32 {
      %parallel_loop3A_607 = arith.constant 0.000000e+00 : f32
      %parallel_loop3A_608 = vector.broadcast %parallel_loop3A_607 : f32 to vector<16xf32>
      %parallel_loop3A_609 = arith.constant 0.000000e+00 : f32
      %parallel_loop3A_610 = vector.broadcast %parallel_loop3A_609 : f32 to vector<16xf32>
      %parallel_loop3A_611 = arith.constant 0 : i32
      %parallel_loop3A_612 = arith.index_cast %parallel_loop3A_611 : i32 to index
      %parallel_loop3A_613 = arith.index_cast %parallel_loop3A_606 : i32 to index
      %parallel_loop3A_614 = arith.constant 0 : index
      %parallel_loop3A_615 = tpu.vector_load %arg15[%parallel_loop3A_612, %parallel_loop3A_613, %parallel_loop3A_614] {strides = array<i32>} : memref<2x128x128xf32, #tpu.memory_space<vmem>>, vector<16xf32>,
      %parallel_loop3A_616 = arith.constant 0 : i32
      %parallel_loop3A_617 = arith.index_cast %parallel_loop3A_616 : i32 to index
      %parallel_loop3A_618 = arith.index_cast %parallel_loop3A_606 : i32 to index
      %parallel_loop3A_619 = arith.constant 0 : index
      %parallel_loop3A_620 = tpu.vector_load %arg16[%parallel_loop3A_617, %parallel_loop3A_618, %parallel_loop3A_619] {strides = array<i32>} : memref<2x128x128xf32, #tpu.memory_space<vmem>>, vector<16xf32>,
      %parallel_loop3A_621 = arith.constant 0 : i32
      %parallel_loop3A_622 = arith.index_cast %parallel_loop3A_621 : i32 to index
      %parallel_loop3A_623 = arith.index_cast %parallel_loop3A_606 : i32 to index
      %parallel_loop3A_624 = arith.constant 0 : index
      %parallel_loop3A_625 = tpu.vector_load %arg17[%parallel_loop3A_622, %parallel_loop3A_623, %parallel_loop3A_624] {strides = array<i32>} : memref<2x128x128xf32, #tpu.memory_space<vmem>>, vector<16xf32>,
      %parallel_loop3A_626 = arith.subf %parallel_loop3A_615, %parallel_loop3A_625 : vector<16xf32>
      %parallel_loop3A_627 = arith.addf %parallel_loop3A_626, %parallel_loop3A_620 : vector<16xf32>
      %parallel_loop3A_628 = arith.mulf %parallel_loop3A_627, %parallel_loop3A_627 : vector<16xf32>
      %parallel_loop3A_629 = arith.addf %parallel_loop3A_608, %parallel_loop3A_628 : vector<16xf32>
      %parallel_loop3A_630 = arith.constant 0 : i32
      %parallel_loop3A_631 = arith.index_cast %parallel_loop3A_630 : i32 to index
      %parallel_loop3A_632 = arith.index_cast %parallel_loop3A_606 : i32 to index
      %parallel_loop3A_633 = arith.constant 16 : index
      %parallel_loop3A_634 = tpu.vector_load %arg15[%parallel_loop3A_631, %parallel_loop3A_632, %parallel_loop3A_633] {strides = array<i32>} : memref<2x128x128xf32, #tpu.memory_space<vmem>>, vector<16xf32>,
      %parallel_loop3A_635 = arith.constant 0 : i32
      %parallel_loop3A_636 = arith.index_cast %parallel_loop3A_635 : i32 to index
      %parallel_loop3A_637 = arith.index_cast %parallel_loop3A_606 : i32 to index
      %parallel_loop3A_638 = arith.constant 16 : index
      %parallel_loop3A_639 = tpu.vector_load %arg16[%parallel_loop3A_636, %parallel_loop3A_637, %parallel_loop3A_638] {strides = array<i32>} : memref<2x128x128xf32, #tpu.memory_space<vmem>>, vector<16xf32>,
      %parallel_loop3A_640 = arith.constant 0 : i32
      %parallel_loop3A_641 = arith.index_cast %parallel_loop3A_640 : i32 to index
      %parallel_loop3A_642 = arith.index_cast %parallel_loop3A_606 : i32 to index
      %parallel_loop3A_643 = arith.constant 16 : index
      %parallel_loop3A_644 = tpu.vector_load %arg17[%parallel_loop3A_641, %parallel_loop3A_642, %parallel_loop3A_643] {strides = array<i32>} : memref<2x128x128xf32, #tpu.memory_space<vmem>>, vector<16xf32>,
      %parallel_loop3A_645 = arith.subf %parallel_loop3A_634, %parallel_loop3A_644 : vector<16xf32>
      %parallel_loop3A_646 = arith.addf %parallel_loop3A_645, %parallel_loop3A_639 : vector<16xf32>
      %parallel_loop3A_647 = arith.mulf %parallel_loop3A_646, %parallel_loop3A_646 : vector<16xf32>
      %parallel_loop3A_648 = arith.addf %parallel_loop3A_610, %parallel_loop3A_647 : vector<16xf32>
      %parallel_loop3A_649 = arith.constant 0 : i32
      %parallel_loop3A_650 = arith.index_cast %parallel_loop3A_649 : i32 to index
      %parallel_loop3A_651 = arith.index_cast %parallel_loop3A_606 : i32 to index
      %parallel_loop3A_652 = arith.constant 32 : index
      %parallel_loop3A_653 = tpu.vector_load %arg15[%parallel_loop3A_650, %parallel_loop3A_651, %parallel_loop3A_652] {strides = array<i32>} : memref<2x128x128xf32, #tpu.memory_space<vmem>>, vector<16xf32>,
      %parallel_loop3A_654 = arith.constant 0 : i32
      %parallel_loop3A_655 = arith.index_cast %parallel_loop3A_654 : i32 to index
      %parallel_loop3A_656 = arith.index_cast %parallel_loop3A_606 : i32 to index
      %parallel_loop3A_657 = arith.constant 32 : index
      %parallel_loop3A_658 = tpu.vector_load %arg16[%parallel_loop3A_655, %parallel_loop3A_656, %parallel_loop3A_657] {strides = array<i32>} : memref<2x128x128xf32, #tpu.memory_space<vmem>>, vector<16xf32>,
      %parallel_loop3A_659 = arith.constant 0 : i32
      %parallel_loop3A_660 = arith.index_cast %parallel_loop3A_659 : i32 to index
      %parallel_loop3A_661 = arith.index_cast %parallel_loop3A_606 : i32 to index
      %parallel_loop3A_662 = arith.constant 32 : index
      %parallel_loop3A_663 = tpu.vector_load %arg17[%parallel_loop3A_660, %parallel_loop3A_661, %parallel_loop3A_662] {strides = array<i32>} : memref<2x128x128xf32, #tpu.memory_space<vmem>>, vector<16xf32>,
      %parallel_loop3A_664 = arith.subf %parallel_loop3A_653, %parallel_loop3A_663 : vector<16xf32>
      %parallel_loop3A_665 = arith.addf %parallel_loop3A_664, %parallel_loop3A_658 : vector<16xf32>
      %parallel_loop3A_666 = arith.mulf %parallel_loop3A_665, %parallel_loop3A_665 : vector<16xf32>
      %parallel_loop3A_667 = arith.addf %parallel_loop3A_629, %parallel_loop3A_666 : vector<16xf32>
      %parallel_loop3A_668 = arith.constant 0 : i32
      %parallel_loop3A_669 = arith.index_cast %parallel_loop3A_668 : i32 to index
      %parallel_loop3A_670 = arith.index_cast %parallel_loop3A_606 : i32 to index
      %parallel_loop3A_671 = arith.constant 48 : index
      %parallel_loop3A_672 = tpu.vector_load %arg15[%parallel_loop3A_669, %parallel_loop3A_670, %parallel_loop3A_671] {strides = array<i32>} : memref<2x128x128xf32, #tpu.memory_space<vmem>>, vector<16xf32>,
      %parallel_loop3A_673 = arith.constant 0 : i32
      %parallel_loop3A_674 = arith.index_cast %parallel_loop3A_673 : i32 to index
      %parallel_loop3A_675 = arith.index_cast %parallel_loop3A_606 : i32 to index
      %parallel_loop3A_676 = arith.constant 48 : index
      %parallel_loop3A_677 = tpu.vector_load %arg16[%parallel_loop3A_674, %parallel_loop3A_675, %parallel_loop3A_676] {strides = array<i32>} : memref<2x128x128xf32, #tpu.memory_space<vmem>>, vector<16xf32>,
      %parallel_loop3A_678 = arith.constant 0 : i32
      %parallel_loop3A_679 = arith.index_cast %parallel_loop3A_678 : i32 to index
      %parallel_loop3A_680 = arith.index_cast %parallel_loop3A_606 : i32 to index
      %parallel_loop3A_681 = arith.constant 48 : index
      %parallel_loop3A_682 = tpu.vector_load %arg17[%parallel_loop3A_679, %parallel_loop3A_680, %parallel_loop3A_681] {strides = array<i32>} : memref<2x128x128xf32, #tpu.memory_space<vmem>>, vector<16xf32>,
      %parallel_loop3A_683 = arith.subf %parallel_loop3A_672, %parallel_loop3A_682 : vector<16xf32>
      %parallel_loop3A_684 = arith.addf %parallel_loop3A_683, %parallel_loop3A_677 : vector<16xf32>
      %parallel_loop3A_685 = arith.mulf %parallel_loop3A_684, %parallel_loop3A_684 : vector<16xf32>
      %parallel_loop3A_686 = arith.addf %parallel_loop3A_648, %parallel_loop3A_685 : vector<16xf32>
      %parallel_loop3A_687 = arith.constant 0 : i32
      %parallel_loop3A_688 = arith.index_cast %parallel_loop3A_687 : i32 to index
      %parallel_loop3A_689 = arith.index_cast %parallel_loop3A_606 : i32 to index
      %parallel_loop3A_690 = arith.constant 64 : index
      %parallel_loop3A_691 = tpu.vector_load %arg15[%parallel_loop3A_688, %parallel_loop3A_689, %parallel_loop3A_690] {strides = array<i32>} : memref<2x128x128xf32, #tpu.memory_space<vmem>>, vector<16xf32>,
      %parallel_loop3A_692 = arith.constant 0 : i32
      %parallel_loop3A_693 = arith.index_cast %parallel_loop3A_692 : i32 to index
      %parallel_loop3A_694 = arith.index_cast %parallel_loop3A_606 : i32 to index
      %parallel_loop3A_695 = arith.constant 64 : index
      %parallel_loop3A_696 = tpu.vector_load %arg16[%parallel_loop3A_693, %parallel_loop3A_694, %parallel_loop3A_695] {strides = array<i32>} : memref<2x128x128xf32, #tpu.memory_space<vmem>>, vector<16xf32>,
      %parallel_loop3A_697 = arith.constant 0 : i32
      %parallel_loop3A_698 = arith.index_cast %parallel_loop3A_697 : i32 to index
      %parallel_loop3A_699 = arith.index_cast %parallel_loop3A_606 : i32 to index
      %parallel_loop3A_700 = arith.constant 64 : index
      %parallel_loop3A_701 = tpu.vector_load %arg17[%parallel_loop3A_698, %parallel_loop3A_699, %parallel_loop3A_700] {strides = array<i32>} : memref<2x128x128xf32, #tpu.memory_space<vmem>>, vector<16xf32>,
      %parallel_loop3A_702 = arith.subf %parallel_loop3A_691, %parallel_loop3A_701 : vector<16xf32>
      %parallel_loop3A_703 = arith.addf %parallel_loop3A_702, %parallel_loop3A_696 : vector<16xf32>
      %parallel_loop3A_704 = arith.mulf %parallel_loop3A_703, %parallel_loop3A_703 : vector<16xf32>
      %parallel_loop3A_705 = arith.addf %parallel_loop3A_667, %parallel_loop3A_704 : vector<16xf32>
      %parallel_loop3A_706 = arith.constant 0 : i32
      %parallel_loop3A_707 = arith.index_cast %parallel_loop3A_706 : i32 to index
      %parallel_loop3A_708 = arith.index_cast %parallel_loop3A_606 : i32 to index
      %parallel_loop3A_709 = arith.constant 80 : index
      %parallel_loop3A_710 = tpu.vector_load %arg15[%parallel_loop3A_707, %parallel_loop3A_708, %parallel_loop3A_709] {strides = array<i32>} : memref<2x128x128xf32, #tpu.memory_space<vmem>>, vector<16xf32>,
      %parallel_loop3A_711 = arith.constant 0 : i32
      %parallel_loop3A_712 = arith.index_cast %parallel_loop3A_711 : i32 to index
      %parallel_loop3A_713 = arith.index_cast %parallel_loop3A_606 : i32 to index
      %parallel_loop3A_714 = arith.constant 80 : index
      %parallel_loop3A_715 = tpu.vector_load %arg16[%parallel_loop3A_712, %parallel_loop3A_713, %parallel_loop3A_714] {strides = array<i32>} : memref<2x128x128xf32, #tpu.memory_space<vmem>>, vector<16xf32>,
      %parallel_loop3A_716 = arith.constant 0 : i32
      %parallel_loop3A_717 = arith.index_cast %parallel_loop3A_716 : i32 to index
      %parallel_loop3A_718 = arith.index_cast %parallel_loop3A_606 : i32 to index
      %parallel_loop3A_719 = arith.constant 80 : index
      %parallel_loop3A_720 = tpu.vector_load %arg17[%parallel_loop3A_717, %parallel_loop3A_718, %parallel_loop3A_719] {strides = array<i32>} : memref<2x128x128xf32, #tpu.memory_space<vmem>>, vector<16xf32>,
      %parallel_loop3A_721 = arith.subf %parallel_loop3A_710, %parallel_loop3A_720 : vector<16xf32>
      %parallel_loop3A_722 = arith.addf %parallel_loop3A_721, %parallel_loop3A_715 : vector<16xf32>
      %parallel_loop3A_723 = arith.mulf %parallel_loop3A_722, %parallel_loop3A_722 : vector<16xf32>
      %parallel_loop3A_724 = arith.addf %parallel_loop3A_686, %parallel_loop3A_723 : vector<16xf32>
      %parallel_loop3A_725 = arith.constant 0 : i32
      %parallel_loop3A_726 = arith.index_cast %parallel_loop3A_725 : i32 to index
      %parallel_loop3A_727 = arith.index_cast %parallel_loop3A_606 : i32 to index
      %parallel_loop3A_728 = arith.constant 96 : index
      %parallel_loop3A_729 = tpu.vector_load %arg15[%parallel_loop3A_726, %parallel_loop3A_727, %parallel_loop3A_728] {strides = array<i32>} : memref<2x128x128xf32, #tpu.memory_space<vmem>>, vector<16xf32>,
      %parallel_loop3A_730 = arith.constant 0 : i32
      %parallel_loop3A_731 = arith.index_cast %parallel_loop3A_730 : i32 to index
      %parallel_loop3A_732 = arith.index_cast %parallel_loop3A_606 : i32 to index
      %parallel_loop3A_733 = arith.constant 96 : index
      %parallel_loop3A_734 = tpu.vector_load %arg16[%parallel_loop3A_731, %parallel_loop3A_732, %parallel_loop3A_733] {strides = array<i32>} : memref<2x128x128xf32, #tpu.memory_space<vmem>>, vector<16xf32>,
      %parallel_loop3A_735 = arith.constant 0 : i32
      %parallel_loop3A_736 = arith.index_cast %parallel_loop3A_735 : i32 to index
      %parallel_loop3A_737 = arith.index_cast %parallel_loop3A_606 : i32 to index
      %parallel_loop3A_738 = arith.constant 96 : index
      %parallel_loop3A_739 = tpu.vector_load %arg17[%parallel_loop3A_736, %parallel_loop3A_737, %parallel_loop3A_738] {strides = array<i32>} : memref<2x128x128xf32, #tpu.memory_space<vmem>>, vector<16xf32>,
      %parallel_loop3A_740 = arith.subf %parallel_loop3A_729, %parallel_loop3A_739 : vector<16xf32>
      %parallel_loop3A_741 = arith.addf %parallel_loop3A_740, %parallel_loop3A_734 : vector<16xf32>
      %parallel_loop3A_742 = arith.mulf %parallel_loop3A_741, %parallel_loop3A_741 : vector<16xf32>
      %parallel_loop3A_743 = arith.addf %parallel_loop3A_705, %parallel_loop3A_742 : vector<16xf32>
      %parallel_loop3A_744 = arith.constant 0 : i32
      %parallel_loop3A_745 = arith.index_cast %parallel_loop3A_744 : i32 to index
      %parallel_loop3A_746 = arith.index_cast %parallel_loop3A_606 : i32 to index
      %parallel_loop3A_747 = arith.constant 112 : index
      %parallel_loop3A_748 = tpu.vector_load %arg15[%parallel_loop3A_745, %parallel_loop3A_746, %parallel_loop3A_747] {strides = array<i32>} : memref<2x128x128xf32, #tpu.memory_space<vmem>>, vector<16xf32>,
      %parallel_loop3A_749 = arith.constant 0 : i32
      %parallel_loop3A_750 = arith.index_cast %parallel_loop3A_749 : i32 to index
      %parallel_loop3A_751 = arith.index_cast %parallel_loop3A_606 : i32 to index
      %parallel_loop3A_752 = arith.constant 112 : index
      %parallel_loop3A_753 = tpu.vector_load %arg16[%parallel_loop3A_750, %parallel_loop3A_751, %parallel_loop3A_752] {strides = array<i32>} : memref<2x128x128xf32, #tpu.memory_space<vmem>>, vector<16xf32>,
      %parallel_loop3A_754 = arith.constant 0 : i32
      %parallel_loop3A_755 = arith.index_cast %parallel_loop3A_754 : i32 to index
      %parallel_loop3A_756 = arith.index_cast %parallel_loop3A_606 : i32 to index
      %parallel_loop3A_757 = arith.constant 112 : index
      %parallel_loop3A_758 = tpu.vector_load %arg17[%parallel_loop3A_755, %parallel_loop3A_756, %parallel_loop3A_757] {strides = array<i32>} : memref<2x128x128xf32, #tpu.memory_space<vmem>>, vector<16xf32>,
      %parallel_loop3A_759 = arith.subf %parallel_loop3A_748, %parallel_loop3A_758 : vector<16xf32>
      %parallel_loop3A_760 = arith.addf %parallel_loop3A_759, %parallel_loop3A_753 : vector<16xf32>
      %parallel_loop3A_761 = arith.mulf %parallel_loop3A_760, %parallel_loop3A_760 : vector<16xf32>
      %parallel_loop3A_762 = arith.addf %parallel_loop3A_724, %parallel_loop3A_761 : vector<16xf32>
      %parallel_loop3A_763 = arith.addf %parallel_loop3A_743, %parallel_loop3A_762 : vector<16xf32>
      %parallel_loop3A_764 = tpu.iota {dimensions = array<i32: 0>} : vector<16xi32>
      %parallel_loop3A_765 = arith.constant 8 : i32
      %parallel_loop3A_766 = vector.broadcast %parallel_loop3A_765 : i32 to vector<16xi32>
      %parallel_loop3A_767 = arith.xori %parallel_loop3A_764, %parallel_loop3A_766 : vector<16xi32>
      %parallel_loop3A_768 = vector.shape_cast %parallel_loop3A_767 : vector<16xi32> to vector<16x1xi32>
      %parallel_loop3A_769 = vector.shape_cast %parallel_loop3A_768 : vector<16x1xi32> to vector<16xi32>
      %parallel_loop3A_770 = tpu.dynamic_gather %parallel_loop3A_763[%parallel_loop3A_769] in [0] : vector<16xf32>, vector<16xi32> -> vector<16xf32>
      %parallel_loop3A_771 = arith.addf %parallel_loop3A_763, %parallel_loop3A_770 : vector<16xf32>
      %parallel_loop3A_772 = tpu.iota {dimensions = array<i32: 0>} : vector<16xi32>
      %parallel_loop3A_773 = arith.constant 4 : i32
      %parallel_loop3A_774 = vector.broadcast %parallel_loop3A_773 : i32 to vector<16xi32>
      %parallel_loop3A_775 = arith.xori %parallel_loop3A_772, %parallel_loop3A_774 : vector<16xi32>
      %parallel_loop3A_776 = vector.shape_cast %parallel_loop3A_775 : vector<16xi32> to vector<16x1xi32>
      %parallel_loop3A_777 = vector.shape_cast %parallel_loop3A_776 : vector<16x1xi32> to vector<16xi32>
      %parallel_loop3A_778 = tpu.dynamic_gather %parallel_loop3A_771[%parallel_loop3A_777] in [0] : vector<16xf32>, vector<16xi32> -> vector<16xf32>
      %parallel_loop3A_779 = arith.addf %parallel_loop3A_771, %parallel_loop3A_778 : vector<16xf32>
      %parallel_loop3A_780 = tpu.iota {dimensions = array<i32: 0>} : vector<16xi32>
      %parallel_loop3A_781 = arith.constant 2 : i32
      %parallel_loop3A_782 = vector.broadcast %parallel_loop3A_781 : i32 to vector<16xi32>
      %parallel_loop3A_783 = arith.xori %parallel_loop3A_780, %parallel_loop3A_782 : vector<16xi32>
      %parallel_loop3A_784 = vector.shape_cast %parallel_loop3A_783 : vector<16xi32> to vector<16x1xi32>
      %parallel_loop3A_785 = vector.shape_cast %parallel_loop3A_784 : vector<16x1xi32> to vector<16xi32>
      %parallel_loop3A_786 = tpu.dynamic_gather %parallel_loop3A_779[%parallel_loop3A_785] in [0] : vector<16xf32>, vector<16xi32> -> vector<16xf32>
      %parallel_loop3A_787 = arith.addf %parallel_loop3A_779, %parallel_loop3A_786 : vector<16xf32>
      %parallel_loop3A_788 = tpu.iota {dimensions = array<i32: 0>} : vector<16xi32>
      %parallel_loop3A_789 = arith.constant 1 : i32
      %parallel_loop3A_790 = vector.broadcast %parallel_loop3A_789 : i32 to vector<16xi32>
      %parallel_loop3A_791 = arith.xori %parallel_loop3A_788, %parallel_loop3A_790 : vector<16xi32>
      %parallel_loop3A_792 = vector.shape_cast %parallel_loop3A_791 : vector<16xi32> to vector<16x1xi32>
      %parallel_loop3A_793 = vector.shape_cast %parallel_loop3A_792 : vector<16x1xi32> to vector<16xi32>
      %parallel_loop3A_794 = tpu.dynamic_gather %parallel_loop3A_787[%parallel_loop3A_793] in [0] : vector<16xf32>, vector<16xi32> -> vector<16xf32>
      %parallel_loop3A_795 = arith.addf %parallel_loop3A_787, %parallel_loop3A_794 : vector<16xf32>
      %parallel_loop3A_796 = arith.constant 512 : i32
      %parallel_loop3A_797 = arith.addi %parallel_loop3A_796, %parallel_loop3A_606 : i32
      %parallel_loop3A_798 = vector.broadcast %parallel_loop3A_797 : i32 to vector<16xi32>
      %parallel_loop3A_799 = arith.constant 0 : i32
      %parallel_loop3A_800 = vector.broadcast %parallel_loop3A_799 : i32 to vector<16xi32>
      %parallel_loop3A_801 = arith.cmpi eq, %iota3A, %parallel_loop3A_800 : vector<16xi32>
      tpu.vector_store_idx %arg18[%parallel_loop3A_798], %parallel_loop3A_795 masked %parallel_loop3A_801 : memref<1024xf32, #tpu.memory_space<vmem>>[vector<16xi32>], vector<16xf32>, vector<16xi1>
    } {sc.loop_unroll_factor = 4 : i64, sc.parallel_access}
    %dma_start3A_426 = arith.constant 0 : i32
    %dma_start3A_427 = arith.constant 0 : i32
    %dma_start3A_428 = arith.constant 0 : i32
    %dma_start3A_429 = tpu.memref_slice %arg15[%dma_start3A_426, %dma_start3A_427, %dma_start3A_428] : memref<2x128x128xf32, #tpu.memory_space<vmem>> -> memref<1x128x128xf32, #tpu.memory_space<vmem>>
    %dma_start3A_430 = tpu.memref_squeeze %dma_start3A_429 : memref<1x128x128xf32, #tpu.memory_space<vmem>> -> memref<128x128xf32, #tpu.memory_space<vmem>>
    %dma_start3A_431 = arith.constant 768 : i32
    %dma_start3A_432 = tpu.memref_slice %arg12[%dma_start3A_431] : memref<1024xi32, #tpu.memory_space<vmem>> -> memref<128xi32, #tpu.memory_space<vmem>>
    %dma_start3A_433 = arith.constant 0 : i32
    %dma_start3A_434 = arith.constant 0 : i32
    %dma_start3A_435 = tpu.memref_slice %arg8[%dma_start3A_433, %dma_start3A_434] : memref<100000x128xf32, #tpu.memory_space<hbm>> -> memref<100000x128xf32, #tpu.memory_space<hbm>>
    tpu.enqueue_indirect_dma source(%dma_start3A_435 : memref<100000x128xf32, #tpu.memory_space<hbm>>) target(%dma_start3A_430 : memref<128x128xf32, #tpu.memory_space<vmem>>) offsets(%dma_start3A_432 : memref<128xi32, #tpu.memory_space<vmem>>) semaphore(%arg19 : memref<!tpu.dma_semaphore, #tpu.memory_space<semaphore_mem>>)
    %dma_start3A_436 = arith.constant 0 : i32
    %dma_start3A_437 = arith.constant 0 : i32
    %dma_start3A_438 = arith.constant 0 : i32
    %dma_start3A_439 = tpu.memref_slice %arg16[%dma_start3A_436, %dma_start3A_437, %dma_start3A_438] : memref<2x128x128xf32, #tpu.memory_space<vmem>> -> memref<1x128x128xf32, #tpu.memory_space<vmem>>
    %dma_start3A_440 = tpu.memref_squeeze %dma_start3A_439 : memref<1x128x128xf32, #tpu.memory_space<vmem>> -> memref<128x128xf32, #tpu.memory_space<vmem>>
    %dma_start3A_441 = arith.constant 768 : i32
    %dma_start3A_442 = tpu.memref_slice %arg13[%dma_start3A_441] : memref<1024xi32, #tpu.memory_space<vmem>> -> memref<128xi32, #tpu.memory_space<vmem>>
    %dma_start3A_443 = arith.constant 0 : i32
    %dma_start3A_444 = arith.constant 0 : i32
    %dma_start3A_445 = tpu.memref_slice %arg9[%dma_start3A_443, %dma_start3A_444] : memref<1000x128xf32, #tpu.memory_space<hbm>> -> memref<1000x128xf32, #tpu.memory_space<hbm>>
    tpu.enqueue_indirect_dma source(%dma_start3A_445 : memref<1000x128xf32, #tpu.memory_space<hbm>>) target(%dma_start3A_440 : memref<128x128xf32, #tpu.memory_space<vmem>>) offsets(%dma_start3A_442 : memref<128xi32, #tpu.memory_space<vmem>>) semaphore(%arg19 : memref<!tpu.dma_semaphore, #tpu.memory_space<semaphore_mem>>)
    %dma_start3A_446 = arith.constant 0 : i32
    %dma_start3A_447 = arith.constant 0 : i32
    %dma_start3A_448 = arith.constant 0 : i32
    %dma_start3A_449 = tpu.memref_slice %arg17[%dma_start3A_446, %dma_start3A_447, %dma_start3A_448] : memref<2x128x128xf32, #tpu.memory_space<vmem>> -> memref<1x128x128xf32, #tpu.memory_space<vmem>>
    %dma_start3A_450 = tpu.memref_squeeze %dma_start3A_449 : memref<1x128x128xf32, #tpu.memory_space<vmem>> -> memref<128x128xf32, #tpu.memory_space<vmem>>
    %dma_start3A_451 = arith.constant 768 : i32
    %dma_start3A_452 = tpu.memref_slice %arg14[%dma_start3A_451] : memref<1024xi32, #tpu.memory_space<vmem>> -> memref<128xi32, #tpu.memory_space<vmem>>
    %dma_start3A_453 = arith.constant 0 : i32
    %dma_start3A_454 = arith.constant 0 : i32
    %dma_start3A_455 = tpu.memref_slice %arg8[%dma_start3A_453, %dma_start3A_454] : memref<100000x128xf32, #tpu.memory_space<hbm>> -> memref<100000x128xf32, #tpu.memory_space<hbm>>
    tpu.enqueue_indirect_dma source(%dma_start3A_455 : memref<100000x128xf32, #tpu.memory_space<hbm>>) target(%dma_start3A_450 : memref<128x128xf32, #tpu.memory_space<vmem>>) offsets(%dma_start3A_452 : memref<128xi32, #tpu.memory_space<vmem>>) semaphore(%arg19 : memref<!tpu.dma_semaphore, #tpu.memory_space<semaphore_mem>>)
    %dma_wait3A_456 = arith.constant 1 : i32
    %dma_wait3A_457 = arith.constant 0 : i32
    %dma_wait3A_458 = arith.constant 0 : i32
    %dma_wait3A_459 = tpu.memref_slice %arg15[%dma_wait3A_456, %dma_wait3A_457, %dma_wait3A_458] : memref<2x128x128xf32, #tpu.memory_space<vmem>> -> memref<1x128x128xf32, #tpu.memory_space<vmem>>
    %dma_wait3A_460 = tpu.memref_squeeze %dma_wait3A_459 : memref<1x128x128xf32, #tpu.memory_space<vmem>> -> memref<128x128xf32, #tpu.memory_space<vmem>>
    %dma_wait3A_461 = arith.constant 640 : i32
    %dma_wait3A_462 = tpu.memref_slice %arg12[%dma_wait3A_461] : memref<1024xi32, #tpu.memory_space<vmem>> -> memref<128xi32, #tpu.memory_space<vmem>>
    %dma_wait3A_463 = arith.constant 0 : i32
    %dma_wait3A_464 = arith.constant 0 : i32
    %dma_wait3A_465 = tpu.memref_slice %arg8[%dma_wait3A_463, %dma_wait3A_464] : memref<100000x128xf32, #tpu.memory_space<hbm>> -> memref<100000x128xf32, #tpu.memory_space<hbm>>
    tpu.wait_indirect_dma semaphore(%arg20 : memref<!tpu.dma_semaphore, #tpu.memory_space<semaphore_mem>>) src(%dma_wait3A_465 : memref<100000x128xf32, #tpu.memory_space<hbm>>) dst(%dma_wait3A_460 : memref<128x128xf32, #tpu.memory_space<vmem>>)
    %dma_wait3A_466 = arith.constant 1 : i32
    %dma_wait3A_467 = arith.constant 0 : i32
    %dma_wait3A_468 = arith.constant 0 : i32
    %dma_wait3A_469 = tpu.memref_slice %arg16[%dma_wait3A_466, %dma_wait3A_467, %dma_wait3A_468] : memref<2x128x128xf32, #tpu.memory_space<vmem>> -> memref<1x128x128xf32, #tpu.memory_space<vmem>>
    %dma_wait3A_470 = tpu.memref_squeeze %dma_wait3A_469 : memref<1x128x128xf32, #tpu.memory_space<vmem>> -> memref<128x128xf32, #tpu.memory_space<vmem>>
    %dma_wait3A_471 = arith.constant 640 : i32
    %dma_wait3A_472 = tpu.memref_slice %arg13[%dma_wait3A_471] : memref<1024xi32, #tpu.memory_space<vmem>> -> memref<128xi32, #tpu.memory_space<vmem>>
    %dma_wait3A_473 = arith.constant 0 : i32
    %dma_wait3A_474 = arith.constant 0 : i32
    %dma_wait3A_475 = tpu.memref_slice %arg9[%dma_wait3A_473, %dma_wait3A_474] : memref<1000x128xf32, #tpu.memory_space<hbm>> -> memref<1000x128xf32, #tpu.memory_space<hbm>>
    tpu.wait_indirect_dma semaphore(%arg20 : memref<!tpu.dma_semaphore, #tpu.memory_space<semaphore_mem>>) src(%dma_wait3A_475 : memref<1000x128xf32, #tpu.memory_space<hbm>>) dst(%dma_wait3A_470 : memref<128x128xf32, #tpu.memory_space<vmem>>)
    %dma_wait3A_476 = arith.constant 1 : i32
    %dma_wait3A_477 = arith.constant 0 : i32
    %dma_wait3A_478 = arith.constant 0 : i32
    %dma_wait3A_479 = tpu.memref_slice %arg17[%dma_wait3A_476, %dma_wait3A_477, %dma_wait3A_478] : memref<2x128x128xf32, #tpu.memory_space<vmem>> -> memref<1x128x128xf32, #tpu.memory_space<vmem>>
    %dma_wait3A_480 = tpu.memref_squeeze %dma_wait3A_479 : memref<1x128x128xf32, #tpu.memory_space<vmem>> -> memref<128x128xf32, #tpu.memory_space<vmem>>
    %dma_wait3A_481 = arith.constant 640 : i32
    %dma_wait3A_482 = tpu.memref_slice %arg14[%dma_wait3A_481] : memref<1024xi32, #tpu.memory_space<vmem>> -> memref<128xi32, #tpu.memory_space<vmem>>
    %dma_wait3A_483 = arith.constant 0 : i32
    %dma_wait3A_484 = arith.constant 0 : i32
    %dma_wait3A_485 = tpu.memref_slice %arg8[%dma_wait3A_483, %dma_wait3A_484] : memref<100000x128xf32, #tpu.memory_space<hbm>> -> memref<100000x128xf32, #tpu.memory_space<hbm>>
    tpu.wait_indirect_dma semaphore(%arg20 : memref<!tpu.dma_semaphore, #tpu.memory_space<semaphore_mem>>) src(%dma_wait3A_485 : memref<100000x128xf32, #tpu.memory_space<hbm>>) dst(%dma_wait3A_480 : memref<128x128xf32, #tpu.memory_space<vmem>>)
    %parallel_loop3A_486 = arith.constant 0 : i32
    %parallel_loop3A_487 = arith.constant 128 : i32
    %parallel_loop3A_488 = arith.constant 1 : i32
    scf.for %parallel_loop3A_606 = %parallel_loop3A_486 to %parallel_loop3A_487 step %parallel_loop3A_488  : i32 {
      %parallel_loop3A_607 = arith.constant 0.000000e+00 : f32
      %parallel_loop3A_608 = vector.broadcast %parallel_loop3A_607 : f32 to vector<16xf32>
      %parallel_loop3A_609 = arith.constant 0.000000e+00 : f32
      %parallel_loop3A_610 = vector.broadcast %parallel_loop3A_609 : f32 to vector<16xf32>
      %parallel_loop3A_611 = arith.constant 1 : i32
      %parallel_loop3A_612 = arith.index_cast %parallel_loop3A_611 : i32 to index
      %parallel_loop3A_613 = arith.index_cast %parallel_loop3A_606 : i32 to index
      %parallel_loop3A_614 = arith.constant 0 : index
      %parallel_loop3A_615 = tpu.vector_load %arg15[%parallel_loop3A_612, %parallel_loop3A_613, %parallel_loop3A_614] {strides = array<i32>} : memref<2x128x128xf32, #tpu.memory_space<vmem>>, vector<16xf32>,
      %parallel_loop3A_616 = arith.constant 1 : i32
      %parallel_loop3A_617 = arith.index_cast %parallel_loop3A_616 : i32 to index
      %parallel_loop3A_618 = arith.index_cast %parallel_loop3A_606 : i32 to index
      %parallel_loop3A_619 = arith.constant 0 : index
      %parallel_loop3A_620 = tpu.vector_load %arg16[%parallel_loop3A_617, %parallel_loop3A_618, %parallel_loop3A_619] {strides = array<i32>} : memref<2x128x128xf32, #tpu.memory_space<vmem>>, vector<16xf32>,
      %parallel_loop3A_621 = arith.constant 1 : i32
      %parallel_loop3A_622 = arith.index_cast %parallel_loop3A_621 : i32 to index
      %parallel_loop3A_623 = arith.index_cast %parallel_loop3A_606 : i32 to index
      %parallel_loop3A_624 = arith.constant 0 : index
      %parallel_loop3A_625 = tpu.vector_load %arg17[%parallel_loop3A_622, %parallel_loop3A_623, %parallel_loop3A_624] {strides = array<i32>} : memref<2x128x128xf32, #tpu.memory_space<vmem>>, vector<16xf32>,
      %parallel_loop3A_626 = arith.subf %parallel_loop3A_615, %parallel_loop3A_625 : vector<16xf32>
      %parallel_loop3A_627 = arith.addf %parallel_loop3A_626, %parallel_loop3A_620 : vector<16xf32>
      %parallel_loop3A_628 = arith.mulf %parallel_loop3A_627, %parallel_loop3A_627 : vector<16xf32>
      %parallel_loop3A_629 = arith.addf %parallel_loop3A_608, %parallel_loop3A_628 : vector<16xf32>
      %parallel_loop3A_630 = arith.constant 1 : i32
      %parallel_loop3A_631 = arith.index_cast %parallel_loop3A_630 : i32 to index
      %parallel_loop3A_632 = arith.index_cast %parallel_loop3A_606 : i32 to index
      %parallel_loop3A_633 = arith.constant 16 : index
      %parallel_loop3A_634 = tpu.vector_load %arg15[%parallel_loop3A_631, %parallel_loop3A_632, %parallel_loop3A_633] {strides = array<i32>} : memref<2x128x128xf32, #tpu.memory_space<vmem>>, vector<16xf32>,
      %parallel_loop3A_635 = arith.constant 1 : i32
      %parallel_loop3A_636 = arith.index_cast %parallel_loop3A_635 : i32 to index
      %parallel_loop3A_637 = arith.index_cast %parallel_loop3A_606 : i32 to index
      %parallel_loop3A_638 = arith.constant 16 : index
      %parallel_loop3A_639 = tpu.vector_load %arg16[%parallel_loop3A_636, %parallel_loop3A_637, %parallel_loop3A_638] {strides = array<i32>} : memref<2x128x128xf32, #tpu.memory_space<vmem>>, vector<16xf32>,
      %parallel_loop3A_640 = arith.constant 1 : i32
      %parallel_loop3A_641 = arith.index_cast %parallel_loop3A_640 : i32 to index
      %parallel_loop3A_642 = arith.index_cast %parallel_loop3A_606 : i32 to index
      %parallel_loop3A_643 = arith.constant 16 : index
      %parallel_loop3A_644 = tpu.vector_load %arg17[%parallel_loop3A_641, %parallel_loop3A_642, %parallel_loop3A_643] {strides = array<i32>} : memref<2x128x128xf32, #tpu.memory_space<vmem>>, vector<16xf32>,
      %parallel_loop3A_645 = arith.subf %parallel_loop3A_634, %parallel_loop3A_644 : vector<16xf32>
      %parallel_loop3A_646 = arith.addf %parallel_loop3A_645, %parallel_loop3A_639 : vector<16xf32>
      %parallel_loop3A_647 = arith.mulf %parallel_loop3A_646, %parallel_loop3A_646 : vector<16xf32>
      %parallel_loop3A_648 = arith.addf %parallel_loop3A_610, %parallel_loop3A_647 : vector<16xf32>
      %parallel_loop3A_649 = arith.constant 1 : i32
      %parallel_loop3A_650 = arith.index_cast %parallel_loop3A_649 : i32 to index
      %parallel_loop3A_651 = arith.index_cast %parallel_loop3A_606 : i32 to index
      %parallel_loop3A_652 = arith.constant 32 : index
      %parallel_loop3A_653 = tpu.vector_load %arg15[%parallel_loop3A_650, %parallel_loop3A_651, %parallel_loop3A_652] {strides = array<i32>} : memref<2x128x128xf32, #tpu.memory_space<vmem>>, vector<16xf32>,
      %parallel_loop3A_654 = arith.constant 1 : i32
      %parallel_loop3A_655 = arith.index_cast %parallel_loop3A_654 : i32 to index
      %parallel_loop3A_656 = arith.index_cast %parallel_loop3A_606 : i32 to index
      %parallel_loop3A_657 = arith.constant 32 : index
      %parallel_loop3A_658 = tpu.vector_load %arg16[%parallel_loop3A_655, %parallel_loop3A_656, %parallel_loop3A_657] {strides = array<i32>} : memref<2x128x128xf32, #tpu.memory_space<vmem>>, vector<16xf32>,
      %parallel_loop3A_659 = arith.constant 1 : i32
      %parallel_loop3A_660 = arith.index_cast %parallel_loop3A_659 : i32 to index
      %parallel_loop3A_661 = arith.index_cast %parallel_loop3A_606 : i32 to index
      %parallel_loop3A_662 = arith.constant 32 : index
      %parallel_loop3A_663 = tpu.vector_load %arg17[%parallel_loop3A_660, %parallel_loop3A_661, %parallel_loop3A_662] {strides = array<i32>} : memref<2x128x128xf32, #tpu.memory_space<vmem>>, vector<16xf32>,
      %parallel_loop3A_664 = arith.subf %parallel_loop3A_653, %parallel_loop3A_663 : vector<16xf32>
      %parallel_loop3A_665 = arith.addf %parallel_loop3A_664, %parallel_loop3A_658 : vector<16xf32>
      %parallel_loop3A_666 = arith.mulf %parallel_loop3A_665, %parallel_loop3A_665 : vector<16xf32>
      %parallel_loop3A_667 = arith.addf %parallel_loop3A_629, %parallel_loop3A_666 : vector<16xf32>
      %parallel_loop3A_668 = arith.constant 1 : i32
      %parallel_loop3A_669 = arith.index_cast %parallel_loop3A_668 : i32 to index
      %parallel_loop3A_670 = arith.index_cast %parallel_loop3A_606 : i32 to index
      %parallel_loop3A_671 = arith.constant 48 : index
      %parallel_loop3A_672 = tpu.vector_load %arg15[%parallel_loop3A_669, %parallel_loop3A_670, %parallel_loop3A_671] {strides = array<i32>} : memref<2x128x128xf32, #tpu.memory_space<vmem>>, vector<16xf32>,
      %parallel_loop3A_673 = arith.constant 1 : i32
      %parallel_loop3A_674 = arith.index_cast %parallel_loop3A_673 : i32 to index
      %parallel_loop3A_675 = arith.index_cast %parallel_loop3A_606 : i32 to index
      %parallel_loop3A_676 = arith.constant 48 : index
      %parallel_loop3A_677 = tpu.vector_load %arg16[%parallel_loop3A_674, %parallel_loop3A_675, %parallel_loop3A_676] {strides = array<i32>} : memref<2x128x128xf32, #tpu.memory_space<vmem>>, vector<16xf32>,
      %parallel_loop3A_678 = arith.constant 1 : i32
      %parallel_loop3A_679 = arith.index_cast %parallel_loop3A_678 : i32 to index
      %parallel_loop3A_680 = arith.index_cast %parallel_loop3A_606 : i32 to index
      %parallel_loop3A_681 = arith.constant 48 : index
      %parallel_loop3A_682 = tpu.vector_load %arg17[%parallel_loop3A_679, %parallel_loop3A_680, %parallel_loop3A_681] {strides = array<i32>} : memref<2x128x128xf32, #tpu.memory_space<vmem>>, vector<16xf32>,
      %parallel_loop3A_683 = arith.subf %parallel_loop3A_672, %parallel_loop3A_682 : vector<16xf32>
      %parallel_loop3A_684 = arith.addf %parallel_loop3A_683, %parallel_loop3A_677 : vector<16xf32>
      %parallel_loop3A_685 = arith.mulf %parallel_loop3A_684, %parallel_loop3A_684 : vector<16xf32>
      %parallel_loop3A_686 = arith.addf %parallel_loop3A_648, %parallel_loop3A_685 : vector<16xf32>
      %parallel_loop3A_687 = arith.constant 1 : i32
      %parallel_loop3A_688 = arith.index_cast %parallel_loop3A_687 : i32 to index
      %parallel_loop3A_689 = arith.index_cast %parallel_loop3A_606 : i32 to index
      %parallel_loop3A_690 = arith.constant 64 : index
      %parallel_loop3A_691 = tpu.vector_load %arg15[%parallel_loop3A_688, %parallel_loop3A_689, %parallel_loop3A_690] {strides = array<i32>} : memref<2x128x128xf32, #tpu.memory_space<vmem>>, vector<16xf32>,
      %parallel_loop3A_692 = arith.constant 1 : i32
      %parallel_loop3A_693 = arith.index_cast %parallel_loop3A_692 : i32 to index
      %parallel_loop3A_694 = arith.index_cast %parallel_loop3A_606 : i32 to index
      %parallel_loop3A_695 = arith.constant 64 : index
      %parallel_loop3A_696 = tpu.vector_load %arg16[%parallel_loop3A_693, %parallel_loop3A_694, %parallel_loop3A_695] {strides = array<i32>} : memref<2x128x128xf32, #tpu.memory_space<vmem>>, vector<16xf32>,
      %parallel_loop3A_697 = arith.constant 1 : i32
      %parallel_loop3A_698 = arith.index_cast %parallel_loop3A_697 : i32 to index
      %parallel_loop3A_699 = arith.index_cast %parallel_loop3A_606 : i32 to index
      %parallel_loop3A_700 = arith.constant 64 : index
      %parallel_loop3A_701 = tpu.vector_load %arg17[%parallel_loop3A_698, %parallel_loop3A_699, %parallel_loop3A_700] {strides = array<i32>} : memref<2x128x128xf32, #tpu.memory_space<vmem>>, vector<16xf32>,
      %parallel_loop3A_702 = arith.subf %parallel_loop3A_691, %parallel_loop3A_701 : vector<16xf32>
      %parallel_loop3A_703 = arith.addf %parallel_loop3A_702, %parallel_loop3A_696 : vector<16xf32>
      %parallel_loop3A_704 = arith.mulf %parallel_loop3A_703, %parallel_loop3A_703 : vector<16xf32>
      %parallel_loop3A_705 = arith.addf %parallel_loop3A_667, %parallel_loop3A_704 : vector<16xf32>
      %parallel_loop3A_706 = arith.constant 1 : i32
      %parallel_loop3A_707 = arith.index_cast %parallel_loop3A_706 : i32 to index
      %parallel_loop3A_708 = arith.index_cast %parallel_loop3A_606 : i32 to index
      %parallel_loop3A_709 = arith.constant 80 : index
      %parallel_loop3A_710 = tpu.vector_load %arg15[%parallel_loop3A_707, %parallel_loop3A_708, %parallel_loop3A_709] {strides = array<i32>} : memref<2x128x128xf32, #tpu.memory_space<vmem>>, vector<16xf32>,
      %parallel_loop3A_711 = arith.constant 1 : i32
      %parallel_loop3A_712 = arith.index_cast %parallel_loop3A_711 : i32 to index
      %parallel_loop3A_713 = arith.index_cast %parallel_loop3A_606 : i32 to index
      %parallel_loop3A_714 = arith.constant 80 : index
      %parallel_loop3A_715 = tpu.vector_load %arg16[%parallel_loop3A_712, %parallel_loop3A_713, %parallel_loop3A_714] {strides = array<i32>} : memref<2x128x128xf32, #tpu.memory_space<vmem>>, vector<16xf32>,
      %parallel_loop3A_716 = arith.constant 1 : i32
      %parallel_loop3A_717 = arith.index_cast %parallel_loop3A_716 : i32 to index
      %parallel_loop3A_718 = arith.index_cast %parallel_loop3A_606 : i32 to index
      %parallel_loop3A_719 = arith.constant 80 : index
      %parallel_loop3A_720 = tpu.vector_load %arg17[%parallel_loop3A_717, %parallel_loop3A_718, %parallel_loop3A_719] {strides = array<i32>} : memref<2x128x128xf32, #tpu.memory_space<vmem>>, vector<16xf32>,
      %parallel_loop3A_721 = arith.subf %parallel_loop3A_710, %parallel_loop3A_720 : vector<16xf32>
      %parallel_loop3A_722 = arith.addf %parallel_loop3A_721, %parallel_loop3A_715 : vector<16xf32>
      %parallel_loop3A_723 = arith.mulf %parallel_loop3A_722, %parallel_loop3A_722 : vector<16xf32>
      %parallel_loop3A_724 = arith.addf %parallel_loop3A_686, %parallel_loop3A_723 : vector<16xf32>
      %parallel_loop3A_725 = arith.constant 1 : i32
      %parallel_loop3A_726 = arith.index_cast %parallel_loop3A_725 : i32 to index
      %parallel_loop3A_727 = arith.index_cast %parallel_loop3A_606 : i32 to index
      %parallel_loop3A_728 = arith.constant 96 : index
      %parallel_loop3A_729 = tpu.vector_load %arg15[%parallel_loop3A_726, %parallel_loop3A_727, %parallel_loop3A_728] {strides = array<i32>} : memref<2x128x128xf32, #tpu.memory_space<vmem>>, vector<16xf32>,
      %parallel_loop3A_730 = arith.constant 1 : i32
      %parallel_loop3A_731 = arith.index_cast %parallel_loop3A_730 : i32 to index
      %parallel_loop3A_732 = arith.index_cast %parallel_loop3A_606 : i32 to index
      %parallel_loop3A_733 = arith.constant 96 : index
      %parallel_loop3A_734 = tpu.vector_load %arg16[%parallel_loop3A_731, %parallel_loop3A_732, %parallel_loop3A_733] {strides = array<i32>} : memref<2x128x128xf32, #tpu.memory_space<vmem>>, vector<16xf32>,
      %parallel_loop3A_735 = arith.constant 1 : i32
      %parallel_loop3A_736 = arith.index_cast %parallel_loop3A_735 : i32 to index
      %parallel_loop3A_737 = arith.index_cast %parallel_loop3A_606 : i32 to index
      %parallel_loop3A_738 = arith.constant 96 : index
      %parallel_loop3A_739 = tpu.vector_load %arg17[%parallel_loop3A_736, %parallel_loop3A_737, %parallel_loop3A_738] {strides = array<i32>} : memref<2x128x128xf32, #tpu.memory_space<vmem>>, vector<16xf32>,
      %parallel_loop3A_740 = arith.subf %parallel_loop3A_729, %parallel_loop3A_739 : vector<16xf32>
      %parallel_loop3A_741 = arith.addf %parallel_loop3A_740, %parallel_loop3A_734 : vector<16xf32>
      %parallel_loop3A_742 = arith.mulf %parallel_loop3A_741, %parallel_loop3A_741 : vector<16xf32>
      %parallel_loop3A_743 = arith.addf %parallel_loop3A_705, %parallel_loop3A_742 : vector<16xf32>
      %parallel_loop3A_744 = arith.constant 1 : i32
      %parallel_loop3A_745 = arith.index_cast %parallel_loop3A_744 : i32 to index
      %parallel_loop3A_746 = arith.index_cast %parallel_loop3A_606 : i32 to index
      %parallel_loop3A_747 = arith.constant 112 : index
      %parallel_loop3A_748 = tpu.vector_load %arg15[%parallel_loop3A_745, %parallel_loop3A_746, %parallel_loop3A_747] {strides = array<i32>} : memref<2x128x128xf32, #tpu.memory_space<vmem>>, vector<16xf32>,
      %parallel_loop3A_749 = arith.constant 1 : i32
      %parallel_loop3A_750 = arith.index_cast %parallel_loop3A_749 : i32 to index
      %parallel_loop3A_751 = arith.index_cast %parallel_loop3A_606 : i32 to index
      %parallel_loop3A_752 = arith.constant 112 : index
      %parallel_loop3A_753 = tpu.vector_load %arg16[%parallel_loop3A_750, %parallel_loop3A_751, %parallel_loop3A_752] {strides = array<i32>} : memref<2x128x128xf32, #tpu.memory_space<vmem>>, vector<16xf32>,
      %parallel_loop3A_754 = arith.constant 1 : i32
      %parallel_loop3A_755 = arith.index_cast %parallel_loop3A_754 : i32 to index
      %parallel_loop3A_756 = arith.index_cast %parallel_loop3A_606 : i32 to index
      %parallel_loop3A_757 = arith.constant 112 : index
      %parallel_loop3A_758 = tpu.vector_load %arg17[%parallel_loop3A_755, %parallel_loop3A_756, %parallel_loop3A_757] {strides = array<i32>} : memref<2x128x128xf32, #tpu.memory_space<vmem>>, vector<16xf32>,
      %parallel_loop3A_759 = arith.subf %parallel_loop3A_748, %parallel_loop3A_758 : vector<16xf32>
      %parallel_loop3A_760 = arith.addf %parallel_loop3A_759, %parallel_loop3A_753 : vector<16xf32>
      %parallel_loop3A_761 = arith.mulf %parallel_loop3A_760, %parallel_loop3A_760 : vector<16xf32>
      %parallel_loop3A_762 = arith.addf %parallel_loop3A_724, %parallel_loop3A_761 : vector<16xf32>
      %parallel_loop3A_763 = arith.addf %parallel_loop3A_743, %parallel_loop3A_762 : vector<16xf32>
      %parallel_loop3A_764 = tpu.iota {dimensions = array<i32: 0>} : vector<16xi32>
      %parallel_loop3A_765 = arith.constant 8 : i32
      %parallel_loop3A_766 = vector.broadcast %parallel_loop3A_765 : i32 to vector<16xi32>
      %parallel_loop3A_767 = arith.xori %parallel_loop3A_764, %parallel_loop3A_766 : vector<16xi32>
      %parallel_loop3A_768 = vector.shape_cast %parallel_loop3A_767 : vector<16xi32> to vector<16x1xi32>
      %parallel_loop3A_769 = vector.shape_cast %parallel_loop3A_768 : vector<16x1xi32> to vector<16xi32>
      %parallel_loop3A_770 = tpu.dynamic_gather %parallel_loop3A_763[%parallel_loop3A_769] in [0] : vector<16xf32>, vector<16xi32> -> vector<16xf32>
      %parallel_loop3A_771 = arith.addf %parallel_loop3A_763, %parallel_loop3A_770 : vector<16xf32>
      %parallel_loop3A_772 = tpu.iota {dimensions = array<i32: 0>} : vector<16xi32>
      %parallel_loop3A_773 = arith.constant 4 : i32
      %parallel_loop3A_774 = vector.broadcast %parallel_loop3A_773 : i32 to vector<16xi32>
      %parallel_loop3A_775 = arith.xori %parallel_loop3A_772, %parallel_loop3A_774 : vector<16xi32>
      %parallel_loop3A_776 = vector.shape_cast %parallel_loop3A_775 : vector<16xi32> to vector<16x1xi32>
      %parallel_loop3A_777 = vector.shape_cast %parallel_loop3A_776 : vector<16x1xi32> to vector<16xi32>
      %parallel_loop3A_778 = tpu.dynamic_gather %parallel_loop3A_771[%parallel_loop3A_777] in [0] : vector<16xf32>, vector<16xi32> -> vector<16xf32>
      %parallel_loop3A_779 = arith.addf %parallel_loop3A_771, %parallel_loop3A_778 : vector<16xf32>
      %parallel_loop3A_780 = tpu.iota {dimensions = array<i32: 0>} : vector<16xi32>
      %parallel_loop3A_781 = arith.constant 2 : i32
      %parallel_loop3A_782 = vector.broadcast %parallel_loop3A_781 : i32 to vector<16xi32>
      %parallel_loop3A_783 = arith.xori %parallel_loop3A_780, %parallel_loop3A_782 : vector<16xi32>
      %parallel_loop3A_784 = vector.shape_cast %parallel_loop3A_783 : vector<16xi32> to vector<16x1xi32>
      %parallel_loop3A_785 = vector.shape_cast %parallel_loop3A_784 : vector<16x1xi32> to vector<16xi32>
      %parallel_loop3A_786 = tpu.dynamic_gather %parallel_loop3A_779[%parallel_loop3A_785] in [0] : vector<16xf32>, vector<16xi32> -> vector<16xf32>
      %parallel_loop3A_787 = arith.addf %parallel_loop3A_779, %parallel_loop3A_786 : vector<16xf32>
      %parallel_loop3A_788 = tpu.iota {dimensions = array<i32: 0>} : vector<16xi32>
      %parallel_loop3A_789 = arith.constant 1 : i32
      %parallel_loop3A_790 = vector.broadcast %parallel_loop3A_789 : i32 to vector<16xi32>
      %parallel_loop3A_791 = arith.xori %parallel_loop3A_788, %parallel_loop3A_790 : vector<16xi32>
      %parallel_loop3A_792 = vector.shape_cast %parallel_loop3A_791 : vector<16xi32> to vector<16x1xi32>
      %parallel_loop3A_793 = vector.shape_cast %parallel_loop3A_792 : vector<16x1xi32> to vector<16xi32>
      %parallel_loop3A_794 = tpu.dynamic_gather %parallel_loop3A_787[%parallel_loop3A_793] in [0] : vector<16xf32>, vector<16xi32> -> vector<16xf32>
      %parallel_loop3A_795 = arith.addf %parallel_loop3A_787, %parallel_loop3A_794 : vector<16xf32>
      %parallel_loop3A_796 = arith.constant 640 : i32
      %parallel_loop3A_797 = arith.addi %parallel_loop3A_796, %parallel_loop3A_606 : i32
      %parallel_loop3A_798 = vector.broadcast %parallel_loop3A_797 : i32 to vector<16xi32>
      %parallel_loop3A_799 = arith.constant 0 : i32
      %parallel_loop3A_800 = vector.broadcast %parallel_loop3A_799 : i32 to vector<16xi32>
      %parallel_loop3A_801 = arith.cmpi eq, %iota3A, %parallel_loop3A_800 : vector<16xi32>
      tpu.vector_store_idx %arg18[%parallel_loop3A_798], %parallel_loop3A_795 masked %parallel_loop3A_801 : memref<1024xf32, #tpu.memory_space<vmem>>[vector<16xi32>], vector<16xf32>, vector<16xi1>
    } {sc.loop_unroll_factor = 4 : i64, sc.parallel_access}
    %dma_start3A_489 = arith.constant 1 : i32
    %dma_start3A_490 = arith.constant 0 : i32
    %dma_start3A_491 = arith.constant 0 : i32
    %dma_start3A_492 = tpu.memref_slice %arg15[%dma_start3A_489, %dma_start3A_490, %dma_start3A_491] : memref<2x128x128xf32, #tpu.memory_space<vmem>> -> memref<1x128x128xf32, #tpu.memory_space<vmem>>
    %dma_start3A_493 = tpu.memref_squeeze %dma_start3A_492 : memref<1x128x128xf32, #tpu.memory_space<vmem>> -> memref<128x128xf32, #tpu.memory_space<vmem>>
    %dma_start3A_494 = arith.constant 896 : i32
    %dma_start3A_495 = tpu.memref_slice %arg12[%dma_start3A_494] : memref<1024xi32, #tpu.memory_space<vmem>> -> memref<128xi32, #tpu.memory_space<vmem>>
    %dma_start3A_496 = arith.constant 0 : i32
    %dma_start3A_497 = arith.constant 0 : i32
    %dma_start3A_498 = tpu.memref_slice %arg8[%dma_start3A_496, %dma_start3A_497] : memref<100000x128xf32, #tpu.memory_space<hbm>> -> memref<100000x128xf32, #tpu.memory_space<hbm>>
    tpu.enqueue_indirect_dma source(%dma_start3A_498 : memref<100000x128xf32, #tpu.memory_space<hbm>>) target(%dma_start3A_493 : memref<128x128xf32, #tpu.memory_space<vmem>>) offsets(%dma_start3A_495 : memref<128xi32, #tpu.memory_space<vmem>>) semaphore(%arg20 : memref<!tpu.dma_semaphore, #tpu.memory_space<semaphore_mem>>)
    %dma_start3A_499 = arith.constant 1 : i32
    %dma_start3A_500 = arith.constant 0 : i32
    %dma_start3A_501 = arith.constant 0 : i32
    %dma_start3A_502 = tpu.memref_slice %arg16[%dma_start3A_499, %dma_start3A_500, %dma_start3A_501] : memref<2x128x128xf32, #tpu.memory_space<vmem>> -> memref<1x128x128xf32, #tpu.memory_space<vmem>>
    %dma_start3A_503 = tpu.memref_squeeze %dma_start3A_502 : memref<1x128x128xf32, #tpu.memory_space<vmem>> -> memref<128x128xf32, #tpu.memory_space<vmem>>
    %dma_start3A_504 = arith.constant 896 : i32
    %dma_start3A_505 = tpu.memref_slice %arg13[%dma_start3A_504] : memref<1024xi32, #tpu.memory_space<vmem>> -> memref<128xi32, #tpu.memory_space<vmem>>
    %dma_start3A_506 = arith.constant 0 : i32
    %dma_start3A_507 = arith.constant 0 : i32
    %dma_start3A_508 = tpu.memref_slice %arg9[%dma_start3A_506, %dma_start3A_507] : memref<1000x128xf32, #tpu.memory_space<hbm>> -> memref<1000x128xf32, #tpu.memory_space<hbm>>
    tpu.enqueue_indirect_dma source(%dma_start3A_508 : memref<1000x128xf32, #tpu.memory_space<hbm>>) target(%dma_start3A_503 : memref<128x128xf32, #tpu.memory_space<vmem>>) offsets(%dma_start3A_505 : memref<128xi32, #tpu.memory_space<vmem>>) semaphore(%arg20 : memref<!tpu.dma_semaphore, #tpu.memory_space<semaphore_mem>>)
    %dma_start3A_509 = arith.constant 1 : i32
    %dma_start3A_510 = arith.constant 0 : i32
    %dma_start3A_511 = arith.constant 0 : i32
    %dma_start3A_512 = tpu.memref_slice %arg17[%dma_start3A_509, %dma_start3A_510, %dma_start3A_511] : memref<2x128x128xf32, #tpu.memory_space<vmem>> -> memref<1x128x128xf32, #tpu.memory_space<vmem>>
    %dma_start3A_513 = tpu.memref_squeeze %dma_start3A_512 : memref<1x128x128xf32, #tpu.memory_space<vmem>> -> memref<128x128xf32, #tpu.memory_space<vmem>>
    %dma_start3A_514 = arith.constant 896 : i32
    %dma_start3A_515 = tpu.memref_slice %arg14[%dma_start3A_514] : memref<1024xi32, #tpu.memory_space<vmem>> -> memref<128xi32, #tpu.memory_space<vmem>>
    %dma_start3A_516 = arith.constant 0 : i32
    %dma_start3A_517 = arith.constant 0 : i32
    %dma_start3A_518 = tpu.memref_slice %arg8[%dma_start3A_516, %dma_start3A_517] : memref<100000x128xf32, #tpu.memory_space<hbm>> -> memref<100000x128xf32, #tpu.memory_space<hbm>>
    tpu.enqueue_indirect_dma source(%dma_start3A_518 : memref<100000x128xf32, #tpu.memory_space<hbm>>) target(%dma_start3A_513 : memref<128x128xf32, #tpu.memory_space<vmem>>) offsets(%dma_start3A_515 : memref<128xi32, #tpu.memory_space<vmem>>) semaphore(%arg20 : memref<!tpu.dma_semaphore, #tpu.memory_space<semaphore_mem>>)
    %dma_wait3A_519 = arith.constant 0 : i32
    %dma_wait3A_520 = arith.constant 0 : i32
    %dma_wait3A_521 = arith.constant 0 : i32
    %dma_wait3A_522 = tpu.memref_slice %arg15[%dma_wait3A_519, %dma_wait3A_520, %dma_wait3A_521] : memref<2x128x128xf32, #tpu.memory_space<vmem>> -> memref<1x128x128xf32, #tpu.memory_space<vmem>>
    %dma_wait3A_523 = tpu.memref_squeeze %dma_wait3A_522 : memref<1x128x128xf32, #tpu.memory_space<vmem>> -> memref<128x128xf32, #tpu.memory_space<vmem>>
    %dma_wait3A_524 = arith.constant 768 : i32
    %dma_wait3A_525 = tpu.memref_slice %arg12[%dma_wait3A_524] : memref<1024xi32, #tpu.memory_space<vmem>> -> memref<128xi32, #tpu.memory_space<vmem>>
    %dma_wait3A_526 = arith.constant 0 : i32
    %dma_wait3A_527 = arith.constant 0 : i32
    %dma_wait3A_528 = tpu.memref_slice %arg8[%dma_wait3A_526, %dma_wait3A_527] : memref<100000x128xf32, #tpu.memory_space<hbm>> -> memref<100000x128xf32, #tpu.memory_space<hbm>>
    tpu.wait_indirect_dma semaphore(%arg19 : memref<!tpu.dma_semaphore, #tpu.memory_space<semaphore_mem>>) src(%dma_wait3A_528 : memref<100000x128xf32, #tpu.memory_space<hbm>>) dst(%dma_wait3A_523 : memref<128x128xf32, #tpu.memory_space<vmem>>)
    %dma_wait3A_529 = arith.constant 0 : i32
    %dma_wait3A_530 = arith.constant 0 : i32
    %dma_wait3A_531 = arith.constant 0 : i32
    %dma_wait3A_532 = tpu.memref_slice %arg16[%dma_wait3A_529, %dma_wait3A_530, %dma_wait3A_531] : memref<2x128x128xf32, #tpu.memory_space<vmem>> -> memref<1x128x128xf32, #tpu.memory_space<vmem>>
    %dma_wait3A_533 = tpu.memref_squeeze %dma_wait3A_532 : memref<1x128x128xf32, #tpu.memory_space<vmem>> -> memref<128x128xf32, #tpu.memory_space<vmem>>
    %dma_wait3A_534 = arith.constant 768 : i32
    %dma_wait3A_535 = tpu.memref_slice %arg13[%dma_wait3A_534] : memref<1024xi32, #tpu.memory_space<vmem>> -> memref<128xi32, #tpu.memory_space<vmem>>
    %dma_wait3A_536 = arith.constant 0 : i32
    %dma_wait3A_537 = arith.constant 0 : i32
    %dma_wait3A_538 = tpu.memref_slice %arg9[%dma_wait3A_536, %dma_wait3A_537] : memref<1000x128xf32, #tpu.memory_space<hbm>> -> memref<1000x128xf32, #tpu.memory_space<hbm>>
    tpu.wait_indirect_dma semaphore(%arg19 : memref<!tpu.dma_semaphore, #tpu.memory_space<semaphore_mem>>) src(%dma_wait3A_538 : memref<1000x128xf32, #tpu.memory_space<hbm>>) dst(%dma_wait3A_533 : memref<128x128xf32, #tpu.memory_space<vmem>>)
    %dma_wait3A_539 = arith.constant 0 : i32
    %dma_wait3A_540 = arith.constant 0 : i32
    %dma_wait3A_541 = arith.constant 0 : i32
    %dma_wait3A_542 = tpu.memref_slice %arg17[%dma_wait3A_539, %dma_wait3A_540, %dma_wait3A_541] : memref<2x128x128xf32, #tpu.memory_space<vmem>> -> memref<1x128x128xf32, #tpu.memory_space<vmem>>
    %dma_wait3A_543 = tpu.memref_squeeze %dma_wait3A_542 : memref<1x128x128xf32, #tpu.memory_space<vmem>> -> memref<128x128xf32, #tpu.memory_space<vmem>>
    %dma_wait3A_544 = arith.constant 768 : i32
    %dma_wait3A_545 = tpu.memref_slice %arg14[%dma_wait3A_544] : memref<1024xi32, #tpu.memory_space<vmem>> -> memref<128xi32, #tpu.memory_space<vmem>>
    %dma_wait3A_546 = arith.constant 0 : i32
    %dma_wait3A_547 = arith.constant 0 : i32
    %dma_wait3A_548 = tpu.memref_slice %arg8[%dma_wait3A_546, %dma_wait3A_547] : memref<100000x128xf32, #tpu.memory_space<hbm>> -> memref<100000x128xf32, #tpu.memory_space<hbm>>
    tpu.wait_indirect_dma semaphore(%arg19 : memref<!tpu.dma_semaphore, #tpu.memory_space<semaphore_mem>>) src(%dma_wait3A_548 : memref<100000x128xf32, #tpu.memory_space<hbm>>) dst(%dma_wait3A_543 : memref<128x128xf32, #tpu.memory_space<vmem>>)
    %parallel_loop3A_549 = arith.constant 0 : i32
    %parallel_loop3A_550 = arith.constant 128 : i32
    %parallel_loop3A_551 = arith.constant 1 : i32
    scf.for %parallel_loop3A_606 = %parallel_loop3A_549 to %parallel_loop3A_550 step %parallel_loop3A_551  : i32 {
      %parallel_loop3A_607 = arith.constant 0.000000e+00 : f32
      %parallel_loop3A_608 = vector.broadcast %parallel_loop3A_607 : f32 to vector<16xf32>
      %parallel_loop3A_609 = arith.constant 0.000000e+00 : f32
      %parallel_loop3A_610 = vector.broadcast %parallel_loop3A_609 : f32 to vector<16xf32>
      %parallel_loop3A_611 = arith.constant 0 : i32
      %parallel_loop3A_612 = arith.index_cast %parallel_loop3A_611 : i32 to index
      %parallel_loop3A_613 = arith.index_cast %parallel_loop3A_606 : i32 to index
      %parallel_loop3A_614 = arith.constant 0 : index
      %parallel_loop3A_615 = tpu.vector_load %arg15[%parallel_loop3A_612, %parallel_loop3A_613, %parallel_loop3A_614] {strides = array<i32>} : memref<2x128x128xf32, #tpu.memory_space<vmem>>, vector<16xf32>,
      %parallel_loop3A_616 = arith.constant 0 : i32
      %parallel_loop3A_617 = arith.index_cast %parallel_loop3A_616 : i32 to index
      %parallel_loop3A_618 = arith.index_cast %parallel_loop3A_606 : i32 to index
      %parallel_loop3A_619 = arith.constant 0 : index
      %parallel_loop3A_620 = tpu.vector_load %arg16[%parallel_loop3A_617, %parallel_loop3A_618, %parallel_loop3A_619] {strides = array<i32>} : memref<2x128x128xf32, #tpu.memory_space<vmem>>, vector<16xf32>,
      %parallel_loop3A_621 = arith.constant 0 : i32
      %parallel_loop3A_622 = arith.index_cast %parallel_loop3A_621 : i32 to index
      %parallel_loop3A_623 = arith.index_cast %parallel_loop3A_606 : i32 to index
      %parallel_loop3A_624 = arith.constant 0 : index
      %parallel_loop3A_625 = tpu.vector_load %arg17[%parallel_loop3A_622, %parallel_loop3A_623, %parallel_loop3A_624] {strides = array<i32>} : memref<2x128x128xf32, #tpu.memory_space<vmem>>, vector<16xf32>,
      %parallel_loop3A_626 = arith.subf %parallel_loop3A_615, %parallel_loop3A_625 : vector<16xf32>
      %parallel_loop3A_627 = arith.addf %parallel_loop3A_626, %parallel_loop3A_620 : vector<16xf32>
      %parallel_loop3A_628 = arith.mulf %parallel_loop3A_627, %parallel_loop3A_627 : vector<16xf32>
      %parallel_loop3A_629 = arith.addf %parallel_loop3A_608, %parallel_loop3A_628 : vector<16xf32>
      %parallel_loop3A_630 = arith.constant 0 : i32
      %parallel_loop3A_631 = arith.index_cast %parallel_loop3A_630 : i32 to index
      %parallel_loop3A_632 = arith.index_cast %parallel_loop3A_606 : i32 to index
      %parallel_loop3A_633 = arith.constant 16 : index
      %parallel_loop3A_634 = tpu.vector_load %arg15[%parallel_loop3A_631, %parallel_loop3A_632, %parallel_loop3A_633] {strides = array<i32>} : memref<2x128x128xf32, #tpu.memory_space<vmem>>, vector<16xf32>,
      %parallel_loop3A_635 = arith.constant 0 : i32
      %parallel_loop3A_636 = arith.index_cast %parallel_loop3A_635 : i32 to index
      %parallel_loop3A_637 = arith.index_cast %parallel_loop3A_606 : i32 to index
      %parallel_loop3A_638 = arith.constant 16 : index
      %parallel_loop3A_639 = tpu.vector_load %arg16[%parallel_loop3A_636, %parallel_loop3A_637, %parallel_loop3A_638] {strides = array<i32>} : memref<2x128x128xf32, #tpu.memory_space<vmem>>, vector<16xf32>,
      %parallel_loop3A_640 = arith.constant 0 : i32
      %parallel_loop3A_641 = arith.index_cast %parallel_loop3A_640 : i32 to index
      %parallel_loop3A_642 = arith.index_cast %parallel_loop3A_606 : i32 to index
      %parallel_loop3A_643 = arith.constant 16 : index
      %parallel_loop3A_644 = tpu.vector_load %arg17[%parallel_loop3A_641, %parallel_loop3A_642, %parallel_loop3A_643] {strides = array<i32>} : memref<2x128x128xf32, #tpu.memory_space<vmem>>, vector<16xf32>,
      %parallel_loop3A_645 = arith.subf %parallel_loop3A_634, %parallel_loop3A_644 : vector<16xf32>
      %parallel_loop3A_646 = arith.addf %parallel_loop3A_645, %parallel_loop3A_639 : vector<16xf32>
      %parallel_loop3A_647 = arith.mulf %parallel_loop3A_646, %parallel_loop3A_646 : vector<16xf32>
      %parallel_loop3A_648 = arith.addf %parallel_loop3A_610, %parallel_loop3A_647 : vector<16xf32>
      %parallel_loop3A_649 = arith.constant 0 : i32
      %parallel_loop3A_650 = arith.index_cast %parallel_loop3A_649 : i32 to index
      %parallel_loop3A_651 = arith.index_cast %parallel_loop3A_606 : i32 to index
      %parallel_loop3A_652 = arith.constant 32 : index
      %parallel_loop3A_653 = tpu.vector_load %arg15[%parallel_loop3A_650, %parallel_loop3A_651, %parallel_loop3A_652] {strides = array<i32>} : memref<2x128x128xf32, #tpu.memory_space<vmem>>, vector<16xf32>,
      %parallel_loop3A_654 = arith.constant 0 : i32
      %parallel_loop3A_655 = arith.index_cast %parallel_loop3A_654 : i32 to index
      %parallel_loop3A_656 = arith.index_cast %parallel_loop3A_606 : i32 to index
      %parallel_loop3A_657 = arith.constant 32 : index
      %parallel_loop3A_658 = tpu.vector_load %arg16[%parallel_loop3A_655, %parallel_loop3A_656, %parallel_loop3A_657] {strides = array<i32>} : memref<2x128x128xf32, #tpu.memory_space<vmem>>, vector<16xf32>,
      %parallel_loop3A_659 = arith.constant 0 : i32
      %parallel_loop3A_660 = arith.index_cast %parallel_loop3A_659 : i32 to index
      %parallel_loop3A_661 = arith.index_cast %parallel_loop3A_606 : i32 to index
      %parallel_loop3A_662 = arith.constant 32 : index
      %parallel_loop3A_663 = tpu.vector_load %arg17[%parallel_loop3A_660, %parallel_loop3A_661, %parallel_loop3A_662] {strides = array<i32>} : memref<2x128x128xf32, #tpu.memory_space<vmem>>, vector<16xf32>,
      %parallel_loop3A_664 = arith.subf %parallel_loop3A_653, %parallel_loop3A_663 : vector<16xf32>
      %parallel_loop3A_665 = arith.addf %parallel_loop3A_664, %parallel_loop3A_658 : vector<16xf32>
      %parallel_loop3A_666 = arith.mulf %parallel_loop3A_665, %parallel_loop3A_665 : vector<16xf32>
      %parallel_loop3A_667 = arith.addf %parallel_loop3A_629, %parallel_loop3A_666 : vector<16xf32>
      %parallel_loop3A_668 = arith.constant 0 : i32
      %parallel_loop3A_669 = arith.index_cast %parallel_loop3A_668 : i32 to index
      %parallel_loop3A_670 = arith.index_cast %parallel_loop3A_606 : i32 to index
      %parallel_loop3A_671 = arith.constant 48 : index
      %parallel_loop3A_672 = tpu.vector_load %arg15[%parallel_loop3A_669, %parallel_loop3A_670, %parallel_loop3A_671] {strides = array<i32>} : memref<2x128x128xf32, #tpu.memory_space<vmem>>, vector<16xf32>,
      %parallel_loop3A_673 = arith.constant 0 : i32
      %parallel_loop3A_674 = arith.index_cast %parallel_loop3A_673 : i32 to index
      %parallel_loop3A_675 = arith.index_cast %parallel_loop3A_606 : i32 to index
      %parallel_loop3A_676 = arith.constant 48 : index
      %parallel_loop3A_677 = tpu.vector_load %arg16[%parallel_loop3A_674, %parallel_loop3A_675, %parallel_loop3A_676] {strides = array<i32>} : memref<2x128x128xf32, #tpu.memory_space<vmem>>, vector<16xf32>,
      %parallel_loop3A_678 = arith.constant 0 : i32
      %parallel_loop3A_679 = arith.index_cast %parallel_loop3A_678 : i32 to index
      %parallel_loop3A_680 = arith.index_cast %parallel_loop3A_606 : i32 to index
      %parallel_loop3A_681 = arith.constant 48 : index
      %parallel_loop3A_682 = tpu.vector_load %arg17[%parallel_loop3A_679, %parallel_loop3A_680, %parallel_loop3A_681] {strides = array<i32>} : memref<2x128x128xf32, #tpu.memory_space<vmem>>, vector<16xf32>,
      %parallel_loop3A_683 = arith.subf %parallel_loop3A_672, %parallel_loop3A_682 : vector<16xf32>
      %parallel_loop3A_684 = arith.addf %parallel_loop3A_683, %parallel_loop3A_677 : vector<16xf32>
      %parallel_loop3A_685 = arith.mulf %parallel_loop3A_684, %parallel_loop3A_684 : vector<16xf32>
      %parallel_loop3A_686 = arith.addf %parallel_loop3A_648, %parallel_loop3A_685 : vector<16xf32>
      %parallel_loop3A_687 = arith.constant 0 : i32
      %parallel_loop3A_688 = arith.index_cast %parallel_loop3A_687 : i32 to index
      %parallel_loop3A_689 = arith.index_cast %parallel_loop3A_606 : i32 to index
      %parallel_loop3A_690 = arith.constant 64 : index
      %parallel_loop3A_691 = tpu.vector_load %arg15[%parallel_loop3A_688, %parallel_loop3A_689, %parallel_loop3A_690] {strides = array<i32>} : memref<2x128x128xf32, #tpu.memory_space<vmem>>, vector<16xf32>,
      %parallel_loop3A_692 = arith.constant 0 : i32
      %parallel_loop3A_693 = arith.index_cast %parallel_loop3A_692 : i32 to index
      %parallel_loop3A_694 = arith.index_cast %parallel_loop3A_606 : i32 to index
      %parallel_loop3A_695 = arith.constant 64 : index
      %parallel_loop3A_696 = tpu.vector_load %arg16[%parallel_loop3A_693, %parallel_loop3A_694, %parallel_loop3A_695] {strides = array<i32>} : memref<2x128x128xf32, #tpu.memory_space<vmem>>, vector<16xf32>,
      %parallel_loop3A_697 = arith.constant 0 : i32
      %parallel_loop3A_698 = arith.index_cast %parallel_loop3A_697 : i32 to index
      %parallel_loop3A_699 = arith.index_cast %parallel_loop3A_606 : i32 to index
      %parallel_loop3A_700 = arith.constant 64 : index
      %parallel_loop3A_701 = tpu.vector_load %arg17[%parallel_loop3A_698, %parallel_loop3A_699, %parallel_loop3A_700] {strides = array<i32>} : memref<2x128x128xf32, #tpu.memory_space<vmem>>, vector<16xf32>,
      %parallel_loop3A_702 = arith.subf %parallel_loop3A_691, %parallel_loop3A_701 : vector<16xf32>
      %parallel_loop3A_703 = arith.addf %parallel_loop3A_702, %parallel_loop3A_696 : vector<16xf32>
      %parallel_loop3A_704 = arith.mulf %parallel_loop3A_703, %parallel_loop3A_703 : vector<16xf32>
      %parallel_loop3A_705 = arith.addf %parallel_loop3A_667, %parallel_loop3A_704 : vector<16xf32>
      %parallel_loop3A_706 = arith.constant 0 : i32
      %parallel_loop3A_707 = arith.index_cast %parallel_loop3A_706 : i32 to index
      %parallel_loop3A_708 = arith.index_cast %parallel_loop3A_606 : i32 to index
      %parallel_loop3A_709 = arith.constant 80 : index
      %parallel_loop3A_710 = tpu.vector_load %arg15[%parallel_loop3A_707, %parallel_loop3A_708, %parallel_loop3A_709] {strides = array<i32>} : memref<2x128x128xf32, #tpu.memory_space<vmem>>, vector<16xf32>,
      %parallel_loop3A_711 = arith.constant 0 : i32
      %parallel_loop3A_712 = arith.index_cast %parallel_loop3A_711 : i32 to index
      %parallel_loop3A_713 = arith.index_cast %parallel_loop3A_606 : i32 to index
      %parallel_loop3A_714 = arith.constant 80 : index
      %parallel_loop3A_715 = tpu.vector_load %arg16[%parallel_loop3A_712, %parallel_loop3A_713, %parallel_loop3A_714] {strides = array<i32>} : memref<2x128x128xf32, #tpu.memory_space<vmem>>, vector<16xf32>,
      %parallel_loop3A_716 = arith.constant 0 : i32
      %parallel_loop3A_717 = arith.index_cast %parallel_loop3A_716 : i32 to index
      %parallel_loop3A_718 = arith.index_cast %parallel_loop3A_606 : i32 to index
      %parallel_loop3A_719 = arith.constant 80 : index
      %parallel_loop3A_720 = tpu.vector_load %arg17[%parallel_loop3A_717, %parallel_loop3A_718, %parallel_loop3A_719] {strides = array<i32>} : memref<2x128x128xf32, #tpu.memory_space<vmem>>, vector<16xf32>,
      %parallel_loop3A_721 = arith.subf %parallel_loop3A_710, %parallel_loop3A_720 : vector<16xf32>
      %parallel_loop3A_722 = arith.addf %parallel_loop3A_721, %parallel_loop3A_715 : vector<16xf32>
      %parallel_loop3A_723 = arith.mulf %parallel_loop3A_722, %parallel_loop3A_722 : vector<16xf32>
      %parallel_loop3A_724 = arith.addf %parallel_loop3A_686, %parallel_loop3A_723 : vector<16xf32>
      %parallel_loop3A_725 = arith.constant 0 : i32
      %parallel_loop3A_726 = arith.index_cast %parallel_loop3A_725 : i32 to index
      %parallel_loop3A_727 = arith.index_cast %parallel_loop3A_606 : i32 to index
      %parallel_loop3A_728 = arith.constant 96 : index
      %parallel_loop3A_729 = tpu.vector_load %arg15[%parallel_loop3A_726, %parallel_loop3A_727, %parallel_loop3A_728] {strides = array<i32>} : memref<2x128x128xf32, #tpu.memory_space<vmem>>, vector<16xf32>,
      %parallel_loop3A_730 = arith.constant 0 : i32
      %parallel_loop3A_731 = arith.index_cast %parallel_loop3A_730 : i32 to index
      %parallel_loop3A_732 = arith.index_cast %parallel_loop3A_606 : i32 to index
      %parallel_loop3A_733 = arith.constant 96 : index
      %parallel_loop3A_734 = tpu.vector_load %arg16[%parallel_loop3A_731, %parallel_loop3A_732, %parallel_loop3A_733] {strides = array<i32>} : memref<2x128x128xf32, #tpu.memory_space<vmem>>, vector<16xf32>,
      %parallel_loop3A_735 = arith.constant 0 : i32
      %parallel_loop3A_736 = arith.index_cast %parallel_loop3A_735 : i32 to index
      %parallel_loop3A_737 = arith.index_cast %parallel_loop3A_606 : i32 to index
      %parallel_loop3A_738 = arith.constant 96 : index
      %parallel_loop3A_739 = tpu.vector_load %arg17[%parallel_loop3A_736, %parallel_loop3A_737, %parallel_loop3A_738] {strides = array<i32>} : memref<2x128x128xf32, #tpu.memory_space<vmem>>, vector<16xf32>,
      %parallel_loop3A_740 = arith.subf %parallel_loop3A_729, %parallel_loop3A_739 : vector<16xf32>
      %parallel_loop3A_741 = arith.addf %parallel_loop3A_740, %parallel_loop3A_734 : vector<16xf32>
      %parallel_loop3A_742 = arith.mulf %parallel_loop3A_741, %parallel_loop3A_741 : vector<16xf32>
      %parallel_loop3A_743 = arith.addf %parallel_loop3A_705, %parallel_loop3A_742 : vector<16xf32>
      %parallel_loop3A_744 = arith.constant 0 : i32
      %parallel_loop3A_745 = arith.index_cast %parallel_loop3A_744 : i32 to index
      %parallel_loop3A_746 = arith.index_cast %parallel_loop3A_606 : i32 to index
      %parallel_loop3A_747 = arith.constant 112 : index
      %parallel_loop3A_748 = tpu.vector_load %arg15[%parallel_loop3A_745, %parallel_loop3A_746, %parallel_loop3A_747] {strides = array<i32>} : memref<2x128x128xf32, #tpu.memory_space<vmem>>, vector<16xf32>,
      %parallel_loop3A_749 = arith.constant 0 : i32
      %parallel_loop3A_750 = arith.index_cast %parallel_loop3A_749 : i32 to index
      %parallel_loop3A_751 = arith.index_cast %parallel_loop3A_606 : i32 to index
      %parallel_loop3A_752 = arith.constant 112 : index
      %parallel_loop3A_753 = tpu.vector_load %arg16[%parallel_loop3A_750, %parallel_loop3A_751, %parallel_loop3A_752] {strides = array<i32>} : memref<2x128x128xf32, #tpu.memory_space<vmem>>, vector<16xf32>,
      %parallel_loop3A_754 = arith.constant 0 : i32
      %parallel_loop3A_755 = arith.index_cast %parallel_loop3A_754 : i32 to index
      %parallel_loop3A_756 = arith.index_cast %parallel_loop3A_606 : i32 to index
      %parallel_loop3A_757 = arith.constant 112 : index
      %parallel_loop3A_758 = tpu.vector_load %arg17[%parallel_loop3A_755, %parallel_loop3A_756, %parallel_loop3A_757] {strides = array<i32>} : memref<2x128x128xf32, #tpu.memory_space<vmem>>, vector<16xf32>,
      %parallel_loop3A_759 = arith.subf %parallel_loop3A_748, %parallel_loop3A_758 : vector<16xf32>
      %parallel_loop3A_760 = arith.addf %parallel_loop3A_759, %parallel_loop3A_753 : vector<16xf32>
      %parallel_loop3A_761 = arith.mulf %parallel_loop3A_760, %parallel_loop3A_760 : vector<16xf32>
      %parallel_loop3A_762 = arith.addf %parallel_loop3A_724, %parallel_loop3A_761 : vector<16xf32>
      %parallel_loop3A_763 = arith.addf %parallel_loop3A_743, %parallel_loop3A_762 : vector<16xf32>
      %parallel_loop3A_764 = tpu.iota {dimensions = array<i32: 0>} : vector<16xi32>
      %parallel_loop3A_765 = arith.constant 8 : i32
      %parallel_loop3A_766 = vector.broadcast %parallel_loop3A_765 : i32 to vector<16xi32>
      %parallel_loop3A_767 = arith.xori %parallel_loop3A_764, %parallel_loop3A_766 : vector<16xi32>
      %parallel_loop3A_768 = vector.shape_cast %parallel_loop3A_767 : vector<16xi32> to vector<16x1xi32>
      %parallel_loop3A_769 = vector.shape_cast %parallel_loop3A_768 : vector<16x1xi32> to vector<16xi32>
      %parallel_loop3A_770 = tpu.dynamic_gather %parallel_loop3A_763[%parallel_loop3A_769] in [0] : vector<16xf32>, vector<16xi32> -> vector<16xf32>
      %parallel_loop3A_771 = arith.addf %parallel_loop3A_763, %parallel_loop3A_770 : vector<16xf32>
      %parallel_loop3A_772 = tpu.iota {dimensions = array<i32: 0>} : vector<16xi32>
      %parallel_loop3A_773 = arith.constant 4 : i32
      %parallel_loop3A_774 = vector.broadcast %parallel_loop3A_773 : i32 to vector<16xi32>
      %parallel_loop3A_775 = arith.xori %parallel_loop3A_772, %parallel_loop3A_774 : vector<16xi32>
      %parallel_loop3A_776 = vector.shape_cast %parallel_loop3A_775 : vector<16xi32> to vector<16x1xi32>
      %parallel_loop3A_777 = vector.shape_cast %parallel_loop3A_776 : vector<16x1xi32> to vector<16xi32>
      %parallel_loop3A_778 = tpu.dynamic_gather %parallel_loop3A_771[%parallel_loop3A_777] in [0] : vector<16xf32>, vector<16xi32> -> vector<16xf32>
      %parallel_loop3A_779 = arith.addf %parallel_loop3A_771, %parallel_loop3A_778 : vector<16xf32>
      %parallel_loop3A_780 = tpu.iota {dimensions = array<i32: 0>} : vector<16xi32>
      %parallel_loop3A_781 = arith.constant 2 : i32
      %parallel_loop3A_782 = vector.broadcast %parallel_loop3A_781 : i32 to vector<16xi32>
      %parallel_loop3A_783 = arith.xori %parallel_loop3A_780, %parallel_loop3A_782 : vector<16xi32>
      %parallel_loop3A_784 = vector.shape_cast %parallel_loop3A_783 : vector<16xi32> to vector<16x1xi32>
      %parallel_loop3A_785 = vector.shape_cast %parallel_loop3A_784 : vector<16x1xi32> to vector<16xi32>
      %parallel_loop3A_786 = tpu.dynamic_gather %parallel_loop3A_779[%parallel_loop3A_785] in [0] : vector<16xf32>, vector<16xi32> -> vector<16xf32>
      %parallel_loop3A_787 = arith.addf %parallel_loop3A_779, %parallel_loop3A_786 : vector<16xf32>
      %parallel_loop3A_788 = tpu.iota {dimensions = array<i32: 0>} : vector<16xi32>
      %parallel_loop3A_789 = arith.constant 1 : i32
      %parallel_loop3A_790 = vector.broadcast %parallel_loop3A_789 : i32 to vector<16xi32>
      %parallel_loop3A_791 = arith.xori %parallel_loop3A_788, %parallel_loop3A_790 : vector<16xi32>
      %parallel_loop3A_792 = vector.shape_cast %parallel_loop3A_791 : vector<16xi32> to vector<16x1xi32>
      %parallel_loop3A_793 = vector.shape_cast %parallel_loop3A_792 : vector<16x1xi32> to vector<16xi32>
      %parallel_loop3A_794 = tpu.dynamic_gather %parallel_loop3A_787[%parallel_loop3A_793] in [0] : vector<16xf32>, vector<16xi32> -> vector<16xf32>
      %parallel_loop3A_795 = arith.addf %parallel_loop3A_787, %parallel_loop3A_794 : vector<16xf32>
      %parallel_loop3A_796 = arith.constant 768 : i32
      %parallel_loop3A_797 = arith.addi %parallel_loop3A_796, %parallel_loop3A_606 : i32
      %parallel_loop3A_798 = vector.broadcast %parallel_loop3A_797 : i32 to vector<16xi32>
      %parallel_loop3A_799 = arith.constant 0 : i32
      %parallel_loop3A_800 = vector.broadcast %parallel_loop3A_799 : i32 to vector<16xi32>
      %parallel_loop3A_801 = arith.cmpi eq, %iota3A, %parallel_loop3A_800 : vector<16xi32>
      tpu.vector_store_idx %arg18[%parallel_loop3A_798], %parallel_loop3A_795 masked %parallel_loop3A_801 : memref<1024xf32, #tpu.memory_space<vmem>>[vector<16xi32>], vector<16xf32>, vector<16xi1>
    } {sc.loop_unroll_factor = 4 : i64, sc.parallel_access}
    %dma_wait3A_552 = arith.constant 1 : i32
    %dma_wait3A_553 = arith.constant 0 : i32
    %dma_wait3A_554 = arith.constant 0 : i32
    %dma_wait3A_555 = tpu.memref_slice %arg15[%dma_wait3A_552, %dma_wait3A_553, %dma_wait3A_554] : memref<2x128x128xf32, #tpu.memory_space<vmem>> -> memref<1x128x128xf32, #tpu.memory_space<vmem>>
    %dma_wait3A_556 = tpu.memref_squeeze %dma_wait3A_555 : memref<1x128x128xf32, #tpu.memory_space<vmem>> -> memref<128x128xf32, #tpu.memory_space<vmem>>
    %dma_wait3A_557 = arith.constant 896 : i32
    %dma_wait3A_558 = tpu.memref_slice %arg12[%dma_wait3A_557] : memref<1024xi32, #tpu.memory_space<vmem>> -> memref<128xi32, #tpu.memory_space<vmem>>
    %dma_wait3A_559 = arith.constant 0 : i32
    %dma_wait3A_560 = arith.constant 0 : i32
    %dma_wait3A_561 = tpu.memref_slice %arg8[%dma_wait3A_559, %dma_wait3A_560] : memref<100000x128xf32, #tpu.memory_space<hbm>> -> memref<100000x128xf32, #tpu.memory_space<hbm>>
    tpu.wait_indirect_dma semaphore(%arg20 : memref<!tpu.dma_semaphore, #tpu.memory_space<semaphore_mem>>) src(%dma_wait3A_561 : memref<100000x128xf32, #tpu.memory_space<hbm>>) dst(%dma_wait3A_556 : memref<128x128xf32, #tpu.memory_space<vmem>>)
    %dma_wait3A_562 = arith.constant 1 : i32
    %dma_wait3A_563 = arith.constant 0 : i32
    %dma_wait3A_564 = arith.constant 0 : i32
    %dma_wait3A_565 = tpu.memref_slice %arg16[%dma_wait3A_562, %dma_wait3A_563, %dma_wait3A_564] : memref<2x128x128xf32, #tpu.memory_space<vmem>> -> memref<1x128x128xf32, #tpu.memory_space<vmem>>
    %dma_wait3A_566 = tpu.memref_squeeze %dma_wait3A_565 : memref<1x128x128xf32, #tpu.memory_space<vmem>> -> memref<128x128xf32, #tpu.memory_space<vmem>>
    %dma_wait3A_567 = arith.constant 896 : i32
    %dma_wait3A_568 = tpu.memref_slice %arg13[%dma_wait3A_567] : memref<1024xi32, #tpu.memory_space<vmem>> -> memref<128xi32, #tpu.memory_space<vmem>>
    %dma_wait3A_569 = arith.constant 0 : i32
    %dma_wait3A_570 = arith.constant 0 : i32
    %dma_wait3A_571 = tpu.memref_slice %arg9[%dma_wait3A_569, %dma_wait3A_570] : memref<1000x128xf32, #tpu.memory_space<hbm>> -> memref<1000x128xf32, #tpu.memory_space<hbm>>
    tpu.wait_indirect_dma semaphore(%arg20 : memref<!tpu.dma_semaphore, #tpu.memory_space<semaphore_mem>>) src(%dma_wait3A_571 : memref<1000x128xf32, #tpu.memory_space<hbm>>) dst(%dma_wait3A_566 : memref<128x128xf32, #tpu.memory_space<vmem>>)
    %dma_wait3A_572 = arith.constant 1 : i32
    %dma_wait3A_573 = arith.constant 0 : i32
    %dma_wait3A_574 = arith.constant 0 : i32
    %dma_wait3A_575 = tpu.memref_slice %arg17[%dma_wait3A_572, %dma_wait3A_573, %dma_wait3A_574] : memref<2x128x128xf32, #tpu.memory_space<vmem>> -> memref<1x128x128xf32, #tpu.memory_space<vmem>>
    %dma_wait3A_576 = tpu.memref_squeeze %dma_wait3A_575 : memref<1x128x128xf32, #tpu.memory_space<vmem>> -> memref<128x128xf32, #tpu.memory_space<vmem>>
    %dma_wait3A_577 = arith.constant 896 : i32
    %dma_wait3A_578 = tpu.memref_slice %arg14[%dma_wait3A_577] : memref<1024xi32, #tpu.memory_space<vmem>> -> memref<128xi32, #tpu.memory_space<vmem>>
    %dma_wait3A_579 = arith.constant 0 : i32
    %dma_wait3A_580 = arith.constant 0 : i32
    %dma_wait3A_581 = tpu.memref_slice %arg8[%dma_wait3A_579, %dma_wait3A_580] : memref<100000x128xf32, #tpu.memory_space<hbm>> -> memref<100000x128xf32, #tpu.memory_space<hbm>>
    tpu.wait_indirect_dma semaphore(%arg20 : memref<!tpu.dma_semaphore, #tpu.memory_space<semaphore_mem>>) src(%dma_wait3A_581 : memref<100000x128xf32, #tpu.memory_space<hbm>>) dst(%dma_wait3A_576 : memref<128x128xf32, #tpu.memory_space<vmem>>)
    %parallel_loop3A_582 = arith.constant 0 : i32
    %parallel_loop3A_583 = arith.constant 128 : i32
    %parallel_loop3A_584 = arith.constant 1 : i32
    scf.for %parallel_loop3A_606 = %parallel_loop3A_582 to %parallel_loop3A_583 step %parallel_loop3A_584  : i32 {
      %parallel_loop3A_607 = arith.constant 0.000000e+00 : f32
      %parallel_loop3A_608 = vector.broadcast %parallel_loop3A_607 : f32 to vector<16xf32>
      %parallel_loop3A_609 = arith.constant 0.000000e+00 : f32
      %parallel_loop3A_610 = vector.broadcast %parallel_loop3A_609 : f32 to vector<16xf32>
      %parallel_loop3A_611 = arith.constant 1 : i32
      %parallel_loop3A_612 = arith.index_cast %parallel_loop3A_611 : i32 to index
      %parallel_loop3A_613 = arith.index_cast %parallel_loop3A_606 : i32 to index
      %parallel_loop3A_614 = arith.constant 0 : index
      %parallel_loop3A_615 = tpu.vector_load %arg15[%parallel_loop3A_612, %parallel_loop3A_613, %parallel_loop3A_614] {strides = array<i32>} : memref<2x128x128xf32, #tpu.memory_space<vmem>>, vector<16xf32>,
      %parallel_loop3A_616 = arith.constant 1 : i32
      %parallel_loop3A_617 = arith.index_cast %parallel_loop3A_616 : i32 to index
      %parallel_loop3A_618 = arith.index_cast %parallel_loop3A_606 : i32 to index
      %parallel_loop3A_619 = arith.constant 0 : index
      %parallel_loop3A_620 = tpu.vector_load %arg16[%parallel_loop3A_617, %parallel_loop3A_618, %parallel_loop3A_619] {strides = array<i32>} : memref<2x128x128xf32, #tpu.memory_space<vmem>>, vector<16xf32>,
      %parallel_loop3A_621 = arith.constant 1 : i32
      %parallel_loop3A_622 = arith.index_cast %parallel_loop3A_621 : i32 to index
      %parallel_loop3A_623 = arith.index_cast %parallel_loop3A_606 : i32 to index
      %parallel_loop3A_624 = arith.constant 0 : index
      %parallel_loop3A_625 = tpu.vector_load %arg17[%parallel_loop3A_622, %parallel_loop3A_623, %parallel_loop3A_624] {strides = array<i32>} : memref<2x128x128xf32, #tpu.memory_space<vmem>>, vector<16xf32>,
      %parallel_loop3A_626 = arith.subf %parallel_loop3A_615, %parallel_loop3A_625 : vector<16xf32>
      %parallel_loop3A_627 = arith.addf %parallel_loop3A_626, %parallel_loop3A_620 : vector<16xf32>
      %parallel_loop3A_628 = arith.mulf %parallel_loop3A_627, %parallel_loop3A_627 : vector<16xf32>
      %parallel_loop3A_629 = arith.addf %parallel_loop3A_608, %parallel_loop3A_628 : vector<16xf32>
      %parallel_loop3A_630 = arith.constant 1 : i32
      %parallel_loop3A_631 = arith.index_cast %parallel_loop3A_630 : i32 to index
      %parallel_loop3A_632 = arith.index_cast %parallel_loop3A_606 : i32 to index
      %parallel_loop3A_633 = arith.constant 16 : index
      %parallel_loop3A_634 = tpu.vector_load %arg15[%parallel_loop3A_631, %parallel_loop3A_632, %parallel_loop3A_633] {strides = array<i32>} : memref<2x128x128xf32, #tpu.memory_space<vmem>>, vector<16xf32>,
      %parallel_loop3A_635 = arith.constant 1 : i32
      %parallel_loop3A_636 = arith.index_cast %parallel_loop3A_635 : i32 to index
      %parallel_loop3A_637 = arith.index_cast %parallel_loop3A_606 : i32 to index
      %parallel_loop3A_638 = arith.constant 16 : index
      %parallel_loop3A_639 = tpu.vector_load %arg16[%parallel_loop3A_636, %parallel_loop3A_637, %parallel_loop3A_638] {strides = array<i32>} : memref<2x128x128xf32, #tpu.memory_space<vmem>>, vector<16xf32>,
      %parallel_loop3A_640 = arith.constant 1 : i32
      %parallel_loop3A_641 = arith.index_cast %parallel_loop3A_640 : i32 to index
      %parallel_loop3A_642 = arith.index_cast %parallel_loop3A_606 : i32 to index
      %parallel_loop3A_643 = arith.constant 16 : index
      %parallel_loop3A_644 = tpu.vector_load %arg17[%parallel_loop3A_641, %parallel_loop3A_642, %parallel_loop3A_643] {strides = array<i32>} : memref<2x128x128xf32, #tpu.memory_space<vmem>>, vector<16xf32>,
      %parallel_loop3A_645 = arith.subf %parallel_loop3A_634, %parallel_loop3A_644 : vector<16xf32>
      %parallel_loop3A_646 = arith.addf %parallel_loop3A_645, %parallel_loop3A_639 : vector<16xf32>
      %parallel_loop3A_647 = arith.mulf %parallel_loop3A_646, %parallel_loop3A_646 : vector<16xf32>
      %parallel_loop3A_648 = arith.addf %parallel_loop3A_610, %parallel_loop3A_647 : vector<16xf32>
      %parallel_loop3A_649 = arith.constant 1 : i32
      %parallel_loop3A_650 = arith.index_cast %parallel_loop3A_649 : i32 to index
      %parallel_loop3A_651 = arith.index_cast %parallel_loop3A_606 : i32 to index
      %parallel_loop3A_652 = arith.constant 32 : index
      %parallel_loop3A_653 = tpu.vector_load %arg15[%parallel_loop3A_650, %parallel_loop3A_651, %parallel_loop3A_652] {strides = array<i32>} : memref<2x128x128xf32, #tpu.memory_space<vmem>>, vector<16xf32>,
      %parallel_loop3A_654 = arith.constant 1 : i32
      %parallel_loop3A_655 = arith.index_cast %parallel_loop3A_654 : i32 to index
      %parallel_loop3A_656 = arith.index_cast %parallel_loop3A_606 : i32 to index
      %parallel_loop3A_657 = arith.constant 32 : index
      %parallel_loop3A_658 = tpu.vector_load %arg16[%parallel_loop3A_655, %parallel_loop3A_656, %parallel_loop3A_657] {strides = array<i32>} : memref<2x128x128xf32, #tpu.memory_space<vmem>>, vector<16xf32>,
      %parallel_loop3A_659 = arith.constant 1 : i32
      %parallel_loop3A_660 = arith.index_cast %parallel_loop3A_659 : i32 to index
      %parallel_loop3A_661 = arith.index_cast %parallel_loop3A_606 : i32 to index
      %parallel_loop3A_662 = arith.constant 32 : index
      %parallel_loop3A_663 = tpu.vector_load %arg17[%parallel_loop3A_660, %parallel_loop3A_661, %parallel_loop3A_662] {strides = array<i32>} : memref<2x128x128xf32, #tpu.memory_space<vmem>>, vector<16xf32>,
      %parallel_loop3A_664 = arith.subf %parallel_loop3A_653, %parallel_loop3A_663 : vector<16xf32>
      %parallel_loop3A_665 = arith.addf %parallel_loop3A_664, %parallel_loop3A_658 : vector<16xf32>
      %parallel_loop3A_666 = arith.mulf %parallel_loop3A_665, %parallel_loop3A_665 : vector<16xf32>
      %parallel_loop3A_667 = arith.addf %parallel_loop3A_629, %parallel_loop3A_666 : vector<16xf32>
      %parallel_loop3A_668 = arith.constant 1 : i32
      %parallel_loop3A_669 = arith.index_cast %parallel_loop3A_668 : i32 to index
      %parallel_loop3A_670 = arith.index_cast %parallel_loop3A_606 : i32 to index
      %parallel_loop3A_671 = arith.constant 48 : index
      %parallel_loop3A_672 = tpu.vector_load %arg15[%parallel_loop3A_669, %parallel_loop3A_670, %parallel_loop3A_671] {strides = array<i32>} : memref<2x128x128xf32, #tpu.memory_space<vmem>>, vector<16xf32>,
      %parallel_loop3A_673 = arith.constant 1 : i32
      %parallel_loop3A_674 = arith.index_cast %parallel_loop3A_673 : i32 to index
      %parallel_loop3A_675 = arith.index_cast %parallel_loop3A_606 : i32 to index
      %parallel_loop3A_676 = arith.constant 48 : index
      %parallel_loop3A_677 = tpu.vector_load %arg16[%parallel_loop3A_674, %parallel_loop3A_675, %parallel_loop3A_676] {strides = array<i32>} : memref<2x128x128xf32, #tpu.memory_space<vmem>>, vector<16xf32>,
      %parallel_loop3A_678 = arith.constant 1 : i32
      %parallel_loop3A_679 = arith.index_cast %parallel_loop3A_678 : i32 to index
      %parallel_loop3A_680 = arith.index_cast %parallel_loop3A_606 : i32 to index
      %parallel_loop3A_681 = arith.constant 48 : index
      %parallel_loop3A_682 = tpu.vector_load %arg17[%parallel_loop3A_679, %parallel_loop3A_680, %parallel_loop3A_681] {strides = array<i32>} : memref<2x128x128xf32, #tpu.memory_space<vmem>>, vector<16xf32>,
      %parallel_loop3A_683 = arith.subf %parallel_loop3A_672, %parallel_loop3A_682 : vector<16xf32>
      %parallel_loop3A_684 = arith.addf %parallel_loop3A_683, %parallel_loop3A_677 : vector<16xf32>
      %parallel_loop3A_685 = arith.mulf %parallel_loop3A_684, %parallel_loop3A_684 : vector<16xf32>
      %parallel_loop3A_686 = arith.addf %parallel_loop3A_648, %parallel_loop3A_685 : vector<16xf32>
      %parallel_loop3A_687 = arith.constant 1 : i32
      %parallel_loop3A_688 = arith.index_cast %parallel_loop3A_687 : i32 to index
      %parallel_loop3A_689 = arith.index_cast %parallel_loop3A_606 : i32 to index
      %parallel_loop3A_690 = arith.constant 64 : index
      %parallel_loop3A_691 = tpu.vector_load %arg15[%parallel_loop3A_688, %parallel_loop3A_689, %parallel_loop3A_690] {strides = array<i32>} : memref<2x128x128xf32, #tpu.memory_space<vmem>>, vector<16xf32>,
      %parallel_loop3A_692 = arith.constant 1 : i32
      %parallel_loop3A_693 = arith.index_cast %parallel_loop3A_692 : i32 to index
      %parallel_loop3A_694 = arith.index_cast %parallel_loop3A_606 : i32 to index
      %parallel_loop3A_695 = arith.constant 64 : index
      %parallel_loop3A_696 = tpu.vector_load %arg16[%parallel_loop3A_693, %parallel_loop3A_694, %parallel_loop3A_695] {strides = array<i32>} : memref<2x128x128xf32, #tpu.memory_space<vmem>>, vector<16xf32>,
      %parallel_loop3A_697 = arith.constant 1 : i32
      %parallel_loop3A_698 = arith.index_cast %parallel_loop3A_697 : i32 to index
      %parallel_loop3A_699 = arith.index_cast %parallel_loop3A_606 : i32 to index
      %parallel_loop3A_700 = arith.constant 64 : index
      %parallel_loop3A_701 = tpu.vector_load %arg17[%parallel_loop3A_698, %parallel_loop3A_699, %parallel_loop3A_700] {strides = array<i32>} : memref<2x128x128xf32, #tpu.memory_space<vmem>>, vector<16xf32>,
      %parallel_loop3A_702 = arith.subf %parallel_loop3A_691, %parallel_loop3A_701 : vector<16xf32>
      %parallel_loop3A_703 = arith.addf %parallel_loop3A_702, %parallel_loop3A_696 : vector<16xf32>
      %parallel_loop3A_704 = arith.mulf %parallel_loop3A_703, %parallel_loop3A_703 : vector<16xf32>
      %parallel_loop3A_705 = arith.addf %parallel_loop3A_667, %parallel_loop3A_704 : vector<16xf32>
      %parallel_loop3A_706 = arith.constant 1 : i32
      %parallel_loop3A_707 = arith.index_cast %parallel_loop3A_706 : i32 to index
      %parallel_loop3A_708 = arith.index_cast %parallel_loop3A_606 : i32 to index
      %parallel_loop3A_709 = arith.constant 80 : index
      %parallel_loop3A_710 = tpu.vector_load %arg15[%parallel_loop3A_707, %parallel_loop3A_708, %parallel_loop3A_709] {strides = array<i32>} : memref<2x128x128xf32, #tpu.memory_space<vmem>>, vector<16xf32>,
      %parallel_loop3A_711 = arith.constant 1 : i32
      %parallel_loop3A_712 = arith.index_cast %parallel_loop3A_711 : i32 to index
      %parallel_loop3A_713 = arith.index_cast %parallel_loop3A_606 : i32 to index
      %parallel_loop3A_714 = arith.constant 80 : index
      %parallel_loop3A_715 = tpu.vector_load %arg16[%parallel_loop3A_712, %parallel_loop3A_713, %parallel_loop3A_714] {strides = array<i32>} : memref<2x128x128xf32, #tpu.memory_space<vmem>>, vector<16xf32>,
      %parallel_loop3A_716 = arith.constant 1 : i32
      %parallel_loop3A_717 = arith.index_cast %parallel_loop3A_716 : i32 to index
      %parallel_loop3A_718 = arith.index_cast %parallel_loop3A_606 : i32 to index
      %parallel_loop3A_719 = arith.constant 80 : index
      %parallel_loop3A_720 = tpu.vector_load %arg17[%parallel_loop3A_717, %parallel_loop3A_718, %parallel_loop3A_719] {strides = array<i32>} : memref<2x128x128xf32, #tpu.memory_space<vmem>>, vector<16xf32>,
      %parallel_loop3A_721 = arith.subf %parallel_loop3A_710, %parallel_loop3A_720 : vector<16xf32>
      %parallel_loop3A_722 = arith.addf %parallel_loop3A_721, %parallel_loop3A_715 : vector<16xf32>
      %parallel_loop3A_723 = arith.mulf %parallel_loop3A_722, %parallel_loop3A_722 : vector<16xf32>
      %parallel_loop3A_724 = arith.addf %parallel_loop3A_686, %parallel_loop3A_723 : vector<16xf32>
      %parallel_loop3A_725 = arith.constant 1 : i32
      %parallel_loop3A_726 = arith.index_cast %parallel_loop3A_725 : i32 to index
      %parallel_loop3A_727 = arith.index_cast %parallel_loop3A_606 : i32 to index
      %parallel_loop3A_728 = arith.constant 96 : index
      %parallel_loop3A_729 = tpu.vector_load %arg15[%parallel_loop3A_726, %parallel_loop3A_727, %parallel_loop3A_728] {strides = array<i32>} : memref<2x128x128xf32, #tpu.memory_space<vmem>>, vector<16xf32>,
      %parallel_loop3A_730 = arith.constant 1 : i32
      %parallel_loop3A_731 = arith.index_cast %parallel_loop3A_730 : i32 to index
      %parallel_loop3A_732 = arith.index_cast %parallel_loop3A_606 : i32 to index
      %parallel_loop3A_733 = arith.constant 96 : index
      %parallel_loop3A_734 = tpu.vector_load %arg16[%parallel_loop3A_731, %parallel_loop3A_732, %parallel_loop3A_733] {strides = array<i32>} : memref<2x128x128xf32, #tpu.memory_space<vmem>>, vector<16xf32>,
      %parallel_loop3A_735 = arith.constant 1 : i32
      %parallel_loop3A_736 = arith.index_cast %parallel_loop3A_735 : i32 to index
      %parallel_loop3A_737 = arith.index_cast %parallel_loop3A_606 : i32 to index
      %parallel_loop3A_738 = arith.constant 96 : index
      %parallel_loop3A_739 = tpu.vector_load %arg17[%parallel_loop3A_736, %parallel_loop3A_737, %parallel_loop3A_738] {strides = array<i32>} : memref<2x128x128xf32, #tpu.memory_space<vmem>>, vector<16xf32>,
      %parallel_loop3A_740 = arith.subf %parallel_loop3A_729, %parallel_loop3A_739 : vector<16xf32>
      %parallel_loop3A_741 = arith.addf %parallel_loop3A_740, %parallel_loop3A_734 : vector<16xf32>
      %parallel_loop3A_742 = arith.mulf %parallel_loop3A_741, %parallel_loop3A_741 : vector<16xf32>
      %parallel_loop3A_743 = arith.addf %parallel_loop3A_705, %parallel_loop3A_742 : vector<16xf32>
      %parallel_loop3A_744 = arith.constant 1 : i32
      %parallel_loop3A_745 = arith.index_cast %parallel_loop3A_744 : i32 to index
      %parallel_loop3A_746 = arith.index_cast %parallel_loop3A_606 : i32 to index
      %parallel_loop3A_747 = arith.constant 112 : index
      %parallel_loop3A_748 = tpu.vector_load %arg15[%parallel_loop3A_745, %parallel_loop3A_746, %parallel_loop3A_747] {strides = array<i32>} : memref<2x128x128xf32, #tpu.memory_space<vmem>>, vector<16xf32>,
      %parallel_loop3A_749 = arith.constant 1 : i32
      %parallel_loop3A_750 = arith.index_cast %parallel_loop3A_749 : i32 to index
      %parallel_loop3A_751 = arith.index_cast %parallel_loop3A_606 : i32 to index
      %parallel_loop3A_752 = arith.constant 112 : index
      %parallel_loop3A_753 = tpu.vector_load %arg16[%parallel_loop3A_750, %parallel_loop3A_751, %parallel_loop3A_752] {strides = array<i32>} : memref<2x128x128xf32, #tpu.memory_space<vmem>>, vector<16xf32>,
      %parallel_loop3A_754 = arith.constant 1 : i32
      %parallel_loop3A_755 = arith.index_cast %parallel_loop3A_754 : i32 to index
      %parallel_loop3A_756 = arith.index_cast %parallel_loop3A_606 : i32 to index
      %parallel_loop3A_757 = arith.constant 112 : index
      %parallel_loop3A_758 = tpu.vector_load %arg17[%parallel_loop3A_755, %parallel_loop3A_756, %parallel_loop3A_757] {strides = array<i32>} : memref<2x128x128xf32, #tpu.memory_space<vmem>>, vector<16xf32>,
      %parallel_loop3A_759 = arith.subf %parallel_loop3A_748, %parallel_loop3A_758 : vector<16xf32>
      %parallel_loop3A_760 = arith.addf %parallel_loop3A_759, %parallel_loop3A_753 : vector<16xf32>
      %parallel_loop3A_761 = arith.mulf %parallel_loop3A_760, %parallel_loop3A_760 : vector<16xf32>
      %parallel_loop3A_762 = arith.addf %parallel_loop3A_724, %parallel_loop3A_761 : vector<16xf32>
      %parallel_loop3A_763 = arith.addf %parallel_loop3A_743, %parallel_loop3A_762 : vector<16xf32>
      %parallel_loop3A_764 = tpu.iota {dimensions = array<i32: 0>} : vector<16xi32>
      %parallel_loop3A_765 = arith.constant 8 : i32
      %parallel_loop3A_766 = vector.broadcast %parallel_loop3A_765 : i32 to vector<16xi32>
      %parallel_loop3A_767 = arith.xori %parallel_loop3A_764, %parallel_loop3A_766 : vector<16xi32>
      %parallel_loop3A_768 = vector.shape_cast %parallel_loop3A_767 : vector<16xi32> to vector<16x1xi32>
      %parallel_loop3A_769 = vector.shape_cast %parallel_loop3A_768 : vector<16x1xi32> to vector<16xi32>
      %parallel_loop3A_770 = tpu.dynamic_gather %parallel_loop3A_763[%parallel_loop3A_769] in [0] : vector<16xf32>, vector<16xi32> -> vector<16xf32>
      %parallel_loop3A_771 = arith.addf %parallel_loop3A_763, %parallel_loop3A_770 : vector<16xf32>
      %parallel_loop3A_772 = tpu.iota {dimensions = array<i32: 0>} : vector<16xi32>
      %parallel_loop3A_773 = arith.constant 4 : i32
      %parallel_loop3A_774 = vector.broadcast %parallel_loop3A_773 : i32 to vector<16xi32>
      %parallel_loop3A_775 = arith.xori %parallel_loop3A_772, %parallel_loop3A_774 : vector<16xi32>
      %parallel_loop3A_776 = vector.shape_cast %parallel_loop3A_775 : vector<16xi32> to vector<16x1xi32>
      %parallel_loop3A_777 = vector.shape_cast %parallel_loop3A_776 : vector<16x1xi32> to vector<16xi32>
      %parallel_loop3A_778 = tpu.dynamic_gather %parallel_loop3A_771[%parallel_loop3A_777] in [0] : vector<16xf32>, vector<16xi32> -> vector<16xf32>
      %parallel_loop3A_779 = arith.addf %parallel_loop3A_771, %parallel_loop3A_778 : vector<16xf32>
      %parallel_loop3A_780 = tpu.iota {dimensions = array<i32: 0>} : vector<16xi32>
      %parallel_loop3A_781 = arith.constant 2 : i32
      %parallel_loop3A_782 = vector.broadcast %parallel_loop3A_781 : i32 to vector<16xi32>
      %parallel_loop3A_783 = arith.xori %parallel_loop3A_780, %parallel_loop3A_782 : vector<16xi32>
      %parallel_loop3A_784 = vector.shape_cast %parallel_loop3A_783 : vector<16xi32> to vector<16x1xi32>
      %parallel_loop3A_785 = vector.shape_cast %parallel_loop3A_784 : vector<16x1xi32> to vector<16xi32>
      %parallel_loop3A_786 = tpu.dynamic_gather %parallel_loop3A_779[%parallel_loop3A_785] in [0] : vector<16xf32>, vector<16xi32> -> vector<16xf32>
      %parallel_loop3A_787 = arith.addf %parallel_loop3A_779, %parallel_loop3A_786 : vector<16xf32>
      %parallel_loop3A_788 = tpu.iota {dimensions = array<i32: 0>} : vector<16xi32>
      %parallel_loop3A_789 = arith.constant 1 : i32
      %parallel_loop3A_790 = vector.broadcast %parallel_loop3A_789 : i32 to vector<16xi32>
      %parallel_loop3A_791 = arith.xori %parallel_loop3A_788, %parallel_loop3A_790 : vector<16xi32>
      %parallel_loop3A_792 = vector.shape_cast %parallel_loop3A_791 : vector<16xi32> to vector<16x1xi32>
      %parallel_loop3A_793 = vector.shape_cast %parallel_loop3A_792 : vector<16x1xi32> to vector<16xi32>
      %parallel_loop3A_794 = tpu.dynamic_gather %parallel_loop3A_787[%parallel_loop3A_793] in [0] : vector<16xf32>, vector<16xi32> -> vector<16xf32>
      %parallel_loop3A_795 = arith.addf %parallel_loop3A_787, %parallel_loop3A_794 : vector<16xf32>
      %parallel_loop3A_796 = arith.constant 896 : i32
      %parallel_loop3A_797 = arith.addi %parallel_loop3A_796, %parallel_loop3A_606 : i32
      %parallel_loop3A_798 = vector.broadcast %parallel_loop3A_797 : i32 to vector<16xi32>
      %parallel_loop3A_799 = arith.constant 0 : i32
      %parallel_loop3A_800 = vector.broadcast %parallel_loop3A_799 : i32 to vector<16xi32>
      %parallel_loop3A_801 = arith.cmpi eq, %iota3A, %parallel_loop3A_800 : vector<16xi32>
      tpu.vector_store_idx %arg18[%parallel_loop3A_798], %parallel_loop3A_795 masked %parallel_loop3A_801 : memref<1024xf32, #tpu.memory_space<vmem>>[vector<16xi32>], vector<16xf32>, vector<16xi1>
    } {sc.loop_unroll_factor = 4 : i64, sc.parallel_access}
    %parallel_loop3A_585 = arith.constant 0 : i32
    %parallel_loop3A_586 = arith.constant 32 : i32
    %parallel_loop3A_587 = arith.constant 1 : i32
    scf.for %parallel_loop3A_606 = %parallel_loop3A_585 to %parallel_loop3A_586 step %parallel_loop3A_587  : i32 {
      %parallel_loop3A_607 = arith.constant 16 : i32
      %parallel_loop3A_608 = arith.muli %parallel_loop3A_606, %parallel_loop3A_607 : i32
      %parallel_loop3A_609 = arith.constant 512 : i32
      %parallel_loop3A_610 = arith.addi %parallel_loop3A_609, %parallel_loop3A_608 : i32
      %parallel_loop3A_611 = arith.index_cast %parallel_loop3A_610 : i32 to index
      %parallel_loop3A_612 = tpu.vector_load %arg18[%parallel_loop3A_611] {strides = array<i32>} : memref<1024xf32, #tpu.memory_space<vmem>>, vector<16xf32>,
      %parallel_loop3A_613 = vector.bitcast %parallel_loop3A_612 : vector<16xf32> to vector<16xi32>
      %parallel_loop3A_614 = arith.constant 1 : i32
      %parallel_loop3A_615 = vector.broadcast %parallel_loop3A_614 : i32 to vector<16xi32>
      %parallel_loop3A_616 = arith.shrui %parallel_loop3A_613, %parallel_loop3A_615 : vector<16xi32>
      %parallel_loop3A_617 = arith.constant 532487669 : i32
      %parallel_loop3A_618 = vector.broadcast %parallel_loop3A_617 : i32 to vector<16xi32>
      %parallel_loop3A_619 = arith.addi %parallel_loop3A_616, %parallel_loop3A_618 : vector<16xi32>
      %parallel_loop3A_620 = vector.bitcast %parallel_loop3A_619 : vector<16xi32> to vector<16xf32>
      %parallel_loop3A_621 = arith.divf %parallel_loop3A_612, %parallel_loop3A_620 : vector<16xf32>
      %parallel_loop3A_622 = arith.addf %parallel_loop3A_620, %parallel_loop3A_621 : vector<16xf32>
      %parallel_loop3A_623 = arith.constant 5.000000e-01 : f32
      %parallel_loop3A_624 = vector.broadcast %parallel_loop3A_623 : f32 to vector<16xf32>
      %parallel_loop3A_625 = arith.mulf %parallel_loop3A_624, %parallel_loop3A_622 : vector<16xf32>
      %parallel_loop3A_626 = arith.divf %parallel_loop3A_612, %parallel_loop3A_625 : vector<16xf32>
      %parallel_loop3A_627 = arith.addf %parallel_loop3A_625, %parallel_loop3A_626 : vector<16xf32>
      %parallel_loop3A_628 = arith.constant 5.000000e-01 : f32
      %parallel_loop3A_629 = vector.broadcast %parallel_loop3A_628 : f32 to vector<16xf32>
      %parallel_loop3A_630 = arith.mulf %parallel_loop3A_629, %parallel_loop3A_627 : vector<16xf32>
      %parallel_loop3A_631 = arith.index_cast %parallel_loop3A_610 : i32 to index
      %parallel_loop3A_632 = tpu.vector_load %arg18[%parallel_loop3A_631] {strides = array<i32>} : memref<1024xf32, #tpu.memory_space<vmem>>, vector<16xf32>,
      tpu.vector_store %arg18[%parallel_loop3A_631], %parallel_loop3A_630 {strides = array<i32>} : memref<1024xf32, #tpu.memory_space<vmem>>, vector<16xf32>,
    } {sc.loop_unroll_factor = 4 : i64, sc.parallel_access}
    %dma_start3A_588 = arith.constant 512 : i32
    %dma_start3A_589 = tpu.memref_slice %arg18[%dma_start3A_588] : memref<1024xf32, #tpu.memory_space<vmem>> -> memref<512xf32, #tpu.memory_space<vmem>>
    %dma_start3A_590 = tpu.memref_slice %arg11[%mul3A_2] : memref<16384xf32, #tpu.memory_space<hbm>> -> memref<512xf32, #tpu.memory_space<hbm>>
    %dma_start3A_591 = tpu.memref_slice %arg11[%mul3A_2] : memref<16384xf32, #tpu.memory_space<hbm>> -> memref<512xf32, #tpu.memory_space<hbm>>
    %dma_start3A_592 = arith.constant 512 : i32
    %dma_start3A_593 = tpu.memref_slice %arg18[%dma_start3A_592] : memref<1024xf32, #tpu.memory_space<vmem>> -> memref<512xf32, #tpu.memory_space<vmem>>
    tpu.enqueue_dma source(%dma_start3A_593 : memref<512xf32, #tpu.memory_space<vmem>>) target(%dma_start3A_591 : memref<512xf32, #tpu.memory_space<hbm>>) target_semaphore(%arg21 : memref<!tpu.dma_semaphore, #tpu.memory_space<semaphore_mem>>)
    %dma_wait3A_594 = arith.constant 0 : i32
    %dma_wait3A_595 = tpu.memref_slice %arg18[%dma_wait3A_594] : memref<1024xf32, #tpu.memory_space<vmem>> -> memref<512xf32, #tpu.memory_space<vmem>>
    %dma_wait3A_596 = tpu.memref_slice %arg10[%mul3A_2] : memref<16384xf32, #tpu.memory_space<hbm>> -> memref<512xf32, #tpu.memory_space<hbm>>
    %dma_wait3A_597 = tpu.memref_slice %arg10[%mul3A_2] : memref<16384xf32, #tpu.memory_space<hbm>> -> memref<512xf32, #tpu.memory_space<hbm>>
    %dma_wait3A_598 = arith.constant 0 : i32
    %dma_wait3A_599 = tpu.memref_slice %arg18[%dma_wait3A_598] : memref<1024xf32, #tpu.memory_space<vmem>> -> memref<512xf32, #tpu.memory_space<vmem>>
    tpu.wait_dma2 semaphore(%arg21 : memref<!tpu.dma_semaphore, #tpu.memory_space<semaphore_mem>>) src(%dma_wait3A_599 : memref<512xf32, #tpu.memory_space<vmem>>) dst(%dma_wait3A_597 : memref<512xf32, #tpu.memory_space<hbm>>)
    %dma_wait3A_600 = arith.constant 512 : i32
    %dma_wait3A_601 = tpu.memref_slice %arg18[%dma_wait3A_600] : memref<1024xf32, #tpu.memory_space<vmem>> -> memref<512xf32, #tpu.memory_space<vmem>>
    %dma_wait3A_602 = tpu.memref_slice %arg11[%mul3A_2] : memref<16384xf32, #tpu.memory_space<hbm>> -> memref<512xf32, #tpu.memory_space<hbm>>
    %dma_wait3A_603 = tpu.memref_slice %arg11[%mul3A_2] : memref<16384xf32, #tpu.memory_space<hbm>> -> memref<512xf32, #tpu.memory_space<hbm>>
    %dma_wait3A_604 = arith.constant 512 : i32
    %dma_wait3A_605 = tpu.memref_slice %arg18[%dma_wait3A_604] : memref<1024xf32, #tpu.memory_space<vmem>> -> memref<512xf32, #tpu.memory_space<vmem>>
    tpu.wait_dma2 semaphore(%arg21 : memref<!tpu.dma_semaphore, #tpu.memory_space<semaphore_mem>>) src(%dma_wait3A_605 : memref<512xf32, #tpu.memory_space<vmem>>) dst(%dma_wait3A_603 : memref<512xf32, #tpu.memory_space<hbm>>)
    return
  }
}

</mosaic_0001>

<sc_bundles>
// kernel: kernel.3.cloned.1.call-start
scs
__scs_entry_jumppad:
0x0: {  	(pc) =	sbr.rel $0x88, $3  }
0x1: {  	(tag) =	ssettag $0x0;
	lr =	simm.s32 $0x1  }
0x2: {  	[smem:$0x3F99] =	sst lr;
	_ =	strace $0xD0000000  }
0x3: {  	_ = 	snop  }
0x4: {  	_ = 	snop  }
0x5: {  	_ = 	snop  }
0x6: {  	_ = 	snop  }
0x7: {  	_ = 	snop  }
__scs_overlays_trampoline_lowered:
0x8: {  	[smem:$0x3FA8] =	sst s0  }
0x9: {  	[smem:$0x3FA9] =	sst s1  }
0xa: {  	[smem:$0x3FAA] =	sst s2  }
0xb: {  	[smem:$0x3FAB] =	sst s3  }
0xc: {  	[smem:$0x3FAC] =	sst s4  }
0xd: {  	[smem:$0x3FAD] =	sst s5  }
0xe: {  	[smem:$0x3FAE] =	sst s6  }
0xf: {  	[smem:$0x3FAF] =	sst s7  }
0x10: {  	[smem:$0x3FB0] =	sst s8  }
0x11: {  	[smem:$0x3FB1] =	sst s9;
	s0 =	simm.s32 @!p0 $0x0  }
0x12: {  	s1 =	sld [smem:$0x3F97];
	s0 =	simm.s32 @p0 $0x1  }
0x13: {  	[smem:$0x3FB2] =	sst s0;
	s0 =	simm.s32 @!p1 $0x0  }
0x14: {  	s2 =	sld [smem:$0x3F96];
	s0 =	simm.s32 @p1 $0x1  }
0x15: {  	[smem:$0x3FB3] =	sst s0;
	s0 =	simm.s32 @!p2 $0x0  }
0x16: {  	s3 =	sld [smem:$0x3FDB];
	s0 =	simm.s32 @p2 $0x1  }
0x17: {  	s4 =	simm.s32 $0x1BF5;
	[smem:$0x3FB5] =	sst s0  }
0x18: {  	s0 =	sld [smem:$0x3F98];
	_ =	swait.ge [sflag:s4], $0x0  }
0x19: {  	s7 =	sld [smem:$0x3F99]  }
0x1a: {  	s8 =	sadd.s32 $0xFFFFE003, lr  }
0x1b: {  	s9 =	sadd.s32 $0xFFFFFEF7, lr;
	s5 =	simm.s32 $0xFFFFFFFF;
	p2 =	slt.u32 s8, $0xFFFFF086  }
0x1c: {  	p1 =	slt.u32 s9, $0xF7A;
	s5 =	simm.s32 @!p2 $0x0  }
0x1d: {  	s5 =	simm.s32 @p1 $0x1;
	p0 =	seq.s32 s7, s2  }
0x1e: {  	s7 =	smul.u32 @!p0 $0xF7A, s2;
	p2 =	seq.s32 @!p0 s5, $0x0  }
0x1f: {  	s9 =	smul.u32 $0xF7A, s1;
	s8 =	simm.s32 @!p0 $0x1BF5;
	p2 =	por !p2, p0  }
0x20: {  	[sflag:s8] =	ssyncset.s32 @!p0 $0xFFFFF086;
	s6 =	sadd.s32 @!p0 s3, s7;
	s7 =	simm.s32 @!p0 $0x108  }
0x21: {  	s3 =	sadd.s32 s3, s9;
	s6 =	sadd.s32 @!p0 $0x88, s6;
	s7 =	simm.s32 @p2 $0x1082  }
0x22: {  	[simem:s7], [sflag:s8] =	dma.local @!p0 [hbm:s6], $0xF7A  }
0x23: {  	s9 =	sor.u32 $0xD0000000, s2;
	s6 =	simm.s32 $0x108;
	_ =	swait.ge @!p0 [sflag:s8], $0x0  }
0x24: {  	s3 =	sadd.s32 $0x88, s3;
	s6 =	simm.s32 @!p1 $0x1082;
	[sflag:s4] =	ssyncset.s32 $0xFFFFF086  }
0x25: {  	[simem:s6], [sflag:s4] =	dma.local [hbm:s3], $0xF7A  }
0x26: {  	[smem:$0x3F99] =	sst s1;
	(tag) =	ssettag s2;
	_ =	strace s9  }
0x27: {  	s1 =	sld [smem:$0x3FA9]  }
0x28: {  	s2 =	sld [smem:$0x3FAA]  }
0x29: {  	s4 =	sld [smem:$0x3FAC]  }
0x2a: {  	p0 =	seq.s32 s5, $0x0;
	s5 =	sld [smem:$0x3FAD]  }
0x2b: {  	s6 =	sld [smem:$0x3FAE]  }
0x2c: {  	s7 =	sld [smem:$0x3FAF]  }
0x2d: {  	s3 =	simm.s32 $0x108;
	s8 =	sld [smem:$0x3FB0]  }
0x2e: {  	s3 =	simm.s32 @!p0 $0x1082;
	s9 =	sld [smem:$0x3FB1]  }
0x2f: {  	lr =	sadd.s32 s0, s3;
	s0 =	sld [smem:$0x3FA8]  }
0x30: {  	s3 =	sld [smem:$0x3FAB]  }
0x31: {  	[smem:$0x3FB4] =	sst s10  }
0x32: {  	s10 =	sld [smem:$0x3FB2];
	_ =	sdelay $0x3  }
0x33: {  	p0 =	seq.s32 s10, $0x1;
	s10 =	sld [smem:$0x3FB4];
	_ =	sdelay $0x3  }
0x34: {  	[smem:$0x3FB4] =	sst s10  }
0x35: {  	s10 =	sld [smem:$0x3FB3];
	_ =	sdelay $0x3  }
0x36: {  	p1 =	seq.s32 s10, $0x1;
	s10 =	sld [smem:$0x3FB4];
	_ =	sdelay $0x3  }
0x37: {  	[smem:$0x3FB4] =	sst s10  }
0x38: {  	s10 =	sld [smem:$0x3FB5]  }
0x39: {  	_ = 	snop;
	(pc) =	sbr.ind lr, $3  }
0x3a: {  	_ = 	snop  }
0x3b: {  	_ = 	snop  }
0x3c: {  	p2 =	seq.s32 s10, $0x1;
	s10 =	sld [smem:$0x3FB4]  }
0x3d: {  	_ =	shalt  }
0x3e: {  	_ =	shalt  }
0x3f: {  	_ =	shalt  }
0x40: {  	_ =	shalt  }
0x41: {  	_ =	shalt  }
0x42: {  	_ =	shalt  }
0x43: {  	_ =	shalt  }
0x44: {  	_ =	shalt  }
0x45: {  	_ =	shalt  }
0x46: {  	_ =	shalt  }
0x47: {  	_ =	shalt  }
0x48: {  	_ =	shalt  }
0x49: {  	_ =	shalt  }
0x4a: {  	_ =	shalt  }
0x4b: {  	_ =	shalt  }
0x4c: {  	_ =	shalt  }
0x4d: {  	_ =	shalt  }
0x4e: {  	_ =	shalt  }
0x4f: {  	_ =	shalt  }
0x50: {  	_ =	shalt  }
0x51: {  	_ =	shalt  }
0x52: {  	_ =	shalt  }
0x53: {  	_ =	shalt  }
0x54: {  	_ =	shalt  }
0x55: {  	_ =	shalt  }
0x56: {  	_ =	shalt  }
0x57: {  	_ =	shalt  }
0x58: {  	_ =	shalt  }
0x59: {  	_ =	shalt  }
0x5a: {  	_ =	shalt  }
0x5b: {  	_ =	shalt  }
0x5c: {  	_ =	shalt  }
0x5d: {  	_ =	shalt  }
0x5e: {  	_ =	shalt  }
0x5f: {  	_ =	shalt  }
0x60: {  	_ =	shalt  }
0x61: {  	_ =	shalt  }
0x62: {  	_ =	shalt  }
0x63: {  	_ =	shalt  }
0x64: {  	_ =	shalt  }
0x65: {  	_ =	shalt  }
0x66: {  	_ =	shalt  }
0x67: {  	_ =	shalt  }
0x68: {  	_ =	shalt  }
0x69: {  	_ =	shalt  }
0x6a: {  	_ =	shalt  }
0x6b: {  	_ =	shalt  }
0x6c: {  	_ =	shalt  }
0x6d: {  	_ =	shalt  }
0x6e: {  	_ =	shalt  }
0x6f: {  	_ =	shalt  }
0x70: {  	_ =	shalt  }
0x71: {  	_ =	shalt  }
0x72: {  	_ =	shalt  }
0x73: {  	_ =	shalt  }
0x74: {  	_ =	shalt  }
0x75: {  	_ =	shalt  }
0x76: {  	_ =	shalt  }
0x77: {  	_ =	shalt  }
0x78: {  	_ =	shalt  }
0x79: {  	_ =	shalt  }
0x7a: {  	_ =	shalt  }
0x7b: {  	_ =	shalt  }
0x7c: {  	_ =	shalt  }
0x7d: {  	_ =	shalt  }
0x7e: {  	_ =	shalt  }
0x7f: {  	_ =	shalt  }
0x80: {  	_ =	shalt  }
0x81: {  	_ =	shalt  }
0x82: {  	_ =	shalt  }
0x83: {  	_ =	shalt  }
0x84: {  	_ =	shalt  }
0x85: {  	_ =	shalt  }
0x86: {  	_ =	shalt  }
0x87: {  	_ =	shalt  }
.Lfunc_end0:
.L_simem_size_0:
called_computation_lowered:
.L_overlay_start_0:
0x88: {  	s2 =	sld [smem:$0x3FD9]  }
0x89: {  	s3 =	sld [smem:$0x3FFE];
	_ =	sdelay $0x1  }
0x8a: {  	s1 =	srdreg.scid  }
0x8b: {  	s0 =	sand.u32 $0x1, s1  }
0x8c: {  	s30 =	sshll.u32 s0, $0xA;
	s2 =	sadd.s32 s3, s2  }
0x8d: {  	s2 =	sadd.s32 s2, s30  }
0x8e: {  	[smem:$0x3FC0] =	sst s2  }
0x8f: {  	_ = 	snop  }
0x90: {  	s2 =	sld [smem:$0x3FC9]  }
0x91: {  	s31 =	sld [smem:$0x3FC8]  }
0x92: {  	s4 =	sld [smem:$0x3FC7]  }
0x93: {  	s5 =	sld [smem:$0x3FC6]  }
0x94: {  	s6 =	sld [smem:$0x3FC5]  }
0x95: {  	s7 =	sld [smem:$0x3FD0]  }
0x96: {  	s8 =	sld [smem:$0x3FC4]  }
0x97: {  	s9 =	sld [smem:$0x3FC3]  }
0x98: {  	s11 =	simm.s32 $0xA;
	s12 =	simm.s32 $0x10;
	s10 =	sld [smem:$0x3FC2]  }
0x99: {  	[smem:s12], [sflag:s11] =	dma.local [hbm:s7], $0x1  }
0x9a: {  	_ =	swait.eq [sflag:s11], $0x1  }
0x9b: {  	[sflag:s11] =	ssyncset.done $0x0  }
0x9c: {  	s17 =	sld [smem:$0x10];
	[sflag:s11] =	ssyncadd.s32 $0xFFFFFFFF  }
0x9d: {  	s18 =	sld [smem:$0x11];
	(tm) =	ssettm $0x1  }
0x9e: {  	s19 =	sld [smem:$0x3FFB];
	_ =	sdelay $0x3  }
0x9f: {  	_ =	strace s19  }
0xa0: {  	s12 =	sld [smem:$0x3FFC];
	_ =	sdelay $0x3  }
0xa1: {  	_ =	strace s12  }
0xa2: {  	s12 =	sld [smem:$0x3FFD];
	_ =	sdelay $0x3  }
0xa3: {  	_ =	strace s12  }
0xa4: {  	_ =	strace $0x8FFFFFFF  }
0xa5: {  	s20 =	sld [smem:$0x3FDB];
	_ =	sdelay $0x1  }
0xa6: {  	s13 =	simm.s32 $_scs_section_size  }
0xa7: {  	s14 =	simm.s32 $_size__tile_overlayer_lowered;
	s15 =	simm.s32 $_tile_overlayer_lowered  }
0xa8: {  	s23 =	simm.s32 $0x1BFF;
	s22 =	sshll.u32 s15, $0x1;
	s12 =	sadd.s32 s13, s20  }
0xa9: {  	s16 =	simm.s32 $0x0;
	s21 =	sshll.u32 s14, $0x1;
	s14 =	sadd.s32 s22, s12  }
0xaa: {  	[timem:s16], [sflag:s23] =	dma.local [hbm:s14], s21  }
0xab: {  	_ =	swait.ge [sflag:s23], s21  }
0xac: {  	s13 =	ssub.s32 $0x0, s21;
	[sflag:s23] =	ssyncset.done $0x0  }
0xad: {  	[sflag:s23] =	ssyncadd.s32 s13;
	_ =	sdelay $0x1  }
0xae: {  	s24 =	simm.s32 $0x1B8B  }
0xaf: {  	_ =	swait.ge [sflag:s24], $0x1  }
0xb0: {  	[sflag:s24] =	ssyncset.done $0x0  }
0xb1: {  	s25 =	simm.s32 $0x1B8E;
	[sflag:s24] =	ssyncadd.s32 $0xFFFFFFFF  }
0xb2: {  	s26 =	simm.s32 $execute0_lowered;
	[smem:$0x3FD2] =	sst s25  }
0xb3: {  	s13 =	sshll.u32 s26, $0x1;
	_ =	strace $0x80000046;
	[dreg:$0x1] =	wrdreg $0xFFFFFFFF  }
0xb4: {  	s28 =	simm.s32 $_size_execute0_lowered;
	s12 =	sadd.s32 s12, s13;
	[dreg:$0x0] =	wrdreg $0x0  }
0xb5: {  	s13 =	sshll.u32 s28, $0x1;
	[dreg:$0x2] =	wrdreg s12  }
0xb6: {  	[dreg:$0x3] =	wrdreg s13  }
0xb7: {  	[dreg:$0x4] =	wrdreg $0xC0  }
0xb8: {  	_ =	task [dreg:s16], $0x5FFFF  }
0xb9: {  	[dreg:$0x1] =	wrdreg $0xFFFFFFFF  }
0xba: {  	[dreg:$0x0] =	wrdreg $0x60  }
0xbb: {  	[dreg:$0x2] =	wrdreg s2  }
0xbc: {  	[dreg:$0x3] =	wrdreg s31  }
0xbd: {  	[dreg:$0x4] =	wrdreg s4  }
0xbe: {  	[dreg:$0x5] =	wrdreg s5  }
0xbf: {  	[dreg:$0x6] =	wrdreg s6  }
0xc0: {  	[dreg:$0x7] =	wrdreg s8  }
0xc1: {  	[dreg:$0x8] =	wrdreg s9  }
0xc2: {  	[dreg:$0x9] =	wrdreg s10  }
0xc3: {  	[dreg:$0xa] =	wrdreg s17  }
0xc4: {  	[dreg:$0xb] =	wrdreg s18  }
0xc5: {  	[dreg:$0xc] =	wrdreg $0x9  }
0xc6: {  	_ =	task.clear_ibuf [dreg:s16], $0xDFFFF;
	_ =	strace $0x90000046  }
0xc7: {  	s29 =	simm.s32 $0x9;
	_ =	strace $0x80000048  }
0xc8: {  	_ =	swait.ge [sflag:s29], $0x1  }
0xc9: {  	[sflag:s29] =	ssyncadd.s32 $0xFFFFFFFF  }
0xca: {  	_ =	strace $0x90000048  }
0xcb: {  	_ =	sfence  }
0xcc: {  	s30 =	sld [smem:$0x0];
	_ =	sdelay $0x2  }
0xcd: {  	s31 =	sshll.u32 s1, $0xD;
	s1 =	sshrl.u32 s1, $0x2  }
0xce: {  	s3 =	sand.u32 $0x4000, s31;
	s1 =	sadd.s32 s1, s30  }
0xcf: {  	s0 =	sor.u32 s3, s0;
	s1 =	sshll.u32 s1, $0x11  }
0xd0: {  	s0 =	sor.u32 s1, s0  }
0xd1: {  	s0 =	sadd.s32 $0x8F2B, s0  }
0xd2: {  	[sflag:s0] =	ssyncadd.remote.s32 $0x1  }
0xd3: {  	_ =	sfence.sel $0xFFFF  }
0xd4: {  	[dreg:$0x0] =	wrdreg $0xFFFFFFFF;
	(pc) =	sbr.abs _section_cstart, $3  }
0xd5: {  	[dreg:$0x1] =	wrdreg $0xFFFFFFFF  }
0xd6: {  	_ =	task.clear_ibuf [dreg:s16], $0x2FFFF;
	_ =	strace $0x9FFFFFFF  }
0xd7: {  	(tm) =	ssettm $0x7FFFFFFF  }
tec
execute0_lowered:
.L_overlay_start_1:
0x0: {  	(tag) =	ssettag $0x1  }
0x1: {  	s0 =	rddreg [dreg:$0x0]  }
0x2: {  	s3 =	rddreg [dreg:$0x1]  }
0x3: {  	s5 =	rddreg [dreg:$0x2]  }
0x4: {  	s6 =	rddreg [dreg:$0x3]  }
0x5: {  	s7 =	rddreg [dreg:$0x4]  }
0x6: {  	s8 =	rddreg [dreg:$0x5]  }
0x7: {  	s1 =	rddreg [dreg:$0x6]  }
0x8: {  	s2 =	rddreg [dreg:$0x7]  }
0x9: {  	s11 =	rddreg [dreg:$0x8]  }
0xa: {  	s12 =	rddreg [dreg:$0x9]  }
0xb: {  	s4 =	simm.s32 $0x0;
	s9 =	srdreg.scid;
	v0 =	vimm.s32 $0xFEDCBA98;
	v1 =	vimm.s32 $0x76543210;
	s18 =	simm.s32 $0x600  }
0xc: {  	s13 =	stileid.u32;
	v2 =	vimm.s32 $0xBA98FEDC;
	s19 =	simm.s32 $0xC00;
	s20 =	simm.s32 $0x8C00;
	v3 =	vimm.s32 $0x32107654  }
0xd: {  	s21 =	simm.s32 $0x10C00;
	s22 =	simm.s32 $0x1;
	s23 =	simm.s32 $0x4C00;
	v4 =	vimm.s32 $0xDCFE98BA;
	v5 =	vimm.s32 $0x54761032  }
0xe: {  	v6 =	vimm.s32 $0xEFCDAB89;
	v7 =	vimm.s32 $0x67452301;
	s29 =	simm.s32 $0x14C00;
	s30 =	simm.s32 $0x18C00;
	s24 =	simm.s32 $0x2  }
0xf: {  	s31 =	simm.s32 $0x0;
	[smem:$0x7FF] =	sst s4;
	s9 =	sand.u32 $0x1, s9;
	v0 =	vunpack.c.l.s4.s8 v0;
	v1 =	vunpack.c.l.s4.s8 v1;
	v2 =	vunpack.c.l.s4.s8 v2  }
0x10: {  	s13 =	sshll.u32 s13, $0x7;
	v3 =	vunpack.c.l.s4.s8 v3;
	v4 =	vunpack.c.l.s4.s8 v4;
	v5 =	vunpack.c.l.s4.s8 v5;
	s10 =	ssub.s32 $0x2, s9;
	s9 =	sshll.u32 s9, $0x6  }
0x11: {  	v6 =	vunpack.c.l.s4.s8 v6;
	v7 =	vunpack.c.l.s4.s8 v7;
	_ =	strace $0x80000047;
	s14 =	sshrl.u32 s10, $0x1;
	s13 =	sor.u32 s9, s13;
	v0 =	vunpack.c.0.s8.s32 v0  }
0x12: {  	v2 =	vunpack.c.0.s8.s32 v2;
	v3 =	vunpack.c.0.s8.s32 v3;
	v4 =	vunpack.c.0.s8.s32 v4;
	s14 =	ssub.s32 s10, s14;
	s0 =	sadd.s32 s0, s13;
	s25 =	sadd.s32 s3, s13  }
0x13: {  	v5 =	vunpack.c.0.s8.s32 v5;
	v6 =	vunpack.c.0.s8.s32 v6;
	v7 =	vunpack.c.0.s8.s32 v7;
	s26 =	sadd.s32 s5, s13;
	s28 =	sadd.s32 s6, s13;
	[dreg:$0xb] =	wrdreg s0  }
0x14: {  	v1 =	vunpack.c.0.s8.s32 v1;
	s9 =	sadd.s32 s7, s13;
	s10 =	sadd.s32 s8, s13;
	[dreg:$0xc] =	wrdreg s25;
	v2 =	vcombine.low v3, v2  }
0x15: {  	s11 =	sadd.s32 s11, s13;
	s12 =	sadd.s32 s12, s13;
	[dreg:$0xd] =	wrdreg s26;
	v3 =	vcombine.low v5, v4;
	v4 =	vcombine.low v7, v6;
	v0 =	vand.u32 $0xF, v0  }
0x16: {  	s8 =	simm.s32 $0x200;
	s3 =	simm.s32 $0x3;
	[dreg:$0xe] =	wrdreg s28;
	v0 =	vcombine.low v0, v1  }
0x17: {  	s13 =	smax.u32 s14, $0x1;
	s25 =	simm.s32 $0x80;
	s26 =	simm.s32 $0xCC00;
	v1 =	vand.u32 $0xF, v2;
	v2 =	vand.u32 $0xF, v3;
	v3 =	vand.u32 $0xF, v4  }
.LBB2_1:
0x18: {  	s0 =	rddreg [dreg:$0xb]  }
0x19: {  	[tilespmem:s4], [sflag:$0x1] =	stream.linear.gather [hbm4b:s0+s4], $0x200, $0x38;
	[tilespmem:$0x19000] =	vst v63  }
0x1a: {  	s14 =	rddreg [dreg:$0xc];
	s5 =	simm.s32 $0x400  }
0x1b: {  	[tilespmem:s5], [sflag:$0x1] =	stream.linear.gather [hbm4b:s14+s4], $0x200, $0x38;
	[tilespmem:$0x19000] =	vst v63  }
0x1c: {  	s15 =	rddreg [dreg:$0xd];
	s6 =	simm.s32 $0x800  }
0x1d: {  	[tilespmem:s6], [sflag:$0x1] =	stream.linear.gather [hbm4b:s15+s4], $0x200, $0x38;
	[tilespmem:$0x19000] =	vst v63  }
0x1e: {  	s16 =	rddreg [dreg:$0xe]  }
0x1f: {  	[tilespmem:s8], [sflag:$0x3] =	stream.linear.gather [hbm4b:s16+s4], $0x200, $0x38;
	[tilespmem:$0x19000] =	vst v63  }
0x20: {  	_ = 	snop  }
0x21: {  	[tilespmem:s18], [sflag:$0x3] =	stream.linear.gather [hbm4b:s9+s4], $0x200, $0x38;
	[tilespmem:$0x19000] =	vst v63  }
0x22: {  	s17 =	simm.s32 $0xA00  }
0x23: {  	[tilespmem:s17], [sflag:$0x3] =	stream.linear.gather [hbm4b:s10+s4], $0x200, $0x38;
	[tilespmem:$0x19000] =	vst v63  }
0x24: {  	_ =	swait.ge [sflag:s22], $0x200  }
0x25: {  	[sflag:s22] =	ssyncset.done $0x0  }
0x26: {  	[sflag:s22] =	ssyncadd.s32 $0xFFFFFE00  }
0x27: {  	_ =	swait.ge [sflag:s22], $0x200  }
0x28: {  	[sflag:s22] =	ssyncset.done $0x0  }
0x29: {  	[sflag:s22] =	ssyncadd.s32 $0xFFFFFE00  }
0x2a: {  	_ =	swait.ge [sflag:s22], $0x200  }
0x2b: {  	[sflag:s22] =	ssyncset.done $0x0  }
0x2c: {  	[sflag:s22] =	ssyncadd.s32 $0xFFFFFE00  }
0x2d: {  	[tilespmem:s19], [sflag:$0x1] =	stream.indirect.gather [hbm4b:s1+s25], $0x80, s4, s25, $0xb8;
	[tilespmem:$0x19000] =	vst v63  }
0x2e: {  	_ = 	snop  }
0x2f: {  	[tilespmem:s20], [sflag:$0x1] =	stream.indirect.gather [hbm4b:s2+s25], $0x80, s5, s25, $0xb8;
	[tilespmem:$0x19000] =	vst v63  }
0x30: {  	_ = 	snop  }
0x31: {  	[tilespmem:s21], [sflag:$0x1] =	stream.indirect.gather [hbm4b:s1+s25], $0x80, s6, s25, $0xb8;
	[tilespmem:$0x19000] =	vst v63  }
0x32: {  	_ = 	snop  }
0x33: {  	[tilespmem:s23], [sflag:$0x2] =	stream.indirect.gather [hbm4b:s1+s25], $0x80, s25, s25, $0xb8;
	[tilespmem:$0x19000] =	vst v63  }
0x34: {  	s6 =	simm.s32 $0x480  }
0x35: {  	[tilespmem:s26], [sflag:$0x2] =	stream.indirect.gather [hbm4b:s2+s25], $0x80, s6, s25, $0xb8;
	[tilespmem:$0x19000] =	vst v63  }
0x36: {  	s7 =	simm.s32 $0x880  }
0x37: {  	[tilespmem:s29], [sflag:$0x2] =	stream.indirect.gather [hbm4b:s1+s25], $0x80, s7, s25, $0xb8;
	[tilespmem:$0x19000] =	vst v63  }
0x38: {  	_ =	swait.ge [sflag:s22], $0x4000  }
0x39: {  	[sflag:s22] =	ssyncset.done $0x0  }
0x3a: {  	[sflag:s22] =	ssyncadd.s32 $0xFFFFC000  }
0x3b: {  	_ =	swait.ge [sflag:s22], $0x4000  }
0x3c: {  	[sflag:s22] =	ssyncset.done $0x0  }
0x3d: {  	[sflag:s22] =	ssyncadd.s32 $0xFFFFC000  }
0x3e: {  	_ =	swait.ge [sflag:s22], $0x4000  }
0x3f: {  	[sflag:s22] =	ssyncset.done $0x0  }
0x40: {  	s14 =	simm.s32 $0x8D00;
	[sflag:s22] =	ssyncadd.s32 $0xFFFFC000  }
0x41: {  	s15 =	simm.s32 $0xD00;
	v4 =	vld [tilespmem:s14+$0xE0]  }
0x42: {  	s16 =	simm.s32 $0x10D00;
	v5 =	vld [tilespmem:s15+$0xE0]  }
0x43: {  	v6 =	vld [tilespmem:s16+$0xE0]  }
0x44: {  	v7 =	vld [tilespmem:s15+$0xF0]  }
0x45: {  	v8 =	vld [tilespmem:s16+$0xF0]  }
0x46: {  	v9 =	vld [tilespmem:s14+$0x80]  }
0x47: {  	v10 =	vld [tilespmem:s14+$0x90]  }
0x48: {  	v11 =	vld [tilespmem:s15+$0xC0]  }
0x49: {  	v12 =	vld [tilespmem:s16+$0xC0]  }
0x4a: {  	v13 =	vld [tilespmem:s15+$0xD0]  }
0x4b: {  	v14 =	vld [tilespmem:s16+$0xD0]  }
0x4c: {  	v15 =	vld [tilespmem:s15+$0x80]  }
0x4d: {  	v16 =	vld [tilespmem:s16+$0x80]  }
0x4e: {  	v17 =	vld [tilespmem:s15+$0x90]  }
0x4f: {  	v18 =	vld [tilespmem:s16+$0x90]  }
0x50: {  	v19 =	vld [tilespmem:s15+$0xA0]  }
0x51: {  	v20 =	vld [tilespmem:s16+$0xA0]  }
0x52: {  	v21 =	vld [tilespmem:s15+$0xB0]  }
0x53: {  	v22 =	vld [tilespmem:s16+$0xB0]  }
0x54: {  	v23 =	vld [tilespmem:s14+$0xA0]  }
0x55: {  	v24 =	vld [tilespmem:s14+$0xB0]  }
0x56: {  	v25 =	vld [tilespmem:s14+$0xC0]  }
0x57: {  	v26 =	vld [tilespmem:s14+$0xD0]  }
0x58: {  	v27 =	vld [tilespmem:s14+$0xF0]  }
0x59: {  	v28 =	vld [tilespmem:s16+$0xFFFFFF00]  }
0x5a: {  	v29 =	vld [tilespmem:s15+$0xFFFFFF10]  }
0x5b: {  	v30 =	vld [tilespmem:s16+$0xFFFFFF10]  }
0x5c: {  	v31 =	vld [tilespmem:s15+$0xFFFFFF20]  }
0x5d: {  	v32 =	vld [tilespmem:s16+$0xFFFFFF20]  }
0x5e: {  	v33 =	vld [tilespmem:s15+$0xFFFFFF30]  }
0x5f: {  	v34 =	vld [tilespmem:s16+$0xFFFFFF30]  }
0x60: {  	v35 =	vld [tilespmem:s15+$0xFFFFFF80]  }
0x61: {  	v36 =	vld [tilespmem:s16+$0xFFFFFF80]  }
0x62: {  	v37 =	vld [tilespmem:s15+$0xFFFFFF90]  }
0x63: {  	v38 =	vld [tilespmem:s16+$0xFFFFFF90]  }
0x64: {  	v39 =	vld [tilespmem:s15+$0xFFFFFFA0]  }
0x65: {  	v40 =	vld [tilespmem:s16+$0xFFFFFFA0]  }
0x66: {  	v41 =	vld [tilespmem:s15+$0xFFFFFFB0]  }
0x67: {  	v42 =	vld [tilespmem:s16+$0xFFFFFFB0]  }
0x68: {  	v43 =	vld [tilespmem:s15+$0x0]  }
0x69: {  	v44 =	vld [tilespmem:s16+$0x0]  }
0x6a: {  	v45 =	vld [tilespmem:s15+$0x10]  }
0x6b: {  	v46 =	vld [tilespmem:s16+$0x10]  }
0x6c: {  	v47 =	vld [tilespmem:s15+$0x20]  }
0x6d: {  	v48 =	vld [tilespmem:s16+$0x20]  }
0x6e: {  	v49 =	vld [tilespmem:s15+$0x30]  }
0x6f: {  	v50 =	vld [tilespmem:s16+$0x30]  }
0x70: {  	v51 =	vld [tilespmem:s15+$0xFFFFFF00]  }
0x71: {  	v52 =	vld [tilespmem:s14+$0xFFFFFF00]  }
0x72: {  	v53 =	vld [tilespmem:s14+$0xFFFFFF10]  }
0x73: {  	v62 =	vld [tilespmem:s15+$0x40]  }
0x74: {  	v63 =	vld [tilespmem:s16+$0x40]  }
0x75: {  	v54 =	vld [tilespmem:s15+$0x50]  }
0x76: {  	v57 =	vld [tilespmem:s16+$0x50]  }
0x77: {  	v59 =	vld [tilespmem:s14+$0xFFFFFF50]  }
0x78: {  	v61 =	vld [tilespmem:s14+$0x50];
	v5 =	vsub.f32 v5, v6  }
0x79: {  	v6 =	vsub.f32 v7, v8;
	v7 =	vld [tilespmem:s14+$0xFFFFFF20];
	v8 =	vsub.f32 v11, v12  }
0x7a: {  	v11 =	vsub.f32 v13, v14;
	v12 =	vld [tilespmem:s14+$0xFFFFFF30];
	v13 =	vsub.f32 v15, v16  }
0x7b: {  	v14 =	vsub.f32 v17, v18;
	v15 =	vld [tilespmem:s15+$0xFFFFFF40];
	v16 =	vsub.f32 v19, v20  }
0x7c: {  	v17 =	vsub.f32 v21, v22;
	v18 =	vld [tilespmem:s16+$0xFFFFFF40];
	v21 =	vsub.f32 v29, v30  }
0x7d: {  	v19 =	vld [tilespmem:s14+$0xFFFFFF80];
	v29 =	vsub.f32 v37, v38;
	v28 =	vsub.f32 v51, v28  }
0x7e: {  	v20 =	vld [tilespmem:s14+$0xFFFFFF90];
	v58 =	vsub.f32 v47, v48;
	v9 =	vadd.f32 v13, v9  }
0x7f: {  	v22 =	vld [tilespmem:s14+$0x20];
	v10 =	vadd.f32 v14, v10;
	v14 =	vadd.f32 v16, v23  }
0x80: {  	v13 =	vld [tilespmem:s15+$0xFFFFFF50];
	v16 =	vadd.f32 v17, v24;
	v8 =	vadd.f32 v8, v25  }
0x81: {  	v17 =	vld [tilespmem:s16+$0xFFFFFF50];
	v11 =	vadd.f32 v11, v26;
	v4 =	vadd.f32 v5, v4  }
0x82: {  	v6 =	vadd.f32 v6, v27;
	v23 =	vsub.f32 v31, v32;
	v26 =	vld [tilespmem:s14+$0x30]  }
0x83: {  	v24 =	vsub.f32 v33, v34;
	v27 =	vsub.f32 v35, v36;
	v5 =	vmul.f32 v8, v8;
	v8 =	vld [tilespmem:s14+$0xFFFFFFA0]  }
0x84: {  	v28 =	vadd.f32 v28, v52;
	v7 =	vadd.f32 v23, v7;
	v23 =	vld [tilespmem:s14+$0xFFFFFF40]  }
0x85: {  	v9 =	vmul.f32 v9, v9;
	v10 =	vmul.f32 v10, v10;
	v12 =	vadd.f32 v24, v12;
	v24 =	vld [tilespmem:s15+$0xFFFFFF60]  }
0x86: {  	v14 =	vmul.f32 v14, v14;
	v16 =	vmul.f32 v16, v16;
	v15 =	vsub.f32 v15, v18;
	v18 =	vld [tilespmem:s16+$0xFFFFFF60]  }
0x87: {  	v19 =	vadd.f32 v27, v19;
	v20 =	vadd.f32 v29, v20;
	v27 =	vld [tilespmem:s14+$0xFFFFFFD0]  }
0x88: {  	v11 =	vmul.f32 v11, v11;
	v29 =	vld [tilespmem:s14+$0x40];
	v9 =	vadd.f32 v14, v9;
	v10 =	vadd.f32 v16, v10  }
0x89: {  	v21 =	vadd.f32 v21, v53;
	v4 =	vmul.f32 v4, v4;
	v6 =	vmul.f32 v6, v6;
	v14 =	vld [tilespmem:s14+$0xFFFFFFB0]  }
0x8a: {  	v28 =	vmul.f32 v28, v28;
	v16 =	vld [tilespmem:s15+$0xFFFFFFC0];
	v5 =	vadd.f32 v5, v9;
	v9 =	vadd.f32 v11, v10  }
0x8b: {  	v13 =	vsub.f32 v13, v17;
	v17 =	vmul.f32 v20, v20;
	v20 =	vadd.f32 v58, v22;
	v22 =	vld [tilespmem:s15+$0xFFFFFFF0]  }
0x8c: {  	v7 =	vmul.f32 v7, v7;
	v10 =	vld [tilespmem:s16+$0xFFFFFFC0];
	v4 =	vadd.f32 v4, v5;
	v5 =	vadd.f32 v6, v9  }
0x8d: {  	v42 =	vsub.f32 v41, v42;
	v21 =	vmul.f32 v21, v21;
	v12 =	vmul.f32 v12, v12;
	v11 =	vld [tilespmem:s15+$0xFFFFFFD0]  }
0x8e: {  	v7 =	vadd.f32 v7, v28;
	v28 =	vld [tilespmem:s15+$0xFFFFFF70];
	v4 =	vadd.f32 v5, v4  }
0x8f: {  	v55 =	vsub.f32 v43, v44;
	v12 =	vadd.f32 v12, v21;
	v21 =	vld [tilespmem:s14+$0xFFFFFFC0]  }
0x90: {  	v56 =	vsub.f32 v45, v46;
	v60 =	vsub.f32 v49, v50;
	v6 =	vld [tilespmem:s16+$0xFFFFFFD0];
	v25 =	vperm.xlane v4, v0  }
0x91: {  	v13 =	vadd.f32 v13, v59;
	v9 =	vld [tilespmem:s14+$0x0];
	v15 =	vadd.f32 v15, v23  }
0x92: {  	v23 =	vld [tilespmem:s16+$0x60];
	v4 =	vadd.f32 v4, v25;
	v25 =	vsub.f32 v39, v40  }
0x93: {  	v19 =	vmul.f32 v19, v19;
	v18 =	vsub.f32 v24, v18;
	v14 =	vadd.f32 v42, v14;
	v5 =	vld [tilespmem:s14+$0x10]  }
0x94: {  	v24 =	vld [tilespmem:s14+$0xFFFFFF60];
	v13 =	vmul.f32 v13, v13;
	v15 =	vmul.f32 v15, v15;
	v8 =	vadd.f32 v25, v8  }
0x95: {  	v26 =	vadd.f32 v60, v26;
	v10 =	vsub.f32 v16, v10;
	v16 =	vld [tilespmem:s15+$0xFFFFFFE0];
	v14 =	vmul.f32 v14, v14  }
0x96: {  	v7 =	vadd.f32 v15, v7;
	v15 =	vadd.f32 v13, v12;
	v12 =	vld [tilespmem:s14+$0xFFFFFF70];
	v8 =	vmul.f32 v8, v8  }
0x97: {  	v20 =	vmul.f32 v20, v20;
	v9 =	vadd.f32 v55, v9;
	v14 =	vadd.f32 v14, v17;
	v25 =	vld [tilespmem:s16+$0xFFFFFF70]  }
0x98: {  	v26 =	vmul.f32 v26, v26;
	v5 =	vadd.f32 v56, v5;
	v8 =	vadd.f32 v8, v19;
	v19 =	vld [tilespmem:s16+$0xFFFFFFE0]  }
0x99: {  	v17 =	vld [tilespmem:s16+$0xFFFFFFF0];
	v6 =	vsub.f32 v11, v6;
	v10 =	vadd.f32 v10, v21;
	v9 =	vmul.f32 v9, v9  }
0x9a: {  	v11 =	vsub.f32 v62, v63;
	v62 =	vld [tilespmem:s15+$0x70];
	v18 =	vadd.f32 v18, v24;
	v5 =	vmul.f32 v5, v5  }
0x9b: {  	v21 =	vld [tilespmem:s16+$0x70];
	v6 =	vadd.f32 v6, v27;
	v10 =	vmul.f32 v10, v10;
	v9 =	vadd.f32 v20, v9  }
0x9c: {  	v18 =	vmul.f32 v18, v18;
	v20 =	vld [tilespmem:s15+$0x60];
	v5 =	vadd.f32 v26, v5;
	v26 =	vsub.f32 v54, v57  }
0x9d: {  	v6 =	vmul.f32 v6, v6;
	v13 =	vsub.f32 v28, v25;
	v16 =	vsub.f32 v16, v19;
	v19 =	vld [tilespmem:s14+$0xFFFFFFE0]  }
0x9e: {  	v25 =	vadd.f32 v10, v8;
	v8 =	vadd.f32 v11, v29;
	v10 =	vld [tilespmem:s14+$0xFFFFFFF0]  }
0x9f: {  	v7 =	vadd.f32 v18, v7;
	v6 =	vadd.f32 v6, v14;
	v14 =	vld [tilespmem:s14+$0x60]  }
0xa0: {  	v24 =	vld [tilespmem:s14+$0x70];
	s15 =	simm.s32 $0x10F00;
	v17 =	vsub.f32 v22, v17;
	v11 =	vadd.f32 v26, v61;
	v22 =	vmul.f32 v8, v8  }
0xa1: {  	v20 =	vsub.f32 v20, v23;
	v23 =	vld [tilespmem:s15+$0x90];
	v13 =	vadd.f32 v13, v12  }
0xa2: {  	s0 =	simm.s32 $0x8F00;
	v12 =	vld [tilespmem:s15+$0xE0];
	v11 =	vmul.f32 v11, v11;
	v22 =	vadd.f32 v22, v9;
	v16 =	vadd.f32 v16, v19  }
0xa3: {  	v8 =	vld [tilespmem:s0+$0xE0];
	s14 =	simm.s32 $0xF00;
	v10 =	vadd.f32 v17, v10;
	v19 =	vsub.f32 v62, v21;
	v21 =	vmul.f32 v13, v13  }
0xa4: {  	v9 =	vld [tilespmem:s14+$0xE0];
	v5 =	vadd.f32 v11, v5;
	v17 =	vadd.f32 v20, v14;
	v16 =	vmul.f32 v16, v16  }
0xa5: {  	v11 =	vld [tilespmem:s0+$0x90];
	v18 =	vmul.f32 v10, v10;
	v15 =	vadd.f32 v21, v15;
	v19 =	vadd.f32 v19, v24  }
0xa6: {  	v27 =	vperm.xlane v4, v1;
	v14 =	vld [tilespmem:s15+$0xF0];
	v20 =	vadd.f32 v16, v25;
	v16 =	vmul.f32 v17, v17  }
0xa7: {  	v10 =	vld [tilespmem:s0+$0x80];
	v6 =	vadd.f32 v18, v6;
	v7 =	vadd.f32 v15, v7;
	v17 =	vmul.f32 v19, v19  }
0xa8: {  	v4 =	vadd.f32 v4, v27;
	v13 =	vld [tilespmem:s14+$0xF0];
	v21 =	vadd.f32 v16, v22  }
0xa9: {  	v18 =	vld [tilespmem:s14+$0xD0];
	v22 =	vperm.xlane v7, v0;
	v6 =	vadd.f32 v6, v20;
	v5 =	vadd.f32 v17, v5  }
0xaa: {  	v15 =	vld [tilespmem:s14+$0xC0];
	v17 =	vperm.xlane v4, v2  }
0xab: {  	s17 =	simm.s32 $0x3;
	v19 =	vld [tilespmem:s15+$0xD0];
	v7 =	vadd.f32 v7, v22;
	v22 =	vperm.xlane v6, v0;
	v5 =	vadd.f32 v5, v21  }
0xac: {  	v16 =	vld [tilespmem:s15+$0xC0];
	v4 =	vadd.f32 v4, v17;
	v17 =	vmov s17  }
0xad: {  	v20 =	vld [tilespmem:s14+$0x80];
	v24 =	vperm.xlane v7, v1;
	v6 =	vadd.f32 v6, v22;
	v25 =	vperm.xlane v5, v0  }
0xae: {  	v21 =	vld [tilespmem:s15+$0x80];
	v26 =	vperm.xlane v4, v3  }
0xaf: {  	v22 =	vld [tilespmem:s14+$0x90];
	v7 =	vadd.f32 v7, v24;
	v27 =	vperm.xlane v6, v1;
	v28 =	vadd.f32 v5, v25  }
0xb0: {  	v4 =	vadd.f32 v4, v26;
	v24 =	vld [tilespmem:s14+$0xA0]  }
0xb1: {  	v25 =	vld [tilespmem:s15+$0xA0];
	v29 =	vperm.xlane v7, v2;
	v5 =	vadd.f32 v6, v27;
	v63 =	vperm.xlane v28, v1  }
0xb2: {  	s28 =	simm.s32 $0x4;
	v26 =	vld [tilespmem:s14+$0xB0];
	[tilespmem:v17+s30+$0x0] =	vst.idx.msk $0x1, v4;
	v17 =	vmov s4  }
0xb3: {  	s5 =	simm.s32 $0x2;
	s6 =	simm.s32 $0x1;
	s16 =	simm.s32 $0x8;
	v27 =	vld [tilespmem:s15+$0xB0];
	v4 =	vadd.f32 v7, v29;
	v6 =	vperm.xlane v5, v2;
	v7 =	vadd.f32 v28, v63  }
.LBB2_2:
0xb4: {  	p0 =	slt.u32 s16, $0x7C;
	v28 =	vld [tilespmem:s0+$0xA0];
	v17 =	vand.u32 $0xFFFFFFFC, v17;
	v29 =	vmov s6;
	v30 =	vmov s5;
	s17 =	smov.u32 s28;
	s28 =	smov.u32 s16  }
0xb5: {  	v9 =	vsub.f32 v9, v12;
	v12 =	vsub.f32 v13, v14;
	v31 =	vld [tilespmem:s0+$0xB0];
	v13 =	vperm.xlane v7, v2  }
0xb6: {  	v15 =	vsub.f32 v15, v16;
	v16 =	vsub.f32 v18, v19;
	v18 =	vperm.xlane v4, v3;
	v14 =	vld [tilespmem:s0+$0xC0]  }
0xb7: {  	v19 =	vsub.f32 v20, v21;
	v20 =	vsub.f32 v22, v23;
	v17 =	vbroadcast v17, $0x0;
	v21 =	vld [tilespmem:s0+$0xD0]  }
0xb8: {  	v22 =	vsub.f32 v24, v25;
	v25 =	vand.u32 $0xFFFFFFFD, v29;
	v23 =	vsub.f32 v26, v27;
	v24 =	vld [tilespmem:s0+$0xF0]  }
0xb9: {  	v10 =	vadd.f32 v19, v10;
	v11 =	vadd.f32 v20, v11;
	v19 =	vand.u32 $0xFFFFFFFE, v30;
	v26 =	vld [tilespmem:s15+$0xFFFFFF00]  }
0xba: {  	v25 =	vbroadcast v25, $0x0;
	v22 =	vadd.f32 v22, v28;
	v20 =	vld [tilespmem:s14+$0xFFFFFF10];
	v23 =	vadd.f32 v23, v31  }
0xbb: {  	v10 =	vmul.f32 v10, v10;
	v11 =	vmul.f32 v11, v11;
	v27 =	vld [tilespmem:s15+$0xFFFFFF10];
	v14 =	vadd.f32 v15, v14  }
0xbc: {  	v22 =	vmul.f32 v22, v22;
	v15 =	vld [tilespmem:s14+$0xFFFFFF20];
	v23 =	vmul.f32 v23, v23;
	v16 =	vadd.f32 v16, v21  }
0xbd: {  	v8 =	vadd.f32 v9, v8;
	v21 =	vld [tilespmem:s15+$0xFFFFFF20];
	v14 =	vmul.f32 v14, v14;
	v9 =	vadd.f32 v12, v24  }
0xbe: {  	v10 =	vadd.f32 v22, v10;
	v12 =	vld [tilespmem:s14+$0xFFFFFF30];
	v11 =	vadd.f32 v23, v11;
	v16 =	vmul.f32 v16, v16  }
0xbf: {  	v5 =	vadd.f32 v5, v6;
	v6 =	vadd.f32 v7, v13;
	v8 =	vmul.f32 v8, v8;
	v22 =	vld [tilespmem:s15+$0xFFFFFF30]  }
0xc0: {  	v10 =	vadd.f32 v14, v10;
	v9 =	vmul.f32 v9, v9;
	v7 =	vld [tilespmem:s14+$0xFFFFFF80];
	v11 =	vadd.f32 v16, v11  }
0xc1: {  	v13 =	vsub.f32 v20, v27;
	v16 =	vperm.xlane v5, v3;
	v20 =	vperm.xlane v6, v3;
	v14 =	vld [tilespmem:s15+$0xFFFFFF80]  }
0xc2: {  	v8 =	vadd.f32 v8, v10;
	v10 =	vbroadcast v19, $0x0;
	v23 =	vld [tilespmem:s14+$0xFFFFFF90];
	v9 =	vadd.f32 v9, v11  }
0xc3: {  	v4 =	vadd.f32 v4, v18;
	v11 =	vsub.f32 v15, v21;
	v15 =	vld [tilespmem:s15+$0xFFFFFF90]  }
0xc4: {  	v12 =	vsub.f32 v12, v22;
	v18 =	vld [tilespmem:s14+$0xFFFFFFA0];
	v8 =	vadd.f32 v9, v8  }
0xc5: {  	v9 =	vld [tilespmem:s15+$0xFFFFFFA0];
	[tilespmem:v17+s30+$0x0] =	vst.idx.msk $0x1, v4;
	v4 =	vadd.f32 v5, v16;
	v5 =	vadd.f32 v6, v20  }
0xc6: {  	v6 =	vsub.f32 v7, v14;
	v7 =	vld [tilespmem:s14+$0xFFFFFFB0];
	v14 =	vperm.xlane v8, v0  }
0xc7: {  	v16 =	vld [tilespmem:s15+$0xFFFFFFB0];
	[tilespmem:v25+s30+$0x0] =	vst.idx.msk $0x1, v4  }
0xc8: {  	v4 =	vsub.f32 v23, v15;
	v15 =	vld [tilespmem:s14+$0x0];
	v8 =	vadd.f32 v8, v14;
	[tilespmem:v10+s30+$0x0] =	vst.idx.msk $0x1, v5  }
0xc9: {  	v5 =	vld [tilespmem:s15+$0x0]  }
0xca: {  	v9 =	vsub.f32 v18, v9;
	v10 =	vld [tilespmem:s14+$0x10];
	v14 =	vperm.xlane v8, v1  }
0xcb: {  	v17 =	vld [tilespmem:s15+$0x10]  }
0xcc: {  	v7 =	vsub.f32 v7, v16;
	v16 =	vld [tilespmem:s14+$0x20];
	v8 =	vadd.f32 v8, v14  }
0xcd: {  	v14 =	vld [tilespmem:s15+$0x20]  }
0xce: {  	v5 =	vsub.f32 v15, v5;
	v15 =	vld [tilespmem:s14+$0x30];
	v18 =	vperm.xlane v8, v2  }
0xcf: {  	v19 =	vld [tilespmem:s15+$0x30]  }
0xd0: {  	s5 =	sadd.s32 $0x3, s17;
	v20 =	vld [tilespmem:s14+$0xFFFFFF00];
	v10 =	vsub.f32 v10, v17;
	v8 =	vadd.f32 v8, v18  }
0xd1: {  	v18 =	vmov s5;
	v17 =	vld [tilespmem:s0+$0xFFFFFF00]  }
0xd2: {  	v21 =	vld [tilespmem:s0+$0xFFFFFF10];
	v14 =	vsub.f32 v16, v14;
	v16 =	vperm.xlane v8, v3  }
0xd3: {  	v22 =	vld [tilespmem:s0+$0xFFFFFF20]  }
0xd4: {  	v23 =	vld [tilespmem:s0+$0xFFFFFF30];
	v15 =	vsub.f32 v15, v19;
	v8 =	vadd.f32 v8, v16  }
0xd5: {  	v16 =	vsub.f32 v20, v26;
	v19 =	vld [tilespmem:s14+$0xFFFFFF40]  }
0xd6: {  	v20 =	vld [tilespmem:s15+$0xFFFFFF40];
	[tilespmem:v18+s30+$0x0] =	vst.idx.msk $0x1, v8  }
0xd7: {  	v8 =	vadd.f32 v16, v17;
	v13 =	vadd.f32 v13, v21;
	v16 =	vld [tilespmem:s14+$0xFFFFFF50]  }
0xd8: {  	v11 =	vadd.f32 v11, v22;
	v17 =	vld [tilespmem:s15+$0xFFFFFF50]  }
0xd9: {  	v8 =	vmul.f32 v8, v8;
	v13 =	vmul.f32 v13, v13;
	v12 =	vadd.f32 v12, v23;
	v18 =	vld [tilespmem:s0+$0xFFFFFF80]  }
0xda: {  	v11 =	vmul.f32 v11, v11;
	v21 =	vld [tilespmem:s0+$0xFFFFFF90]  }
0xdb: {  	v12 =	vmul.f32 v12, v12;
	v19 =	vsub.f32 v19, v20;
	v20 =	vld [tilespmem:s0+$0xFFFFFFA0]  }
0xdc: {  	v8 =	vadd.f32 v11, v8;
	v11 =	vld [tilespmem:s0+$0xFFFFFFB0]  }
0xdd: {  	v12 =	vadd.f32 v12, v13;
	v13 =	vsub.f32 v16, v17;
	v16 =	vld [tilespmem:s14+$0xFFFFFFC0]  }
0xde: {  	v6 =	vadd.f32 v6, v18;
	v17 =	vld [tilespmem:s15+$0xFFFFFFC0]  }
0xdf: {  	v4 =	vadd.f32 v4, v21;
	v18 =	vld [tilespmem:s14+$0xFFFFFFD0]  }
0xe0: {  	v6 =	vmul.f32 v6, v6;
	v9 =	vadd.f32 v9, v20;
	v20 =	vld [tilespmem:s15+$0xFFFFFFD0]  }
0xe1: {  	v4 =	vmul.f32 v4, v4;
	v7 =	vadd.f32 v7, v11;
	v11 =	vld [tilespmem:s0+$0x0]  }
0xe2: {  	v9 =	vmul.f32 v9, v9;
	v21 =	vld [tilespmem:s0+$0x10]  }
0xe3: {  	v7 =	vmul.f32 v7, v7;
	v16 =	vsub.f32 v16, v17;
	v17 =	vld [tilespmem:s0+$0x20]  }
0xe4: {  	v6 =	vadd.f32 v9, v6;
	v9 =	vld [tilespmem:s0+$0x30]  }
0xe5: {  	v4 =	vadd.f32 v7, v4;
	v7 =	vsub.f32 v18, v20;
	v18 =	vld [tilespmem:s14+$0x40]  }
0xe6: {  	v5 =	vadd.f32 v5, v11;
	v11 =	vld [tilespmem:s15+$0x40]  }
0xe7: {  	v10 =	vadd.f32 v10, v21;
	v20 =	vld [tilespmem:s14+$0x50]  }
0xe8: {  	v5 =	vmul.f32 v5, v5;
	v14 =	vadd.f32 v14, v17;
	v17 =	vld [tilespmem:s15+$0x50]  }
0xe9: {  	v21 =	vld [tilespmem:s0+$0xFFFFFF40];
	v10 =	vmul.f32 v10, v10;
	v9 =	vadd.f32 v15, v9  }
0xea: {  	v15 =	vld [tilespmem:s0+$0xFFFFFF50];
	v14 =	vmul.f32 v14, v14  }
0xeb: {  	v22 =	vld [tilespmem:s14+$0xFFFFFF60];
	v9 =	vmul.f32 v9, v9;
	v11 =	vsub.f32 v18, v11  }
0xec: {  	v18 =	vld [tilespmem:s15+$0xFFFFFF60];
	v5 =	vadd.f32 v14, v5  }
0xed: {  	v14 =	vld [tilespmem:s14+$0xFFFFFF70];
	v9 =	vadd.f32 v9, v10;
	v10 =	vsub.f32 v20, v17  }
0xee: {  	v17 =	vadd.f32 v19, v21;
	v19 =	vld [tilespmem:s15+$0xFFFFFF70]  }
0xef: {  	v13 =	vadd.f32 v13, v15;
	v15 =	vld [tilespmem:s0+$0xFFFFFFC0]  }
0xf0: {  	v17 =	vmul.f32 v17, v17;
	v20 =	vld [tilespmem:s0+$0xFFFFFFD0]  }
0xf1: {  	v13 =	vmul.f32 v13, v13;
	v18 =	vsub.f32 v22, v18;
	v21 =	vld [tilespmem:s14+$0xFFFFFFE0]  }
0xf2: {  	v17 =	vadd.f32 v17, v8;
	v8 =	vld [tilespmem:s15+$0xFFFFFFE0]  }
0xf3: {  	v22 =	vadd.f32 v13, v12;
	v12 =	vsub.f32 v14, v19;
	v13 =	vld [tilespmem:s14+$0xFFFFFFF0]  }
0xf4: {  	v14 =	vadd.f32 v16, v15;
	v15 =	vld [tilespmem:s15+$0xFFFFFFF0]  }
0xf5: {  	v7 =	vadd.f32 v7, v20;
	v16 =	vld [tilespmem:s0+$0x40]  }
0xf6: {  	v14 =	vmul.f32 v14, v14;
	v19 =	vld [tilespmem:s0+$0x50]  }
0xf7: {  	v7 =	vmul.f32 v7, v7;
	v20 =	vsub.f32 v21, v8;
	v8 =	vld [tilespmem:s14+$0x60]  }
0xf8: {  	v6 =	vadd.f32 v14, v6;
	v14 =	vld [tilespmem:s15+$0x60]  }
0xf9: {  	v4 =	vadd.f32 v7, v4;
	v7 =	vsub.f32 v13, v15;
	v13 =	vld [tilespmem:s14+$0x70]  }
0xfa: {  	v11 =	vadd.f32 v11, v16;
	v15 =	vld [tilespmem:s15+$0x70]  }
0xfb: {  	v16 =	vld [tilespmem:s0+$0xFFFFFF60];
	v10 =	vadd.f32 v10, v19  }
0xfc: {  	v19 =	vld [tilespmem:s0+$0xFFFFFF70];
	v11 =	vmul.f32 v11, v11  }
0xfd: {  	v21 =	vld [tilespmem:s0+$0xFFFFFFE0];
	v10 =	vmul.f32 v10, v10;
	v14 =	vsub.f32 v8, v14  }
0xfe: {  	v23 =	vld [tilespmem:s0+$0xFFFFFFF0];
	v5 =	vadd.f32 v11, v5  }
0xff: {  	v24 =	vadd.f32 v10, v9;
	v10 =	vld [tilespmem:s0+$0x60];
	v11 =	vsub.f32 v13, v15  }
0x100: {  	v13 =	vadd.f32 v18, v16;
	v15 =	vld [tilespmem:s0+$0x70];
	s0 =	sadd.s32 $0x200, s0  }
0x101: {  	s14 =	sadd.s32 $0x200, s14;
	v8 =	vld [tilespmem:s0+$0xE0];
	v16 =	vadd.f32 v12, v19  }
0x102: {  	s15 =	sadd.s32 $0x200, s15;
	v9 =	vld [tilespmem:s14+$0xE0];
	v18 =	vmul.f32 v13, v13;
	v19 =	vadd.f32 v20, v21  }
0x103: {  	v12 =	vld [tilespmem:s15+$0xE0];
	v16 =	vmul.f32 v16, v16;
	v7 =	vadd.f32 v7, v23  }
0x104: {  	v13 =	vld [tilespmem:s14+$0xF0];
	v17 =	vadd.f32 v18, v17;
	v18 =	vmul.f32 v19, v19;
	v19 =	vadd.f32 v14, v10  }
0x105: {  	v14 =	vld [tilespmem:s15+$0xF0];
	v16 =	vadd.f32 v16, v22;
	v7 =	vmul.f32 v7, v7;
	v15 =	vadd.f32 v11, v15  }
0x106: {  	v10 =	vld [tilespmem:s0+$0x80];
	v6 =	vadd.f32 v18, v6;
	v18 =	vmul.f32 v19, v19  }
0x107: {  	v11 =	vld [tilespmem:s0+$0x90];
	v17 =	vadd.f32 v16, v17;
	v4 =	vadd.f32 v7, v4;
	v7 =	vmul.f32 v15, v15  }
0x108: {  	v15 =	vld [tilespmem:s14+$0xC0];
	v5 =	vadd.f32 v18, v5  }
0x109: {  	v16 =	vld [tilespmem:s15+$0xC0];
	v20 =	vperm.xlane v17, v0;
	v4 =	vadd.f32 v4, v6;
	v6 =	vadd.f32 v7, v24  }
0x10a: {  	v18 =	vld [tilespmem:s14+$0xD0]  }
0x10b: {  	v19 =	vld [tilespmem:s15+$0xD0];
	v7 =	vadd.f32 v17, v20;
	v17 =	vperm.xlane v4, v0;
	v5 =	vadd.f32 v6, v5  }
0x10c: {  	v20 =	vld [tilespmem:s14+$0x80]  }
0x10d: {  	v21 =	vld [tilespmem:s15+$0x80];
	v6 =	vperm.xlane v7, v1;
	v4 =	vadd.f32 v4, v17;
	v17 =	vperm.xlane v5, v0  }
0x10e: {  	v22 =	vld [tilespmem:s14+$0x90]  }
.Ltmp0:
0x10f: {  	v23 =	vld [tilespmem:s15+$0x90];
	v6 =	vadd.f32 v7, v6;
	v7 =	vperm.xlane v4, v1;
	v28 =	vadd.f32 v5, v17;
	(pc) =	sbr.rel @p0 .LBB2_2-.Ltmp0, $4  }
0x110: {  	v24 =	vld [tilespmem:s14+$0xA0]  }
0x111: {  	v25 =	vld [tilespmem:s15+$0xA0];
	v29 =	vperm.xlane v6, v2;
	v5 =	vadd.f32 v4, v7;
	v7 =	vperm.xlane v28, v1  }
0x112: {  	v17 =	vmov s17;
	v26 =	vld [tilespmem:s14+$0xB0]  }
0x113: {  	s16 =	sadd.s32 $0x4, s16;
	s6 =	sadd.s32 $0x1, s17;
	s5 =	sadd.s32 $0x2, s17;
	v27 =	vld [tilespmem:s15+$0xB0];
	v4 =	vadd.f32 v6, v29;
	v6 =	vperm.xlane v5, v2;
	v7 =	vadd.f32 v28, v7  }
0x114: {  	v28 =	vld [tilespmem:s0+$0xA0]  }
0x115: {  	v29 =	vld [tilespmem:s0+$0xB0]  }
0x116: {  	v30 =	vld [tilespmem:s0+$0xC0]  }
0x117: {  	v31 =	vld [tilespmem:s0+$0xD0]  }
0x118: {  	v32 =	vld [tilespmem:s0+$0xF0]  }
0x119: {  	v33 =	vld [tilespmem:s15+$0xFFFFFF00]  }
0x11a: {  	v34 =	vld [tilespmem:s14+$0xFFFFFF10]  }
0x11b: {  	v35 =	vld [tilespmem:s15+$0xFFFFFF10]  }
0x11c: {  	v36 =	vld [tilespmem:s14+$0xFFFFFF20]  }
0x11d: {  	v37 =	vld [tilespmem:s15+$0xFFFFFF20]  }
0x11e: {  	v38 =	vld [tilespmem:s14+$0xFFFFFF30]  }
0x11f: {  	v39 =	vld [tilespmem:s15+$0xFFFFFF30]  }
0x120: {  	v40 =	vld [tilespmem:s14+$0xFFFFFF80]  }
0x121: {  	v41 =	vld [tilespmem:s15+$0xFFFFFF80]  }
0x122: {  	v42 =	vld [tilespmem:s14+$0xFFFFFF90]  }
0x123: {  	v43 =	vld [tilespmem:s15+$0xFFFFFF90]  }
0x124: {  	v44 =	vld [tilespmem:s14+$0xFFFFFFA0]  }
0x125: {  	v45 =	vld [tilespmem:s15+$0xFFFFFFA0]  }
0x126: {  	v46 =	vld [tilespmem:s14+$0xFFFFFFB0]  }
0x127: {  	v47 =	vld [tilespmem:s15+$0xFFFFFFB0]  }
0x128: {  	v48 =	vld [tilespmem:s14+$0x0]  }
0x129: {  	v49 =	vld [tilespmem:s15+$0x0]  }
0x12a: {  	v50 =	vld [tilespmem:s14+$0x10]  }
0x12b: {  	v51 =	vld [tilespmem:s15+$0x10]  }
0x12c: {  	v52 =	vld [tilespmem:s14+$0x20]  }
0x12d: {  	v53 =	vld [tilespmem:s15+$0x20]  }
0x12e: {  	v54 =	vld [tilespmem:s14+$0x30]  }
0x12f: {  	v55 =	vld [tilespmem:s15+$0x30]  }
0x130: {  	v56 =	vld [tilespmem:s14+$0xFFFFFF00]  }
0x131: {  	v57 =	vld [tilespmem:s0+$0xFFFFFF00]  }
0x132: {  	v58 =	vld [tilespmem:s0+$0xFFFFFF10]  }
0x133: {  	v59 =	vld [tilespmem:s0+$0xFFFFFF20]  }
0x134: {  	v60 =	vld [tilespmem:s0+$0xFFFFFF30]  }
0x135: {  	v61 =	vld [tilespmem:s14+$0xFFFFFF40]  }
0x136: {  	v9 =	vsub.f32 v9, v12;
	v12 =	vsub.f32 v13, v14;
	v13 =	vld [tilespmem:s15+$0xFFFFFF40]  }
0x137: {  	v14 =	vsub.f32 v15, v16;
	v16 =	vld [tilespmem:s14+$0xFFFFFF50]  }
0x138: {  	v15 =	vsub.f32 v18, v19;
	v18 =	vsub.f32 v20, v21;
	v20 =	vld [tilespmem:s15+$0xFFFFFF50]  }
0x139: {  	v19 =	vsub.f32 v22, v23;
	v23 =	vld [tilespmem:s0+$0xFFFFFF80]  }
0x13a: {  	v10 =	vadd.f32 v18, v10;
	v18 =	vld [tilespmem:s0+$0xFFFFFF90]  }
0x13b: {  	v21 =	vsub.f32 v24, v25;
	v24 =	vld [tilespmem:s0+$0xFFFFFFB0]  }
0x13c: {  	v25 =	vld [tilespmem:s14+$0xFFFFFFC0]  }
0x13d: {  	v22 =	vsub.f32 v26, v27;
	v27 =	vld [tilespmem:s0+$0x30]  }
0x13e: {  	v15 =	vadd.f32 v15, v31;
	v31 =	vld [tilespmem:s15+$0x40]  }
0x13f: {  	v11 =	vadd.f32 v19, v11;
	v26 =	vsub.f32 v36, v37;
	v37 =	vld [tilespmem:s15+$0x50]  }
0x140: {  	v19 =	vadd.f32 v21, v28;
	v28 =	vsub.f32 v38, v39;
	v38 =	vld [tilespmem:s0+$0xFFFFFF40]  }
0x141: {  	v5 =	vadd.f32 v5, v6;
	v8 =	vadd.f32 v9, v8;
	v39 =	vld [tilespmem:s0+$0xFFFFFF50]  }
0x142: {  	v14 =	vadd.f32 v14, v30;
	v63 =	vsub.f32 v48, v49;
	v49 =	vld [tilespmem:s14+$0xFFFFFF60]  }
0x143: {  	v17 =	vand.u32 $0xFFFFFFFC, v17;
	v12 =	vadd.f32 v12, v32;
	v48 =	vsub.f32 v50, v51;
	v51 =	vld [tilespmem:s15+$0xFFFFFF60]  }
0x144: {  	v17 =	vbroadcast v17, $0x0;
	v30 =	vsub.f32 v42, v43;
	v50 =	vsub.f32 v52, v53;
	v53 =	vld [tilespmem:s14+$0xFFFFFF70]  }
0x145: {  	v10 =	vmul.f32 v10, v10;
	v32 =	vsub.f32 v44, v45;
	v52 =	vsub.f32 v54, v55;
	v54 =	vld [tilespmem:s15+$0xFFFFFF70]  }
0x146: {  	v11 =	vmul.f32 v11, v11;
	v33 =	vsub.f32 v56, v33;
	v62 =	vsub.f32 v46, v47;
	v56 =	vld [tilespmem:s0+$0xFFFFFFD0]  }
0x147: {  	v8 =	vmul.f32 v8, v8;
	v13 =	vsub.f32 v61, v13;
	v16 =	vsub.f32 v16, v20;
	v61 =	vld [tilespmem:s14+$0xFFFFFFF0]  }
0x148: {  	v42 =	vperm.xlane v4, v3;
	v44 =	vld [tilespmem:s15+$0x60];
	v21 =	vadd.f32 v22, v29;
	v29 =	vsub.f32 v40, v41  }
0x149: {  	v47 =	vld [tilespmem:s14+$0x70];
	v19 =	vmul.f32 v19, v19;
	v33 =	vadd.f32 v33, v57;
	v26 =	vadd.f32 v26, v59  }
0x14a: {  	v22 =	vld [tilespmem:s0+$0xFFFFFFA0];
	v9 =	vmul.f32 v14, v14;
	v28 =	vadd.f32 v28, v60;
	v18 =	vadd.f32 v30, v18  }
0x14b: {  	v14 =	vld [tilespmem:s15+$0xFFFFFFC0];
	v15 =	vmul.f32 v15, v15;
	v24 =	vadd.f32 v62, v24;
	v4 =	vadd.f32 v4, v42  }
0x14c: {  	v59 =	vld [tilespmem:s15+$0xFFFFFFE0];
	v21 =	vmul.f32 v21, v21;
	v20 =	vadd.f32 v29, v23;
	v10 =	vadd.f32 v19, v10  }
0x14d: {  	v62 =	vld [tilespmem:s0+$0x40];
	v33 =	vmul.f32 v33, v33;
	v26 =	vmul.f32 v26, v26;
	v27 =	vadd.f32 v52, v27  }
0x14e: {  	v23 =	vld [tilespmem:s0+$0xFFFFFFC0];
	v18 =	vmul.f32 v18, v18;
	v11 =	vadd.f32 v21, v11;
	v13 =	vadd.f32 v13, v38  }
0x14f: {  	v19 =	vld [tilespmem:s14+$0xFFFFFFD0];
	v24 =	vmul.f32 v24, v24;
	v16 =	vadd.f32 v16, v39;
	v9 =	vadd.f32 v9, v10  }
0x150: {  	v21 =	vld [tilespmem:s15+$0xFFFFFFD0];
	v20 =	vmul.f32 v20, v20;
	v26 =	vadd.f32 v26, v33;
	v22 =	vadd.f32 v32, v22  }
0x151: {  	v18 =	vadd.f32 v24, v18;
	v10 =	vadd.f32 v15, v11;
	v11 =	vmul.f32 v12, v12;
	v12 =	vld [tilespmem:s0+$0x0]  }
0x152: {  	v15 =	vld [tilespmem:s0+$0x10];
	v14 =	vsub.f32 v25, v14;
	v13 =	vmul.f32 v13, v13;
	v8 =	vadd.f32 v8, v9  }
0x153: {  	v22 =	vmul.f32 v22, v22;
	v9 =	vadd.f32 v11, v10;
	v10 =	vld [tilespmem:s0+$0x20];
	v11 =	vsub.f32 v34, v35  }
0x154: {  	v55 =	vmov s6;
	v34 =	vld [tilespmem:s14+$0x50];
	v14 =	vadd.f32 v14, v23;
	v13 =	vadd.f32 v13, v26  }
0x155: {  	v57 =	vmov s5;
	v23 =	vld [tilespmem:s15+$0x70];
	v20 =	vadd.f32 v22, v20;
	v19 =	vsub.f32 v19, v21  }
0x156: {  	v28 =	vmul.f32 v28, v28;
	v22 =	vld [tilespmem:s15+$0xFFFFFFF0];
	v8 =	vadd.f32 v9, v8;
	v11 =	vadd.f32 v11, v58  }
0x157: {  	v9 =	vld [tilespmem:s14+$0x40];
	v14 =	vmul.f32 v14, v14;
	v12 =	vadd.f32 v63, v12;
	v15 =	vadd.f32 v48, v15  }
0x158: {  	v21 =	vld [tilespmem:s0+$0x50];
	v48 =	vsub.f32 v49, v51;
	v19 =	vadd.f32 v19, v56;
	v11 =	vmul.f32 v11, v11  }
0x159: {  	v16 =	vmul.f32 v16, v16;
	v58 =	vld [tilespmem:s14+$0xFFFFFFE0];
	v14 =	vadd.f32 v14, v20;
	v10 =	vadd.f32 v50, v10  }
0x15a: {  	v49 =	vld [tilespmem:s0+$0xFFFFFF60];
	v12 =	vmul.f32 v12, v12;
	v46 =	vsub.f32 v34, v37;
	v11 =	vadd.f32 v28, v11  }
0x15b: {  	v51 =	vld [tilespmem:s0+$0xFFFFFFE0];
	v50 =	vsub.f32 v53, v54;
	v23 =	vsub.f32 v47, v23;
	v10 =	vmul.f32 v10, v10  }
0x15c: {  	v63 =	vmul.f32 v27, v27;
	v9 =	vsub.f32 v9, v31;
	v11 =	vadd.f32 v16, v11;
	v16 =	vld [tilespmem:s0+$0xFFFFFF70]  }
0x15d: {  	v19 =	vmul.f32 v19, v19;
	v22 =	vsub.f32 v61, v22;
	v10 =	vadd.f32 v10, v12;
	v12 =	vld [tilespmem:s14+$0x60]  }
0x15e: {  	v20 =	vld [tilespmem:s0+$0xFFFFFFF0];
	v15 =	vmul.f32 v15, v15;
	v25 =	vsub.f32 v58, v59;
	v9 =	vadd.f32 v9, v62  }
0x15f: {  	v29 =	vand.u32 $0xFFFFFFFD, v55;
	v18 =	vadd.f32 v19, v18;
	v19 =	vadd.f32 v46, v21;
	v21 =	vld [tilespmem:s0+$0x60]  }
0x160: {  	v54 =	vld [tilespmem:s0+$0x70];
	v15 =	vadd.f32 v63, v15;
	v53 =	vadd.f32 v48, v49;
	v9 =	vmul.f32 v9, v9  }
0x161: {  	v52 =	vperm.xlane v8, v0;
	v55 =	vadd.f32 v25, v51;
	v16 =	vadd.f32 v50, v16  }
0x162: {  	v9 =	vadd.f32 v9, v10;
	v10 =	vmul.f32 v53, v53;
	v12 =	vsub.f32 v12, v44  }
0x163: {  	v19 =	vmul.f32 v19, v19;
	v20 =	vadd.f32 v22, v20;
	v16 =	vmul.f32 v16, v16  }
0x164: {  	v10 =	vadd.f32 v10, v13;
	v13 =	vmul.f32 v55, v55;
	v12 =	vadd.f32 v12, v21  }
0x165: {  	v11 =	vadd.f32 v16, v11;
	v16 =	vmul.f32 v20, v20;
	v20 =	vadd.f32 v23, v54  }
0x166: {  	v15 =	vadd.f32 v19, v15;
	v13 =	vadd.f32 v13, v14;
	v12 =	vmul.f32 v12, v12  }
0x167: {  	v10 =	vadd.f32 v11, v10;
	v11 =	vadd.f32 v16, v18;
	v14 =	vmul.f32 v20, v20  }
0x168: {  	v60 =	vperm.xlane v7, v2;
	v8 =	vadd.f32 v8, v52;
	v9 =	vadd.f32 v12, v9  }
0x169: {  	v12 =	vperm.xlane v10, v0;
	v11 =	vadd.f32 v11, v13;
	v13 =	vadd.f32 v14, v15  }
0x16a: {  	v6 =	vadd.f32 v7, v60;
	v32 =	vand.u32 $0xFFFFFFFE, v57;
	v7 =	vperm.xlane v8, v1  }
0x16b: {  	s14 =	sadd.s32 $0x2, s28;
	v10 =	vadd.f32 v10, v12;
	v12 =	vperm.xlane v11, v0;
	v9 =	vadd.f32 v13, v9  }
0x16c: {  	v7 =	vadd.f32 v8, v7;
	v19 =	vmov s14;
	v13 =	vperm.xlane v5, v3  }
0x16d: {  	v8 =	vperm.xlane v10, v1;
	v11 =	vadd.f32 v11, v12;
	v12 =	vperm.xlane v9, v0  }
0x16e: {  	v19 =	vand.u32 $0xFFFFFFFE, v19;
	v5 =	vadd.f32 v5, v13;
	v13 =	vperm.xlane v7, v2  }
0x16f: {  	v8 =	vadd.f32 v10, v8;
	v10 =	vperm.xlane v11, v1;
	v9 =	vadd.f32 v9, v12  }
0x170: {  	v16 =	vbroadcast v29, $0x0;
	v14 =	vperm.xlane v6, v3;
	v7 =	vadd.f32 v7, v13  }
0x171: {  	s6 =	sadd.s32 $0x3, s28;
	v13 =	vperm.xlane v8, v2;
	v10 =	vadd.f32 v11, v10;
	v11 =	vperm.xlane v9, v1  }
0x172: {  	v18 =	vmov s28;
	v6 =	vadd.f32 v6, v14;
	v14 =	vmov s6  }
0x173: {  	s7 =	sadd.s32 $0x1, s28;
	v12 =	vbroadcast v32, $0x0;
	v8 =	vadd.f32 v8, v13;
	v9 =	vadd.f32 v9, v11  }
0x174: {  	v13 =	vperm.xlane v10, v2;
	v11 =	vand.u32 $0xFFFFFFFC, v18;
	v18 =	vmov s7  }
0x175: {  	v11 =	vbroadcast v11, $0x0;
	v18 =	vand.u32 $0xFFFFFFFD, v18;
	v20 =	vperm.xlane v9, v2  }
0x176: {  	v15 =	vperm.xlane v7, v3;
	v18 =	vbroadcast v18, $0x0;
	v10 =	vadd.f32 v10, v13  }
0x177: {  	[tilespmem:v17+s30+$0x0] =	vst.idx.msk $0x1, v4;
	v4 =	vperm.xlane v8, v3;
	v13 =	vbroadcast v19, $0x0;
	v9 =	vadd.f32 v9, v20  }
0x178: {  	[tilespmem:v16+s30+$0x0] =	vst.idx.msk $0x1, v5;
	v5 =	vadd.f32 v7, v15;
	v7 =	vperm.xlane v10, v3  }
0x179: {  	[tilespmem:v12+s30+$0x0] =	vst.idx.msk $0x1, v6;
	v4 =	vadd.f32 v8, v4;
	v6 =	vperm.xlane v9, v3  }
0x17a: {  	[tilespmem:v14+s30+$0x0] =	vst.idx.msk $0x1, v5;
	v5 =	vadd.f32 v10, v7  }
0x17b: {  	[tilespmem:v11+s30+$0x0] =	vst.idx.msk $0x1, v4;
	v4 =	vadd.f32 v9, v6  }
0x17c: {  	[tilespmem:v18+s30+$0x0] =	vst.idx.msk $0x1, v5  }
0x17d: {  	s15 =	simm.s32 $0x100;
	[tilespmem:v13+s30+$0x0] =	vst.idx.msk $0x1, v4  }
0x17e: {  	[tilespmem:s19], [sflag:$0x1] =	stream.indirect.gather [hbm4b:s1+s25], $0x80, s15, s25, $0xb8;
	[tilespmem:$0x19000] =	vst v63  }
0x17f: {  	s16 =	simm.s32 $0x500  }
0x180: {  	[tilespmem:s20], [sflag:$0x1] =	stream.indirect.gather [hbm4b:s2+s25], $0x80, s16, s25, $0xb8;
	[tilespmem:$0x19000] =	vst v63  }
0x181: {  	s17 =	simm.s32 $0x900  }
0x182: {  	[tilespmem:s21], [sflag:$0x1] =	stream.indirect.gather [hbm4b:s1+s25], $0x80, s17, s25, $0xb8;
	[tilespmem:$0x19000] =	vst v63  }
0x183: {  	_ =	swait.ge [sflag:s24], $0x4000  }
0x184: {  	[sflag:s24] =	ssyncset.done $0x0  }
0x185: {  	[sflag:s24] =	ssyncadd.s32 $0xFFFFC000  }
0x186: {  	_ =	swait.ge [sflag:s24], $0x4000  }
0x187: {  	[sflag:s24] =	ssyncset.done $0x0  }
0x188: {  	[sflag:s24] =	ssyncadd.s32 $0xFFFFC000  }
0x189: {  	_ =	swait.ge [sflag:s24], $0x4000  }
0x18a: {  	[sflag:s24] =	ssyncset.done $0x0  }
0x18b: {  	s0 =	simm.s32 $0x0;
	[sflag:s24] =	ssyncadd.s32 $0xFFFFC000  }
0x18c: {  	v4 =	vld [tilespmem:s0+$0xCDE0]  }
0x18d: {  	v5 =	vld [tilespmem:s0+$0x4DE0]  }
0x18e: {  	v6 =	vld [tilespmem:s0+$0x14DE0]  }
0x18f: {  	v7 =	vld [tilespmem:s0+$0x4DF0]  }
0x190: {  	v8 =	vld [tilespmem:s0+$0x14DF0]  }
0x191: {  	v9 =	vld [tilespmem:s0+$0xCD80]  }
0x192: {  	v10 =	vld [tilespmem:s0+$0xCD90]  }
0x193: {  	v11 =	vld [tilespmem:s0+$0x4DC0]  }
0x194: {  	v12 =	vld [tilespmem:s0+$0x14DC0]  }
0x195: {  	v13 =	vld [tilespmem:s0+$0x4DD0]  }
0x196: {  	v14 =	vld [tilespmem:s0+$0x14DD0]  }
0x197: {  	v15 =	vld [tilespmem:s0+$0x4D80]  }
0x198: {  	v16 =	vld [tilespmem:s0+$0x14D80]  }
0x199: {  	v17 =	vld [tilespmem:s0+$0x4D90]  }
0x19a: {  	v18 =	vld [tilespmem:s0+$0x14D90]  }
0x19b: {  	v19 =	vld [tilespmem:s0+$0x4DA0]  }
0x19c: {  	v20 =	vld [tilespmem:s0+$0x14DA0]  }
0x19d: {  	v21 =	vld [tilespmem:s0+$0x4DB0]  }
0x19e: {  	v22 =	vld [tilespmem:s0+$0x14DB0]  }
0x19f: {  	v23 =	vld [tilespmem:s0+$0xCDA0]  }
0x1a0: {  	v56 =	vld [tilespmem:s0+$0xCDB0]  }
0x1a1: {  	v57 =	vld [tilespmem:s0+$0xCDC0]  }
0x1a2: {  	v58 =	vld [tilespmem:s0+$0xCDD0]  }
0x1a3: {  	v59 =	vld [tilespmem:s0+$0xCDF0]  }
0x1a4: {  	v28 =	vld [tilespmem:s0+$0x4C00]  }
0x1a5: {  	v29 =	vld [tilespmem:s0+$0x14C00]  }
0x1a6: {  	v60 =	vld [tilespmem:s0+$0x4C10]  }
0x1a7: {  	v61 =	vld [tilespmem:s0+$0x14C10]  }
0x1a8: {  	v32 =	vld [tilespmem:s0+$0x4C20]  }
0x1a9: {  	v62 =	vld [tilespmem:s0+$0x14C20]  }
0x1aa: {  	v34 =	vld [tilespmem:s0+$0x4C30]  }
0x1ab: {  	v63 =	vld [tilespmem:s0+$0x14C30]  }
0x1ac: {  	v36 =	vld [tilespmem:s0+$0x4C80]  }
0x1ad: {  	v48 =	vld [tilespmem:s0+$0x14C80]  }
0x1ae: {  	v49 =	vld [tilespmem:s0+$0x4C90]  }
0x1af: {  	v50 =	vld [tilespmem:s0+$0x14C90]  }
0x1b0: {  	v51 =	vld [tilespmem:s0+$0x4CA0]  }
0x1b1: {  	v52 =	vld [tilespmem:s0+$0x14CA0]  }
0x1b2: {  	v53 =	vld [tilespmem:s0+$0x4CB0]  }
0x1b3: {  	v54 =	vld [tilespmem:s0+$0x14CB0]  }
0x1b4: {  	v55 =	vld [tilespmem:s0+$0xCCA0]  }
0x1b5: {  	v25 =	vld [tilespmem:s0+$0x4CC0]  }
0x1b6: {  	v46 =	vld [tilespmem:s0+$0xCD10]  }
0x1b7: {  	v5 =	vsub.f32 v5, v6;
	v6 =	vsub.f32 v7, v8;
	v7 =	vld [tilespmem:s0+$0x4D00]  }
0x1b8: {  	v8 =	vsub.f32 v11, v12;
	v12 =	vld [tilespmem:s0+$0x14D00]  }
0x1b9: {  	v11 =	vsub.f32 v13, v14;
	v13 =	vsub.f32 v15, v16;
	v15 =	vld [tilespmem:s0+$0x4D10]  }
0x1ba: {  	v14 =	vsub.f32 v17, v18;
	v18 =	vld [tilespmem:s0+$0x14D10]  }
0x1bb: {  	v16 =	vsub.f32 v19, v20;
	v19 =	vld [tilespmem:s0+$0x4D30]  }
0x1bc: {  	v20 =	vld [tilespmem:s0+$0x14D30]  }
0x1bd: {  	v17 =	vsub.f32 v21, v22;
	v21 =	vld [tilespmem:s0+$0xCC80];
	v60 =	vsub.f32 v60, v61  }
0x1be: {  	v61 =	vld [tilespmem:s0+$0xCD00];
	v47 =	vsub.f32 v36, v48;
	v48 =	vsub.f32 v49, v50  }
0x1bf: {  	v49 =	vld [tilespmem:s0+$0xCD20];
	v50 =	vsub.f32 v51, v52;
	v52 =	vsub.f32 v53, v54  }
0x1c0: {  	v51 =	vld [tilespmem:s0+$0xCD30];
	v9 =	vadd.f32 v13, v9;
	v10 =	vadd.f32 v14, v10  }
0x1c1: {  	v53 =	vld [tilespmem:s0+$0x4D50];
	v14 =	vadd.f32 v16, v23;
	v16 =	vadd.f32 v17, v56  }
0x1c2: {  	v13 =	vld [tilespmem:s0+$0x4D20];
	v8 =	vadd.f32 v8, v57;
	v9 =	vmul.f32 v9, v9;
	v10 =	vmul.f32 v10, v10  }
0x1c3: {  	v17 =	vld [tilespmem:s0+$0x14D20];
	v11 =	vadd.f32 v11, v58;
	v14 =	vmul.f32 v14, v14;
	v16 =	vmul.f32 v16, v16  }
0x1c4: {  	v4 =	vadd.f32 v5, v4;
	v5 =	vadd.f32 v6, v59;
	v6 =	vld [tilespmem:s0+$0xCC00];
	v8 =	vmul.f32 v8, v8  }
0x1c5: {  	v23 =	vld [tilespmem:s0+$0xCC90];
	v11 =	vmul.f32 v11, v11;
	v9 =	vadd.f32 v14, v9;
	v10 =	vadd.f32 v16, v10  }
0x1c6: {  	v57 =	vld [tilespmem:s0+$0x14CC0];
	v4 =	vmul.f32 v4, v4  }
0x1c7: {  	v58 =	vld [tilespmem:s0+$0x4CD0];
	v5 =	vmul.f32 v5, v5;
	v8 =	vadd.f32 v8, v9;
	v9 =	vadd.f32 v11, v10  }
0x1c8: {  	v59 =	vld [tilespmem:s0+$0x14CD0];
	v7 =	vsub.f32 v7, v12  }
0x1c9: {  	v12 =	vld [tilespmem:s0+$0x4D40];
	v4 =	vadd.f32 v4, v8;
	v5 =	vadd.f32 v5, v9  }
0x1ca: {  	v14 =	vld [tilespmem:s0+$0xCC10]  }
0x1cb: {  	v16 =	vld [tilespmem:s0+$0xCC20];
	v4 =	vadd.f32 v5, v4  }
0x1cc: {  	v13 =	vsub.f32 v13, v17;
	v17 =	vld [tilespmem:s0+$0x14D40]  }
0x1cd: {  	v25 =	vsub.f32 v25, v57;
	v57 =	vld [tilespmem:s0+$0x4CE0];
	v22 =	vperm.xlane v4, v0  }
0x1ce: {  	v10 =	vld [tilespmem:s0+$0xCC30]  }
0x1cf: {  	v11 =	vld [tilespmem:s0+$0x4C40];
	v4 =	vadd.f32 v4, v22  }
0x1d0: {  	v28 =	vsub.f32 v28, v29;
	v7 =	vadd.f32 v7, v61;
	v8 =	vld [tilespmem:s0+$0x14C40]  }
0x1d1: {  	v62 =	vsub.f32 v32, v62;
	v13 =	vadd.f32 v13, v49;
	v9 =	vld [tilespmem:s0+$0x4C50];
	v56 =	vperm.xlane v4, v1  }
0x1d2: {  	v6 =	vadd.f32 v28, v6;
	v7 =	vmul.f32 v7, v7;
	v14 =	vadd.f32 v60, v14;
	v60 =	vld [tilespmem:s0+$0x14CF0]  }
0x1d3: {  	v16 =	vadd.f32 v62, v16;
	v13 =	vmul.f32 v13, v13;
	v5 =	vld [tilespmem:s0+$0x14C50];
	v4 =	vadd.f32 v4, v56  }
0x1d4: {  	v63 =	vsub.f32 v34, v63;
	v6 =	vmul.f32 v6, v6;
	v12 =	vsub.f32 v12, v17;
	v17 =	vld [tilespmem:s0+$0xCD40]  }
0x1d5: {  	v16 =	vmul.f32 v16, v16;
	v61 =	vadd.f32 v13, v7;
	v7 =	vld [tilespmem:s0+$0xCD50];
	v45 =	vperm.xlane v4, v2  }
0x1d6: {  	v10 =	vadd.f32 v63, v10;
	v63 =	vld [tilespmem:s0+$0x14D70];
	v8 =	vsub.f32 v11, v8  }
0x1d7: {  	v14 =	vmul.f32 v14, v14;
	v11 =	vld [tilespmem:s0+$0xCC50];
	v6 =	vadd.f32 v16, v6;
	v4 =	vadd.f32 v4, v45  }
0x1d8: {  	v16 =	vadd.f32 v47, v21;
	v10 =	vmul.f32 v10, v10;
	v21 =	vadd.f32 v50, v55;
	v22 =	vld [tilespmem:s0+$0xCCB0]  }
0x1d9: {  	v15 =	vsub.f32 v15, v18;
	v23 =	vadd.f32 v48, v23;
	v55 =	vld [tilespmem:s0+$0x14C60];
	v18 =	vperm.xlane v4, v3  }
0x1da: {  	v10 =	vadd.f32 v10, v14;
	v14 =	vmul.f32 v16, v16;
	v16 =	vmul.f32 v21, v21;
	v21 =	vld [tilespmem:s0+$0x14C70]  }
0x1db: {  	v54 =	vadd.f32 v4, v18;
	v4 =	vsub.f32 v19, v20;
	v19 =	vld [tilespmem:s0+$0xCC40]  }
0x1dc: {  	v5 =	vsub.f32 v9, v5;
	v9 =	vmul.f32 v23, v23;
	v23 =	vld [tilespmem:s0+$0xCCC0]  }
0x1dd: {  	v15 =	vadd.f32 v15, v46;
	v22 =	vadd.f32 v52, v22;
	v18 =	vld [tilespmem:s0+$0x14D50]  }
0x1de: {  	v20 =	vld [tilespmem:s0+$0x4C60];
	v4 =	vadd.f32 v4, v51  }
0x1df: {  	v15 =	vmul.f32 v15, v15;
	v14 =	vadd.f32 v16, v14;
	v16 =	vld [tilespmem:s0+$0xCCD0];
	v22 =	vmul.f32 v22, v22  }
0x1e0: {  	v56 =	vld [tilespmem:s0+$0x4C70];
	v5 =	vadd.f32 v5, v11;
	v4 =	vmul.f32 v4, v4;
	v8 =	vadd.f32 v8, v19  }
0x1e1: {  	v22 =	vadd.f32 v22, v9;
	v9 =	vsub.f32 v58, v59;
	v58 =	vld [tilespmem:s0+$0x14CE0]  }
0x1e2: {  	v59 =	vld [tilespmem:s0+$0x4CF0];
	v11 =	vsub.f32 v53, v18;
	v62 =	vadd.f32 v4, v15;
	v4 =	vmul.f32 v8, v8  }
0x1e3: {  	s28 =	simm.s32 $0x83;
	v13 =	vmul.f32 v5, v5;
	v19 =	vld [tilespmem:s0+$0x4D60];
	v15 =	vadd.f32 v25, v23;
	v8 =	vsub.f32 v20, v55  }
0x1e4: {  	v23 =	vmov s28;
	v20 =	vld [tilespmem:s0+$0x14D60];
	v5 =	vadd.f32 v4, v6;
	v6 =	vadd.f32 v9, v16  }
0x1e5: {  	v16 =	vld [tilespmem:s0+$0x4D70];
	v4 =	vadd.f32 v13, v10;
	v10 =	vmul.f32 v15, v15;
	v13 =	vadd.f32 v12, v17  }
0x1e6: {  	v11 =	vadd.f32 v11, v7;
	v9 =	vsub.f32 v56, v21;
	v17 =	vld [tilespmem:s0+$0xCC60];
	v18 =	vmul.f32 v6, v6  }
0x1e7: {  	v12 =	vsub.f32 v57, v58;
	v15 =	vld [tilespmem:s0+$0xCC70];
	v6 =	vadd.f32 v10, v14;
	v10 =	vmul.f32 v13, v13  }
0x1e8: {  	v21 =	vmul.f32 v11, v11;
	v13 =	vsub.f32 v59, v60;
	v7 =	vadd.f32 v18, v22;
	v18 =	vld [tilespmem:s0+$0xCCE0]  }
0x1e9: {  	v14 =	vsub.f32 v19, v20;
	v19 =	vld [tilespmem:s0+$0xCCF0];
	v11 =	vadd.f32 v10, v61  }
0x1ea: {  	s14 =	simm.s32 $0xFFFFFFFC;
	s15 =	simm.s32 $0x0;
	s16 =	simm.s32 $0x800;
	[tilespmem:v23+s30+$0x0] =	vst.idx.msk $0x1, v54;
	v20 =	vld [tilespmem:s0+$0xCD60];
	v10 =	vadd.f32 v21, v62;
	v16 =	vsub.f32 v16, v63  }
.LBB2_4:
0x1eb: {  	v8 =	vadd.f32 v8, v17;
	v17 =	vld [tilespmem:s0+$0xCD70];
	s0 =	sshra.s32 s16, $0x2;
	s5 =	smov.u32 s15  }
0x1ec: {  	v21 =	vld [tilespmem:s0+$0xCDE0];
	v9 =	vadd.f32 v9, v15  }
0x1ed: {  	v15 =	vld [tilespmem:s0+$0x4DE0];
	v8 =	vmul.f32 v8, v8;
	v12 =	vadd.f32 v12, v18  }
0x1ee: {  	v18 =	vld [tilespmem:s0+$0x14DE0];
	v9 =	vmul.f32 v9, v9;
	v13 =	vadd.f32 v13, v19  }
0x1ef: {  	v19 =	vld [tilespmem:s0+$0x4DF0];
	v5 =	vadd.f32 v8, v5;
	v8 =	vmul.f32 v12, v12;
	v12 =	vadd.f32 v14, v20  }
0x1f0: {  	v14 =	vld [tilespmem:s0+$0x14DF0];
	v4 =	vadd.f32 v9, v4;
	v9 =	vmul.f32 v13, v13;
	v13 =	vadd.f32 v16, v17  }
0x1f1: {  	v16 =	vld [tilespmem:s0+$0xCD80];
	v6 =	vadd.f32 v8, v6;
	v8 =	vmul.f32 v12, v12  }
0x1f2: {  	v12 =	vld [tilespmem:s0+$0xCD90];
	v4 =	vadd.f32 v4, v5;
	v5 =	vadd.f32 v9, v7;
	v7 =	vmul.f32 v13, v13  }
0x1f3: {  	v9 =	vld [tilespmem:s0+$0x4DC0];
	v8 =	vadd.f32 v8, v11  }
0x1f4: {  	v11 =	vld [tilespmem:s0+$0x14DC0];
	v13 =	vperm.xlane v4, v0;
	v5 =	vadd.f32 v5, v6;
	v6 =	vadd.f32 v7, v10  }
0x1f5: {  	v7 =	vld [tilespmem:s0+$0x4DD0]  }
0x1f6: {  	v10 =	vld [tilespmem:s0+$0x14DD0];
	v4 =	vadd.f32 v4, v13;
	v13 =	vperm.xlane v5, v0;
	v6 =	vadd.f32 v6, v8  }
0x1f7: {  	v8 =	vld [tilespmem:s0+$0x4D80]  }
0x1f8: {  	v17 =	vld [tilespmem:s0+$0x14D80];
	v20 =	vperm.xlane v4, v1;
	v5 =	vadd.f32 v5, v13;
	v13 =	vperm.xlane v6, v0  }
0x1f9: {  	v22 =	vld [tilespmem:s0+$0x4D90]  }
0x1fa: {  	v23 =	vld [tilespmem:s0+$0x14D90];
	v4 =	vadd.f32 v4, v20;
	v20 =	vperm.xlane v5, v1;
	v6 =	vadd.f32 v6, v13  }
0x1fb: {  	v13 =	vld [tilespmem:s0+$0x4DA0]  }
0x1fc: {  	s6 =	sadd.s32 $0x84, s14;
	s7 =	sadd.s32 $0x85, s14;
	v24 =	vld [tilespmem:s0+$0x14DA0];
	v25 =	vperm.xlane v4, v2;
	v5 =	vadd.f32 v5, v20;
	v20 =	vperm.xlane v6, v1  }
0x1fd: {  	s15 =	sadd.s32 $0x4, s15;
	v27 =	vmov s6;
	v28 =	vmov s7;
	v26 =	vld [tilespmem:s0+$0x4DB0]  }
0x1fe: {  	p0 =	slt.u32 s15, $0x7C;
	s6 =	sadd.s32 $0x86, s14;
	s14 =	smov.u32 s5;
	v29 =	vld [tilespmem:s0+$0x14DB0];
	v4 =	vadd.f32 v4, v25;
	v25 =	vperm.xlane v5, v2;
	v6 =	vadd.f32 v6, v20  }
0x1ff: {  	v27 =	vand.u32 $0xFFFFFFFC, v27;
	v28 =	vand.u32 $0xFFFFFFFD, v28;
	v30 =	vmov s6;
	v20 =	vld [tilespmem:s0+$0xCDA0]  }
0x200: {  	v15 =	vsub.f32 v15, v18;
	v14 =	vsub.f32 v19, v14;
	v31 =	vld [tilespmem:s0+$0xCDB0];
	v18 =	vperm.xlane v6, v2  }
0x201: {  	v9 =	vsub.f32 v9, v11;
	v7 =	vsub.f32 v7, v10;
	v10 =	vperm.xlane v4, v3;
	v19 =	vld [tilespmem:s0+$0xCDC0]  }
0x202: {  	v8 =	vsub.f32 v8, v17;
	v11 =	vsub.f32 v22, v23;
	v22 =	vand.u32 $0xFFFFFFFE, v30;
	v17 =	vld [tilespmem:s0+$0xCDD0]  }
0x203: {  	v13 =	vsub.f32 v13, v24;
	v23 =	vsub.f32 v26, v29;
	v24 =	vld [tilespmem:s0+$0xCDF0];
	v26 =	vbroadcast v27, $0x0  }
0x204: {  	v8 =	vadd.f32 v8, v16;
	v11 =	vadd.f32 v11, v12;
	v12 =	vbroadcast v28, $0x0;
	v27 =	vld [tilespmem:s0+$0x4C00]  }
0x205: {  	v22 =	vbroadcast v22, $0x0;
	v13 =	vadd.f32 v13, v20;
	v16 =	vld [tilespmem:s0+$0x14C00];
	v20 =	vadd.f32 v23, v31  }
0x206: {  	v8 =	vmul.f32 v8, v8;
	v11 =	vmul.f32 v11, v11;
	v23 =	vld [tilespmem:s0+$0x4C10];
	v9 =	vadd.f32 v9, v19  }
0x207: {  	v13 =	vmul.f32 v13, v13;
	v19 =	vld [tilespmem:s0+$0x14C10];
	v20 =	vmul.f32 v20, v20;
	v7 =	vadd.f32 v7, v17  }
0x208: {  	v15 =	vadd.f32 v15, v21;
	v17 =	vld [tilespmem:s0+$0x4C20];
	v9 =	vmul.f32 v9, v9;
	v14 =	vadd.f32 v14, v24  }
0x209: {  	v8 =	vadd.f32 v13, v8;
	v21 =	vld [tilespmem:s0+$0x14C20];
	v11 =	vadd.f32 v20, v11;
	v7 =	vmul.f32 v7, v7  }
0x20a: {  	v15 =	vmul.f32 v15, v15;
	v5 =	vadd.f32 v5, v25;
	v13 =	vsub.f32 v27, v16;
	v16 =	vld [tilespmem:s0+$0x4C30]  }
0x20b: {  	v8 =	vadd.f32 v9, v8;
	v9 =	vmul.f32 v14, v14;
	v20 =	vld [tilespmem:s0+$0x14C30];
	v7 =	vadd.f32 v7, v11  }
0x20c: {  	v6 =	vadd.f32 v6, v18;
	v11 =	vsub.f32 v23, v19;
	v14 =	vld [tilespmem:s0+$0x4C80];
	v19 =	vperm.xlane v5, v3  }
0x20d: {  	v8 =	vadd.f32 v15, v8;
	v18 =	vld [tilespmem:s0+$0x14C80];
	v7 =	vadd.f32 v9, v7  }
0x20e: {  	v4 =	vadd.f32 v4, v10;
	v10 =	vperm.xlane v6, v3;
	v9 =	vsub.f32 v17, v21;
	v15 =	vld [tilespmem:s0+$0x4C90]  }
0x20f: {  	v5 =	vadd.f32 v5, v19;
	v17 =	vld [tilespmem:s0+$0x14C90];
	v7 =	vadd.f32 v7, v8  }
0x210: {  	v8 =	vsub.f32 v16, v20;
	v16 =	vld [tilespmem:s0+$0x4CA0];
	[tilespmem:v26+s30+$0x0] =	vst.idx.msk $0x1, v4;
	v4 =	vadd.f32 v6, v10  }
0x211: {  	v6 =	vld [tilespmem:s0+$0x14CA0];
	v10 =	vperm.xlane v7, v0;
	[tilespmem:v12+s30+$0x0] =	vst.idx.msk $0x1, v5  }
0x212: {  	v5 =	vsub.f32 v14, v18;
	v12 =	vld [tilespmem:s0+$0x4CB0];
	[tilespmem:v22+s30+$0x0] =	vst.idx.msk $0x1, v4  }
0x213: {  	v4 =	vld [tilespmem:s0+$0x14CB0];
	v7 =	vadd.f32 v7, v10  }
0x214: {  	v10 =	vsub.f32 v15, v17;
	v14 =	vld [tilespmem:s0+$0x4D00]  }
0x215: {  	v15 =	vld [tilespmem:s0+$0x14D00];
	v17 =	vperm.xlane v7, v1  }
0x216: {  	v6 =	vsub.f32 v16, v6;
	v16 =	vld [tilespmem:s0+$0x4D10]  }
0x217: {  	v18 =	vld [tilespmem:s0+$0x14D10];
	v7 =	vadd.f32 v7, v17  }
0x218: {  	v4 =	vsub.f32 v12, v4;
	v12 =	vld [tilespmem:s0+$0x4D20]  }
0x219: {  	v17 =	vld [tilespmem:s0+$0x14D20];
	v19 =	vperm.xlane v7, v2  }
0x21a: {  	v14 =	vsub.f32 v14, v15;
	v15 =	vld [tilespmem:s0+$0x4D30]  }
0x21b: {  	s5 =	sadd.s32 $0x87, s14;
	v20 =	vld [tilespmem:s0+$0x14D30];
	v7 =	vadd.f32 v7, v19  }
0x21c: {  	v19 =	vld [tilespmem:s0+$0xCC00];
	v16 =	vsub.f32 v16, v18;
	v18 =	vmov s5  }
0x21d: {  	v21 =	vld [tilespmem:s0+$0xCC10];
	v22 =	vperm.xlane v7, v3  }
0x21e: {  	v23 =	vld [tilespmem:s0+$0xCC20];
	v12 =	vsub.f32 v12, v17  }
0x21f: {  	v17 =	vld [tilespmem:s0+$0xCC30];
	v7 =	vadd.f32 v7, v22  }
0x220: {  	v22 =	vld [tilespmem:s0+$0x4C40];
	v15 =	vsub.f32 v15, v20  }
0x221: {  	v13 =	vadd.f32 v13, v19;
	v19 =	vld [tilespmem:s0+$0x14C40];
	[tilespmem:v18+s30+$0x0] =	vst.idx.msk $0x1, v7  }
0x222: {  	v7 =	vadd.f32 v11, v21;
	v11 =	vld [tilespmem:s0+$0x4C50]  }
0x223: {  	v13 =	vmul.f32 v13, v13;
	v9 =	vadd.f32 v9, v23;
	v18 =	vld [tilespmem:s0+$0x14C50]  }
0x224: {  	v7 =	vmul.f32 v7, v7;
	v8 =	vadd.f32 v8, v17;
	v17 =	vld [tilespmem:s0+$0xCC80]  }
0x225: {  	v9 =	vmul.f32 v9, v9;
	v20 =	vld [tilespmem:s0+$0xCC90]  }
0x226: {  	v8 =	vmul.f32 v8, v8;
	v19 =	vsub.f32 v22, v19;
	v21 =	vld [tilespmem:s0+$0xCCA0]  }
0x227: {  	v9 =	vadd.f32 v9, v13;
	v13 =	vld [tilespmem:s0+$0xCCB0]  }
0x228: {  	v7 =	vadd.f32 v8, v7;
	v8 =	vsub.f32 v11, v18;
	v11 =	vld [tilespmem:s0+$0x4CC0]  }
0x229: {  	v5 =	vadd.f32 v5, v17;
	v17 =	vld [tilespmem:s0+$0x14CC0]  }
0x22a: {  	v10 =	vadd.f32 v10, v20;
	v18 =	vld [tilespmem:s0+$0x4CD0]  }
0x22b: {  	v5 =	vmul.f32 v5, v5;
	v6 =	vadd.f32 v6, v21;
	v20 =	vld [tilespmem:s0+$0x14CD0]  }
0x22c: {  	v10 =	vmul.f32 v10, v10;
	v4 =	vadd.f32 v4, v13;
	v13 =	vld [tilespmem:s0+$0xCD00]  }
0x22d: {  	v6 =	vmul.f32 v6, v6;
	v21 =	vld [tilespmem:s0+$0xCD10]  }
0x22e: {  	v4 =	vmul.f32 v4, v4;
	v11 =	vsub.f32 v11, v17;
	v17 =	vld [tilespmem:s0+$0xCD20]  }
0x22f: {  	v6 =	vadd.f32 v6, v5;
	v5 =	vld [tilespmem:s0+$0xCD30]  }
0x230: {  	v10 =	vadd.f32 v4, v10;
	v18 =	vsub.f32 v18, v20;
	v4 =	vld [tilespmem:s0+$0x4D40]  }
0x231: {  	v13 =	vadd.f32 v14, v13;
	v14 =	vld [tilespmem:s0+$0x14D40]  }
0x232: {  	v16 =	vadd.f32 v16, v21;
	v20 =	vld [tilespmem:s0+$0x4D50]  }
0x233: {  	v13 =	vmul.f32 v13, v13;
	v12 =	vadd.f32 v12, v17;
	v17 =	vld [tilespmem:s0+$0x14D50]  }
0x234: {  	v21 =	vld [tilespmem:s0+$0xCC40];
	v16 =	vmul.f32 v16, v16;
	v5 =	vadd.f32 v15, v5  }
0x235: {  	v15 =	vld [tilespmem:s0+$0xCC50];
	v12 =	vmul.f32 v12, v12  }
0x236: {  	v22 =	vld [tilespmem:s0+$0x4C60];
	v5 =	vmul.f32 v5, v5;
	v14 =	vsub.f32 v4, v14  }
0x237: {  	v4 =	vld [tilespmem:s0+$0x14C60];
	v23 =	vadd.f32 v12, v13  }
0x238: {  	v12 =	vld [tilespmem:s0+$0x4C70];
	v16 =	vadd.f32 v5, v16;
	v20 =	vsub.f32 v20, v17  }
0x239: {  	v5 =	vadd.f32 v19, v21;
	v13 =	vld [tilespmem:s0+$0x14C70]  }
0x23a: {  	v8 =	vadd.f32 v8, v15;
	v15 =	vld [tilespmem:s0+$0xCCC0]  }
0x23b: {  	v5 =	vmul.f32 v5, v5;
	v17 =	vld [tilespmem:s0+$0xCCD0]  }
0x23c: {  	v19 =	vmul.f32 v8, v8;
	v8 =	vsub.f32 v22, v4;
	v21 =	vld [tilespmem:s0+$0x4CE0]  }
0x23d: {  	v5 =	vadd.f32 v5, v9;
	v22 =	vld [tilespmem:s0+$0x14CE0]  }
0x23e: {  	v4 =	vadd.f32 v19, v7;
	v9 =	vsub.f32 v12, v13;
	v13 =	vld [tilespmem:s0+$0x4CF0]  }
0x23f: {  	v7 =	vadd.f32 v11, v15;
	v11 =	vld [tilespmem:s0+$0x14CF0]  }
0x240: {  	v12 =	vadd.f32 v18, v17;
	v15 =	vld [tilespmem:s0+$0xCD40]  }
0x241: {  	v7 =	vmul.f32 v7, v7;
	v18 =	vld [tilespmem:s0+$0xCD50]  }
0x242: {  	v17 =	vmul.f32 v12, v12;
	v12 =	vsub.f32 v21, v22;
	v19 =	vld [tilespmem:s0+$0x4D60]  }
0x243: {  	v6 =	vadd.f32 v7, v6;
	v21 =	vld [tilespmem:s0+$0x14D60]  }
0x244: {  	v7 =	vadd.f32 v17, v10;
	v13 =	vsub.f32 v13, v11;
	v22 =	vld [tilespmem:s0+$0x4D70]  }
0x245: {  	v10 =	vadd.f32 v14, v15;
	v24 =	vld [tilespmem:s0+$0x14D70]  }
.Ltmp1:
0x246: {  	v17 =	vld [tilespmem:s0+$0xCC60];
	v11 =	vadd.f32 v20, v18;
	(pc) =	sbr.rel @p0 .LBB2_4-.Ltmp1, $4  }
0x247: {  	v15 =	vld [tilespmem:s0+$0xCC70];
	v10 =	vmul.f32 v10, v10  }
0x248: {  	v18 =	vld [tilespmem:s0+$0xCCE0];
	v20 =	vmul.f32 v11, v11;
	v14 =	vsub.f32 v19, v21  }
0x249: {  	v19 =	vld [tilespmem:s0+$0xCCF0];
	v11 =	vadd.f32 v10, v23  }
0x24a: {  	s16 =	sadd.s32 $0x800, s16;
	v10 =	vadd.f32 v20, v16;
	v20 =	vld [tilespmem:s0+$0xCD60];
	v16 =	vsub.f32 v22, v24  }
0x24b: {  	v8 =	vadd.f32 v8, v17;
	v17 =	vld [tilespmem:s0+$0xCD70]  }
0x24c: {  	v9 =	vadd.f32 v9, v15  }
0x24d: {  	v8 =	vmul.f32 v8, v8  }
0x24e: {  	v12 =	vadd.f32 v12, v18;
	v9 =	vmul.f32 v9, v9;
	v13 =	vadd.f32 v13, v19  }
0x24f: {  	v5 =	vadd.f32 v8, v5;
	v8 =	vadd.f32 v14, v20  }
0x250: {  	v4 =	vadd.f32 v9, v4;
	v9 =	vadd.f32 v16, v17  }
0x251: {  	v12 =	vmul.f32 v12, v12;
	v13 =	vmul.f32 v13, v13  }
0x252: {  	v8 =	vmul.f32 v8, v8;
	v4 =	vadd.f32 v4, v5;
	v5 =	vmul.f32 v9, v9  }
0x253: {  	v6 =	vadd.f32 v12, v6;
	v7 =	vadd.f32 v13, v7  }
0x254: {  	v8 =	vadd.f32 v8, v11;
	v5 =	vadd.f32 v5, v10  }
0x255: {  	v9 =	vperm.xlane v4, v0;
	v6 =	vadd.f32 v7, v6  }
0x256: {  	v5 =	vadd.f32 v5, v8  }
0x257: {  	v4 =	vadd.f32 v4, v9;
	v7 =	vperm.xlane v6, v0  }
0x258: {  	v9 =	vperm.xlane v5, v0  }
0x259: {  	v8 =	vperm.xlane v4, v1;
	v6 =	vadd.f32 v6, v7  }
0x25a: {  	v5 =	vadd.f32 v5, v9  }
0x25b: {  	v4 =	vadd.f32 v4, v8;
	v7 =	vperm.xlane v6, v1  }
0x25c: {  	s6 =	sadd.s32 $0x84, s14;
	v9 =	vperm.xlane v5, v1  }
0x25d: {  	s5 =	sadd.s32 $0x85, s14;
	v8 =	vperm.xlane v4, v2;
	v6 =	vadd.f32 v6, v7;
	v7 =	vmov s6  }
0x25e: {  	v10 =	vmov s5;
	v7 =	vand.u32 $0xFFFFFFFC, v7;
	v5 =	vadd.f32 v5, v9  }
0x25f: {  	s7 =	sadd.s32 $0x86, s14;
	v4 =	vadd.f32 v4, v8;
	v8 =	vperm.xlane v6, v2;
	v9 =	vand.u32 $0xFFFFFFFD, v10  }
0x260: {  	v10 =	vmov s7;
	v7 =	vbroadcast v7, $0x0;
	v11 =	vperm.xlane v5, v2  }
0x261: {  	v10 =	vand.u32 $0xFFFFFFFE, v10;
	v9 =	vbroadcast v9, $0x0;
	v6 =	vadd.f32 v6, v8  }
0x262: {  	v8 =	vperm.xlane v4, v3;
	v10 =	vbroadcast v10, $0x0;
	v5 =	vadd.f32 v5, v11  }
0x263: {  	v11 =	vperm.xlane v6, v3  }
0x264: {  	v4 =	vadd.f32 v4, v8;
	v8 =	vperm.xlane v5, v3  }
0x265: {  	v6 =	vadd.f32 v6, v11  }
0x266: {  	[tilespmem:v7+s30+$0x0] =	vst.idx.msk $0x1, v4;
	v4 =	vadd.f32 v5, v8  }
0x267: {  	[tilespmem:v9+s30+$0x0] =	vst.idx.msk $0x1, v6  }
0x268: {  	s14 =	simm.s32 $0x180;
	[tilespmem:v10+s30+$0x0] =	vst.idx.msk $0x1, v4  }
0x269: {  	[tilespmem:s23], [sflag:$0x2] =	stream.indirect.gather [hbm4b:s1+s25], $0x80, s14, s25, $0xb8;
	[tilespmem:$0x19000] =	vst v63  }
0x26a: {  	s15 =	simm.s32 $0x580  }
0x26b: {  	[tilespmem:s26], [sflag:$0x2] =	stream.indirect.gather [hbm4b:s2+s25], $0x80, s15, s25, $0xb8;
	[tilespmem:$0x19000] =	vst v63  }
0x26c: {  	s16 =	simm.s32 $0x980  }
0x26d: {  	[tilespmem:s29], [sflag:$0x2] =	stream.indirect.gather [hbm4b:s1+s25], $0x80, s16, s25, $0xb8;
	[tilespmem:$0x19000] =	vst v63  }
0x26e: {  	_ =	swait.ge [sflag:s22], $0x4000  }
0x26f: {  	[sflag:s22] =	ssyncset.done $0x0  }
0x270: {  	[sflag:s22] =	ssyncadd.s32 $0xFFFFC000  }
0x271: {  	_ =	swait.ge [sflag:s22], $0x4000  }
0x272: {  	[sflag:s22] =	ssyncset.done $0x0  }
0x273: {  	[sflag:s22] =	ssyncadd.s32 $0xFFFFC000  }
0x274: {  	_ =	swait.ge [sflag:s22], $0x4000  }
0x275: {  	[sflag:s22] =	ssyncset.done $0x0  }
0x276: {  	s17 =	simm.s32 $0x8D00;
	[sflag:s22] =	ssyncadd.s32 $0xFFFFC000  }
0x277: {  	s0 =	simm.s32 $0xD00;
	v4 =	vld [tilespmem:s17+$0xE0]  }
0x278: {  	s14 =	simm.s32 $0x10D00;
	v5 =	vld [tilespmem:s0+$0xE0]  }
0x279: {  	v6 =	vld [tilespmem:s14+$0xE0]  }
0x27a: {  	v7 =	vld [tilespmem:s0+$0xF0]  }
0x27b: {  	v8 =	vld [tilespmem:s14+$0xF0]  }
0x27c: {  	v9 =	vld [tilespmem:s17+$0x80]  }
0x27d: {  	v10 =	vld [tilespmem:s17+$0x90]  }
0x27e: {  	v11 =	vld [tilespmem:s0+$0xC0]  }
0x27f: {  	v12 =	vld [tilespmem:s14+$0xC0]  }
0x280: {  	v13 =	vld [tilespmem:s0+$0xD0]  }
0x281: {  	v14 =	vld [tilespmem:s14+$0xD0]  }
0x282: {  	v15 =	vld [tilespmem:s0+$0x80]  }
0x283: {  	v16 =	vld [tilespmem:s14+$0x80]  }
0x284: {  	v17 =	vld [tilespmem:s0+$0x90]  }
0x285: {  	v18 =	vld [tilespmem:s14+$0x90]  }
0x286: {  	v19 =	vld [tilespmem:s0+$0xA0]  }
0x287: {  	v20 =	vld [tilespmem:s14+$0xA0]  }
0x288: {  	v21 =	vld [tilespmem:s0+$0xB0]  }
0x289: {  	v22 =	vld [tilespmem:s14+$0xB0]  }
0x28a: {  	v23 =	vld [tilespmem:s17+$0xA0]  }
0x28b: {  	v24 =	vld [tilespmem:s17+$0xB0]  }
0x28c: {  	v25 =	vld [tilespmem:s17+$0xC0]  }
0x28d: {  	v26 =	vld [tilespmem:s17+$0xD0]  }
0x28e: {  	v27 =	vld [tilespmem:s17+$0xF0]  }
0x28f: {  	v28 =	vld [tilespmem:s14+$0xFFFFFF00]  }
0x290: {  	v29 =	vld [tilespmem:s0+$0xFFFFFF10]  }
0x291: {  	v30 =	vld [tilespmem:s14+$0xFFFFFF10]  }
0x292: {  	v31 =	vld [tilespmem:s0+$0xFFFFFF20]  }
0x293: {  	v32 =	vld [tilespmem:s14+$0xFFFFFF20]  }
0x294: {  	v33 =	vld [tilespmem:s0+$0xFFFFFF30]  }
0x295: {  	v34 =	vld [tilespmem:s14+$0xFFFFFF30]  }
0x296: {  	v35 =	vld [tilespmem:s0+$0xFFFFFF80]  }
0x297: {  	v36 =	vld [tilespmem:s14+$0xFFFFFF80]  }
0x298: {  	v37 =	vld [tilespmem:s0+$0xFFFFFF90]  }
0x299: {  	v38 =	vld [tilespmem:s14+$0xFFFFFF90]  }
0x29a: {  	v39 =	vld [tilespmem:s0+$0xFFFFFFA0]  }
0x29b: {  	v40 =	vld [tilespmem:s14+$0xFFFFFFA0]  }
0x29c: {  	v41 =	vld [tilespmem:s0+$0xFFFFFFB0]  }
0x29d: {  	v42 =	vld [tilespmem:s14+$0xFFFFFFB0]  }
0x29e: {  	v58 =	vld [tilespmem:s17+$0xFFFFFF90]  }
0x29f: {  	v59 =	vld [tilespmem:s17+$0xFFFFFFB0]  }
0x2a0: {  	v61 =	vld [tilespmem:s0+$0xFFFFFFC0]  }
0x2a1: {  	v43 =	vld [tilespmem:s14+$0xFFFFFFC0]  }
0x2a2: {  	v62 =	vld [tilespmem:s0+$0xFFFFFFD0]  }
0x2a3: {  	v63 =	vld [tilespmem:s14+$0xFFFFFFD0]  }
0x2a4: {  	v46 =	vld [tilespmem:s17+$0x0]  }
0x2a5: {  	v48 =	vld [tilespmem:s17+$0x10]  }
0x2a6: {  	v50 =	vld [tilespmem:s17+$0x20]  }
0x2a7: {  	v52 =	vld [tilespmem:s0+$0x40]  }
0x2a8: {  	v53 =	vld [tilespmem:s17+$0xFFFFFF50]  }
0x2a9: {  	v54 =	vld [tilespmem:s0+$0xFFFFFF60]  }
0x2aa: {  	v55 =	vld [tilespmem:s14+$0xFFFFFF60];
	v5 =	vsub.f32 v5, v6;
	v6 =	vsub.f32 v7, v8  }
0x2ab: {  	v56 =	vld [tilespmem:s14+$0xFFFFFF70];
	v8 =	vsub.f32 v11, v12;
	v11 =	vsub.f32 v13, v14  }
0x2ac: {  	v57 =	vld [tilespmem:s17+$0xFFFFFFC0];
	v13 =	vsub.f32 v15, v16;
	v14 =	vsub.f32 v17, v18  }
0x2ad: {  	v7 =	vld [tilespmem:s0+$0x0];
	v16 =	vsub.f32 v19, v20;
	v17 =	vsub.f32 v21, v22  }
0x2ae: {  	v12 =	vld [tilespmem:s14+$0x0];
	v9 =	vadd.f32 v13, v9;
	v10 =	vadd.f32 v14, v10  }
0x2af: {  	v15 =	vld [tilespmem:s0+$0x10];
	v14 =	vadd.f32 v16, v23;
	v16 =	vadd.f32 v17, v24  }
0x2b0: {  	v18 =	vld [tilespmem:s14+$0x10];
	v8 =	vadd.f32 v8, v25;
	v9 =	vmul.f32 v9, v9;
	v10 =	vmul.f32 v10, v10  }
0x2b1: {  	v19 =	vld [tilespmem:s0+$0x30];
	v11 =	vadd.f32 v11, v26;
	v14 =	vmul.f32 v14, v14;
	v16 =	vmul.f32 v16, v16  }
0x2b2: {  	v20 =	vld [tilespmem:s14+$0x30];
	v4 =	vadd.f32 v5, v4;
	v5 =	vadd.f32 v6, v27;
	v8 =	vmul.f32 v8, v8  }
0x2b3: {  	v21 =	vld [tilespmem:s14+$0xFFFFFF50];
	v11 =	vmul.f32 v11, v11;
	v9 =	vadd.f32 v14, v9;
	v10 =	vadd.f32 v16, v10  }
0x2b4: {  	v29 =	vsub.f32 v29, v30;
	v31 =	vsub.f32 v31, v32;
	v13 =	vld [tilespmem:s0+$0x20];
	v4 =	vmul.f32 v4, v4  }
0x2b5: {  	v17 =	vld [tilespmem:s14+$0x20];
	v5 =	vmul.f32 v5, v5;
	v8 =	vadd.f32 v8, v9;
	v9 =	vadd.f32 v11, v10  }
0x2b6: {  	v44 =	vsub.f32 v33, v34;
	v51 =	vsub.f32 v41, v42;
	v6 =	vld [tilespmem:s0+$0xFFFFFF00]  }
0x2b7: {  	v23 =	vld [tilespmem:s17+$0xFFFFFF80];
	v4 =	vadd.f32 v4, v8;
	v5 =	vadd.f32 v5, v9  }
0x2b8: {  	v35 =	vsub.f32 v35, v36;
	v25 =	vadd.f32 v51, v59;
	v59 =	vld [tilespmem:s14+$0xFFFFFFF0]  }
0x2b9: {  	v7 =	vsub.f32 v7, v12;
	v12 =	vld [tilespmem:s17+$0x30];
	v4 =	vadd.f32 v5, v4  }
0x2ba: {  	v47 =	vsub.f32 v37, v38;
	v49 =	vsub.f32 v39, v40;
	v14 =	vld [tilespmem:s17+$0xFFFFFF00]  }
0x2bb: {  	v26 =	vsub.f32 v62, v63;
	v15 =	vsub.f32 v15, v18;
	v16 =	vld [tilespmem:s17+$0xFFFFFF10];
	v22 =	vperm.xlane v4, v0  }
0x2bc: {  	v6 =	vsub.f32 v6, v28;
	v13 =	vsub.f32 v13, v17;
	v10 =	vld [tilespmem:s17+$0xFFFFFF20]  }
0x2bd: {  	v17 =	vsub.f32 v19, v20;
	v11 =	vld [tilespmem:s17+$0xFFFFFF30];
	v4 =	vadd.f32 v4, v22  }
0x2be: {  	v20 =	vadd.f32 v35, v23;
	v23 =	vadd.f32 v47, v58;
	v8 =	vld [tilespmem:s0+$0xFFFFFF40]  }
0x2bf: {  	v7 =	vadd.f32 v7, v46;
	v15 =	vadd.f32 v15, v48;
	v9 =	vld [tilespmem:s14+$0xFFFFFF40];
	v60 =	vperm.xlane v4, v1  }
0x2c0: {  	v63 =	vld [tilespmem:s17+$0xFFFFFF60];
	v13 =	vadd.f32 v13, v50;
	v6 =	vadd.f32 v6, v14  }
0x2c1: {  	v7 =	vmul.f32 v7, v7;
	v10 =	vadd.f32 v31, v10;
	v22 =	vld [tilespmem:s17+$0xFFFFFFA0];
	v4 =	vadd.f32 v4, v60  }
0x2c2: {  	v15 =	vmul.f32 v15, v15;
	v16 =	vadd.f32 v29, v16;
	v5 =	vld [tilespmem:s0+$0xFFFFFF50];
	v6 =	vmul.f32 v6, v6  }
0x2c3: {  	v19 =	vld [tilespmem:s14+$0x40];
	v11 =	vadd.f32 v44, v11;
	v10 =	vmul.f32 v10, v10;
	v45 =	vperm.xlane v4, v2  }
0x2c4: {  	v12 =	vadd.f32 v17, v12;
	v16 =	vmul.f32 v16, v16;
	v8 =	vsub.f32 v8, v9;
	v9 =	vld [tilespmem:s17+$0xFFFFFF40]  }
0x2c5: {  	v58 =	vld [tilespmem:s0+$0xFFFFFFF0];
	v11 =	vmul.f32 v11, v11;
	v6 =	vadd.f32 v10, v6;
	v4 =	vadd.f32 v4, v45  }
0x2c6: {  	v17 =	vld [tilespmem:s14+$0xFFFFFFE0];
	v10 =	vmul.f32 v20, v20;
	v20 =	vmul.f32 v23, v23;
	v22 =	vadd.f32 v49, v22  }
0x2c7: {  	v14 =	vld [tilespmem:s0+$0x50];
	v11 =	vadd.f32 v11, v16;
	v5 =	vsub.f32 v5, v21;
	v18 =	vperm.xlane v4, v3  }
0x2c8: {  	v23 =	vld [tilespmem:s0+$0xFFFFFF70];
	v21 =	vsub.f32 v61, v43;
	v16 =	vmul.f32 v22, v22;
	v22 =	vmul.f32 v25, v25  }
0x2c9: {  	v13 =	vmul.f32 v13, v13;
	v8 =	vadd.f32 v8, v9;
	v4 =	vadd.f32 v4, v18;
	v18 =	vld [tilespmem:s14+$0x50]  }
0x2ca: {  	v12 =	vmul.f32 v12, v12;
	v10 =	vadd.f32 v16, v10;
	v16 =	vadd.f32 v22, v20;
	v20 =	vld [tilespmem:s17+$0xFFFFFFD0]  }
0x2cb: {  	v61 =	vadd.f32 v13, v7;
	v5 =	vadd.f32 v5, v53;
	v60 =	vld [tilespmem:s17+$0x40];
	v7 =	vmul.f32 v8, v8  }
0x2cc: {  	v29 =	vsub.f32 v54, v55;
	v19 =	vsub.f32 v52, v19;
	v8 =	vld [tilespmem:s17+$0x50]  }
0x2cd: {  	v15 =	vadd.f32 v12, v15;
	v5 =	vmul.f32 v5, v5;
	v6 =	vadd.f32 v7, v6;
	v22 =	vld [tilespmem:s0+$0xFFFFFFE0]  }
0x2ce: {  	v7 =	vadd.f32 v21, v57;
	v12 =	vsub.f32 v14, v18;
	v14 =	vld [tilespmem:s0+$0x60]  }
0x2cf: {  	s6 =	simm.s32 $0x103;
	v5 =	vadd.f32 v5, v11;
	v11 =	vadd.f32 v26, v20;
	v18 =	vld [tilespmem:s14+$0x60]  }
0x2d0: {  	v9 =	vsub.f32 v23, v56;
	v23 =	vmov s6;
	v21 =	vld [tilespmem:s14+$0x70];
	v7 =	vmul.f32 v7, v7  }
0x2d1: {  	v13 =	vadd.f32 v19, v60;
	v20 =	vld [tilespmem:s0+$0x70];
	v11 =	vmul.f32 v11, v11;
	v62 =	vadd.f32 v12, v8  }
0x2d2: {  	v19 =	vld [tilespmem:s17+$0xFFFFFF70];
	v12 =	vsub.f32 v22, v17;
	v8 =	vadd.f32 v7, v10  }
0x2d3: {  	v7 =	vadd.f32 v11, v16;
	v10 =	vmul.f32 v13, v13;
	v16 =	vld [tilespmem:s17+$0xFFFFFFE0];
	v17 =	vmul.f32 v62, v62  }
0x2d4: {  	v13 =	vsub.f32 v58, v59;
	v14 =	vsub.f32 v14, v18;
	v18 =	vld [tilespmem:s17+$0xFFFFFFF0]  }
0x2d5: {  	v11 =	vadd.f32 v10, v61;
	v10 =	vadd.f32 v17, v15;
	v17 =	vld [tilespmem:s17+$0x60]  }
0x2d6: {  	s28 =	simm.s32 $0x0;
	s15 =	simm.s32 $0xFFFFFFFC;
	s16 =	simm.s32 $0x8F00;
	[tilespmem:v23+s30+$0x0] =	vst.idx.msk $0x1, v4;
	v15 =	vsub.f32 v20, v21;
	v21 =	vadd.f32 v29, v63;
	v20 =	vld [tilespmem:s17+$0x70]  }
.LBB2_6:
0x2d7: {  	v4 =	vld [tilespmem:s16+$0xE0];
	v9 =	vadd.f32 v9, v19;
	s0 =	sadd.s32 $0x200, s0;
	s5 =	smov.u32 s28  }
0x2d8: {  	s14 =	sadd.s32 $0x200, s14;
	v19 =	vld [tilespmem:s0+$0xE0];
	v21 =	vmul.f32 v21, v21;
	v12 =	vadd.f32 v12, v16  }
0x2d9: {  	v16 =	vld [tilespmem:s14+$0xE0];
	v9 =	vmul.f32 v9, v9;
	v13 =	vadd.f32 v13, v18  }
0x2da: {  	v18 =	vld [tilespmem:s0+$0xF0];
	v6 =	vadd.f32 v21, v6;
	v12 =	vmul.f32 v12, v12;
	v14 =	vadd.f32 v14, v17  }
0x2db: {  	v17 =	vld [tilespmem:s14+$0xF0];
	v5 =	vadd.f32 v9, v5;
	v9 =	vmul.f32 v13, v13;
	v13 =	vadd.f32 v15, v20  }
0x2dc: {  	v15 =	vld [tilespmem:s16+$0x80];
	v8 =	vadd.f32 v12, v8;
	v12 =	vmul.f32 v14, v14  }
0x2dd: {  	v14 =	vld [tilespmem:s16+$0x90];
	v5 =	vadd.f32 v5, v6;
	v6 =	vadd.f32 v9, v7;
	v7 =	vmul.f32 v13, v13  }
0x2de: {  	v9 =	vld [tilespmem:s0+$0xC0];
	v11 =	vadd.f32 v12, v11  }
0x2df: {  	v12 =	vld [tilespmem:s14+$0xC0];
	v13 =	vperm.xlane v5, v0;
	v6 =	vadd.f32 v6, v8;
	v7 =	vadd.f32 v7, v10  }
0x2e0: {  	v8 =	vld [tilespmem:s0+$0xD0]  }
0x2e1: {  	v10 =	vld [tilespmem:s14+$0xD0];
	v5 =	vadd.f32 v5, v13;
	v13 =	vperm.xlane v6, v0;
	v7 =	vadd.f32 v7, v11  }
0x2e2: {  	v11 =	vld [tilespmem:s0+$0x80]  }
0x2e3: {  	v20 =	vld [tilespmem:s14+$0x80];
	v21 =	vperm.xlane v5, v1;
	v6 =	vadd.f32 v6, v13;
	v13 =	vperm.xlane v7, v0  }
0x2e4: {  	v22 =	vld [tilespmem:s0+$0x90]  }
0x2e5: {  	v23 =	vld [tilespmem:s14+$0x90];
	v5 =	vadd.f32 v5, v21;
	v21 =	vperm.xlane v6, v1;
	v7 =	vadd.f32 v7, v13  }
0x2e6: {  	v13 =	vld [tilespmem:s0+$0xA0]  }
0x2e7: {  	s6 =	sadd.s32 $0x104, s15;
	v24 =	vld [tilespmem:s14+$0xA0];
	v25 =	vperm.xlane v5, v2;
	v6 =	vadd.f32 v6, v21;
	v21 =	vperm.xlane v7, v1  }
0x2e8: {  	v27 =	vmov s6;
	v26 =	vld [tilespmem:s0+$0xB0]  }
0x2e9: {  	s28 =	sadd.s32 $0x4, s28;
	s7 =	sadd.s32 $0x106, s15;
	s6 =	sadd.s32 $0x105, s15;
	v28 =	vld [tilespmem:s14+$0xB0];
	v5 =	vadd.f32 v5, v25;
	v25 =	vperm.xlane v6, v2;
	v7 =	vadd.f32 v7, v21  }
0x2ea: {  	p0 =	slt.u32 s28, $0x7C;
	v30 =	vmov s7;
	s15 =	smov.u32 s5;
	v27 =	vand.u32 $0xFFFFFFFC, v27;
	v29 =	vmov s6;
	v21 =	vld [tilespmem:s16+$0xA0]  }
0x2eb: {  	v16 =	vsub.f32 v19, v16;
	v17 =	vsub.f32 v18, v17;
	v31 =	vld [tilespmem:s16+$0xB0];
	v18 =	vperm.xlane v7, v2  }
0x2ec: {  	v9 =	vsub.f32 v9, v12;
	v8 =	vsub.f32 v8, v10;
	v10 =	vperm.xlane v5, v3;
	v19 =	vld [tilespmem:s16+$0xC0]  }
0x2ed: {  	v11 =	vsub.f32 v11, v20;
	v12 =	vsub.f32 v22, v23;
	v22 =	vand.u32 $0xFFFFFFFD, v29;
	v20 =	vld [tilespmem:s16+$0xD0]  }
0x2ee: {  	v13 =	vsub.f32 v13, v24;
	v23 =	vsub.f32 v26, v28;
	v24 =	vld [tilespmem:s16+$0xF0];
	v26 =	vand.u32 $0xFFFFFFFE, v30  }
0x2ef: {  	v11 =	vadd.f32 v11, v15;
	v12 =	vadd.f32 v12, v14;
	v14 =	vbroadcast v27, $0x0;
	v28 =	vld [tilespmem:s14+$0xFFFFFF00]  }
0x2f0: {  	v22 =	vbroadcast v22, $0x0;
	v13 =	vadd.f32 v13, v21;
	v15 =	vld [tilespmem:s0+$0xFFFFFF10];
	v21 =	vadd.f32 v23, v31  }
0x2f1: {  	v11 =	vmul.f32 v11, v11;
	v12 =	vmul.f32 v12, v12;
	v23 =	vld [tilespmem:s14+$0xFFFFFF10];
	v9 =	vadd.f32 v9, v19  }
0x2f2: {  	v13 =	vmul.f32 v13, v13;
	v19 =	vld [tilespmem:s0+$0xFFFFFF20];
	v21 =	vmul.f32 v21, v21;
	v8 =	vadd.f32 v8, v20  }
0x2f3: {  	v4 =	vadd.f32 v16, v4;
	v20 =	vld [tilespmem:s14+$0xFFFFFF20];
	v9 =	vmul.f32 v9, v9;
	v16 =	vadd.f32 v17, v24  }
0x2f4: {  	v11 =	vadd.f32 v13, v11;
	v17 =	vld [tilespmem:s0+$0xFFFFFF30];
	v12 =	vadd.f32 v21, v12;
	v8 =	vmul.f32 v8, v8  }
0x2f5: {  	v4 =	vmul.f32 v4, v4;
	v6 =	vadd.f32 v6, v25;
	v7 =	vadd.f32 v7, v18;
	v13 =	vld [tilespmem:s14+$0xFFFFFF30]  }
0x2f6: {  	v9 =	vadd.f32 v9, v11;
	v11 =	vmul.f32 v16, v16;
	v18 =	vld [tilespmem:s0+$0xFFFFFF80];
	v8 =	vadd.f32 v8, v12  }
0x2f7: {  	v21 =	vperm.xlane v7, v3;
	v16 =	vperm.xlane v6, v3;
	v12 =	vsub.f32 v15, v23;
	v15 =	vld [tilespmem:s14+$0xFFFFFF80]  }
0x2f8: {  	v4 =	vadd.f32 v4, v9;
	v9 =	vbroadcast v26, $0x0;
	v23 =	vld [tilespmem:s0+$0xFFFFFF90];
	v8 =	vadd.f32 v11, v8  }
0x2f9: {  	v5 =	vadd.f32 v5, v10;
	v11 =	vsub.f32 v19, v20;
	v19 =	vld [tilespmem:s14+$0xFFFFFF90]  }
0x2fa: {  	v10 =	vsub.f32 v17, v13;
	v13 =	vld [tilespmem:s0+$0xFFFFFFA0];
	v4 =	vadd.f32 v8, v4  }
0x2fb: {  	v8 =	vld [tilespmem:s14+$0xFFFFFFA0];
	[tilespmem:v14+s30+$0x0] =	vst.idx.msk $0x1, v5;
	v5 =	vadd.f32 v6, v16;
	v6 =	vadd.f32 v7, v21  }
0x2fc: {  	v7 =	vsub.f32 v18, v15;
	v14 =	vld [tilespmem:s0+$0xFFFFFFB0];
	v15 =	vperm.xlane v4, v0  }
0x2fd: {  	v16 =	vld [tilespmem:s14+$0xFFFFFFB0];
	[tilespmem:v22+s30+$0x0] =	vst.idx.msk $0x1, v5  }
0x2fe: {  	v5 =	vsub.f32 v23, v19;
	v17 =	vld [tilespmem:s0+$0x0];
	v4 =	vadd.f32 v4, v15;
	[tilespmem:v9+s30+$0x0] =	vst.idx.msk $0x1, v6  }
0x2ff: {  	v6 =	vld [tilespmem:s14+$0x0]  }
0x300: {  	v8 =	vsub.f32 v13, v8;
	v9 =	vld [tilespmem:s0+$0x10];
	v13 =	vperm.xlane v4, v1  }
0x301: {  	v15 =	vld [tilespmem:s14+$0x10]  }
0x302: {  	v14 =	vsub.f32 v14, v16;
	v16 =	vld [tilespmem:s0+$0x20];
	v4 =	vadd.f32 v4, v13  }
0x303: {  	v13 =	vld [tilespmem:s14+$0x20]  }
0x304: {  	v6 =	vsub.f32 v17, v6;
	v17 =	vld [tilespmem:s0+$0x30];
	v18 =	vperm.xlane v4, v2  }
0x305: {  	v19 =	vld [tilespmem:s14+$0x30]  }
0x306: {  	s5 =	sadd.s32 $0x107, s15;
	v20 =	vld [tilespmem:s0+$0xFFFFFF00];
	v9 =	vsub.f32 v9, v15;
	v4 =	vadd.f32 v4, v18  }
0x307: {  	v18 =	vmov s5;
	v15 =	vld [tilespmem:s16+$0xFFFFFF00]  }
0x308: {  	v21 =	vld [tilespmem:s16+$0xFFFFFF10];
	v13 =	vsub.f32 v16, v13;
	v16 =	vperm.xlane v4, v3  }
0x309: {  	v22 =	vld [tilespmem:s16+$0xFFFFFF20]  }
0x30a: {  	v23 =	vld [tilespmem:s16+$0xFFFFFF30];
	v17 =	vsub.f32 v17, v19;
	v4 =	vadd.f32 v4, v16  }
0x30b: {  	v16 =	vsub.f32 v20, v28;
	v19 =	vld [tilespmem:s0+$0xFFFFFF40]  }
0x30c: {  	v20 =	vld [tilespmem:s14+$0xFFFFFF40];
	[tilespmem:v18+s30+$0x0] =	vst.idx.msk $0x1, v4  }
0x30d: {  	v4 =	vadd.f32 v16, v15;
	v12 =	vadd.f32 v12, v21;
	v15 =	vld [tilespmem:s0+$0xFFFFFF50]  }
0x30e: {  	v11 =	vadd.f32 v11, v22;
	v16 =	vld [tilespmem:s14+$0xFFFFFF50]  }
0x30f: {  	v4 =	vmul.f32 v4, v4;
	v12 =	vmul.f32 v12, v12;
	v10 =	vadd.f32 v10, v23;
	v18 =	vld [tilespmem:s16+$0xFFFFFF80]  }
0x310: {  	v11 =	vmul.f32 v11, v11;
	v21 =	vld [tilespmem:s16+$0xFFFFFF90]  }
0x311: {  	v10 =	vmul.f32 v10, v10;
	v19 =	vsub.f32 v19, v20;
	v20 =	vld [tilespmem:s16+$0xFFFFFFA0]  }
0x312: {  	v4 =	vadd.f32 v11, v4;
	v11 =	vld [tilespmem:s16+$0xFFFFFFB0]  }
0x313: {  	v10 =	vadd.f32 v10, v12;
	v12 =	vsub.f32 v15, v16;
	v15 =	vld [tilespmem:s0+$0xFFFFFFC0]  }
0x314: {  	v7 =	vadd.f32 v7, v18;
	v16 =	vld [tilespmem:s14+$0xFFFFFFC0]  }
0x315: {  	v5 =	vadd.f32 v5, v21;
	v18 =	vld [tilespmem:s0+$0xFFFFFFD0]  }
0x316: {  	v7 =	vmul.f32 v7, v7;
	v8 =	vadd.f32 v8, v20;
	v20 =	vld [tilespmem:s14+$0xFFFFFFD0]  }
0x317: {  	v5 =	vmul.f32 v5, v5;
	v11 =	vadd.f32 v14, v11;
	v14 =	vld [tilespmem:s16+$0x0]  }
0x318: {  	v8 =	vmul.f32 v8, v8;
	v21 =	vld [tilespmem:s16+$0x10]  }
0x319: {  	v11 =	vmul.f32 v11, v11;
	v15 =	vsub.f32 v15, v16;
	v16 =	vld [tilespmem:s16+$0x20]  }
0x31a: {  	v7 =	vadd.f32 v8, v7;
	v8 =	vld [tilespmem:s16+$0x30]  }
0x31b: {  	v11 =	vadd.f32 v11, v5;
	v18 =	vsub.f32 v18, v20;
	v5 =	vld [tilespmem:s0+$0x40]  }
0x31c: {  	v6 =	vadd.f32 v6, v14;
	v14 =	vld [tilespmem:s14+$0x40]  }
0x31d: {  	v9 =	vadd.f32 v9, v21;
	v20 =	vld [tilespmem:s0+$0x50]  }
0x31e: {  	v6 =	vmul.f32 v6, v6;
	v13 =	vadd.f32 v13, v16;
	v16 =	vld [tilespmem:s14+$0x50]  }
0x31f: {  	v21 =	vld [tilespmem:s16+$0xFFFFFF40];
	v9 =	vmul.f32 v9, v9;
	v8 =	vadd.f32 v17, v8  }
0x320: {  	v17 =	vld [tilespmem:s16+$0xFFFFFF50];
	v13 =	vmul.f32 v13, v13  }
0x321: {  	v22 =	vld [tilespmem:s0+$0xFFFFFF60];
	v8 =	vmul.f32 v8, v8;
	v14 =	vsub.f32 v5, v14  }
0x322: {  	v5 =	vld [tilespmem:s14+$0xFFFFFF60];
	v23 =	vadd.f32 v13, v6  }
0x323: {  	v13 =	vld [tilespmem:s0+$0xFFFFFF70];
	v24 =	vadd.f32 v8, v9;
	v16 =	vsub.f32 v20, v16  }
0x324: {  	v6 =	vadd.f32 v19, v21;
	v8 =	vld [tilespmem:s14+$0xFFFFFF70]  }
0x325: {  	v9 =	vadd.f32 v12, v17;
	v12 =	vld [tilespmem:s16+$0xFFFFFFC0]  }
0x326: {  	v6 =	vmul.f32 v6, v6;
	v17 =	vld [tilespmem:s16+$0xFFFFFFD0]  }
0x327: {  	v9 =	vmul.f32 v9, v9;
	v20 =	vsub.f32 v22, v5;
	v19 =	vld [tilespmem:s0+$0xFFFFFFE0]  }
0x328: {  	v6 =	vadd.f32 v6, v4;
	v4 =	vld [tilespmem:s14+$0xFFFFFFE0]  }
0x329: {  	v5 =	vadd.f32 v9, v10;
	v9 =	vsub.f32 v13, v8;
	v10 =	vld [tilespmem:s0+$0xFFFFFFF0]  }
0x32a: {  	v8 =	vadd.f32 v15, v12;
	v13 =	vld [tilespmem:s14+$0xFFFFFFF0]  }
0x32b: {  	v12 =	vadd.f32 v18, v17;
	v15 =	vld [tilespmem:s16+$0x40]  }
0x32c: {  	v8 =	vmul.f32 v8, v8;
	v17 =	vld [tilespmem:s16+$0x50]  }
0x32d: {  	v18 =	vmul.f32 v12, v12;
	v12 =	vsub.f32 v19, v4;
	v4 =	vld [tilespmem:s0+$0x60]  }
0x32e: {  	v8 =	vadd.f32 v8, v7;
	v21 =	vld [tilespmem:s14+$0x60]  }
0x32f: {  	v7 =	vadd.f32 v18, v11;
	v13 =	vsub.f32 v10, v13;
	v22 =	vld [tilespmem:s0+$0x70]  }
0x330: {  	v10 =	vadd.f32 v14, v15;
	v15 =	vld [tilespmem:s14+$0x70]  }
0x331: {  	v25 =	vld [tilespmem:s16+$0xFFFFFF60];
	v11 =	vadd.f32 v16, v17  }
.Ltmp2:
0x332: {  	v19 =	vld [tilespmem:s16+$0xFFFFFF70];
	v10 =	vmul.f32 v10, v10;
	(pc) =	sbr.rel @p0 .LBB2_6-.Ltmp2, $4  }
0x333: {  	v16 =	vld [tilespmem:s16+$0xFFFFFFE0];
	v17 =	vmul.f32 v11, v11;
	v14 =	vsub.f32 v4, v21  }
0x334: {  	v18 =	vld [tilespmem:s16+$0xFFFFFFF0];
	v11 =	vadd.f32 v10, v23  }
0x335: {  	v10 =	vadd.f32 v17, v24;
	v17 =	vld [tilespmem:s16+$0x60];
	v15 =	vsub.f32 v22, v15  }
0x336: {  	v21 =	vadd.f32 v20, v25;
	v20 =	vld [tilespmem:s16+$0x70];
	s16 =	sadd.s32 $0x200, s16  }
0x337: {  	v4 =	vadd.f32 v9, v19  }
0x338: {  	v9 =	vmul.f32 v21, v21;
	v12 =	vadd.f32 v12, v16  }
0x339: {  	v4 =	vmul.f32 v4, v4;
	v13 =	vadd.f32 v13, v18  }
0x33a: {  	v6 =	vadd.f32 v9, v6;
	v9 =	vmul.f32 v12, v12;
	v12 =	vadd.f32 v14, v17  }
0x33b: {  	v4 =	vadd.f32 v4, v5;
	v5 =	vmul.f32 v13, v13;
	v13 =	vadd.f32 v15, v20  }
0x33c: {  	v8 =	vadd.f32 v9, v8;
	v9 =	vmul.f32 v12, v12  }
0x33d: {  	v4 =	vadd.f32 v4, v6;
	v5 =	vadd.f32 v5, v7;
	v6 =	vmul.f32 v13, v13  }
0x33e: {  	v7 =	vadd.f32 v9, v11  }
0x33f: {  	v9 =	vperm.xlane v4, v0;
	v5 =	vadd.f32 v5, v8;
	v6 =	vadd.f32 v6, v10;
	_ =	sdelay $0x1  }
0x340: {  	v4 =	vadd.f32 v4, v9;
	v8 =	vperm.xlane v5, v0;
	v6 =	vadd.f32 v6, v7;
	_ =	sdelay $0x1  }
0x341: {  	v7 =	vperm.xlane v4, v1;
	v5 =	vadd.f32 v5, v8;
	v8 =	vperm.xlane v6, v0;
	_ =	sdelay $0x1  }
0x342: {  	v4 =	vadd.f32 v4, v7;
	v7 =	vperm.xlane v5, v1;
	v6 =	vadd.f32 v6, v8;
	_ =	sdelay $0x1  }
0x343: {  	s5 =	sadd.s32 $0x106, s15;
	v8 =	vperm.xlane v4, v2;
	v5 =	vadd.f32 v5, v7;
	v7 =	vperm.xlane v6, v1  }
0x344: {  	s0 =	sadd.s32 $0x104, s15;
	v10 =	vmov s5  }
0x345: {  	s16 =	sadd.s32 $0x105, s15;
	v9 =	vmov s0;
	v4 =	vadd.f32 v4, v8;
	v6 =	vadd.f32 v6, v7  }
0x346: {  	v8 =	vperm.xlane v5, v2;
	v7 =	vand.u32 $0xFFFFFFFC, v9;
	v9 =	vmov s16  }
0x347: {  	v9 =	vand.u32 $0xFFFFFFFD, v9;
	v7 =	vbroadcast v7, $0x0;
	v11 =	vperm.xlane v6, v2  }
0x348: {  	v10 =	vand.u32 $0xFFFFFFFE, v10;
	v9 =	vbroadcast v9, $0x0;
	v5 =	vadd.f32 v5, v8  }
0x349: {  	v10 =	vbroadcast v10, $0x0;
	v8 =	vperm.xlane v4, v3;
	v6 =	vadd.f32 v6, v11  }
0x34a: {  	v11 =	vperm.xlane v5, v3  }
0x34b: {  	v4 =	vadd.f32 v4, v8;
	v12 =	vperm.xlane v6, v3  }
0x34c: {  	v5 =	vadd.f32 v5, v11  }
0x34d: {  	[tilespmem:v7+s30+$0x0] =	vst.idx.msk $0x1, v4;
	v4 =	vadd.f32 v6, v12  }
0x34e: {  	[tilespmem:v9+s30+$0x0] =	vst.idx.msk $0x1, v5  }
0x34f: {  	[tilespmem:v10+s30+$0x0] =	vst.idx.msk $0x1, v4  }
0x350: {  	_ =	swait.ge [sflag:s3], $0x200  }
0x351: {  	[sflag:s3] =	ssyncset.done $0x0  }
0x352: {  	[sflag:s3] =	ssyncadd.s32 $0xFFFFFE00  }
0x353: {  	_ =	swait.ge [sflag:s3], $0x200  }
0x354: {  	[sflag:s3] =	ssyncset.done $0x0  }
0x355: {  	[sflag:s3] =	ssyncadd.s32 $0xFFFFFE00  }
0x356: {  	_ =	swait.ge [sflag:s3], $0x200  }
0x357: {  	[sflag:s3] =	ssyncset.done $0x0  }
0x358: {  	[sflag:s3] =	ssyncadd.s32 $0xFFFFFE00  }
0x359: {  	[tilespmem:s19], [sflag:$0x1] =	stream.indirect.gather [hbm4b:s1+s25], $0x80, s8, s25, $0xb8;
	[tilespmem:$0x19000] =	vst v63  }
0x35a: {  	_ = 	snop  }
0x35b: {  	[tilespmem:s20], [sflag:$0x1] =	stream.indirect.gather [hbm4b:s2+s25], $0x80, s18, s25, $0xb8;
	[tilespmem:$0x19000] =	vst v63  }
0x35c: {  	s17 =	simm.s32 $0xA00  }
0x35d: {  	[tilespmem:s21], [sflag:$0x1] =	stream.indirect.gather [hbm4b:s1+s25], $0x80, s17, s25, $0xb8;
	[tilespmem:$0x19000] =	vst v63  }
0x35e: {  	_ =	swait.ge [sflag:s24], $0x4000  }
0x35f: {  	[sflag:s24] =	ssyncset.done $0x0  }
0x360: {  	[sflag:s24] =	ssyncadd.s32 $0xFFFFC000  }
0x361: {  	_ =	swait.ge [sflag:s24], $0x4000  }
0x362: {  	[sflag:s24] =	ssyncset.done $0x0  }
0x363: {  	[sflag:s24] =	ssyncadd.s32 $0xFFFFC000  }
0x364: {  	_ =	swait.ge [sflag:s24], $0x4000  }
0x365: {  	[sflag:s24] =	ssyncset.done $0x0  }
0x366: {  	s14 =	simm.s32 $0x0;
	[sflag:s24] =	ssyncadd.s32 $0xFFFFC000  }
0x367: {  	v4 =	vld [tilespmem:s14+$0xCDE0]  }
0x368: {  	v5 =	vld [tilespmem:s14+$0x4DE0]  }
0x369: {  	v6 =	vld [tilespmem:s14+$0x14DE0]  }
0x36a: {  	v7 =	vld [tilespmem:s14+$0x4DF0]  }
0x36b: {  	v8 =	vld [tilespmem:s14+$0x14DF0]  }
0x36c: {  	v9 =	vld [tilespmem:s14+$0xCD80]  }
0x36d: {  	v10 =	vld [tilespmem:s14+$0xCD90]  }
0x36e: {  	v11 =	vld [tilespmem:s14+$0x4DC0]  }
0x36f: {  	v12 =	vld [tilespmem:s14+$0x14DC0]  }
0x370: {  	v13 =	vld [tilespmem:s14+$0x4DD0]  }
0x371: {  	v14 =	vld [tilespmem:s14+$0x14DD0]  }
0x372: {  	v15 =	vld [tilespmem:s14+$0x4D80]  }
0x373: {  	v16 =	vld [tilespmem:s14+$0x14D80]  }
0x374: {  	v17 =	vld [tilespmem:s14+$0x4D90]  }
0x375: {  	v18 =	vld [tilespmem:s14+$0x14D90]  }
0x376: {  	v19 =	vld [tilespmem:s14+$0x4DA0]  }
0x377: {  	v20 =	vld [tilespmem:s14+$0x14DA0]  }
0x378: {  	v21 =	vld [tilespmem:s14+$0x4DB0]  }
0x379: {  	v22 =	vld [tilespmem:s14+$0x14DB0]  }
0x37a: {  	v23 =	vld [tilespmem:s14+$0xCDA0]  }
0x37b: {  	v24 =	vld [tilespmem:s14+$0xCDB0]  }
0x37c: {  	v25 =	vld [tilespmem:s14+$0xCDC0]  }
0x37d: {  	v26 =	vld [tilespmem:s14+$0xCDD0]  }
0x37e: {  	v27 =	vld [tilespmem:s14+$0xCDF0]  }
0x37f: {  	v28 =	vld [tilespmem:s14+$0x4C00]  }
0x380: {  	v29 =	vld [tilespmem:s14+$0x14C00]  }
0x381: {  	v30 =	vld [tilespmem:s14+$0x4C10]  }
0x382: {  	v31 =	vld [tilespmem:s14+$0x14C10]  }
0x383: {  	v32 =	vld [tilespmem:s14+$0x4C20]  }
0x384: {  	v33 =	vld [tilespmem:s14+$0x14C20]  }
0x385: {  	v34 =	vld [tilespmem:s14+$0x4C30]  }
0x386: {  	v35 =	vld [tilespmem:s14+$0x14C30]  }
0x387: {  	v36 =	vld [tilespmem:s14+$0x4C80]  }
0x388: {  	v37 =	vld [tilespmem:s14+$0x14C80]  }
0x389: {  	v38 =	vld [tilespmem:s14+$0x4C90]  }
0x38a: {  	v39 =	vld [tilespmem:s14+$0x14C90]  }
0x38b: {  	v40 =	vld [tilespmem:s14+$0x4CA0]  }
0x38c: {  	v41 =	vld [tilespmem:s14+$0x14CA0]  }
0x38d: {  	v55 =	vld [tilespmem:s14+$0xCC80]  }
0x38e: {  	v56 =	vld [tilespmem:s14+$0xCCA0]  }
0x38f: {  	v58 =	vld [tilespmem:s14+$0xCCB0]  }
0x390: {  	v42 =	vld [tilespmem:s14+$0x4CC0]  }
0x391: {  	v59 =	vld [tilespmem:s14+$0x14CC0]  }
0x392: {  	v43 =	vld [tilespmem:s14+$0x4CD0]  }
0x393: {  	v44 =	vld [tilespmem:s14+$0x14CD0]  }
0x394: {  	v62 =	vld [tilespmem:s14+$0xCD00]  }
0x395: {  	v45 =	vld [tilespmem:s14+$0xCD10];
	v5 =	vsub.f32 v5, v6;
	v6 =	vsub.f32 v7, v8  }
0x396: {  	v48 =	vld [tilespmem:s14+$0xCD20];
	v8 =	vsub.f32 v11, v12;
	v11 =	vsub.f32 v13, v14  }
0x397: {  	v50 =	vld [tilespmem:s14+$0xCD30];
	v13 =	vsub.f32 v15, v16;
	v14 =	vsub.f32 v17, v18  }
0x398: {  	v51 =	vld [tilespmem:s14+$0xCC50];
	v16 =	vsub.f32 v19, v20;
	v17 =	vsub.f32 v21, v22  }
0x399: {  	v52 =	vld [tilespmem:s14+$0x4C60];
	v9 =	vadd.f32 v13, v9;
	v10 =	vadd.f32 v14, v10  }
0x39a: {  	v53 =	vld [tilespmem:s14+$0x14C60];
	v14 =	vadd.f32 v16, v23;
	v16 =	vadd.f32 v17, v24  }
0x39b: {  	v54 =	vld [tilespmem:s14+$0x14C70];
	v8 =	vadd.f32 v8, v25;
	v9 =	vmul.f32 v9, v9;
	v10 =	vmul.f32 v10, v10  }
0x39c: {  	v7 =	vld [tilespmem:s14+$0x4CB0];
	v11 =	vadd.f32 v11, v26;
	v14 =	vmul.f32 v14, v14;
	v16 =	vmul.f32 v16, v16  }
0x39d: {  	v12 =	vld [tilespmem:s14+$0x14CB0];
	v4 =	vadd.f32 v5, v4;
	v5 =	vadd.f32 v6, v27;
	v8 =	vmul.f32 v8, v8  }
0x39e: {  	v15 =	vld [tilespmem:s14+$0x4D00];
	v11 =	vmul.f32 v11, v11;
	v9 =	vadd.f32 v14, v9;
	v10 =	vadd.f32 v16, v10  }
0x39f: {  	v18 =	vld [tilespmem:s14+$0x14D00];
	v4 =	vmul.f32 v4, v4  }
0x3a0: {  	v19 =	vld [tilespmem:s14+$0x4D20];
	v5 =	vmul.f32 v5, v5;
	v8 =	vadd.f32 v8, v9;
	v9 =	vadd.f32 v11, v10  }
0x3a1: {  	v20 =	vld [tilespmem:s14+$0x14D20]  }
0x3a2: {  	v21 =	vld [tilespmem:s14+$0x4C50];
	v4 =	vadd.f32 v4, v8;
	v5 =	vadd.f32 v5, v9  }
0x3a3: {  	v13 =	vld [tilespmem:s14+$0x4D10]  }
0x3a4: {  	v17 =	vld [tilespmem:s14+$0x14D10];
	v4 =	vadd.f32 v5, v4  }
0x3a5: {  	v46 =	vsub.f32 v36, v37;
	v6 =	vld [tilespmem:s14+$0x4D30]  }
0x3a6: {  	v23 =	vld [tilespmem:s14+$0x14C50];
	v15 =	vsub.f32 v15, v18;
	v22 =	vperm.xlane v4, v0  }
0x3a7: {  	v18 =	vsub.f32 v19, v20;
	v19 =	vadd.f32 v46, v55;
	v55 =	vld [tilespmem:s14+$0xCCC0]  }
0x3a8: {  	v14 =	vld [tilespmem:s14+$0x14D30];
	v4 =	vadd.f32 v4, v22  }
0x3a9: {  	v16 =	vld [tilespmem:s14+$0xCC00]  }
0x3aa: {  	v28 =	vsub.f32 v28, v29;
	v30 =	vsub.f32 v30, v31;
	v10 =	vld [tilespmem:s14+$0xCC10];
	v57 =	vperm.xlane v4, v1  }
0x3ab: {  	v61 =	vsub.f32 v32, v33;
	v63 =	vsub.f32 v34, v35;
	v11 =	vld [tilespmem:s14+$0xCC20]  }
0x3ac: {  	v7 =	vsub.f32 v7, v12;
	v8 =	vld [tilespmem:s14+$0xCC30];
	v4 =	vadd.f32 v4, v57  }
0x3ad: {  	v47 =	vsub.f32 v38, v39;
	v49 =	vsub.f32 v40, v41;
	v9 =	vld [tilespmem:s14+$0x4C40]  }
0x3ae: {  	v13 =	vsub.f32 v13, v17;
	v7 =	vadd.f32 v7, v58;
	v5 =	vld [tilespmem:s14+$0x14C40];
	v60 =	vperm.xlane v4, v2  }
0x3af: {  	v17 =	vld [tilespmem:s14+$0x4D40];
	v21 =	vsub.f32 v21, v23;
	v23 =	vsub.f32 v42, v59  }
0x3b0: {  	v58 =	vld [tilespmem:s14+$0x4CF0];
	v6 =	vsub.f32 v6, v14;
	v4 =	vadd.f32 v4, v60  }
0x3b1: {  	v59 =	vld [tilespmem:s14+$0x14CF0];
	v13 =	vadd.f32 v13, v45;
	v10 =	vadd.f32 v30, v10  }
0x3b2: {  	v11 =	vadd.f32 v61, v11;
	v6 =	vadd.f32 v6, v50;
	v22 =	vld [tilespmem:s14+$0xCC90];
	v12 =	vperm.xlane v4, v3  }
0x3b3: {  	v13 =	vmul.f32 v13, v13;
	v8 =	vadd.f32 v63, v8;
	v5 =	vsub.f32 v9, v5;
	v9 =	vld [tilespmem:s14+$0xCC40]  }
0x3b4: {  	v11 =	vmul.f32 v11, v11;
	v20 =	vadd.f32 v4, v12;
	v4 =	vld [tilespmem:s14+$0x14D40];
	v12 =	vadd.f32 v28, v16  }
0x3b5: {  	v25 =	vadd.f32 v49, v56;
	v14 =	vld [tilespmem:s14+$0x4D50];
	v10 =	vmul.f32 v10, v10;
	v8 =	vmul.f32 v8, v8  }
0x3b6: {  	v18 =	vadd.f32 v18, v48;
	v61 =	vld [tilespmem:s14+$0x4D60];
	v6 =	vmul.f32 v6, v6;
	v12 =	vmul.f32 v12, v12  }
0x3b7: {  	v10 =	vadd.f32 v8, v10;
	v8 =	vmul.f32 v25, v25;
	v22 =	vadd.f32 v47, v22;
	v16 =	vld [tilespmem:s14+$0x14D50]  }
0x3b8: {  	v60 =	vadd.f32 v6, v13;
	v6 =	vld [tilespmem:s14+$0xCD50];
	v11 =	vadd.f32 v11, v12;
	v12 =	vmul.f32 v19, v19  }
0x3b9: {  	v5 =	vadd.f32 v5, v9;
	v19 =	vmul.f32 v22, v22;
	v22 =	vld [tilespmem:s14+$0x4C70];
	v9 =	vsub.f32 v17, v4  }
0x3ba: {  	v7 =	vmul.f32 v7, v7;
	v4 =	vadd.f32 v21, v51;
	v56 =	vadd.f32 v8, v12;
	v12 =	vld [tilespmem:s14+$0xCCD0]  }
0x3bb: {  	v18 =	vmul.f32 v18, v18;
	v5 =	vmul.f32 v5, v5;
	v17 =	vld [tilespmem:s14+$0xCD40];
	v8 =	vadd.f32 v15, v62  }
0x3bc: {  	v57 =	vsub.f32 v43, v44;
	v13 =	vsub.f32 v14, v16;
	v15 =	vld [tilespmem:s14+$0x4CE0];
	v14 =	vmul.f32 v4, v4  }
0x3bd: {  	v7 =	vadd.f32 v7, v19;
	v19 =	vld [tilespmem:s14+$0x14CE0];
	v4 =	vadd.f32 v5, v11;
	v8 =	vmul.f32 v8, v8  }
0x3be: {  	s18 =	simm.s32 $0x183;
	v62 =	vld [tilespmem:s14+$0x4D70];
	v11 =	vadd.f32 v23, v55;
	v5 =	vadd.f32 v14, v10  }
0x3bf: {  	v63 =	vmov s18;
	v23 =	vld [tilespmem:s14+$0x14D60];
	v21 =	vadd.f32 v18, v8;
	v10 =	vadd.f32 v57, v12  }
0x3c0: {  	v11 =	vmul.f32 v11, v11;
	v8 =	vsub.f32 v52, v53;
	v14 =	vadd.f32 v9, v17;
	v17 =	vld [tilespmem:s14+$0x14D70]  }
0x3c1: {  	v9 =	vsub.f32 v22, v54;
	v22 =	vadd.f32 v13, v6;
	v18 =	vld [tilespmem:s14+$0xCC60];
	v10 =	vmul.f32 v10, v10  }
0x3c2: {  	v12 =	vsub.f32 v15, v19;
	v6 =	vadd.f32 v11, v56;
	v15 =	vld [tilespmem:s14+$0xCC70];
	v11 =	vmul.f32 v14, v14  }
0x3c3: {  	v16 =	vld [tilespmem:s14+$0xCCE0];
	v13 =	vsub.f32 v58, v59;
	v7 =	vadd.f32 v10, v7;
	v10 =	vmul.f32 v22, v22  }
0x3c4: {  	s15 =	simm.s32 $0xFFFFFFFC;
	v19 =	vld [tilespmem:s14+$0xCCF0];
	v14 =	vsub.f32 v61, v23;
	v11 =	vadd.f32 v11, v21  }
0x3c5: {  	s28 =	simm.s32 $0x0;
	s0 =	simm.s32 $0x18C20;
	s16 =	simm.s32 $0x800;
	[tilespmem:v63+s30+$0x0] =	vst.idx.msk $0x1, v20;
	v20 =	vld [tilespmem:s14+$0xCD60];
	v17 =	vsub.f32 v62, v17;
	v10 =	vadd.f32 v10, v60  }
.LBB2_8:
0x3c6: {  	v8 =	vadd.f32 v8, v18;
	v18 =	vld [tilespmem:s14+$0xCD70];
	s14 =	sshra.s32 s16, $0x2;
	s5 =	smov.u32 s28  }
0x3c7: {  	v21 =	vld [tilespmem:s14+$0xCDE0];
	v9 =	vadd.f32 v9, v15  }
0x3c8: {  	v15 =	vld [tilespmem:s14+$0x4DE0];
	v8 =	vmul.f32 v8, v8;
	v12 =	vadd.f32 v12, v16  }
0x3c9: {  	v16 =	vld [tilespmem:s14+$0x14DE0];
	v9 =	vmul.f32 v9, v9;
	v13 =	vadd.f32 v13, v19  }
0x3ca: {  	v19 =	vld [tilespmem:s14+$0x4DF0];
	v4 =	vadd.f32 v8, v4;
	v8 =	vmul.f32 v12, v12;
	v12 =	vadd.f32 v14, v20  }
0x3cb: {  	v14 =	vld [tilespmem:s14+$0x14DF0];
	v5 =	vadd.f32 v9, v5;
	v9 =	vmul.f32 v13, v13;
	v13 =	vadd.f32 v17, v18  }
0x3cc: {  	v17 =	vld [tilespmem:s14+$0xCD80];
	v6 =	vadd.f32 v8, v6;
	v8 =	vmul.f32 v12, v12  }
0x3cd: {  	v12 =	vld [tilespmem:s14+$0xCD90];
	v4 =	vadd.f32 v5, v4;
	v5 =	vadd.f32 v9, v7;
	v7 =	vmul.f32 v13, v13  }
0x3ce: {  	v9 =	vld [tilespmem:s14+$0x4DC0];
	v8 =	vadd.f32 v8, v11  }
0x3cf: {  	v11 =	vld [tilespmem:s14+$0x14DC0];
	v13 =	vperm.xlane v4, v0;
	v5 =	vadd.f32 v5, v6;
	v6 =	vadd.f32 v7, v10  }
0x3d0: {  	v7 =	vld [tilespmem:s14+$0x4DD0]  }
0x3d1: {  	v10 =	vld [tilespmem:s14+$0x14DD0];
	v4 =	vadd.f32 v4, v13;
	v13 =	vperm.xlane v5, v0;
	v6 =	vadd.f32 v6, v8  }
0x3d2: {  	v8 =	vld [tilespmem:s14+$0x4D80]  }
0x3d3: {  	v18 =	vld [tilespmem:s14+$0x14D80];
	v20 =	vperm.xlane v4, v1;
	v5 =	vadd.f32 v5, v13;
	v13 =	vperm.xlane v6, v0  }
0x3d4: {  	v22 =	vld [tilespmem:s14+$0x4D90]  }
0x3d5: {  	v23 =	vld [tilespmem:s14+$0x14D90];
	v4 =	vadd.f32 v4, v20;
	v20 =	vperm.xlane v5, v1;
	v6 =	vadd.f32 v6, v13  }
0x3d6: {  	v13 =	vld [tilespmem:s14+$0x4DA0]  }
0x3d7: {  	s6 =	sadd.s32 $0x184, s15;
	s7 =	sadd.s32 $0x185, s15;
	v24 =	vld [tilespmem:s14+$0x14DA0];
	v25 =	vperm.xlane v4, v2;
	v5 =	vadd.f32 v5, v20;
	v20 =	vperm.xlane v6, v1  }
0x3d8: {  	s28 =	sadd.s32 $0x4, s28;
	v27 =	vmov s6;
	v28 =	vmov s7;
	v26 =	vld [tilespmem:s14+$0x4DB0]  }
0x3d9: {  	p0 =	slt.u32 s28, $0x7C;
	s6 =	sadd.s32 $0x186, s15;
	s15 =	smov.u32 s5;
	v29 =	vld [tilespmem:s14+$0x14DB0];
	v4 =	vadd.f32 v4, v25;
	v25 =	vperm.xlane v5, v2;
	v6 =	vadd.f32 v6, v20  }
0x3da: {  	v27 =	vand.u32 $0xFFFFFFFC, v27;
	v28 =	vand.u32 $0xFFFFFFFD, v28;
	v30 =	vmov s6;
	v20 =	vld [tilespmem:s14+$0xCDA0]  }
0x3db: {  	v15 =	vsub.f32 v15, v16;
	v14 =	vsub.f32 v19, v14;
	v31 =	vld [tilespmem:s14+$0xCDB0];
	v16 =	vperm.xlane v6, v2  }
0x3dc: {  	v9 =	vsub.f32 v9, v11;
	v7 =	vsub.f32 v7, v10;
	v10 =	vperm.xlane v4, v3;
	v19 =	vld [tilespmem:s14+$0xCDC0]  }
0x3dd: {  	v8 =	vsub.f32 v8, v18;
	v11 =	vsub.f32 v22, v23;
	v22 =	vand.u32 $0xFFFFFFFE, v30;
	v18 =	vld [tilespmem:s14+$0xCDD0]  }
0x3de: {  	v13 =	vsub.f32 v13, v24;
	v23 =	vsub.f32 v26, v29;
	v24 =	vld [tilespmem:s14+$0xCDF0];
	v26 =	vbroadcast v27, $0x0  }
0x3df: {  	v8 =	vadd.f32 v8, v17;
	v11 =	vadd.f32 v11, v12;
	v12 =	vbroadcast v28, $0x0;
	v27 =	vld [tilespmem:s14+$0x4C00]  }
0x3e0: {  	v22 =	vbroadcast v22, $0x0;
	v13 =	vadd.f32 v13, v20;
	v17 =	vld [tilespmem:s14+$0x14C00];
	v20 =	vadd.f32 v23, v31  }
0x3e1: {  	v8 =	vmul.f32 v8, v8;
	v11 =	vmul.f32 v11, v11;
	v23 =	vld [tilespmem:s14+$0x4C10];
	v9 =	vadd.f32 v9, v19  }
0x3e2: {  	v13 =	vmul.f32 v13, v13;
	v19 =	vld [tilespmem:s14+$0x14C10];
	v20 =	vmul.f32 v20, v20;
	v7 =	vadd.f32 v7, v18  }
0x3e3: {  	v15 =	vadd.f32 v15, v21;
	v18 =	vld [tilespmem:s14+$0x4C20];
	v9 =	vmul.f32 v9, v9;
	v14 =	vadd.f32 v14, v24  }
0x3e4: {  	v8 =	vadd.f32 v13, v8;
	v21 =	vld [tilespmem:s14+$0x14C20];
	v11 =	vadd.f32 v20, v11;
	v7 =	vmul.f32 v7, v7  }
0x3e5: {  	v15 =	vmul.f32 v15, v15;
	v5 =	vadd.f32 v5, v25;
	v13 =	vsub.f32 v27, v17;
	v17 =	vld [tilespmem:s14+$0x4C30]  }
0x3e6: {  	v8 =	vadd.f32 v9, v8;
	v9 =	vmul.f32 v14, v14;
	v20 =	vld [tilespmem:s14+$0x14C30];
	v7 =	vadd.f32 v7, v11  }
0x3e7: {  	v6 =	vadd.f32 v6, v16;
	v11 =	vsub.f32 v23, v19;
	v14 =	vld [tilespmem:s14+$0x4C80];
	v19 =	vperm.xlane v5, v3  }
0x3e8: {  	v8 =	vadd.f32 v15, v8;
	v16 =	vld [tilespmem:s14+$0x14C80];
	v7 =	vadd.f32 v9, v7  }
0x3e9: {  	v4 =	vadd.f32 v4, v10;
	v10 =	vperm.xlane v6, v3;
	v9 =	vsub.f32 v18, v21;
	v15 =	vld [tilespmem:s14+$0x4C90]  }
0x3ea: {  	v5 =	vadd.f32 v5, v19;
	v18 =	vld [tilespmem:s14+$0x14C90];
	v7 =	vadd.f32 v7, v8  }
0x3eb: {  	v8 =	vsub.f32 v17, v20;
	v17 =	vld [tilespmem:s14+$0x4CA0];
	[tilespmem:v26+s30+$0x0] =	vst.idx.msk $0x1, v4;
	v4 =	vadd.f32 v6, v10  }
0x3ec: {  	v6 =	vld [tilespmem:s14+$0x14CA0];
	v10 =	vperm.xlane v7, v0;
	[tilespmem:v12+s30+$0x0] =	vst.idx.msk $0x1, v5  }
0x3ed: {  	v5 =	vsub.f32 v14, v16;
	v12 =	vld [tilespmem:s14+$0x4CB0];
	[tilespmem:v22+s30+$0x0] =	vst.idx.msk $0x1, v4  }
0x3ee: {  	v4 =	vld [tilespmem:s14+$0x14CB0];
	v7 =	vadd.f32 v7, v10  }
0x3ef: {  	v10 =	vsub.f32 v15, v18;
	v14 =	vld [tilespmem:s14+$0x4D00]  }
0x3f0: {  	v15 =	vld [tilespmem:s14+$0x14D00];
	v16 =	vperm.xlane v7, v1  }
0x3f1: {  	v6 =	vsub.f32 v17, v6;
	v17 =	vld [tilespmem:s14+$0x4D10]  }
0x3f2: {  	v18 =	vld [tilespmem:s14+$0x14D10];
	v7 =	vadd.f32 v7, v16  }
0x3f3: {  	v4 =	vsub.f32 v12, v4;
	v12 =	vld [tilespmem:s14+$0x4D20]  }
0x3f4: {  	v16 =	vld [tilespmem:s14+$0x14D20];
	v19 =	vperm.xlane v7, v2  }
0x3f5: {  	v14 =	vsub.f32 v14, v15;
	v15 =	vld [tilespmem:s14+$0x4D30]  }
0x3f6: {  	s5 =	sadd.s32 $0x187, s15;
	v20 =	vld [tilespmem:s14+$0x14D30];
	v7 =	vadd.f32 v7, v19  }
0x3f7: {  	v19 =	vld [tilespmem:s14+$0xCC00];
	v17 =	vsub.f32 v17, v18;
	v18 =	vmov s5  }
0x3f8: {  	v21 =	vld [tilespmem:s14+$0xCC10];
	v22 =	vperm.xlane v7, v3  }
0x3f9: {  	v23 =	vld [tilespmem:s14+$0xCC20];
	v12 =	vsub.f32 v12, v16  }
0x3fa: {  	v16 =	vld [tilespmem:s14+$0xCC30];
	v7 =	vadd.f32 v7, v22  }
0x3fb: {  	v22 =	vld [tilespmem:s14+$0x4C40];
	v15 =	vsub.f32 v15, v20  }
0x3fc: {  	v13 =	vadd.f32 v13, v19;
	v19 =	vld [tilespmem:s14+$0x14C40];
	[tilespmem:v18+s30+$0x0] =	vst.idx.msk $0x1, v7  }
0x3fd: {  	v7 =	vadd.f32 v11, v21;
	v11 =	vld [tilespmem:s14+$0x4C50]  }
0x3fe: {  	v13 =	vmul.f32 v13, v13;
	v9 =	vadd.f32 v9, v23;
	v18 =	vld [tilespmem:s14+$0x14C50]  }
0x3ff: {  	v7 =	vmul.f32 v7, v7;
	v8 =	vadd.f32 v8, v16;
	v16 =	vld [tilespmem:s14+$0xCC80]  }
0x400: {  	v9 =	vmul.f32 v9, v9;
	v20 =	vld [tilespmem:s14+$0xCC90]  }
0x401: {  	v8 =	vmul.f32 v8, v8;
	v19 =	vsub.f32 v22, v19;
	v21 =	vld [tilespmem:s14+$0xCCA0]  }
0x402: {  	v9 =	vadd.f32 v9, v13;
	v13 =	vld [tilespmem:s14+$0xCCB0]  }
0x403: {  	v7 =	vadd.f32 v8, v7;
	v8 =	vsub.f32 v11, v18;
	v11 =	vld [tilespmem:s14+$0x4CC0]  }
0x404: {  	v5 =	vadd.f32 v5, v16;
	v16 =	vld [tilespmem:s14+$0x14CC0]  }
0x405: {  	v10 =	vadd.f32 v10, v20;
	v18 =	vld [tilespmem:s14+$0x4CD0]  }
0x406: {  	v5 =	vmul.f32 v5, v5;
	v6 =	vadd.f32 v6, v21;
	v20 =	vld [tilespmem:s14+$0x14CD0]  }
0x407: {  	v10 =	vmul.f32 v10, v10;
	v4 =	vadd.f32 v4, v13;
	v13 =	vld [tilespmem:s14+$0xCD00]  }
0x408: {  	v6 =	vmul.f32 v6, v6;
	v21 =	vld [tilespmem:s14+$0xCD10]  }
0x409: {  	v4 =	vmul.f32 v4, v4;
	v11 =	vsub.f32 v11, v16;
	v16 =	vld [tilespmem:s14+$0xCD20]  }
0x40a: {  	v6 =	vadd.f32 v6, v5;
	v5 =	vld [tilespmem:s14+$0xCD30]  }
0x40b: {  	v10 =	vadd.f32 v4, v10;
	v18 =	vsub.f32 v18, v20;
	v4 =	vld [tilespmem:s14+$0x4D40]  }
0x40c: {  	v13 =	vadd.f32 v14, v13;
	v14 =	vld [tilespmem:s14+$0x14D40]  }
0x40d: {  	v17 =	vadd.f32 v17, v21;
	v20 =	vld [tilespmem:s14+$0x4D50]  }
0x40e: {  	v13 =	vmul.f32 v13, v13;
	v12 =	vadd.f32 v12, v16;
	v16 =	vld [tilespmem:s14+$0x14D50]  }
0x40f: {  	v21 =	vld [tilespmem:s14+$0xCC40];
	v17 =	vmul.f32 v17, v17;
	v5 =	vadd.f32 v15, v5  }
0x410: {  	v15 =	vld [tilespmem:s14+$0xCC50];
	v12 =	vmul.f32 v12, v12  }
0x411: {  	v22 =	vld [tilespmem:s14+$0x4C60];
	v5 =	vmul.f32 v5, v5;
	v14 =	vsub.f32 v4, v14  }
0x412: {  	v4 =	vld [tilespmem:s14+$0x14C60];
	v23 =	vadd.f32 v12, v13  }
0x413: {  	v12 =	vld [tilespmem:s14+$0x4C70];
	v17 =	vadd.f32 v5, v17;
	v16 =	vsub.f32 v20, v16  }
0x414: {  	v5 =	vadd.f32 v19, v21;
	v13 =	vld [tilespmem:s14+$0x14C70]  }
0x415: {  	v8 =	vadd.f32 v8, v15;
	v15 =	vld [tilespmem:s14+$0xCCC0]  }
0x416: {  	v5 =	vmul.f32 v5, v5;
	v19 =	vld [tilespmem:s14+$0xCCD0]  }
0x417: {  	v20 =	vmul.f32 v8, v8;
	v8 =	vsub.f32 v22, v4;
	v21 =	vld [tilespmem:s14+$0x4CE0]  }
0x418: {  	v4 =	vadd.f32 v5, v9;
	v22 =	vld [tilespmem:s14+$0x14CE0]  }
0x419: {  	v5 =	vadd.f32 v20, v7;
	v9 =	vsub.f32 v12, v13;
	v13 =	vld [tilespmem:s14+$0x4CF0]  }
0x41a: {  	v7 =	vadd.f32 v11, v15;
	v11 =	vld [tilespmem:s14+$0x14CF0]  }
0x41b: {  	v12 =	vadd.f32 v18, v19;
	v15 =	vld [tilespmem:s14+$0xCD40]  }
0x41c: {  	v7 =	vmul.f32 v7, v7;
	v19 =	vld [tilespmem:s14+$0xCD50]  }
0x41d: {  	v18 =	vmul.f32 v12, v12;
	v12 =	vsub.f32 v21, v22;
	v20 =	vld [tilespmem:s14+$0x4D60]  }
0x41e: {  	v6 =	vadd.f32 v7, v6;
	v21 =	vld [tilespmem:s14+$0x14D60]  }
0x41f: {  	v7 =	vadd.f32 v18, v10;
	v13 =	vsub.f32 v13, v11;
	v22 =	vld [tilespmem:s14+$0x4D70]  }
0x420: {  	v10 =	vadd.f32 v14, v15;
	v24 =	vld [tilespmem:s14+$0x14D70]  }
.Ltmp3:
0x421: {  	v18 =	vld [tilespmem:s14+$0xCC60];
	v11 =	vadd.f32 v16, v19;
	(pc) =	sbr.rel @p0 .LBB2_8-.Ltmp3, $4  }
0x422: {  	v15 =	vld [tilespmem:s14+$0xCC70];
	v10 =	vmul.f32 v10, v10  }
0x423: {  	v16 =	vld [tilespmem:s14+$0xCCE0];
	v25 =	vmul.f32 v11, v11;
	v14 =	vsub.f32 v20, v21  }
0x424: {  	v19 =	vld [tilespmem:s14+$0xCCF0];
	v11 =	vadd.f32 v10, v23  }
0x425: {  	s16 =	sadd.s32 $0x800, s16;
	v10 =	vadd.f32 v25, v17;
	v20 =	vld [tilespmem:s14+$0xCD60];
	v17 =	vsub.f32 v22, v24  }
0x426: {  	v8 =	vadd.f32 v8, v18;
	v18 =	vld [tilespmem:s14+$0xCD70]  }
0x427: {  	v9 =	vadd.f32 v9, v15  }
0x428: {  	v8 =	vmul.f32 v8, v8  }
0x429: {  	v12 =	vadd.f32 v12, v16;
	v9 =	vmul.f32 v9, v9;
	v13 =	vadd.f32 v13, v19  }
0x42a: {  	v4 =	vadd.f32 v8, v4;
	v8 =	vadd.f32 v14, v20  }
0x42b: {  	v5 =	vadd.f32 v9, v5;
	v9 =	vadd.f32 v17, v18  }
0x42c: {  	v12 =	vmul.f32 v12, v12;
	v13 =	vmul.f32 v13, v13  }
0x42d: {  	v8 =	vmul.f32 v8, v8;
	v4 =	vadd.f32 v5, v4;
	v5 =	vmul.f32 v9, v9  }
0x42e: {  	v6 =	vadd.f32 v12, v6;
	v7 =	vadd.f32 v13, v7  }
0x42f: {  	v8 =	vadd.f32 v8, v11;
	v5 =	vadd.f32 v5, v10  }
0x430: {  	v9 =	vperm.xlane v4, v0;
	v6 =	vadd.f32 v7, v6  }
0x431: {  	v5 =	vadd.f32 v5, v8  }
0x432: {  	v4 =	vadd.f32 v4, v9;
	v7 =	vperm.xlane v6, v0  }
0x433: {  	v9 =	vperm.xlane v5, v0  }
0x434: {  	v8 =	vperm.xlane v4, v1;
	v6 =	vadd.f32 v6, v7  }
0x435: {  	v5 =	vadd.f32 v5, v9  }
0x436: {  	v4 =	vadd.f32 v4, v8;
	v7 =	vperm.xlane v6, v1  }
0x437: {  	s5 =	sadd.s32 $0x184, s15;
	v9 =	vperm.xlane v5, v1  }
0x438: {  	s6 =	sadd.s32 $0x185, s15;
	v8 =	vperm.xlane v4, v2;
	v6 =	vadd.f32 v6, v7;
	v7 =	vmov s5  }
0x439: {  	v10 =	vmov s6;
	v7 =	vand.u32 $0xFFFFFFFC, v7;
	v5 =	vadd.f32 v5, v9  }
0x43a: {  	s28 =	sadd.s32 $0x186, s15;
	v4 =	vadd.f32 v4, v8;
	v8 =	vperm.xlane v6, v2;
	v9 =	vand.u32 $0xFFFFFFFD, v10  }
0x43b: {  	v10 =	vmov s28;
	v7 =	vbroadcast v7, $0x0;
	v11 =	vperm.xlane v5, v2  }
0x43c: {  	v10 =	vand.u32 $0xFFFFFFFE, v10;
	v9 =	vbroadcast v9, $0x0;
	v6 =	vadd.f32 v6, v8  }
0x43d: {  	v8 =	vperm.xlane v4, v3;
	v10 =	vbroadcast v10, $0x0;
	v5 =	vadd.f32 v5, v11  }
0x43e: {  	v11 =	vperm.xlane v6, v3  }
0x43f: {  	v4 =	vadd.f32 v4, v8;
	v8 =	vperm.xlane v5, v3  }
0x440: {  	v6 =	vadd.f32 v6, v11  }
0x441: {  	[tilespmem:v7+s30+$0x0] =	vst.idx.msk $0x1, v4;
	v4 =	vadd.f32 v5, v8  }
0x442: {  	[tilespmem:v9+s30+$0x0] =	vst.idx.msk $0x1, v6  }
0x443: {  	[tilespmem:v10+s30+$0x0] =	vst.idx.msk $0x1, v4  }
0x444: {  	v14 =	vld [tilespmem:s0+$0x10];
	_ =	sdelay $0x4  }
0x445: {  	v4 =	vshrl.u32 v14, $0x1  }
0x446: {  	v5 =	vadd.s32 $0x1FBD1DF5, v4  }
0x447: {  	v18 =	vld [tilespmem:s0+$0xFFFFFFE0];
	(erf) = vrcp.f32 v5  }
0x448: {  	v24 =	vld [tilespmem:s0+$0xFFFFFFF0]  }
0x449: {  	v4 =	vld [tilespmem:s0+$0x0];
	_ =	sdelay $0x1  }
0x44a: {  	s14 =	simm.s32 $0x18C60  }
0x44b: {  	v11 =	vld [tilespmem:s14+$0x10];
	v6 =	vshrl.u32 v18, $0x1  }
0x44c: {  	v7 =	vshrl.u32 v24, $0x1;
	v8 =	vadd.s32 $0x1FBD1DF5, v6  }
0x44d: {  	v9 =	vadd.s32 $0x1FBD1DF5, v7;
	(erf) = vrcp.f32 v8;
	v6 =	vshrl.u32 v4, $0x1  }
0x44e: {  	(erf) = vrcp.f32 v9;
	v10 =	vadd.s32 $0x1FBD1DF5, v6  }
0x44f: {  	(erf) = vrcp.f32 v10;
	v7 =	vpop (erf)  }
0x450: {  	v12 =	vshrl.u32 v11, $0x1;
	v6 =	vld [tilespmem:s14+$0xFFFFFFE0];
	v7 =	vmul.f32 v7, v14  }
0x451: {  	v16 =	vadd.s32 $0x1FBD1DF5, v12  }
0x452: {  	(erf) = vrcp.f32 v16;
	v13 =	vadd.f32 v5, v7;
	v7 =	vld [tilespmem:s14+$0xFFFFFFF0]  }
0x453: {  	v5 =	vld [tilespmem:s14+$0x0]  }
0x454: {  	v17 =	vmul.f32 $5.000000000e-01, v13  }
0x455: {  	v12 =	vshrl.u32 v6, $0x1  }
0x456: {  	v22 =	vadd.s32 $0x1FBD1DF5, v12;
	v13 =	vpop (erf);
	(erf) = vrcp.f32 v17  }
0x457: {  	v12 =	vmul.f32 v13, v18;
	v13 =	vpop (erf);
	(erf) = vrcp.f32 v22  }
0x458: {  	v15 =	vshrl.u32 v7, $0x1;
	v20 =	vshrl.u32 v5, $0x1;
	v19 =	vpop (erf);
	v13 =	vmul.f32 v13, v24  }
0x459: {  	v23 =	vadd.s32 $0x1FBD1DF5, v15;
	v8 =	vadd.f32 v8, v12;
	v12 =	vmul.f32 v19, v4  }
0x45a: {  	s15 =	simm.s32 $0x18CA0;
	v26 =	vadd.s32 $0x1FBD1DF5, v20;
	(erf) = vrcp.f32 v23;
	v13 =	vadd.f32 v9, v13  }
0x45b: {  	v9 =	vld [tilespmem:s15+$0x10];
	(erf) = vrcp.f32 v26;
	v20 =	vpop (erf);
	v19 =	vmul.f32 $5.000000000e-01, v8;
	v10 =	vadd.f32 v10, v12  }
0x45c: {  	v8 =	vld [tilespmem:s15+$0xFFFFFFF0];
	v20 =	vmul.f32 v20, v11;
	v15 =	vmul.f32 $5.000000000e-01, v13  }
0x45d: {  	v12 =	vld [tilespmem:s15+$0xFFFFFFE0];
	v13 =	vmul.f32 $5.000000000e-01, v10;
	(erf) = vrcp.f32 v19  }
0x45e: {  	v10 =	vld [tilespmem:s15+$0x0];
	(erf) = vrcp.f32 v15  }
0x45f: {  	v20 =	vadd.f32 v16, v20;
	(erf) = vrcp.f32 v13;
	v21 =	vpop (erf)  }
0x460: {  	v25 =	vshrl.u32 v9, $0x1;
	v21 =	vmul.f32 v21, v14  }
0x461: {  	v27 =	vpop (erf);
	v28 =	vshrl.u32 v8, $0x1;
	v16 =	vadd.s32 $0x1FBD1DF5, v25;
	v14 =	vmul.f32 $5.000000000e-01, v20  }
0x462: {  	v25 =	vmul.f32 v27, v6;
	(erf) = vrcp.f32 v16;
	v17 =	vadd.f32 v21, v17  }
0x463: {  	v20 =	vadd.s32 $0x1FBD1DF5, v28;
	v21 =	vshrl.u32 v12, $0x1;
	v27 =	vshrl.u32 v10, $0x1  }
0x464: {  	v62 =	vpop (erf);
	(erf) = vrcp.f32 v14;
	v21 =	vadd.s32 $0x1FBD1DF5, v21;
	v29 =	vmul.f32 $5.000000000e-01, v17  }
0x465: {  	v30 =	vpop (erf);
	v17 =	vadd.s32 $0x1FBD1DF5, v27;
	(erf) = vrcp.f32 v21;
	v27 =	vmul.f32 v62, v7  }
0x466: {  	v31 =	vadd.f32 v22, v25;
	v30 =	vmul.f32 v30, v5;
	(erf) = vrcp.f32 v20;
	v63 =	vpop (erf)  }
0x467: {  	(erf) = vrcp.f32 v17;
	v25 =	vadd.f32 v23, v27;
	v32 =	vpop (erf);
	v22 =	vmul.f32 v63, v18  }
0x468: {  	s6 =	simm.s32 $0x18CE0;
	s5 =	simm.s32 $0x8;
	[tilespmem:s0+$0x10] =	vst v29;
	v26 =	vadd.f32 v26, v30;
	v18 =	vmul.f32 $5.000000000e-01, v31;
	v23 =	vpop (erf);
	v24 =	vmul.f32 v32, v24  }
.LBB2_10:
0x469: {  	_ = 	snop  }
0x46a: {  	v19 =	vadd.f32 v22, v19;
	v22 =	vmul.f32 v23, v4;
	v23 =	vmul.f32 $5.000000000e-01, v26  }
0x46b: {  	v27 =	vld [tilespmem:s6+$0x10];
	s5 =	sadd.s32 $0x4, s5;
	v25 =	vmul.f32 $5.000000000e-01, v25;
	v4 =	vmov v5;
	v5 =	vmov v10  }
0x46c: {  	v28 =	vld [tilespmem:s6+$0xFFFFFFF0];
	p0 =	slt.u32 s5, $0x1C;
	(erf) = vrcp.f32 v18;
	v30 =	vadd.f32 v24, v15;
	v26 =	vmovc v6;
	v6 =	vmov v12  }
0x46d: {  	v10 =	vld [tilespmem:s6+$0x0];
	v15 =	vpop (erf);
	(erf) = vrcp.f32 v25;
	v19 =	vmul.f32 $5.000000000e-01, v19;
	v22 =	vadd.f32 v22, v13  }
0x46e: {  	v12 =	vld [tilespmem:s6+$0xFFFFFFE0];
	v31 =	vmul.f32 v15, v9;
	(erf) = vrcp.f32 v23;
	v15 =	vmovc v25;
	v13 =	vmovc v23;
	v23 =	vmov v20  }
0x46f: {  	v24 =	vmov v21;
	v22 =	vmul.f32 $5.000000000e-01, v22;
	v20 =	vpop (erf);
	[tilespmem:s0+$0xFFFFFFE0] =	vst v19;
	v19 =	vmul.f32 $5.000000000e-01, v30  }
0x470: {  	v21 =	vshrl.u32 v27, $0x1;
	v25 =	vadd.f32 v16, v31;
	v29 =	vpop (erf);
	v32 =	vmul.f32 v20, v11  }
0x471: {  	v16 =	vadd.s32 $0x1FBD1DF5, v21;
	v20 =	vshrl.u32 v28, $0x1;
	v29 =	vmul.f32 v29, v6;
	v30 =	vpop (erf);
	[tilespmem:s0+$0xFFFFFFF0] =	vst v19  }
0x472: {  	(erf) = vrcp.f32 v16;
	v31 =	vpop (erf);
	v32 =	vadd.f32 v32, v14;
	v14 =	vmul.f32 $5.000000000e-01, v25;
	[tilespmem:s0+$0x0] =	vst v22;
	s0 =	smov.u32 s14;
	s14 =	smov.u32 s15;
	s15 =	smov.u32 s6  }
0x473: {  	v33 =	vshrl.u32 v10, $0x1;
	v11 =	vmovc v9;
	v9 =	vmovc v27;
	v21 =	vshrl.u32 v12, $0x1;
	v20 =	vadd.s32 $0x1FBD1DF5, v20  }
.Ltmp4:
0x474: {  	v27 =	vmovc v17;
	v21 =	vadd.s32 $0x1FBD1DF5, v21;
	v19 =	vmovc v18;
	(erf) = vrcp.f32 v14;
	v25 =	vmul.f32 $5.000000000e-01, v32;
	(pc) =	sbr.rel @p0 .LBB2_10-.Ltmp4, $4  }
0x475: {  	v17 =	vadd.s32 $0x1FBD1DF5, v33;
	v18 =	vmul.f32 v30, v8;
	(erf) = vrcp.f32 v21;
	v22 =	vpop (erf)  }
0x476: {  	v24 =	vadd.f32 v24, v29;
	v29 =	vmul.f32 v31, v5;
	(erf) = vrcp.f32 v20;
	[tilespmem:s0+$0x10] =	vst v25;
	v30 =	vpop (erf)  }
0x477: {  	v25 =	vadd.f32 v23, v18;
	v22 =	vmul.f32 v22, v26;
	(erf) = vrcp.f32 v17;
	v23 =	vpop (erf)  }
0x478: {  	s6 =	sadd.s32 $0x40, s6;
	v18 =	vmul.f32 $5.000000000e-01, v24;
	v26 =	vadd.f32 v27, v29;
	v24 =	vmul.f32 v30, v7;
	v7 =	vmovc v8;
	v8 =	vmovc v28  }
0x479: {  	_ =	sdelay $0x2  }
0x47a: {  	v27 =	vpop (erf)  }
0x47b: {  	v28 =	vpop (erf)  }
0x47c: {  	v27 =	vmul.f32 v27, v9;
	v29 =	vpop (erf)  }
0x47d: {  	(erf) = vrcp.f32 v18;
	v29 =	vmul.f32 v29, v12;
	v30 =	vpop (erf)  }
0x47e: {  	v25 =	vmul.f32 $5.000000000e-01, v25;
	v16 =	vadd.f32 v16, v27;
	v50 =	vpop (erf);
	v30 =	vmul.f32 v30, v8  }
0x47f: {  	v26 =	vmul.f32 $5.000000000e-01, v26;
	v21 =	vadd.f32 v21, v29;
	v27 =	vmul.f32 v50, v10  }
0x480: {  	(erf) = vrcp.f32 v25;
	v16 =	vmul.f32 $5.000000000e-01, v16;
	v20 =	vadd.f32 v20, v30  }
0x481: {  	(erf) = vrcp.f32 v26;
	v21 =	vmul.f32 $5.000000000e-01, v21;
	v17 =	vadd.f32 v17, v27  }
0x482: {  	(erf) = vrcp.f32 v16;
	v20 =	vmul.f32 $5.000000000e-01, v20  }
0x483: {  	v17 =	vmul.f32 $5.000000000e-01, v17;
	(erf) = vrcp.f32 v21  }
0x484: {  	(erf) = vrcp.f32 v20  }
0x485: {  	(erf) = vrcp.f32 v17  }
0x486: {  	v19 =	vadd.f32 v22, v19;
	v11 =	vmul.f32 v28, v11;
	v22 =	vpop (erf)  }
0x487: {  	v4 =	vmul.f32 v23, v4;
	v15 =	vadd.f32 v24, v15;
	v6 =	vmul.f32 v22, v6  }
0x488: {  	v19 =	vmul.f32 $5.000000000e-01, v19;
	v11 =	vadd.f32 v11, v14  }
0x489: {  	v4 =	vadd.f32 v4, v13;
	v15 =	vmul.f32 $5.000000000e-01, v15;
	v6 =	vadd.f32 v6, v18;
	v13 =	vpop (erf)  }
0x48a: {  	v11 =	vmul.f32 $5.000000000e-01, v11;
	v14 =	vpop (erf);
	v7 =	vmul.f32 v13, v7  }
0x48b: {  	[tilespmem:s0+$0xFFFFFFE0] =	vst v19;
	v4 =	vmul.f32 $5.000000000e-01, v4;
	v5 =	vmul.f32 v14, v5;
	v13 =	vpop (erf)  }
0x48c: {  	[tilespmem:s0+$0xFFFFFFF0] =	vst v15;
	v7 =	vadd.f32 v7, v25;
	v9 =	vmul.f32 v13, v9;
	v13 =	vpop (erf)  }
0x48d: {  	[tilespmem:s0+$0x0] =	vst v4;
	v4 =	vmul.f32 $5.000000000e-01, v6;
	v5 =	vadd.f32 v5, v26;
	v6 =	vpop (erf);
	v12 =	vmul.f32 v13, v12  }
0x48e: {  	[tilespmem:s14+$0x10] =	vst v11;
	v7 =	vmul.f32 $5.000000000e-01, v7;
	v9 =	vadd.f32 v9, v16;
	v11 =	vpop (erf);
	v6 =	vmul.f32 v6, v8  }
0x48f: {  	[tilespmem:s14+$0xFFFFFFE0] =	vst v4;
	v4 =	vmul.f32 $5.000000000e-01, v5;
	v5 =	vadd.f32 v12, v21;
	v8 =	vmul.f32 v11, v10  }
0x490: {  	[tilespmem:s14+$0xFFFFFFF0] =	vst v7;
	v7 =	vmul.f32 $5.000000000e-01, v9;
	v6 =	vadd.f32 v6, v20  }
0x491: {  	[tilespmem:s14+$0x0] =	vst v4;
	v4 =	vmul.f32 $5.000000000e-01, v5;
	v5 =	vadd.f32 v8, v17  }
0x492: {  	[tilespmem:s15+$0x10] =	vst v7;
	v6 =	vmul.f32 $5.000000000e-01, v6  }
0x493: {  	[tilespmem:s15+$0xFFFFFFE0] =	vst v4;
	v4 =	vmul.f32 $5.000000000e-01, v5  }
0x494: {  	[tilespmem:s15+$0xFFFFFFF0] =	vst v6  }
0x495: {  	[tilespmem:s15+$0x0] =	vst v4  }
0x496: {  	[hbm4b:s11+s4] =	stream.linear.scatter [tilespmem:s30], [sflag:$0x3], $0x200, $0x38;
	[tilespmem:$0x19000] =	vst v63  }
0x497: {  	s16 =	simm.s32 $0x280  }
0x498: {  	[tilespmem:s23], [sflag:$0x2] =	stream.indirect.gather [hbm4b:s1+s25], $0x80, s16, s25, $0xb8;
	[tilespmem:$0x19000] =	vst v63  }
0x499: {  	s17 =	simm.s32 $0x680  }
0x49a: {  	[tilespmem:s26], [sflag:$0x2] =	stream.indirect.gather [hbm4b:s2+s25], $0x80, s17, s25, $0xb8;
	[tilespmem:$0x19000] =	vst v63  }
0x49b: {  	s18 =	simm.s32 $0xA80  }
0x49c: {  	[tilespmem:s29], [sflag:$0x2] =	stream.indirect.gather [hbm4b:s1+s25], $0x80, s18, s25, $0xb8;
	[tilespmem:$0x19000] =	vst v63  }
0x49d: {  	_ =	swait.ge [sflag:s22], $0x4000  }
0x49e: {  	[sflag:s22] =	ssyncset.done $0x0  }
0x49f: {  	[sflag:s22] =	ssyncadd.s32 $0xFFFFC000  }
0x4a0: {  	_ =	swait.ge [sflag:s22], $0x4000  }
0x4a1: {  	[sflag:s22] =	ssyncset.done $0x0  }
0x4a2: {  	[sflag:s22] =	ssyncadd.s32 $0xFFFFC000  }
0x4a3: {  	_ =	swait.ge [sflag:s22], $0x4000  }
0x4a4: {  	[sflag:s22] =	ssyncset.done $0x0  }
0x4a5: {  	s5 =	simm.s32 $0x8D00;
	[sflag:s22] =	ssyncadd.s32 $0xFFFFC000  }
0x4a6: {  	s0 =	simm.s32 $0xD00;
	v4 =	vld [tilespmem:s5+$0xE0]  }
0x4a7: {  	s14 =	simm.s32 $0x10D00;
	v5 =	vld [tilespmem:s0+$0xE0]  }
0x4a8: {  	v6 =	vld [tilespmem:s14+$0xE0]  }
0x4a9: {  	v7 =	vld [tilespmem:s0+$0xF0]  }
0x4aa: {  	v8 =	vld [tilespmem:s14+$0xF0]  }
0x4ab: {  	v9 =	vld [tilespmem:s5+$0x80]  }
0x4ac: {  	v10 =	vld [tilespmem:s5+$0x90]  }
0x4ad: {  	v11 =	vld [tilespmem:s0+$0xC0]  }
0x4ae: {  	v12 =	vld [tilespmem:s14+$0xC0]  }
0x4af: {  	v13 =	vld [tilespmem:s0+$0xD0]  }
0x4b0: {  	v14 =	vld [tilespmem:s14+$0xD0]  }
0x4b1: {  	v15 =	vld [tilespmem:s0+$0x80]  }
0x4b2: {  	v16 =	vld [tilespmem:s14+$0x80]  }
0x4b3: {  	v17 =	vld [tilespmem:s0+$0x90]  }
0x4b4: {  	v18 =	vld [tilespmem:s14+$0x90]  }
0x4b5: {  	v19 =	vld [tilespmem:s0+$0xA0]  }
0x4b6: {  	v20 =	vld [tilespmem:s14+$0xA0]  }
0x4b7: {  	v21 =	vld [tilespmem:s0+$0xB0]  }
0x4b8: {  	v22 =	vld [tilespmem:s14+$0xB0]  }
0x4b9: {  	v23 =	vld [tilespmem:s5+$0xA0]  }
0x4ba: {  	v51 =	vld [tilespmem:s5+$0xB0]  }
0x4bb: {  	v52 =	vld [tilespmem:s5+$0xC0]  }
0x4bc: {  	v53 =	vld [tilespmem:s5+$0xD0]  }
0x4bd: {  	v54 =	vld [tilespmem:s5+$0xF0]  }
0x4be: {  	v55 =	vld [tilespmem:s14+$0xFFFFFF00]  }
0x4bf: {  	v56 =	vld [tilespmem:s0+$0xFFFFFF10]  }
0x4c0: {  	v57 =	vld [tilespmem:s14+$0xFFFFFF10]  }
0x4c1: {  	v31 =	vld [tilespmem:s0+$0xFFFFFF20]  }
0x4c2: {  	v32 =	vld [tilespmem:s14+$0xFFFFFF20]  }
0x4c3: {  	v33 =	vld [tilespmem:s0+$0xFFFFFF30]  }
0x4c4: {  	v34 =	vld [tilespmem:s14+$0xFFFFFF30]  }
0x4c5: {  	v35 =	vld [tilespmem:s0+$0xFFFFFF80]  }
0x4c6: {  	v36 =	vld [tilespmem:s14+$0xFFFFFF80]  }
0x4c7: {  	v37 =	vld [tilespmem:s0+$0xFFFFFF90]  }
0x4c8: {  	v38 =	vld [tilespmem:s14+$0xFFFFFF90]  }
0x4c9: {  	v39 =	vld [tilespmem:s0+$0xFFFFFFA0]  }
0x4ca: {  	v40 =	vld [tilespmem:s14+$0xFFFFFFA0]  }
0x4cb: {  	v41 =	vld [tilespmem:s0+$0xFFFFFFB0]  }
0x4cc: {  	v42 =	vld [tilespmem:s14+$0xFFFFFFB0]  }
0x4cd: {  	v58 =	vld [tilespmem:s5+$0xFFFFFF90]  }
0x4ce: {  	v59 =	vld [tilespmem:s5+$0xFFFFFFB0]  }
0x4cf: {  	v61 =	vld [tilespmem:s0+$0xFFFFFFC0]  }
0x4d0: {  	v43 =	vld [tilespmem:s14+$0xFFFFFFC0]  }
0x4d1: {  	v62 =	vld [tilespmem:s0+$0xFFFFFFD0]  }
0x4d2: {  	v63 =	vld [tilespmem:s14+$0xFFFFFFD0]  }
0x4d3: {  	v46 =	vld [tilespmem:s5+$0x0]  }
0x4d4: {  	v48 =	vld [tilespmem:s5+$0x10]  }
0x4d5: {  	v50 =	vld [tilespmem:s5+$0x20]  }
0x4d6: {  	v5 =	vsub.f32 v5, v6;
	v6 =	vsub.f32 v7, v8;
	v7 =	vld [tilespmem:s0+$0x0]  }
0x4d7: {  	v8 =	vsub.f32 v11, v12;
	v12 =	vld [tilespmem:s14+$0x0]  }
0x4d8: {  	v11 =	vsub.f32 v13, v14;
	v13 =	vsub.f32 v15, v16;
	v15 =	vld [tilespmem:s0+$0x10]  }
0x4d9: {  	v14 =	vsub.f32 v17, v18;
	v18 =	vld [tilespmem:s14+$0x10]  }
0x4da: {  	v16 =	vsub.f32 v19, v20;
	v19 =	vld [tilespmem:s0+$0x30]  }
0x4db: {  	v17 =	vsub.f32 v21, v22;
	v20 =	vld [tilespmem:s14+$0x30]  }
0x4dc: {  	v21 =	vld [tilespmem:s14+$0xFFFFFF50];
	v29 =	vsub.f32 v56, v57;
	v26 =	vsub.f32 v62, v63  }
0x4dd: {  	v56 =	vld [tilespmem:s14+$0xFFFFFF70];
	v9 =	vadd.f32 v13, v9;
	v10 =	vadd.f32 v14, v10  }
0x4de: {  	v57 =	vld [tilespmem:s5+$0xFFFFFFC0];
	v14 =	vadd.f32 v16, v23;
	v16 =	vadd.f32 v17, v51  }
0x4df: {  	v63 =	vld [tilespmem:s5+$0xFFFFFF60];
	v8 =	vadd.f32 v8, v52;
	v9 =	vmul.f32 v9, v9;
	v10 =	vmul.f32 v10, v10  }
0x4e0: {  	v13 =	vld [tilespmem:s0+$0x20];
	v11 =	vadd.f32 v11, v53;
	v14 =	vmul.f32 v14, v14;
	v16 =	vmul.f32 v16, v16  }
0x4e1: {  	v17 =	vld [tilespmem:s14+$0x20];
	v4 =	vadd.f32 v5, v4;
	v5 =	vadd.f32 v6, v54;
	v8 =	vmul.f32 v8, v8  }
0x4e2: {  	v6 =	vld [tilespmem:s0+$0xFFFFFF00];
	v11 =	vmul.f32 v11, v11;
	v9 =	vadd.f32 v14, v9;
	v10 =	vadd.f32 v16, v10  }
0x4e3: {  	v23 =	vld [tilespmem:s5+$0xFFFFFF80];
	v4 =	vmul.f32 v4, v4  }
0x4e4: {  	v52 =	vld [tilespmem:s0+$0x40];
	v5 =	vmul.f32 v5, v5;
	v8 =	vadd.f32 v8, v9;
	v9 =	vadd.f32 v11, v10  }
0x4e5: {  	v31 =	vsub.f32 v31, v32;
	v51 =	vsub.f32 v41, v42;
	v53 =	vld [tilespmem:s5+$0xFFFFFF50]  }
0x4e6: {  	v54 =	vld [tilespmem:s0+$0xFFFFFF60];
	v4 =	vadd.f32 v4, v8;
	v5 =	vadd.f32 v5, v9  }
0x4e7: {  	v44 =	vsub.f32 v33, v34;
	v25 =	vadd.f32 v51, v59;
	v59 =	vld [tilespmem:s14+$0xFFFFFFF0]  }
0x4e8: {  	v7 =	vsub.f32 v7, v12;
	v12 =	vld [tilespmem:s5+$0x30];
	v4 =	vadd.f32 v5, v4  }
0x4e9: {  	v35 =	vsub.f32 v35, v36;
	v47 =	vsub.f32 v37, v38;
	v14 =	vld [tilespmem:s5+$0xFFFFFF00]  }
0x4ea: {  	v49 =	vsub.f32 v39, v40;
	v15 =	vsub.f32 v15, v18;
	v16 =	vld [tilespmem:s5+$0xFFFFFF10];
	v22 =	vperm.xlane v4, v0  }
0x4eb: {  	v6 =	vsub.f32 v6, v55;
	v13 =	vsub.f32 v13, v17;
	v10 =	vld [tilespmem:s5+$0xFFFFFF20]  }
0x4ec: {  	v17 =	vsub.f32 v19, v20;
	v11 =	vld [tilespmem:s5+$0xFFFFFF30];
	v4 =	vadd.f32 v4, v22  }
0x4ed: {  	v20 =	vadd.f32 v35, v23;
	v23 =	vadd.f32 v47, v58;
	v8 =	vld [tilespmem:s0+$0xFFFFFF40]  }
0x4ee: {  	v7 =	vadd.f32 v7, v46;
	v15 =	vadd.f32 v15, v48;
	v9 =	vld [tilespmem:s14+$0xFFFFFF40];
	v60 =	vperm.xlane v4, v1  }
0x4ef: {  	v19 =	vld [tilespmem:s14+$0x40];
	v13 =	vadd.f32 v13, v50;
	v6 =	vadd.f32 v6, v14  }
0x4f0: {  	v7 =	vmul.f32 v7, v7;
	v10 =	vadd.f32 v31, v10;
	v22 =	vld [tilespmem:s5+$0xFFFFFFA0];
	v4 =	vadd.f32 v4, v60  }
0x4f1: {  	v15 =	vmul.f32 v15, v15;
	v16 =	vadd.f32 v29, v16;
	v5 =	vld [tilespmem:s0+$0xFFFFFF50];
	v6 =	vmul.f32 v6, v6  }
0x4f2: {  	v55 =	vld [tilespmem:s14+$0xFFFFFF60];
	v11 =	vadd.f32 v44, v11;
	v10 =	vmul.f32 v10, v10;
	v45 =	vperm.xlane v4, v2  }
0x4f3: {  	v12 =	vadd.f32 v17, v12;
	v16 =	vmul.f32 v16, v16;
	v8 =	vsub.f32 v8, v9;
	v9 =	vld [tilespmem:s5+$0xFFFFFF40]  }
0x4f4: {  	v58 =	vld [tilespmem:s0+$0xFFFFFFF0];
	v11 =	vmul.f32 v11, v11;
	v6 =	vadd.f32 v10, v6;
	v4 =	vadd.f32 v4, v45  }
0x4f5: {  	v17 =	vld [tilespmem:s14+$0xFFFFFFE0];
	v10 =	vmul.f32 v20, v20;
	v20 =	vmul.f32 v23, v23;
	v22 =	vadd.f32 v49, v22  }
0x4f6: {  	v14 =	vld [tilespmem:s0+$0x50];
	v11 =	vadd.f32 v11, v16;
	v5 =	vsub.f32 v5, v21;
	v18 =	vperm.xlane v4, v3  }
0x4f7: {  	v23 =	vld [tilespmem:s0+$0xFFFFFF70];
	v21 =	vsub.f32 v61, v43;
	v16 =	vmul.f32 v22, v22;
	v22 =	vmul.f32 v25, v25  }
0x4f8: {  	v13 =	vmul.f32 v13, v13;
	v8 =	vadd.f32 v8, v9;
	v4 =	vadd.f32 v4, v18;
	v18 =	vld [tilespmem:s14+$0x50]  }
0x4f9: {  	v12 =	vmul.f32 v12, v12;
	v10 =	vadd.f32 v16, v10;
	v16 =	vadd.f32 v22, v20;
	v20 =	vld [tilespmem:s5+$0xFFFFFFD0]  }
0x4fa: {  	v61 =	vadd.f32 v13, v7;
	v5 =	vadd.f32 v5, v53;
	v60 =	vld [tilespmem:s5+$0x40];
	v7 =	vmul.f32 v8, v8  }
0x4fb: {  	v19 =	vsub.f32 v52, v19;
	v29 =	vsub.f32 v54, v55;
	v8 =	vld [tilespmem:s5+$0x50]  }
0x4fc: {  	v15 =	vadd.f32 v12, v15;
	v5 =	vmul.f32 v5, v5;
	v6 =	vadd.f32 v7, v6;
	v22 =	vld [tilespmem:s0+$0xFFFFFFE0]  }
0x4fd: {  	v7 =	vadd.f32 v21, v57;
	v12 =	vsub.f32 v14, v18;
	v14 =	vld [tilespmem:s0+$0x60]  }
0x4fe: {  	s6 =	simm.s32 $0x203;
	v5 =	vadd.f32 v5, v11;
	v11 =	vadd.f32 v26, v20;
	v18 =	vld [tilespmem:s14+$0x60]  }
0x4ff: {  	v9 =	vsub.f32 v23, v56;
	v23 =	vmov s6;
	v21 =	vld [tilespmem:s14+$0x70];
	v7 =	vmul.f32 v7, v7  }
0x500: {  	v13 =	vadd.f32 v19, v60;
	v20 =	vld [tilespmem:s0+$0x70];
	v11 =	vmul.f32 v11, v11;
	v62 =	vadd.f32 v12, v8  }
0x501: {  	v19 =	vld [tilespmem:s5+$0xFFFFFF70];
	v12 =	vsub.f32 v22, v17;
	v8 =	vadd.f32 v7, v10  }
0x502: {  	v7 =	vadd.f32 v11, v16;
	v10 =	vmul.f32 v13, v13;
	v16 =	vld [tilespmem:s5+$0xFFFFFFE0];
	v17 =	vmul.f32 v62, v62  }
0x503: {  	v13 =	vsub.f32 v58, v59;
	v14 =	vsub.f32 v14, v18;
	v18 =	vld [tilespmem:s5+$0xFFFFFFF0]  }
0x504: {  	v11 =	vadd.f32 v10, v61;
	v10 =	vadd.f32 v17, v15;
	v17 =	vld [tilespmem:s5+$0x60]  }
0x505: {  	s28 =	simm.s32 $0x0;
	s15 =	simm.s32 $0xFFFFFFFC;
	s16 =	simm.s32 $0x8F00;
	[tilespmem:v23+s30+$0x0] =	vst.idx.msk $0x1, v4;
	v15 =	vsub.f32 v20, v21;
	v21 =	vadd.f32 v29, v63;
	v20 =	vld [tilespmem:s5+$0x70]  }
.LBB2_12:
0x506: {  	v4 =	vld [tilespmem:s16+$0xE0];
	v9 =	vadd.f32 v9, v19;
	s0 =	sadd.s32 $0x200, s0;
	s5 =	smov.u32 s28  }
0x507: {  	s14 =	sadd.s32 $0x200, s14;
	v19 =	vld [tilespmem:s0+$0xE0];
	v21 =	vmul.f32 v21, v21;
	v12 =	vadd.f32 v12, v16  }
0x508: {  	v16 =	vld [tilespmem:s14+$0xE0];
	v9 =	vmul.f32 v9, v9;
	v13 =	vadd.f32 v13, v18  }
0x509: {  	v18 =	vld [tilespmem:s0+$0xF0];
	v6 =	vadd.f32 v21, v6;
	v12 =	vmul.f32 v12, v12;
	v14 =	vadd.f32 v14, v17  }
0x50a: {  	v17 =	vld [tilespmem:s14+$0xF0];
	v5 =	vadd.f32 v9, v5;
	v9 =	vmul.f32 v13, v13;
	v13 =	vadd.f32 v15, v20  }
0x50b: {  	v15 =	vld [tilespmem:s16+$0x80];
	v8 =	vadd.f32 v12, v8;
	v12 =	vmul.f32 v14, v14  }
0x50c: {  	v14 =	vld [tilespmem:s16+$0x90];
	v5 =	vadd.f32 v5, v6;
	v6 =	vadd.f32 v9, v7;
	v7 =	vmul.f32 v13, v13  }
0x50d: {  	v9 =	vld [tilespmem:s0+$0xC0];
	v11 =	vadd.f32 v12, v11  }
0x50e: {  	v12 =	vld [tilespmem:s14+$0xC0];
	v13 =	vperm.xlane v5, v0;
	v6 =	vadd.f32 v6, v8;
	v7 =	vadd.f32 v7, v10  }
0x50f: {  	v8 =	vld [tilespmem:s0+$0xD0]  }
0x510: {  	v10 =	vld [tilespmem:s14+$0xD0];
	v5 =	vadd.f32 v5, v13;
	v13 =	vperm.xlane v6, v0;
	v7 =	vadd.f32 v7, v11  }
0x511: {  	v11 =	vld [tilespmem:s0+$0x80]  }
0x512: {  	v20 =	vld [tilespmem:s14+$0x80];
	v21 =	vperm.xlane v5, v1;
	v6 =	vadd.f32 v6, v13;
	v13 =	vperm.xlane v7, v0  }
0x513: {  	v22 =	vld [tilespmem:s0+$0x90]  }
0x514: {  	v23 =	vld [tilespmem:s14+$0x90];
	v5 =	vadd.f32 v5, v21;
	v21 =	vperm.xlane v6, v1;
	v7 =	vadd.f32 v7, v13  }
0x515: {  	v13 =	vld [tilespmem:s0+$0xA0]  }
0x516: {  	s6 =	sadd.s32 $0x204, s15;
	v24 =	vld [tilespmem:s14+$0xA0];
	v25 =	vperm.xlane v5, v2;
	v6 =	vadd.f32 v6, v21;
	v21 =	vperm.xlane v7, v1  }
0x517: {  	v27 =	vmov s6;
	v26 =	vld [tilespmem:s0+$0xB0]  }
0x518: {  	s28 =	sadd.s32 $0x4, s28;
	s7 =	sadd.s32 $0x206, s15;
	s6 =	sadd.s32 $0x205, s15;
	v28 =	vld [tilespmem:s14+$0xB0];
	v5 =	vadd.f32 v5, v25;
	v25 =	vperm.xlane v6, v2;
	v7 =	vadd.f32 v7, v21  }
0x519: {  	p0 =	slt.u32 s28, $0x7C;
	v30 =	vmov s7;
	s15 =	smov.u32 s5;
	v27 =	vand.u32 $0xFFFFFFFC, v27;
	v29 =	vmov s6;
	v21 =	vld [tilespmem:s16+$0xA0]  }
0x51a: {  	v16 =	vsub.f32 v19, v16;
	v17 =	vsub.f32 v18, v17;
	v31 =	vld [tilespmem:s16+$0xB0];
	v18 =	vperm.xlane v7, v2  }
0x51b: {  	v9 =	vsub.f32 v9, v12;
	v8 =	vsub.f32 v8, v10;
	v10 =	vperm.xlane v5, v3;
	v19 =	vld [tilespmem:s16+$0xC0]  }
0x51c: {  	v11 =	vsub.f32 v11, v20;
	v12 =	vsub.f32 v22, v23;
	v22 =	vand.u32 $0xFFFFFFFD, v29;
	v20 =	vld [tilespmem:s16+$0xD0]  }
0x51d: {  	v13 =	vsub.f32 v13, v24;
	v23 =	vsub.f32 v26, v28;
	v24 =	vld [tilespmem:s16+$0xF0];
	v26 =	vand.u32 $0xFFFFFFFE, v30  }
0x51e: {  	v11 =	vadd.f32 v11, v15;
	v12 =	vadd.f32 v12, v14;
	v14 =	vbroadcast v27, $0x0;
	v28 =	vld [tilespmem:s14+$0xFFFFFF00]  }
0x51f: {  	v22 =	vbroadcast v22, $0x0;
	v13 =	vadd.f32 v13, v21;
	v15 =	vld [tilespmem:s0+$0xFFFFFF10];
	v21 =	vadd.f32 v23, v31  }
0x520: {  	v11 =	vmul.f32 v11, v11;
	v12 =	vmul.f32 v12, v12;
	v23 =	vld [tilespmem:s14+$0xFFFFFF10];
	v9 =	vadd.f32 v9, v19  }
0x521: {  	v13 =	vmul.f32 v13, v13;
	v19 =	vld [tilespmem:s0+$0xFFFFFF20];
	v21 =	vmul.f32 v21, v21;
	v8 =	vadd.f32 v8, v20  }
0x522: {  	v4 =	vadd.f32 v16, v4;
	v20 =	vld [tilespmem:s14+$0xFFFFFF20];
	v9 =	vmul.f32 v9, v9;
	v16 =	vadd.f32 v17, v24  }
0x523: {  	v11 =	vadd.f32 v13, v11;
	v17 =	vld [tilespmem:s0+$0xFFFFFF30];
	v12 =	vadd.f32 v21, v12;
	v8 =	vmul.f32 v8, v8  }
0x524: {  	v4 =	vmul.f32 v4, v4;
	v6 =	vadd.f32 v6, v25;
	v7 =	vadd.f32 v7, v18;
	v13 =	vld [tilespmem:s14+$0xFFFFFF30]  }
0x525: {  	v9 =	vadd.f32 v9, v11;
	v11 =	vmul.f32 v16, v16;
	v18 =	vld [tilespmem:s0+$0xFFFFFF80];
	v8 =	vadd.f32 v8, v12  }
0x526: {  	v21 =	vperm.xlane v7, v3;
	v16 =	vperm.xlane v6, v3;
	v12 =	vsub.f32 v15, v23;
	v15 =	vld [tilespmem:s14+$0xFFFFFF80]  }
0x527: {  	v4 =	vadd.f32 v4, v9;
	v9 =	vbroadcast v26, $0x0;
	v23 =	vld [tilespmem:s0+$0xFFFFFF90];
	v8 =	vadd.f32 v11, v8  }
0x528: {  	v5 =	vadd.f32 v5, v10;
	v11 =	vsub.f32 v19, v20;
	v19 =	vld [tilespmem:s14+$0xFFFFFF90]  }
0x529: {  	v10 =	vsub.f32 v17, v13;
	v13 =	vld [tilespmem:s0+$0xFFFFFFA0];
	v4 =	vadd.f32 v8, v4  }
0x52a: {  	v8 =	vld [tilespmem:s14+$0xFFFFFFA0];
	[tilespmem:v14+s30+$0x0] =	vst.idx.msk $0x1, v5;
	v5 =	vadd.f32 v6, v16;
	v6 =	vadd.f32 v7, v21  }
0x52b: {  	v7 =	vsub.f32 v18, v15;
	v14 =	vld [tilespmem:s0+$0xFFFFFFB0];
	v15 =	vperm.xlane v4, v0  }
0x52c: {  	v16 =	vld [tilespmem:s14+$0xFFFFFFB0];
	[tilespmem:v22+s30+$0x0] =	vst.idx.msk $0x1, v5  }
0x52d: {  	v5 =	vsub.f32 v23, v19;
	v17 =	vld [tilespmem:s0+$0x0];
	v4 =	vadd.f32 v4, v15;
	[tilespmem:v9+s30+$0x0] =	vst.idx.msk $0x1, v6  }
0x52e: {  	v6 =	vld [tilespmem:s14+$0x0]  }
0x52f: {  	v8 =	vsub.f32 v13, v8;
	v9 =	vld [tilespmem:s0+$0x10];
	v13 =	vperm.xlane v4, v1  }
0x530: {  	v15 =	vld [tilespmem:s14+$0x10]  }
0x531: {  	v14 =	vsub.f32 v14, v16;
	v16 =	vld [tilespmem:s0+$0x20];
	v4 =	vadd.f32 v4, v13  }
0x532: {  	v13 =	vld [tilespmem:s14+$0x20]  }
0x533: {  	v6 =	vsub.f32 v17, v6;
	v17 =	vld [tilespmem:s0+$0x30];
	v18 =	vperm.xlane v4, v2  }
0x534: {  	v19 =	vld [tilespmem:s14+$0x30]  }
0x535: {  	s5 =	sadd.s32 $0x207, s15;
	v20 =	vld [tilespmem:s0+$0xFFFFFF00];
	v9 =	vsub.f32 v9, v15;
	v4 =	vadd.f32 v4, v18  }
0x536: {  	v18 =	vmov s5;
	v15 =	vld [tilespmem:s16+$0xFFFFFF00]  }
0x537: {  	v21 =	vld [tilespmem:s16+$0xFFFFFF10];
	v13 =	vsub.f32 v16, v13;
	v16 =	vperm.xlane v4, v3  }
0x538: {  	v22 =	vld [tilespmem:s16+$0xFFFFFF20]  }
0x539: {  	v23 =	vld [tilespmem:s16+$0xFFFFFF30];
	v17 =	vsub.f32 v17, v19;
	v4 =	vadd.f32 v4, v16  }
0x53a: {  	v16 =	vsub.f32 v20, v28;
	v19 =	vld [tilespmem:s0+$0xFFFFFF40]  }
0x53b: {  	v20 =	vld [tilespmem:s14+$0xFFFFFF40];
	[tilespmem:v18+s30+$0x0] =	vst.idx.msk $0x1, v4  }
0x53c: {  	v4 =	vadd.f32 v16, v15;
	v12 =	vadd.f32 v12, v21;
	v15 =	vld [tilespmem:s0+$0xFFFFFF50]  }
0x53d: {  	v11 =	vadd.f32 v11, v22;
	v16 =	vld [tilespmem:s14+$0xFFFFFF50]  }
0x53e: {  	v4 =	vmul.f32 v4, v4;
	v12 =	vmul.f32 v12, v12;
	v10 =	vadd.f32 v10, v23;
	v18 =	vld [tilespmem:s16+$0xFFFFFF80]  }
0x53f: {  	v11 =	vmul.f32 v11, v11;
	v21 =	vld [tilespmem:s16+$0xFFFFFF90]  }
0x540: {  	v10 =	vmul.f32 v10, v10;
	v19 =	vsub.f32 v19, v20;
	v20 =	vld [tilespmem:s16+$0xFFFFFFA0]  }
0x541: {  	v4 =	vadd.f32 v11, v4;
	v11 =	vld [tilespmem:s16+$0xFFFFFFB0]  }
0x542: {  	v10 =	vadd.f32 v10, v12;
	v12 =	vsub.f32 v15, v16;
	v15 =	vld [tilespmem:s0+$0xFFFFFFC0]  }
0x543: {  	v7 =	vadd.f32 v7, v18;
	v16 =	vld [tilespmem:s14+$0xFFFFFFC0]  }
0x544: {  	v5 =	vadd.f32 v5, v21;
	v18 =	vld [tilespmem:s0+$0xFFFFFFD0]  }
0x545: {  	v7 =	vmul.f32 v7, v7;
	v8 =	vadd.f32 v8, v20;
	v20 =	vld [tilespmem:s14+$0xFFFFFFD0]  }
0x546: {  	v5 =	vmul.f32 v5, v5;
	v11 =	vadd.f32 v14, v11;
	v14 =	vld [tilespmem:s16+$0x0]  }
0x547: {  	v8 =	vmul.f32 v8, v8;
	v21 =	vld [tilespmem:s16+$0x10]  }
0x548: {  	v11 =	vmul.f32 v11, v11;
	v15 =	vsub.f32 v15, v16;
	v16 =	vld [tilespmem:s16+$0x20]  }
0x549: {  	v7 =	vadd.f32 v8, v7;
	v8 =	vld [tilespmem:s16+$0x30]  }
0x54a: {  	v11 =	vadd.f32 v11, v5;
	v18 =	vsub.f32 v18, v20;
	v5 =	vld [tilespmem:s0+$0x40]  }
0x54b: {  	v6 =	vadd.f32 v6, v14;
	v14 =	vld [tilespmem:s14+$0x40]  }
0x54c: {  	v9 =	vadd.f32 v9, v21;
	v20 =	vld [tilespmem:s0+$0x50]  }
0x54d: {  	v6 =	vmul.f32 v6, v6;
	v13 =	vadd.f32 v13, v16;
	v16 =	vld [tilespmem:s14+$0x50]  }
0x54e: {  	v21 =	vld [tilespmem:s16+$0xFFFFFF40];
	v9 =	vmul.f32 v9, v9;
	v8 =	vadd.f32 v17, v8  }
0x54f: {  	v17 =	vld [tilespmem:s16+$0xFFFFFF50];
	v13 =	vmul.f32 v13, v13  }
0x550: {  	v22 =	vld [tilespmem:s0+$0xFFFFFF60];
	v8 =	vmul.f32 v8, v8;
	v14 =	vsub.f32 v5, v14  }
0x551: {  	v5 =	vld [tilespmem:s14+$0xFFFFFF60];
	v23 =	vadd.f32 v13, v6  }
0x552: {  	v13 =	vld [tilespmem:s0+$0xFFFFFF70];
	v24 =	vadd.f32 v8, v9;
	v16 =	vsub.f32 v20, v16  }
0x553: {  	v6 =	vadd.f32 v19, v21;
	v8 =	vld [tilespmem:s14+$0xFFFFFF70]  }
0x554: {  	v9 =	vadd.f32 v12, v17;
	v12 =	vld [tilespmem:s16+$0xFFFFFFC0]  }
0x555: {  	v6 =	vmul.f32 v6, v6;
	v17 =	vld [tilespmem:s16+$0xFFFFFFD0]  }
0x556: {  	v9 =	vmul.f32 v9, v9;
	v20 =	vsub.f32 v22, v5;
	v19 =	vld [tilespmem:s0+$0xFFFFFFE0]  }
0x557: {  	v6 =	vadd.f32 v6, v4;
	v4 =	vld [tilespmem:s14+$0xFFFFFFE0]  }
0x558: {  	v5 =	vadd.f32 v9, v10;
	v9 =	vsub.f32 v13, v8;
	v10 =	vld [tilespmem:s0+$0xFFFFFFF0]  }
0x559: {  	v8 =	vadd.f32 v15, v12;
	v13 =	vld [tilespmem:s14+$0xFFFFFFF0]  }
0x55a: {  	v12 =	vadd.f32 v18, v17;
	v15 =	vld [tilespmem:s16+$0x40]  }
0x55b: {  	v8 =	vmul.f32 v8, v8;
	v17 =	vld [tilespmem:s16+$0x50]  }
0x55c: {  	v18 =	vmul.f32 v12, v12;
	v12 =	vsub.f32 v19, v4;
	v4 =	vld [tilespmem:s0+$0x60]  }
0x55d: {  	v8 =	vadd.f32 v8, v7;
	v21 =	vld [tilespmem:s14+$0x60]  }
0x55e: {  	v7 =	vadd.f32 v18, v11;
	v13 =	vsub.f32 v10, v13;
	v22 =	vld [tilespmem:s0+$0x70]  }
0x55f: {  	v10 =	vadd.f32 v14, v15;
	v15 =	vld [tilespmem:s14+$0x70]  }
0x560: {  	v25 =	vld [tilespmem:s16+$0xFFFFFF60];
	v11 =	vadd.f32 v16, v17  }
.Ltmp5:
0x561: {  	v19 =	vld [tilespmem:s16+$0xFFFFFF70];
	v10 =	vmul.f32 v10, v10;
	(pc) =	sbr.rel @p0 .LBB2_12-.Ltmp5, $4  }
0x562: {  	v16 =	vld [tilespmem:s16+$0xFFFFFFE0];
	v17 =	vmul.f32 v11, v11;
	v14 =	vsub.f32 v4, v21  }
0x563: {  	v18 =	vld [tilespmem:s16+$0xFFFFFFF0];
	v11 =	vadd.f32 v10, v23  }
0x564: {  	v10 =	vadd.f32 v17, v24;
	v17 =	vld [tilespmem:s16+$0x60];
	v15 =	vsub.f32 v22, v15  }
0x565: {  	v21 =	vadd.f32 v20, v25;
	v20 =	vld [tilespmem:s16+$0x70];
	s16 =	sadd.s32 $0x200, s16  }
0x566: {  	v4 =	vadd.f32 v9, v19  }
0x567: {  	v9 =	vmul.f32 v21, v21;
	v12 =	vadd.f32 v12, v16  }
0x568: {  	v4 =	vmul.f32 v4, v4;
	v13 =	vadd.f32 v13, v18  }
0x569: {  	v6 =	vadd.f32 v9, v6;
	v9 =	vmul.f32 v12, v12;
	v12 =	vadd.f32 v14, v17  }
0x56a: {  	v4 =	vadd.f32 v4, v5;
	v5 =	vmul.f32 v13, v13;
	v13 =	vadd.f32 v15, v20  }
0x56b: {  	v8 =	vadd.f32 v9, v8;
	v9 =	vmul.f32 v12, v12  }
0x56c: {  	v4 =	vadd.f32 v4, v6;
	v5 =	vadd.f32 v5, v7;
	v6 =	vmul.f32 v13, v13  }
0x56d: {  	v7 =	vadd.f32 v9, v11  }
0x56e: {  	v9 =	vperm.xlane v4, v0;
	v5 =	vadd.f32 v5, v8;
	v6 =	vadd.f32 v6, v10;
	_ =	sdelay $0x1  }
0x56f: {  	v4 =	vadd.f32 v4, v9;
	v8 =	vperm.xlane v5, v0;
	v6 =	vadd.f32 v6, v7;
	_ =	sdelay $0x1  }
0x570: {  	v7 =	vperm.xlane v4, v1;
	v5 =	vadd.f32 v5, v8;
	v8 =	vperm.xlane v6, v0;
	_ =	sdelay $0x1  }
0x571: {  	v4 =	vadd.f32 v4, v7;
	v7 =	vperm.xlane v5, v1;
	v6 =	vadd.f32 v6, v8;
	_ =	sdelay $0x1  }
0x572: {  	s5 =	sadd.s32 $0x206, s15;
	v8 =	vperm.xlane v4, v2;
	v5 =	vadd.f32 v5, v7;
	v7 =	vperm.xlane v6, v1  }
0x573: {  	s0 =	sadd.s32 $0x204, s15;
	v10 =	vmov s5  }
0x574: {  	s14 =	sadd.s32 $0x205, s15;
	v9 =	vmov s0;
	v4 =	vadd.f32 v4, v8;
	v6 =	vadd.f32 v6, v7  }
0x575: {  	v8 =	vperm.xlane v5, v2;
	v7 =	vand.u32 $0xFFFFFFFC, v9;
	v9 =	vmov s14  }
0x576: {  	v9 =	vand.u32 $0xFFFFFFFD, v9;
	v7 =	vbroadcast v7, $0x0;
	v11 =	vperm.xlane v6, v2  }
0x577: {  	v10 =	vand.u32 $0xFFFFFFFE, v10;
	v9 =	vbroadcast v9, $0x0;
	v5 =	vadd.f32 v5, v8  }
0x578: {  	v10 =	vbroadcast v10, $0x0;
	v8 =	vperm.xlane v4, v3;
	v6 =	vadd.f32 v6, v11  }
0x579: {  	v11 =	vperm.xlane v5, v3  }
0x57a: {  	v4 =	vadd.f32 v4, v8;
	v12 =	vperm.xlane v6, v3  }
0x57b: {  	v5 =	vadd.f32 v5, v11  }
0x57c: {  	[tilespmem:v7+s30+$0x0] =	vst.idx.msk $0x1, v4;
	v4 =	vadd.f32 v6, v12  }
0x57d: {  	[tilespmem:v9+s30+$0x0] =	vst.idx.msk $0x1, v5  }
0x57e: {  	s16 =	simm.s32 $0x300;
	[tilespmem:v10+s30+$0x0] =	vst.idx.msk $0x1, v4  }
0x57f: {  	[tilespmem:s19], [sflag:$0x1] =	stream.indirect.gather [hbm4b:s1+s25], $0x80, s16, s25, $0xb8;
	[tilespmem:$0x19000] =	vst v63  }
0x580: {  	s17 =	simm.s32 $0x700  }
0x581: {  	[tilespmem:s20], [sflag:$0x1] =	stream.indirect.gather [hbm4b:s2+s25], $0x80, s17, s25, $0xb8;
	[tilespmem:$0x19000] =	vst v63  }
0x582: {  	s18 =	simm.s32 $0xB00  }
0x583: {  	[tilespmem:s21], [sflag:$0x1] =	stream.indirect.gather [hbm4b:s1+s25], $0x80, s18, s25, $0xb8;
	[tilespmem:$0x19000] =	vst v63  }
0x584: {  	_ =	swait.ge [sflag:s24], $0x4000  }
0x585: {  	[sflag:s24] =	ssyncset.done $0x0  }
0x586: {  	[sflag:s24] =	ssyncadd.s32 $0xFFFFC000  }
0x587: {  	_ =	swait.ge [sflag:s24], $0x4000  }
0x588: {  	[sflag:s24] =	ssyncset.done $0x0  }
0x589: {  	[sflag:s24] =	ssyncadd.s32 $0xFFFFC000  }
0x58a: {  	_ =	swait.ge [sflag:s24], $0x4000  }
0x58b: {  	[sflag:s24] =	ssyncset.done $0x0  }
0x58c: {  	s0 =	simm.s32 $0x0;
	[sflag:s24] =	ssyncadd.s32 $0xFFFFC000  }
0x58d: {  	v4 =	vld [tilespmem:s0+$0xCDE0]  }
0x58e: {  	v5 =	vld [tilespmem:s0+$0x4DE0]  }
0x58f: {  	v6 =	vld [tilespmem:s0+$0x14DE0]  }
0x590: {  	v7 =	vld [tilespmem:s0+$0x4DF0]  }
0x591: {  	v8 =	vld [tilespmem:s0+$0x14DF0]  }
0x592: {  	v9 =	vld [tilespmem:s0+$0xCD80]  }
0x593: {  	v10 =	vld [tilespmem:s0+$0xCD90]  }
0x594: {  	v11 =	vld [tilespmem:s0+$0x4DC0]  }
0x595: {  	v12 =	vld [tilespmem:s0+$0x14DC0]  }
0x596: {  	v13 =	vld [tilespmem:s0+$0x4DD0]  }
0x597: {  	v14 =	vld [tilespmem:s0+$0x14DD0]  }
0x598: {  	v15 =	vld [tilespmem:s0+$0x4D80]  }
0x599: {  	v16 =	vld [tilespmem:s0+$0x14D80]  }
0x59a: {  	v17 =	vld [tilespmem:s0+$0x4D90]  }
0x59b: {  	v18 =	vld [tilespmem:s0+$0x14D90]  }
0x59c: {  	v19 =	vld [tilespmem:s0+$0x4DA0]  }
0x59d: {  	v20 =	vld [tilespmem:s0+$0x14DA0]  }
0x59e: {  	v21 =	vld [tilespmem:s0+$0x4DB0]  }
0x59f: {  	v22 =	vld [tilespmem:s0+$0x14DB0]  }
0x5a0: {  	v23 =	vld [tilespmem:s0+$0xCDA0]  }
0x5a1: {  	v24 =	vld [tilespmem:s0+$0xCDB0]  }
0x5a2: {  	v25 =	vld [tilespmem:s0+$0xCDC0]  }
0x5a3: {  	v26 =	vld [tilespmem:s0+$0xCDD0]  }
0x5a4: {  	v27 =	vld [tilespmem:s0+$0xCDF0]  }
0x5a5: {  	v28 =	vld [tilespmem:s0+$0x4C00]  }
0x5a6: {  	v29 =	vld [tilespmem:s0+$0x14C00]  }
0x5a7: {  	v30 =	vld [tilespmem:s0+$0x4C10]  }
0x5a8: {  	v31 =	vld [tilespmem:s0+$0x14C10]  }
0x5a9: {  	v32 =	vld [tilespmem:s0+$0x4C20]  }
0x5aa: {  	v33 =	vld [tilespmem:s0+$0x14C20]  }
0x5ab: {  	v34 =	vld [tilespmem:s0+$0x4C30]  }
0x5ac: {  	v35 =	vld [tilespmem:s0+$0x14C30]  }
0x5ad: {  	v36 =	vld [tilespmem:s0+$0x4C80]  }
0x5ae: {  	v37 =	vld [tilespmem:s0+$0x14C80]  }
0x5af: {  	v38 =	vld [tilespmem:s0+$0x4C90]  }
0x5b0: {  	v39 =	vld [tilespmem:s0+$0x14C90]  }
0x5b1: {  	v40 =	vld [tilespmem:s0+$0x4CA0]  }
0x5b2: {  	v41 =	vld [tilespmem:s0+$0x14CA0]  }
0x5b3: {  	v55 =	vld [tilespmem:s0+$0xCC80]  }
0x5b4: {  	v56 =	vld [tilespmem:s0+$0xCCA0]  }
0x5b5: {  	v58 =	vld [tilespmem:s0+$0xCCB0]  }
0x5b6: {  	v42 =	vld [tilespmem:s0+$0x4CC0]  }
0x5b7: {  	v59 =	vld [tilespmem:s0+$0x14CC0]  }
0x5b8: {  	v43 =	vld [tilespmem:s0+$0x4CD0]  }
0x5b9: {  	v44 =	vld [tilespmem:s0+$0x14CD0]  }
0x5ba: {  	v62 =	vld [tilespmem:s0+$0xCD00]  }
0x5bb: {  	v45 =	vld [tilespmem:s0+$0xCD10]  }
0x5bc: {  	v48 =	vld [tilespmem:s0+$0xCD20];
	v5 =	vsub.f32 v5, v6;
	v6 =	vsub.f32 v7, v8  }
0x5bd: {  	v50 =	vld [tilespmem:s0+$0xCD30];
	v8 =	vsub.f32 v11, v12;
	v11 =	vsub.f32 v13, v14  }
0x5be: {  	v51 =	vld [tilespmem:s0+$0xCC50];
	v13 =	vsub.f32 v15, v16;
	v14 =	vsub.f32 v17, v18  }
0x5bf: {  	v52 =	vld [tilespmem:s0+$0x4C60];
	v16 =	vsub.f32 v19, v20;
	v17 =	vsub.f32 v21, v22  }
0x5c0: {  	v53 =	vld [tilespmem:s0+$0x14C60];
	v9 =	vadd.f32 v13, v9;
	v10 =	vadd.f32 v14, v10  }
0x5c1: {  	v54 =	vld [tilespmem:s0+$0x14C70];
	v14 =	vadd.f32 v16, v23;
	v16 =	vadd.f32 v17, v24  }
0x5c2: {  	v7 =	vld [tilespmem:s0+$0x4CB0];
	v8 =	vadd.f32 v8, v25;
	v9 =	vmul.f32 v9, v9;
	v10 =	vmul.f32 v10, v10  }
0x5c3: {  	v12 =	vld [tilespmem:s0+$0x14CB0];
	v11 =	vadd.f32 v11, v26;
	v14 =	vmul.f32 v14, v14;
	v16 =	vmul.f32 v16, v16  }
0x5c4: {  	v15 =	vld [tilespmem:s0+$0x4D00];
	v4 =	vadd.f32 v5, v4;
	v5 =	vadd.f32 v6, v27;
	v8 =	vmul.f32 v8, v8  }
0x5c5: {  	v18 =	vld [tilespmem:s0+$0x14D00];
	v11 =	vmul.f32 v11, v11;
	v9 =	vadd.f32 v14, v9;
	v10 =	vadd.f32 v16, v10  }
0x5c6: {  	v19 =	vld [tilespmem:s0+$0x4D20];
	v4 =	vmul.f32 v4, v4  }
0x5c7: {  	v20 =	vld [tilespmem:s0+$0x14D20];
	v5 =	vmul.f32 v5, v5;
	v8 =	vadd.f32 v8, v9;
	v9 =	vadd.f32 v11, v10  }
0x5c8: {  	v21 =	vld [tilespmem:s0+$0x4C50]  }
0x5c9: {  	v13 =	vld [tilespmem:s0+$0x4D10];
	v4 =	vadd.f32 v4, v8;
	v5 =	vadd.f32 v5, v9  }
0x5ca: {  	v17 =	vld [tilespmem:s0+$0x14D10]  }
0x5cb: {  	v46 =	vsub.f32 v36, v37;
	v6 =	vld [tilespmem:s0+$0x4D30];
	v4 =	vadd.f32 v5, v4  }
0x5cc: {  	v23 =	vld [tilespmem:s0+$0x14C50];
	v15 =	vsub.f32 v15, v18  }
0x5cd: {  	v18 =	vsub.f32 v19, v20;
	v19 =	vadd.f32 v46, v55;
	v55 =	vld [tilespmem:s0+$0xCCC0];
	v22 =	vperm.xlane v4, v0  }
0x5ce: {  	v14 =	vld [tilespmem:s0+$0x14D30]  }
0x5cf: {  	v16 =	vld [tilespmem:s0+$0xCC00];
	v4 =	vadd.f32 v4, v22  }
0x5d0: {  	v13 =	vsub.f32 v13, v17;
	v17 =	vld [tilespmem:s0+$0x4D40]  }
0x5d1: {  	v28 =	vsub.f32 v28, v29;
	v30 =	vsub.f32 v30, v31;
	v10 =	vld [tilespmem:s0+$0xCC10];
	v57 =	vperm.xlane v4, v1  }
0x5d2: {  	v61 =	vsub.f32 v32, v33;
	v49 =	vsub.f32 v40, v41;
	v8 =	vld [tilespmem:s0+$0xCC30]  }
0x5d3: {  	v7 =	vsub.f32 v7, v12;
	v9 =	vld [tilespmem:s0+$0x4C40];
	v4 =	vadd.f32 v4, v57  }
0x5d4: {  	v63 =	vsub.f32 v34, v35;
	v47 =	vsub.f32 v38, v39;
	v5 =	vld [tilespmem:s0+$0x14C40]  }
0x5d5: {  	v25 =	vadd.f32 v49, v56;
	v7 =	vadd.f32 v7, v58;
	v11 =	vld [tilespmem:s0+$0xCC20];
	v60 =	vperm.xlane v4, v2  }
0x5d6: {  	v21 =	vsub.f32 v21, v23;
	v23 =	vsub.f32 v42, v59;
	v58 =	vld [tilespmem:s0+$0x4CF0]  }
0x5d7: {  	v59 =	vld [tilespmem:s0+$0x14CF0];
	v13 =	vadd.f32 v13, v45;
	v4 =	vadd.f32 v4, v60  }
0x5d8: {  	v7 =	vmul.f32 v7, v7;
	v6 =	vsub.f32 v6, v14;
	v10 =	vadd.f32 v30, v10;
	v22 =	vld [tilespmem:s0+$0xCC90]  }
0x5d9: {  	v8 =	vadd.f32 v63, v8;
	v5 =	vsub.f32 v9, v5;
	v9 =	vld [tilespmem:s0+$0xCC40];
	v12 =	vperm.xlane v4, v3  }
0x5da: {  	v14 =	vld [tilespmem:s0+$0x4D50];
	v11 =	vadd.f32 v61, v11;
	v6 =	vadd.f32 v6, v50;
	v10 =	vmul.f32 v10, v10  }
0x5db: {  	v8 =	vmul.f32 v8, v8;
	v20 =	vadd.f32 v4, v12;
	v4 =	vld [tilespmem:s0+$0x14D40];
	v12 =	vadd.f32 v28, v16  }
0x5dc: {  	v18 =	vadd.f32 v18, v48;
	v13 =	vmul.f32 v13, v13;
	v61 =	vld [tilespmem:s0+$0x4D70];
	v11 =	vmul.f32 v11, v11  }
0x5dd: {  	v6 =	vmul.f32 v6, v6;
	v10 =	vadd.f32 v8, v10;
	v16 =	vld [tilespmem:s0+$0x14D50];
	v12 =	vmul.f32 v12, v12  }
0x5de: {  	v63 =	vld [tilespmem:s0+$0x14D70];
	v8 =	vmul.f32 v25, v25;
	v22 =	vadd.f32 v47, v22;
	v5 =	vadd.f32 v5, v9  }
0x5df: {  	v60 =	vadd.f32 v6, v13;
	v6 =	vld [tilespmem:s0+$0xCD50];
	v11 =	vadd.f32 v11, v12;
	v12 =	vmul.f32 v19, v19  }
0x5e0: {  	v19 =	vmul.f32 v22, v22;
	v22 =	vld [tilespmem:s0+$0x4C70];
	v9 =	vsub.f32 v17, v4;
	v4 =	vadd.f32 v21, v51  }
0x5e1: {  	v18 =	vmul.f32 v18, v18;
	v56 =	vadd.f32 v8, v12;
	v12 =	vld [tilespmem:s0+$0xCCD0];
	v8 =	vadd.f32 v15, v62  }
0x5e2: {  	v57 =	vsub.f32 v43, v44;
	v5 =	vmul.f32 v5, v5;
	v17 =	vld [tilespmem:s0+$0xCD40];
	v13 =	vsub.f32 v14, v16  }
0x5e3: {  	v7 =	vadd.f32 v7, v19;
	v15 =	vld [tilespmem:s0+$0x4CE0];
	v14 =	vmul.f32 v4, v4;
	v8 =	vmul.f32 v8, v8  }
0x5e4: {  	v19 =	vld [tilespmem:s0+$0x14CE0];
	v4 =	vadd.f32 v5, v11;
	v11 =	vadd.f32 v23, v55  }
0x5e5: {  	s28 =	simm.s32 $0x283;
	v16 =	vld [tilespmem:s0+$0x4D60];
	v5 =	vadd.f32 v14, v10;
	v21 =	vadd.f32 v18, v8  }
0x5e6: {  	v62 =	vmov s28;
	v23 =	vld [tilespmem:s0+$0x14D60];
	v8 =	vsub.f32 v52, v53;
	v10 =	vadd.f32 v57, v12  }
0x5e7: {  	v11 =	vmul.f32 v11, v11;
	v14 =	vadd.f32 v9, v17;
	v9 =	vsub.f32 v22, v54  }
0x5e8: {  	v22 =	vadd.f32 v13, v6;
	v18 =	vld [tilespmem:s0+$0xCC60];
	v13 =	vsub.f32 v58, v59;
	v10 =	vmul.f32 v10, v10  }
0x5e9: {  	v12 =	vsub.f32 v15, v19;
	v6 =	vadd.f32 v11, v56;
	v15 =	vld [tilespmem:s0+$0xCC70]  }
0x5ea: {  	v17 =	vld [tilespmem:s0+$0xCCE0];
	v11 =	vmul.f32 v14, v14;
	v7 =	vadd.f32 v10, v7;
	v10 =	vmul.f32 v22, v22  }
0x5eb: {  	v19 =	vld [tilespmem:s0+$0xCCF0];
	v14 =	vsub.f32 v16, v23;
	v16 =	vsub.f32 v61, v63  }
0x5ec: {  	s15 =	simm.s32 $0x0;
	s14 =	simm.s32 $0xFFFFFFFC;
	s16 =	simm.s32 $0x800;
	[tilespmem:v62+s30+$0x0] =	vst.idx.msk $0x1, v20;
	v20 =	vld [tilespmem:s0+$0xCD60];
	v11 =	vadd.f32 v11, v21;
	v10 =	vadd.f32 v10, v60  }
.LBB2_14:
0x5ed: {  	v8 =	vadd.f32 v8, v18;
	v18 =	vld [tilespmem:s0+$0xCD70];
	s0 =	sshra.s32 s16, $0x2;
	s5 =	smov.u32 s15  }
0x5ee: {  	v21 =	vld [tilespmem:s0+$0xCDE0];
	v9 =	vadd.f32 v9, v15  }
0x5ef: {  	v15 =	vld [tilespmem:s0+$0x4DE0];
	v8 =	vmul.f32 v8, v8;
	v12 =	vadd.f32 v12, v17  }
0x5f0: {  	v17 =	vld [tilespmem:s0+$0x14DE0];
	v9 =	vmul.f32 v9, v9;
	v13 =	vadd.f32 v13, v19  }
0x5f1: {  	v19 =	vld [tilespmem:s0+$0x4DF0];
	v4 =	vadd.f32 v8, v4;
	v8 =	vmul.f32 v12, v12;
	v12 =	vadd.f32 v14, v20  }
0x5f2: {  	v14 =	vld [tilespmem:s0+$0x14DF0];
	v5 =	vadd.f32 v9, v5;
	v9 =	vmul.f32 v13, v13;
	v13 =	vadd.f32 v16, v18  }
0x5f3: {  	v16 =	vld [tilespmem:s0+$0xCD80];
	v6 =	vadd.f32 v8, v6;
	v8 =	vmul.f32 v12, v12  }
0x5f4: {  	v12 =	vld [tilespmem:s0+$0xCD90];
	v4 =	vadd.f32 v5, v4;
	v5 =	vadd.f32 v9, v7;
	v7 =	vmul.f32 v13, v13  }
0x5f5: {  	v9 =	vld [tilespmem:s0+$0x4DC0];
	v8 =	vadd.f32 v8, v11  }
0x5f6: {  	v11 =	vld [tilespmem:s0+$0x14DC0];
	v13 =	vperm.xlane v4, v0;
	v5 =	vadd.f32 v5, v6;
	v6 =	vadd.f32 v7, v10  }
0x5f7: {  	v7 =	vld [tilespmem:s0+$0x4DD0]  }
0x5f8: {  	v10 =	vld [tilespmem:s0+$0x14DD0];
	v4 =	vadd.f32 v4, v13;
	v13 =	vperm.xlane v5, v0;
	v6 =	vadd.f32 v6, v8  }
0x5f9: {  	v8 =	vld [tilespmem:s0+$0x4D80]  }
0x5fa: {  	v18 =	vld [tilespmem:s0+$0x14D80];
	v20 =	vperm.xlane v4, v1;
	v5 =	vadd.f32 v5, v13;
	v13 =	vperm.xlane v6, v0  }
0x5fb: {  	v22 =	vld [tilespmem:s0+$0x4D90]  }
0x5fc: {  	v23 =	vld [tilespmem:s0+$0x14D90];
	v4 =	vadd.f32 v4, v20;
	v20 =	vperm.xlane v5, v1;
	v6 =	vadd.f32 v6, v13  }
0x5fd: {  	v13 =	vld [tilespmem:s0+$0x4DA0]  }
0x5fe: {  	s6 =	sadd.s32 $0x284, s14;
	s7 =	sadd.s32 $0x285, s14;
	v24 =	vld [tilespmem:s0+$0x14DA0];
	v25 =	vperm.xlane v4, v2;
	v5 =	vadd.f32 v5, v20;
	v20 =	vperm.xlane v6, v1  }
0x5ff: {  	s15 =	sadd.s32 $0x4, s15;
	v27 =	vmov s6;
	v28 =	vmov s7;
	v26 =	vld [tilespmem:s0+$0x4DB0]  }
0x600: {  	p0 =	slt.u32 s15, $0x7C;
	s6 =	sadd.s32 $0x286, s14;
	s14 =	smov.u32 s5;
	v29 =	vld [tilespmem:s0+$0x14DB0];
	v4 =	vadd.f32 v4, v25;
	v25 =	vperm.xlane v5, v2;
	v6 =	vadd.f32 v6, v20  }
0x601: {  	v27 =	vand.u32 $0xFFFFFFFC, v27;
	v28 =	vand.u32 $0xFFFFFFFD, v28;
	v30 =	vmov s6;
	v20 =	vld [tilespmem:s0+$0xCDA0]  }
0x602: {  	v15 =	vsub.f32 v15, v17;
	v14 =	vsub.f32 v19, v14;
	v31 =	vld [tilespmem:s0+$0xCDB0];
	v17 =	vperm.xlane v6, v2  }
0x603: {  	v9 =	vsub.f32 v9, v11;
	v7 =	vsub.f32 v7, v10;
	v10 =	vperm.xlane v4, v3;
	v19 =	vld [tilespmem:s0+$0xCDC0]  }
0x604: {  	v8 =	vsub.f32 v8, v18;
	v11 =	vsub.f32 v22, v23;
	v22 =	vand.u32 $0xFFFFFFFE, v30;
	v18 =	vld [tilespmem:s0+$0xCDD0]  }
0x605: {  	v13 =	vsub.f32 v13, v24;
	v23 =	vsub.f32 v26, v29;
	v24 =	vld [tilespmem:s0+$0xCDF0];
	v26 =	vbroadcast v27, $0x0  }
0x606: {  	v8 =	vadd.f32 v8, v16;
	v11 =	vadd.f32 v11, v12;
	v12 =	vbroadcast v28, $0x0;
	v27 =	vld [tilespmem:s0+$0x4C00]  }
0x607: {  	v22 =	vbroadcast v22, $0x0;
	v13 =	vadd.f32 v13, v20;
	v16 =	vld [tilespmem:s0+$0x14C00];
	v20 =	vadd.f32 v23, v31  }
0x608: {  	v8 =	vmul.f32 v8, v8;
	v11 =	vmul.f32 v11, v11;
	v23 =	vld [tilespmem:s0+$0x4C10];
	v9 =	vadd.f32 v9, v19  }
0x609: {  	v13 =	vmul.f32 v13, v13;
	v19 =	vld [tilespmem:s0+$0x14C10];
	v20 =	vmul.f32 v20, v20;
	v7 =	vadd.f32 v7, v18  }
0x60a: {  	v15 =	vadd.f32 v15, v21;
	v18 =	vld [tilespmem:s0+$0x4C20];
	v9 =	vmul.f32 v9, v9;
	v14 =	vadd.f32 v14, v24  }
0x60b: {  	v8 =	vadd.f32 v13, v8;
	v21 =	vld [tilespmem:s0+$0x14C20];
	v11 =	vadd.f32 v20, v11;
	v7 =	vmul.f32 v7, v7  }
0x60c: {  	v15 =	vmul.f32 v15, v15;
	v5 =	vadd.f32 v5, v25;
	v13 =	vsub.f32 v27, v16;
	v16 =	vld [tilespmem:s0+$0x4C30]  }
0x60d: {  	v8 =	vadd.f32 v9, v8;
	v9 =	vmul.f32 v14, v14;
	v20 =	vld [tilespmem:s0+$0x14C30];
	v7 =	vadd.f32 v7, v11  }
0x60e: {  	v6 =	vadd.f32 v6, v17;
	v11 =	vsub.f32 v23, v19;
	v14 =	vld [tilespmem:s0+$0x4C80];
	v19 =	vperm.xlane v5, v3  }
0x60f: {  	v8 =	vadd.f32 v15, v8;
	v17 =	vld [tilespmem:s0+$0x14C80];
	v7 =	vadd.f32 v9, v7  }
0x610: {  	v4 =	vadd.f32 v4, v10;
	v10 =	vperm.xlane v6, v3;
	v9 =	vsub.f32 v18, v21;
	v15 =	vld [tilespmem:s0+$0x4C90]  }
0x611: {  	v5 =	vadd.f32 v5, v19;
	v18 =	vld [tilespmem:s0+$0x14C90];
	v7 =	vadd.f32 v7, v8  }
0x612: {  	v8 =	vsub.f32 v16, v20;
	v16 =	vld [tilespmem:s0+$0x4CA0];
	[tilespmem:v26+s30+$0x0] =	vst.idx.msk $0x1, v4;
	v4 =	vadd.f32 v6, v10  }
0x613: {  	v6 =	vld [tilespmem:s0+$0x14CA0];
	v10 =	vperm.xlane v7, v0;
	[tilespmem:v12+s30+$0x0] =	vst.idx.msk $0x1, v5  }
0x614: {  	v5 =	vsub.f32 v14, v17;
	v12 =	vld [tilespmem:s0+$0x4CB0];
	[tilespmem:v22+s30+$0x0] =	vst.idx.msk $0x1, v4  }
0x615: {  	v4 =	vld [tilespmem:s0+$0x14CB0];
	v7 =	vadd.f32 v7, v10  }
0x616: {  	v10 =	vsub.f32 v15, v18;
	v14 =	vld [tilespmem:s0+$0x4D00]  }
0x617: {  	v15 =	vld [tilespmem:s0+$0x14D00];
	v17 =	vperm.xlane v7, v1  }
0x618: {  	v6 =	vsub.f32 v16, v6;
	v16 =	vld [tilespmem:s0+$0x4D10]  }
0x619: {  	v18 =	vld [tilespmem:s0+$0x14D10];
	v7 =	vadd.f32 v7, v17  }
0x61a: {  	v4 =	vsub.f32 v12, v4;
	v12 =	vld [tilespmem:s0+$0x4D20]  }
0x61b: {  	v17 =	vld [tilespmem:s0+$0x14D20];
	v19 =	vperm.xlane v7, v2  }
0x61c: {  	v14 =	vsub.f32 v14, v15;
	v15 =	vld [tilespmem:s0+$0x4D30]  }
0x61d: {  	s5 =	sadd.s32 $0x287, s14;
	v20 =	vld [tilespmem:s0+$0x14D30];
	v7 =	vadd.f32 v7, v19  }
0x61e: {  	v19 =	vld [tilespmem:s0+$0xCC00];
	v16 =	vsub.f32 v16, v18;
	v18 =	vmov s5  }
0x61f: {  	v21 =	vld [tilespmem:s0+$0xCC10];
	v22 =	vperm.xlane v7, v3  }
0x620: {  	v23 =	vld [tilespmem:s0+$0xCC20];
	v12 =	vsub.f32 v12, v17  }
0x621: {  	v17 =	vld [tilespmem:s0+$0xCC30];
	v7 =	vadd.f32 v7, v22  }
0x622: {  	v22 =	vld [tilespmem:s0+$0x4C40];
	v15 =	vsub.f32 v15, v20  }
0x623: {  	v13 =	vadd.f32 v13, v19;
	v19 =	vld [tilespmem:s0+$0x14C40];
	[tilespmem:v18+s30+$0x0] =	vst.idx.msk $0x1, v7  }
0x624: {  	v7 =	vadd.f32 v11, v21;
	v11 =	vld [tilespmem:s0+$0x4C50]  }
0x625: {  	v13 =	vmul.f32 v13, v13;
	v9 =	vadd.f32 v9, v23;
	v18 =	vld [tilespmem:s0+$0x14C50]  }
0x626: {  	v7 =	vmul.f32 v7, v7;
	v8 =	vadd.f32 v8, v17;
	v17 =	vld [tilespmem:s0+$0xCC80]  }
0x627: {  	v9 =	vmul.f32 v9, v9;
	v20 =	vld [tilespmem:s0+$0xCC90]  }
0x628: {  	v8 =	vmul.f32 v8, v8;
	v19 =	vsub.f32 v22, v19;
	v21 =	vld [tilespmem:s0+$0xCCA0]  }
0x629: {  	v9 =	vadd.f32 v9, v13;
	v13 =	vld [tilespmem:s0+$0xCCB0]  }
0x62a: {  	v7 =	vadd.f32 v8, v7;
	v8 =	vsub.f32 v11, v18;
	v11 =	vld [tilespmem:s0+$0x4CC0]  }
0x62b: {  	v5 =	vadd.f32 v5, v17;
	v17 =	vld [tilespmem:s0+$0x14CC0]  }
0x62c: {  	v10 =	vadd.f32 v10, v20;
	v18 =	vld [tilespmem:s0+$0x4CD0]  }
0x62d: {  	v5 =	vmul.f32 v5, v5;
	v6 =	vadd.f32 v6, v21;
	v20 =	vld [tilespmem:s0+$0x14CD0]  }
0x62e: {  	v10 =	vmul.f32 v10, v10;
	v4 =	vadd.f32 v4, v13;
	v13 =	vld [tilespmem:s0+$0xCD00]  }
0x62f: {  	v6 =	vmul.f32 v6, v6;
	v21 =	vld [tilespmem:s0+$0xCD10]  }
0x630: {  	v4 =	vmul.f32 v4, v4;
	v11 =	vsub.f32 v11, v17;
	v17 =	vld [tilespmem:s0+$0xCD20]  }
0x631: {  	v6 =	vadd.f32 v6, v5;
	v5 =	vld [tilespmem:s0+$0xCD30]  }
0x632: {  	v10 =	vadd.f32 v4, v10;
	v18 =	vsub.f32 v18, v20;
	v4 =	vld [tilespmem:s0+$0x4D40]  }
0x633: {  	v13 =	vadd.f32 v14, v13;
	v14 =	vld [tilespmem:s0+$0x14D40]  }
0x634: {  	v16 =	vadd.f32 v16, v21;
	v20 =	vld [tilespmem:s0+$0x4D50]  }
0x635: {  	v13 =	vmul.f32 v13, v13;
	v12 =	vadd.f32 v12, v17;
	v17 =	vld [tilespmem:s0+$0x14D50]  }
0x636: {  	v21 =	vld [tilespmem:s0+$0xCC40];
	v16 =	vmul.f32 v16, v16;
	v5 =	vadd.f32 v15, v5  }
0x637: {  	v15 =	vld [tilespmem:s0+$0xCC50];
	v12 =	vmul.f32 v12, v12  }
0x638: {  	v22 =	vld [tilespmem:s0+$0x4C60];
	v5 =	vmul.f32 v5, v5;
	v14 =	vsub.f32 v4, v14  }
0x639: {  	v4 =	vld [tilespmem:s0+$0x14C60];
	v23 =	vadd.f32 v12, v13  }
0x63a: {  	v12 =	vld [tilespmem:s0+$0x4C70];
	v16 =	vadd.f32 v5, v16;
	v17 =	vsub.f32 v20, v17  }
0x63b: {  	v5 =	vadd.f32 v19, v21;
	v13 =	vld [tilespmem:s0+$0x14C70]  }
0x63c: {  	v8 =	vadd.f32 v8, v15;
	v15 =	vld [tilespmem:s0+$0xCCC0]  }
0x63d: {  	v5 =	vmul.f32 v5, v5;
	v19 =	vld [tilespmem:s0+$0xCCD0]  }
0x63e: {  	v20 =	vmul.f32 v8, v8;
	v8 =	vsub.f32 v22, v4;
	v21 =	vld [tilespmem:s0+$0x4CE0]  }
0x63f: {  	v4 =	vadd.f32 v5, v9;
	v22 =	vld [tilespmem:s0+$0x14CE0]  }
0x640: {  	v5 =	vadd.f32 v20, v7;
	v9 =	vsub.f32 v12, v13;
	v13 =	vld [tilespmem:s0+$0x4CF0]  }
0x641: {  	v7 =	vadd.f32 v11, v15;
	v11 =	vld [tilespmem:s0+$0x14CF0]  }
0x642: {  	v12 =	vadd.f32 v18, v19;
	v15 =	vld [tilespmem:s0+$0xCD40]  }
0x643: {  	v7 =	vmul.f32 v7, v7;
	v19 =	vld [tilespmem:s0+$0xCD50]  }
0x644: {  	v18 =	vmul.f32 v12, v12;
	v12 =	vsub.f32 v21, v22;
	v20 =	vld [tilespmem:s0+$0x4D60]  }
0x645: {  	v6 =	vadd.f32 v7, v6;
	v21 =	vld [tilespmem:s0+$0x14D60]  }
0x646: {  	v7 =	vadd.f32 v18, v10;
	v13 =	vsub.f32 v13, v11;
	v22 =	vld [tilespmem:s0+$0x4D70]  }
0x647: {  	v10 =	vadd.f32 v14, v15;
	v24 =	vld [tilespmem:s0+$0x14D70]  }
.Ltmp6:
0x648: {  	v18 =	vld [tilespmem:s0+$0xCC60];
	v11 =	vadd.f32 v17, v19;
	(pc) =	sbr.rel @p0 .LBB2_14-.Ltmp6, $4  }
0x649: {  	v15 =	vld [tilespmem:s0+$0xCC70];
	v10 =	vmul.f32 v10, v10  }
0x64a: {  	v17 =	vld [tilespmem:s0+$0xCCE0];
	v25 =	vmul.f32 v11, v11;
	v14 =	vsub.f32 v20, v21  }
0x64b: {  	v19 =	vld [tilespmem:s0+$0xCCF0];
	v11 =	vadd.f32 v10, v23  }
0x64c: {  	s16 =	sadd.s32 $0x800, s16;
	v10 =	vadd.f32 v25, v16;
	v20 =	vld [tilespmem:s0+$0xCD60];
	v16 =	vsub.f32 v22, v24  }
0x64d: {  	v8 =	vadd.f32 v8, v18;
	v18 =	vld [tilespmem:s0+$0xCD70]  }
0x64e: {  	v9 =	vadd.f32 v9, v15  }
0x64f: {  	v8 =	vmul.f32 v8, v8  }
0x650: {  	v12 =	vadd.f32 v12, v17;
	v9 =	vmul.f32 v9, v9;
	v13 =	vadd.f32 v13, v19  }
0x651: {  	v4 =	vadd.f32 v8, v4;
	v8 =	vadd.f32 v14, v20  }
0x652: {  	v5 =	vadd.f32 v9, v5;
	v9 =	vadd.f32 v16, v18  }
0x653: {  	v12 =	vmul.f32 v12, v12;
	v13 =	vmul.f32 v13, v13  }
0x654: {  	v8 =	vmul.f32 v8, v8;
	v4 =	vadd.f32 v5, v4;
	v5 =	vmul.f32 v9, v9  }
0x655: {  	v6 =	vadd.f32 v12, v6;
	v7 =	vadd.f32 v13, v7  }
0x656: {  	v8 =	vadd.f32 v8, v11;
	v5 =	vadd.f32 v5, v10  }
0x657: {  	v9 =	vperm.xlane v4, v0;
	v6 =	vadd.f32 v7, v6  }
0x658: {  	v5 =	vadd.f32 v5, v8  }
0x659: {  	v4 =	vadd.f32 v4, v9;
	v7 =	vperm.xlane v6, v0  }
0x65a: {  	v9 =	vperm.xlane v5, v0  }
0x65b: {  	v8 =	vperm.xlane v4, v1;
	v6 =	vadd.f32 v6, v7  }
0x65c: {  	v5 =	vadd.f32 v5, v9  }
0x65d: {  	v4 =	vadd.f32 v4, v8;
	v7 =	vperm.xlane v6, v1  }
0x65e: {  	s8 =	sadd.s32 $0x284, s14;
	v9 =	vperm.xlane v5, v1  }
0x65f: {  	s5 =	sadd.s32 $0x285, s14;
	v8 =	vperm.xlane v4, v2;
	v6 =	vadd.f32 v6, v7;
	v7 =	vmov s8  }
0x660: {  	v10 =	vmov s5;
	v7 =	vand.u32 $0xFFFFFFFC, v7;
	v5 =	vadd.f32 v5, v9  }
0x661: {  	s14 =	sadd.s32 $0x286, s14;
	v4 =	vadd.f32 v4, v8;
	v8 =	vperm.xlane v6, v2;
	v9 =	vand.u32 $0xFFFFFFFD, v10  }
0x662: {  	v10 =	vmov s14;
	v7 =	vbroadcast v7, $0x0;
	v11 =	vperm.xlane v5, v2  }
0x663: {  	v10 =	vand.u32 $0xFFFFFFFE, v10;
	v9 =	vbroadcast v9, $0x0;
	v6 =	vadd.f32 v6, v8  }
0x664: {  	v8 =	vperm.xlane v4, v3;
	v10 =	vbroadcast v10, $0x0;
	v5 =	vadd.f32 v5, v11  }
0x665: {  	v11 =	vperm.xlane v6, v3  }
0x666: {  	v4 =	vadd.f32 v4, v8;
	v8 =	vperm.xlane v5, v3  }
0x667: {  	v6 =	vadd.f32 v6, v11  }
0x668: {  	[tilespmem:v7+s30+$0x0] =	vst.idx.msk $0x1, v4;
	v4 =	vadd.f32 v5, v8  }
0x669: {  	[tilespmem:v9+s30+$0x0] =	vst.idx.msk $0x1, v6  }
0x66a: {  	s15 =	simm.s32 $0x380;
	[tilespmem:v10+s30+$0x0] =	vst.idx.msk $0x1, v4  }
0x66b: {  	[tilespmem:s23], [sflag:$0x2] =	stream.indirect.gather [hbm4b:s1+s25], $0x80, s15, s25, $0xb8;
	[tilespmem:$0x19000] =	vst v63  }
0x66c: {  	s16 =	simm.s32 $0x780  }
0x66d: {  	[tilespmem:s26], [sflag:$0x2] =	stream.indirect.gather [hbm4b:s2+s25], $0x80, s16, s25, $0xb8;
	[tilespmem:$0x19000] =	vst v63  }
0x66e: {  	s17 =	simm.s32 $0xB80  }
0x66f: {  	[tilespmem:s29], [sflag:$0x2] =	stream.indirect.gather [hbm4b:s1+s25], $0x80, s17, s25, $0xb8;
	[tilespmem:$0x19000] =	vst v63  }
0x670: {  	_ =	swait.ge [sflag:s22], $0x4000  }
0x671: {  	[sflag:s22] =	ssyncset.done $0x0  }
0x672: {  	[sflag:s22] =	ssyncadd.s32 $0xFFFFC000  }
0x673: {  	_ =	swait.ge [sflag:s22], $0x4000  }
0x674: {  	[sflag:s22] =	ssyncset.done $0x0  }
0x675: {  	[sflag:s22] =	ssyncadd.s32 $0xFFFFC000  }
0x676: {  	_ =	swait.ge [sflag:s22], $0x4000  }
0x677: {  	[sflag:s22] =	ssyncset.done $0x0  }
0x678: {  	s18 =	simm.s32 $0x8D00;
	[sflag:s22] =	ssyncadd.s32 $0xFFFFC000  }
0x679: {  	s0 =	simm.s32 $0xD00;
	v4 =	vld [tilespmem:s18+$0xE0]  }
0x67a: {  	s14 =	simm.s32 $0x10D00;
	v5 =	vld [tilespmem:s0+$0xE0]  }
0x67b: {  	v6 =	vld [tilespmem:s14+$0xE0]  }
0x67c: {  	v7 =	vld [tilespmem:s0+$0xF0]  }
0x67d: {  	v8 =	vld [tilespmem:s14+$0xF0]  }
0x67e: {  	v9 =	vld [tilespmem:s18+$0x80]  }
0x67f: {  	v10 =	vld [tilespmem:s18+$0x90]  }
0x680: {  	v11 =	vld [tilespmem:s0+$0xC0]  }
0x681: {  	v12 =	vld [tilespmem:s14+$0xC0]  }
0x682: {  	v13 =	vld [tilespmem:s0+$0xD0]  }
0x683: {  	v14 =	vld [tilespmem:s14+$0xD0]  }
0x684: {  	v15 =	vld [tilespmem:s0+$0x80]  }
0x685: {  	v16 =	vld [tilespmem:s14+$0x80]  }
0x686: {  	v17 =	vld [tilespmem:s0+$0x90]  }
0x687: {  	v18 =	vld [tilespmem:s14+$0x90]  }
0x688: {  	v19 =	vld [tilespmem:s0+$0xA0]  }
0x689: {  	v20 =	vld [tilespmem:s14+$0xA0]  }
0x68a: {  	v21 =	vld [tilespmem:s0+$0xB0]  }
0x68b: {  	v22 =	vld [tilespmem:s14+$0xB0]  }
0x68c: {  	v23 =	vld [tilespmem:s18+$0xA0]  }
0x68d: {  	v24 =	vld [tilespmem:s18+$0xB0]  }
0x68e: {  	v25 =	vld [tilespmem:s18+$0xC0]  }
0x68f: {  	v26 =	vld [tilespmem:s18+$0xD0]  }
0x690: {  	v27 =	vld [tilespmem:s18+$0xF0]  }
0x691: {  	v28 =	vld [tilespmem:s14+$0xFFFFFF00]  }
0x692: {  	v29 =	vld [tilespmem:s0+$0xFFFFFF10]  }
0x693: {  	v30 =	vld [tilespmem:s14+$0xFFFFFF10]  }
0x694: {  	v31 =	vld [tilespmem:s0+$0xFFFFFF20]  }
0x695: {  	v32 =	vld [tilespmem:s14+$0xFFFFFF20]  }
0x696: {  	v33 =	vld [tilespmem:s0+$0xFFFFFF30]  }
0x697: {  	v34 =	vld [tilespmem:s14+$0xFFFFFF30]  }
0x698: {  	v35 =	vld [tilespmem:s0+$0xFFFFFF80]  }
0x699: {  	v36 =	vld [tilespmem:s14+$0xFFFFFF80]  }
0x69a: {  	v37 =	vld [tilespmem:s0+$0xFFFFFF90]  }
0x69b: {  	v38 =	vld [tilespmem:s14+$0xFFFFFF90]  }
0x69c: {  	v39 =	vld [tilespmem:s0+$0xFFFFFFA0]  }
0x69d: {  	v40 =	vld [tilespmem:s14+$0xFFFFFFA0]  }
0x69e: {  	v41 =	vld [tilespmem:s0+$0xFFFFFFB0]  }
0x69f: {  	v42 =	vld [tilespmem:s14+$0xFFFFFFB0]  }
0x6a0: {  	v58 =	vld [tilespmem:s18+$0xFFFFFF90]  }
0x6a1: {  	v59 =	vld [tilespmem:s18+$0xFFFFFFB0]  }
0x6a2: {  	v61 =	vld [tilespmem:s0+$0xFFFFFFC0]  }
0x6a3: {  	v43 =	vld [tilespmem:s14+$0xFFFFFFC0]  }
0x6a4: {  	v62 =	vld [tilespmem:s0+$0xFFFFFFD0]  }
0x6a5: {  	v63 =	vld [tilespmem:s14+$0xFFFFFFD0]  }
0x6a6: {  	v46 =	vld [tilespmem:s18+$0x0]  }
0x6a7: {  	v48 =	vld [tilespmem:s18+$0x10]  }
0x6a8: {  	v50 =	vld [tilespmem:s18+$0x20]  }
0x6a9: {  	v52 =	vld [tilespmem:s0+$0x40]  }
0x6aa: {  	v53 =	vld [tilespmem:s18+$0xFFFFFF50]  }
0x6ab: {  	v54 =	vld [tilespmem:s0+$0xFFFFFF60]  }
0x6ac: {  	v55 =	vld [tilespmem:s14+$0xFFFFFF60];
	v5 =	vsub.f32 v5, v6;
	v6 =	vsub.f32 v7, v8  }
0x6ad: {  	v56 =	vld [tilespmem:s14+$0xFFFFFF70];
	v8 =	vsub.f32 v11, v12;
	v11 =	vsub.f32 v13, v14  }
0x6ae: {  	v57 =	vld [tilespmem:s18+$0xFFFFFFC0];
	v13 =	vsub.f32 v15, v16;
	v14 =	vsub.f32 v17, v18  }
0x6af: {  	v7 =	vld [tilespmem:s0+$0x0];
	v16 =	vsub.f32 v19, v20;
	v17 =	vsub.f32 v21, v22  }
0x6b0: {  	v12 =	vld [tilespmem:s14+$0x0];
	v9 =	vadd.f32 v13, v9;
	v10 =	vadd.f32 v14, v10  }
0x6b1: {  	v15 =	vld [tilespmem:s0+$0x10];
	v14 =	vadd.f32 v16, v23;
	v16 =	vadd.f32 v17, v24  }
0x6b2: {  	v18 =	vld [tilespmem:s14+$0x10];
	v8 =	vadd.f32 v8, v25;
	v9 =	vmul.f32 v9, v9;
	v10 =	vmul.f32 v10, v10  }
0x6b3: {  	v19 =	vld [tilespmem:s0+$0x30];
	v11 =	vadd.f32 v11, v26;
	v14 =	vmul.f32 v14, v14;
	v16 =	vmul.f32 v16, v16  }
0x6b4: {  	v20 =	vld [tilespmem:s14+$0x30];
	v4 =	vadd.f32 v5, v4;
	v5 =	vadd.f32 v6, v27;
	v8 =	vmul.f32 v8, v8  }
0x6b5: {  	v21 =	vld [tilespmem:s14+$0xFFFFFF50];
	v11 =	vmul.f32 v11, v11;
	v9 =	vadd.f32 v14, v9;
	v10 =	vadd.f32 v16, v10  }
0x6b6: {  	v29 =	vsub.f32 v29, v30;
	v31 =	vsub.f32 v31, v32;
	v13 =	vld [tilespmem:s0+$0x20];
	v4 =	vmul.f32 v4, v4  }
0x6b7: {  	v17 =	vld [tilespmem:s14+$0x20];
	v5 =	vmul.f32 v5, v5;
	v8 =	vadd.f32 v8, v9;
	v9 =	vadd.f32 v11, v10  }
0x6b8: {  	v44 =	vsub.f32 v33, v34;
	v51 =	vsub.f32 v41, v42;
	v6 =	vld [tilespmem:s0+$0xFFFFFF00]  }
0x6b9: {  	v23 =	vld [tilespmem:s18+$0xFFFFFF80];
	v4 =	vadd.f32 v4, v8;
	v5 =	vadd.f32 v5, v9  }
0x6ba: {  	v35 =	vsub.f32 v35, v36;
	v25 =	vadd.f32 v51, v59;
	v59 =	vld [tilespmem:s14+$0xFFFFFFF0]  }
0x6bb: {  	v7 =	vsub.f32 v7, v12;
	v12 =	vld [tilespmem:s18+$0x30];
	v4 =	vadd.f32 v5, v4  }
0x6bc: {  	v47 =	vsub.f32 v37, v38;
	v49 =	vsub.f32 v39, v40;
	v14 =	vld [tilespmem:s18+$0xFFFFFF00]  }
0x6bd: {  	v26 =	vsub.f32 v62, v63;
	v15 =	vsub.f32 v15, v18;
	v16 =	vld [tilespmem:s18+$0xFFFFFF10];
	v22 =	vperm.xlane v4, v0  }
0x6be: {  	v6 =	vsub.f32 v6, v28;
	v13 =	vsub.f32 v13, v17;
	v10 =	vld [tilespmem:s18+$0xFFFFFF20]  }
0x6bf: {  	v17 =	vsub.f32 v19, v20;
	v11 =	vld [tilespmem:s18+$0xFFFFFF30];
	v4 =	vadd.f32 v4, v22  }
0x6c0: {  	v20 =	vadd.f32 v35, v23;
	v23 =	vadd.f32 v47, v58;
	v8 =	vld [tilespmem:s0+$0xFFFFFF40]  }
0x6c1: {  	v7 =	vadd.f32 v7, v46;
	v15 =	vadd.f32 v15, v48;
	v9 =	vld [tilespmem:s14+$0xFFFFFF40];
	v60 =	vperm.xlane v4, v1  }
0x6c2: {  	v63 =	vld [tilespmem:s18+$0xFFFFFF60];
	v13 =	vadd.f32 v13, v50;
	v6 =	vadd.f32 v6, v14  }
0x6c3: {  	v7 =	vmul.f32 v7, v7;
	v10 =	vadd.f32 v31, v10;
	v22 =	vld [tilespmem:s18+$0xFFFFFFA0];
	v4 =	vadd.f32 v4, v60  }
0x6c4: {  	v15 =	vmul.f32 v15, v15;
	v16 =	vadd.f32 v29, v16;
	v5 =	vld [tilespmem:s0+$0xFFFFFF50];
	v6 =	vmul.f32 v6, v6  }
0x6c5: {  	v19 =	vld [tilespmem:s14+$0x40];
	v11 =	vadd.f32 v44, v11;
	v10 =	vmul.f32 v10, v10;
	v45 =	vperm.xlane v4, v2  }
0x6c6: {  	v12 =	vadd.f32 v17, v12;
	v16 =	vmul.f32 v16, v16;
	v8 =	vsub.f32 v8, v9;
	v9 =	vld [tilespmem:s18+$0xFFFFFF40]  }
0x6c7: {  	v58 =	vld [tilespmem:s0+$0xFFFFFFF0];
	v11 =	vmul.f32 v11, v11;
	v6 =	vadd.f32 v10, v6;
	v4 =	vadd.f32 v4, v45  }
0x6c8: {  	v17 =	vld [tilespmem:s14+$0xFFFFFFE0];
	v10 =	vmul.f32 v20, v20;
	v20 =	vmul.f32 v23, v23;
	v22 =	vadd.f32 v49, v22  }
0x6c9: {  	v14 =	vld [tilespmem:s0+$0x50];
	v11 =	vadd.f32 v11, v16;
	v5 =	vsub.f32 v5, v21;
	v18 =	vperm.xlane v4, v3  }
0x6ca: {  	v23 =	vld [tilespmem:s0+$0xFFFFFF70];
	v21 =	vsub.f32 v61, v43;
	v16 =	vmul.f32 v22, v22;
	v22 =	vmul.f32 v25, v25  }
0x6cb: {  	v13 =	vmul.f32 v13, v13;
	v8 =	vadd.f32 v8, v9;
	v4 =	vadd.f32 v4, v18;
	v18 =	vld [tilespmem:s14+$0x50]  }
0x6cc: {  	v12 =	vmul.f32 v12, v12;
	v10 =	vadd.f32 v16, v10;
	v16 =	vadd.f32 v22, v20;
	v20 =	vld [tilespmem:s18+$0xFFFFFFD0]  }
0x6cd: {  	v61 =	vadd.f32 v13, v7;
	v5 =	vadd.f32 v5, v53;
	v60 =	vld [tilespmem:s18+$0x40];
	v7 =	vmul.f32 v8, v8  }
0x6ce: {  	v29 =	vsub.f32 v54, v55;
	v19 =	vsub.f32 v52, v19;
	v8 =	vld [tilespmem:s18+$0x50]  }
0x6cf: {  	v15 =	vadd.f32 v12, v15;
	v5 =	vmul.f32 v5, v5;
	v6 =	vadd.f32 v7, v6;
	v22 =	vld [tilespmem:s0+$0xFFFFFFE0]  }
0x6d0: {  	v7 =	vadd.f32 v21, v57;
	v12 =	vsub.f32 v14, v18;
	v14 =	vld [tilespmem:s0+$0x60]  }
0x6d1: {  	s6 =	simm.s32 $0x303;
	v5 =	vadd.f32 v5, v11;
	v11 =	vadd.f32 v26, v20;
	v18 =	vld [tilespmem:s14+$0x60]  }
0x6d2: {  	v9 =	vsub.f32 v23, v56;
	v23 =	vmov s6;
	v21 =	vld [tilespmem:s14+$0x70];
	v7 =	vmul.f32 v7, v7  }
0x6d3: {  	v13 =	vadd.f32 v19, v60;
	v20 =	vld [tilespmem:s0+$0x70];
	v11 =	vmul.f32 v11, v11;
	v62 =	vadd.f32 v12, v8  }
0x6d4: {  	v19 =	vld [tilespmem:s18+$0xFFFFFF70];
	v12 =	vsub.f32 v22, v17;
	v8 =	vadd.f32 v7, v10  }
0x6d5: {  	v7 =	vadd.f32 v11, v16;
	v10 =	vmul.f32 v13, v13;
	v16 =	vld [tilespmem:s18+$0xFFFFFFE0];
	v17 =	vmul.f32 v62, v62  }
0x6d6: {  	v13 =	vsub.f32 v58, v59;
	v14 =	vsub.f32 v14, v18;
	v18 =	vld [tilespmem:s18+$0xFFFFFFF0]  }
0x6d7: {  	v11 =	vadd.f32 v10, v61;
	v10 =	vadd.f32 v17, v15;
	v17 =	vld [tilespmem:s18+$0x60]  }
0x6d8: {  	s28 =	simm.s32 $0x0;
	s15 =	simm.s32 $0xFFFFFFFC;
	s16 =	simm.s32 $0x8F00;
	[tilespmem:v23+s30+$0x0] =	vst.idx.msk $0x1, v4;
	v15 =	vsub.f32 v20, v21;
	v21 =	vadd.f32 v29, v63;
	v20 =	vld [tilespmem:s18+$0x70]  }
.LBB2_16:
0x6d9: {  	v4 =	vld [tilespmem:s16+$0xE0];
	v9 =	vadd.f32 v9, v19;
	s0 =	sadd.s32 $0x200, s0;
	s5 =	smov.u32 s28  }
0x6da: {  	s14 =	sadd.s32 $0x200, s14;
	v19 =	vld [tilespmem:s0+$0xE0];
	v21 =	vmul.f32 v21, v21;
	v12 =	vadd.f32 v12, v16  }
0x6db: {  	v16 =	vld [tilespmem:s14+$0xE0];
	v9 =	vmul.f32 v9, v9;
	v13 =	vadd.f32 v13, v18  }
0x6dc: {  	v18 =	vld [tilespmem:s0+$0xF0];
	v6 =	vadd.f32 v21, v6;
	v12 =	vmul.f32 v12, v12;
	v14 =	vadd.f32 v14, v17  }
0x6dd: {  	v17 =	vld [tilespmem:s14+$0xF0];
	v5 =	vadd.f32 v9, v5;
	v9 =	vmul.f32 v13, v13;
	v13 =	vadd.f32 v15, v20  }
0x6de: {  	v15 =	vld [tilespmem:s16+$0x80];
	v8 =	vadd.f32 v12, v8;
	v12 =	vmul.f32 v14, v14  }
0x6df: {  	v14 =	vld [tilespmem:s16+$0x90];
	v5 =	vadd.f32 v5, v6;
	v6 =	vadd.f32 v9, v7;
	v7 =	vmul.f32 v13, v13  }
0x6e0: {  	v9 =	vld [tilespmem:s0+$0xC0];
	v11 =	vadd.f32 v12, v11  }
0x6e1: {  	v12 =	vld [tilespmem:s14+$0xC0];
	v13 =	vperm.xlane v5, v0;
	v6 =	vadd.f32 v6, v8;
	v7 =	vadd.f32 v7, v10  }
0x6e2: {  	v8 =	vld [tilespmem:s0+$0xD0]  }
0x6e3: {  	v10 =	vld [tilespmem:s14+$0xD0];
	v5 =	vadd.f32 v5, v13;
	v13 =	vperm.xlane v6, v0;
	v7 =	vadd.f32 v7, v11  }
0x6e4: {  	v11 =	vld [tilespmem:s0+$0x80]  }
0x6e5: {  	v20 =	vld [tilespmem:s14+$0x80];
	v21 =	vperm.xlane v5, v1;
	v6 =	vadd.f32 v6, v13;
	v13 =	vperm.xlane v7, v0  }
0x6e6: {  	v22 =	vld [tilespmem:s0+$0x90]  }
0x6e7: {  	v23 =	vld [tilespmem:s14+$0x90];
	v5 =	vadd.f32 v5, v21;
	v21 =	vperm.xlane v6, v1;
	v7 =	vadd.f32 v7, v13  }
0x6e8: {  	v13 =	vld [tilespmem:s0+$0xA0]  }
0x6e9: {  	s6 =	sadd.s32 $0x304, s15;
	v24 =	vld [tilespmem:s14+$0xA0];
	v25 =	vperm.xlane v5, v2;
	v6 =	vadd.f32 v6, v21;
	v21 =	vperm.xlane v7, v1  }
0x6ea: {  	v27 =	vmov s6;
	v26 =	vld [tilespmem:s0+$0xB0]  }
0x6eb: {  	s28 =	sadd.s32 $0x4, s28;
	s7 =	sadd.s32 $0x306, s15;
	s6 =	sadd.s32 $0x305, s15;
	v28 =	vld [tilespmem:s14+$0xB0];
	v5 =	vadd.f32 v5, v25;
	v25 =	vperm.xlane v6, v2;
	v7 =	vadd.f32 v7, v21  }
0x6ec: {  	p0 =	slt.u32 s28, $0x7C;
	v30 =	vmov s7;
	s15 =	smov.u32 s5;
	v27 =	vand.u32 $0xFFFFFFFC, v27;
	v29 =	vmov s6;
	v21 =	vld [tilespmem:s16+$0xA0]  }
0x6ed: {  	v16 =	vsub.f32 v19, v16;
	v17 =	vsub.f32 v18, v17;
	v31 =	vld [tilespmem:s16+$0xB0];
	v18 =	vperm.xlane v7, v2  }
0x6ee: {  	v9 =	vsub.f32 v9, v12;
	v8 =	vsub.f32 v8, v10;
	v10 =	vperm.xlane v5, v3;
	v19 =	vld [tilespmem:s16+$0xC0]  }
0x6ef: {  	v11 =	vsub.f32 v11, v20;
	v12 =	vsub.f32 v22, v23;
	v22 =	vand.u32 $0xFFFFFFFD, v29;
	v20 =	vld [tilespmem:s16+$0xD0]  }
0x6f0: {  	v13 =	vsub.f32 v13, v24;
	v23 =	vsub.f32 v26, v28;
	v24 =	vld [tilespmem:s16+$0xF0];
	v26 =	vand.u32 $0xFFFFFFFE, v30  }
0x6f1: {  	v11 =	vadd.f32 v11, v15;
	v12 =	vadd.f32 v12, v14;
	v14 =	vbroadcast v27, $0x0;
	v28 =	vld [tilespmem:s14+$0xFFFFFF00]  }
0x6f2: {  	v22 =	vbroadcast v22, $0x0;
	v13 =	vadd.f32 v13, v21;
	v15 =	vld [tilespmem:s0+$0xFFFFFF10];
	v21 =	vadd.f32 v23, v31  }
0x6f3: {  	v11 =	vmul.f32 v11, v11;
	v12 =	vmul.f32 v12, v12;
	v23 =	vld [tilespmem:s14+$0xFFFFFF10];
	v9 =	vadd.f32 v9, v19  }
0x6f4: {  	v13 =	vmul.f32 v13, v13;
	v19 =	vld [tilespmem:s0+$0xFFFFFF20];
	v21 =	vmul.f32 v21, v21;
	v8 =	vadd.f32 v8, v20  }
0x6f5: {  	v4 =	vadd.f32 v16, v4;
	v20 =	vld [tilespmem:s14+$0xFFFFFF20];
	v9 =	vmul.f32 v9, v9;
	v16 =	vadd.f32 v17, v24  }
0x6f6: {  	v11 =	vadd.f32 v13, v11;
	v17 =	vld [tilespmem:s0+$0xFFFFFF30];
	v12 =	vadd.f32 v21, v12;
	v8 =	vmul.f32 v8, v8  }
0x6f7: {  	v4 =	vmul.f32 v4, v4;
	v6 =	vadd.f32 v6, v25;
	v7 =	vadd.f32 v7, v18;
	v13 =	vld [tilespmem:s14+$0xFFFFFF30]  }
0x6f8: {  	v9 =	vadd.f32 v9, v11;
	v11 =	vmul.f32 v16, v16;
	v18 =	vld [tilespmem:s0+$0xFFFFFF80];
	v8 =	vadd.f32 v8, v12  }
0x6f9: {  	v21 =	vperm.xlane v7, v3;
	v16 =	vperm.xlane v6, v3;
	v12 =	vsub.f32 v15, v23;
	v15 =	vld [tilespmem:s14+$0xFFFFFF80]  }
0x6fa: {  	v4 =	vadd.f32 v4, v9;
	v9 =	vbroadcast v26, $0x0;
	v23 =	vld [tilespmem:s0+$0xFFFFFF90];
	v8 =	vadd.f32 v11, v8  }
0x6fb: {  	v5 =	vadd.f32 v5, v10;
	v11 =	vsub.f32 v19, v20;
	v19 =	vld [tilespmem:s14+$0xFFFFFF90]  }
0x6fc: {  	v10 =	vsub.f32 v17, v13;
	v13 =	vld [tilespmem:s0+$0xFFFFFFA0];
	v4 =	vadd.f32 v8, v4  }
0x6fd: {  	v8 =	vld [tilespmem:s14+$0xFFFFFFA0];
	[tilespmem:v14+s30+$0x0] =	vst.idx.msk $0x1, v5;
	v5 =	vadd.f32 v6, v16;
	v6 =	vadd.f32 v7, v21  }
0x6fe: {  	v7 =	vsub.f32 v18, v15;
	v14 =	vld [tilespmem:s0+$0xFFFFFFB0];
	v15 =	vperm.xlane v4, v0  }
0x6ff: {  	v16 =	vld [tilespmem:s14+$0xFFFFFFB0];
	[tilespmem:v22+s30+$0x0] =	vst.idx.msk $0x1, v5  }
0x700: {  	v5 =	vsub.f32 v23, v19;
	v17 =	vld [tilespmem:s0+$0x0];
	v4 =	vadd.f32 v4, v15;
	[tilespmem:v9+s30+$0x0] =	vst.idx.msk $0x1, v6  }
0x701: {  	v6 =	vld [tilespmem:s14+$0x0]  }
0x702: {  	v8 =	vsub.f32 v13, v8;
	v9 =	vld [tilespmem:s0+$0x10];
	v13 =	vperm.xlane v4, v1  }
0x703: {  	v15 =	vld [tilespmem:s14+$0x10]  }
0x704: {  	v14 =	vsub.f32 v14, v16;
	v16 =	vld [tilespmem:s0+$0x20];
	v4 =	vadd.f32 v4, v13  }
0x705: {  	v13 =	vld [tilespmem:s14+$0x20]  }
0x706: {  	v6 =	vsub.f32 v17, v6;
	v17 =	vld [tilespmem:s0+$0x30];
	v18 =	vperm.xlane v4, v2  }
0x707: {  	v19 =	vld [tilespmem:s14+$0x30]  }
0x708: {  	s5 =	sadd.s32 $0x307, s15;
	v20 =	vld [tilespmem:s0+$0xFFFFFF00];
	v9 =	vsub.f32 v9, v15;
	v4 =	vadd.f32 v4, v18  }
0x709: {  	v18 =	vmov s5;
	v15 =	vld [tilespmem:s16+$0xFFFFFF00]  }
0x70a: {  	v21 =	vld [tilespmem:s16+$0xFFFFFF10];
	v13 =	vsub.f32 v16, v13;
	v16 =	vperm.xlane v4, v3  }
0x70b: {  	v22 =	vld [tilespmem:s16+$0xFFFFFF20]  }
0x70c: {  	v23 =	vld [tilespmem:s16+$0xFFFFFF30];
	v17 =	vsub.f32 v17, v19;
	v4 =	vadd.f32 v4, v16  }
0x70d: {  	v16 =	vsub.f32 v20, v28;
	v19 =	vld [tilespmem:s0+$0xFFFFFF40]  }
0x70e: {  	v20 =	vld [tilespmem:s14+$0xFFFFFF40];
	[tilespmem:v18+s30+$0x0] =	vst.idx.msk $0x1, v4  }
0x70f: {  	v4 =	vadd.f32 v16, v15;
	v12 =	vadd.f32 v12, v21;
	v15 =	vld [tilespmem:s0+$0xFFFFFF50]  }
0x710: {  	v11 =	vadd.f32 v11, v22;
	v16 =	vld [tilespmem:s14+$0xFFFFFF50]  }
0x711: {  	v4 =	vmul.f32 v4, v4;
	v12 =	vmul.f32 v12, v12;
	v10 =	vadd.f32 v10, v23;
	v18 =	vld [tilespmem:s16+$0xFFFFFF80]  }
0x712: {  	v11 =	vmul.f32 v11, v11;
	v21 =	vld [tilespmem:s16+$0xFFFFFF90]  }
0x713: {  	v10 =	vmul.f32 v10, v10;
	v19 =	vsub.f32 v19, v20;
	v20 =	vld [tilespmem:s16+$0xFFFFFFA0]  }
0x714: {  	v4 =	vadd.f32 v11, v4;
	v11 =	vld [tilespmem:s16+$0xFFFFFFB0]  }
0x715: {  	v10 =	vadd.f32 v10, v12;
	v12 =	vsub.f32 v15, v16;
	v15 =	vld [tilespmem:s0+$0xFFFFFFC0]  }
0x716: {  	v7 =	vadd.f32 v7, v18;
	v16 =	vld [tilespmem:s14+$0xFFFFFFC0]  }
0x717: {  	v5 =	vadd.f32 v5, v21;
	v18 =	vld [tilespmem:s0+$0xFFFFFFD0]  }
0x718: {  	v7 =	vmul.f32 v7, v7;
	v8 =	vadd.f32 v8, v20;
	v20 =	vld [tilespmem:s14+$0xFFFFFFD0]  }
0x719: {  	v5 =	vmul.f32 v5, v5;
	v11 =	vadd.f32 v14, v11;
	v14 =	vld [tilespmem:s16+$0x0]  }
0x71a: {  	v8 =	vmul.f32 v8, v8;
	v21 =	vld [tilespmem:s16+$0x10]  }
0x71b: {  	v11 =	vmul.f32 v11, v11;
	v15 =	vsub.f32 v15, v16;
	v16 =	vld [tilespmem:s16+$0x20]  }
0x71c: {  	v7 =	vadd.f32 v8, v7;
	v8 =	vld [tilespmem:s16+$0x30]  }
0x71d: {  	v11 =	vadd.f32 v11, v5;
	v18 =	vsub.f32 v18, v20;
	v5 =	vld [tilespmem:s0+$0x40]  }
0x71e: {  	v6 =	vadd.f32 v6, v14;
	v14 =	vld [tilespmem:s14+$0x40]  }
0x71f: {  	v9 =	vadd.f32 v9, v21;
	v20 =	vld [tilespmem:s0+$0x50]  }
0x720: {  	v6 =	vmul.f32 v6, v6;
	v13 =	vadd.f32 v13, v16;
	v16 =	vld [tilespmem:s14+$0x50]  }
0x721: {  	v21 =	vld [tilespmem:s16+$0xFFFFFF40];
	v9 =	vmul.f32 v9, v9;
	v8 =	vadd.f32 v17, v8  }
0x722: {  	v17 =	vld [tilespmem:s16+$0xFFFFFF50];
	v13 =	vmul.f32 v13, v13  }
0x723: {  	v22 =	vld [tilespmem:s0+$0xFFFFFF60];
	v8 =	vmul.f32 v8, v8;
	v14 =	vsub.f32 v5, v14  }
0x724: {  	v5 =	vld [tilespmem:s14+$0xFFFFFF60];
	v23 =	vadd.f32 v13, v6  }
0x725: {  	v13 =	vld [tilespmem:s0+$0xFFFFFF70];
	v24 =	vadd.f32 v8, v9;
	v16 =	vsub.f32 v20, v16  }
0x726: {  	v6 =	vadd.f32 v19, v21;
	v8 =	vld [tilespmem:s14+$0xFFFFFF70]  }
0x727: {  	v9 =	vadd.f32 v12, v17;
	v12 =	vld [tilespmem:s16+$0xFFFFFFC0]  }
0x728: {  	v6 =	vmul.f32 v6, v6;
	v17 =	vld [tilespmem:s16+$0xFFFFFFD0]  }
0x729: {  	v9 =	vmul.f32 v9, v9;
	v20 =	vsub.f32 v22, v5;
	v19 =	vld [tilespmem:s0+$0xFFFFFFE0]  }
0x72a: {  	v6 =	vadd.f32 v6, v4;
	v4 =	vld [tilespmem:s14+$0xFFFFFFE0]  }
0x72b: {  	v5 =	vadd.f32 v9, v10;
	v9 =	vsub.f32 v13, v8;
	v10 =	vld [tilespmem:s0+$0xFFFFFFF0]  }
0x72c: {  	v8 =	vadd.f32 v15, v12;
	v13 =	vld [tilespmem:s14+$0xFFFFFFF0]  }
0x72d: {  	v12 =	vadd.f32 v18, v17;
	v15 =	vld [tilespmem:s16+$0x40]  }
0x72e: {  	v8 =	vmul.f32 v8, v8;
	v17 =	vld [tilespmem:s16+$0x50]  }
0x72f: {  	v18 =	vmul.f32 v12, v12;
	v12 =	vsub.f32 v19, v4;
	v4 =	vld [tilespmem:s0+$0x60]  }
0x730: {  	v8 =	vadd.f32 v8, v7;
	v21 =	vld [tilespmem:s14+$0x60]  }
0x731: {  	v7 =	vadd.f32 v18, v11;
	v13 =	vsub.f32 v10, v13;
	v22 =	vld [tilespmem:s0+$0x70]  }
0x732: {  	v10 =	vadd.f32 v14, v15;
	v15 =	vld [tilespmem:s14+$0x70]  }
0x733: {  	v25 =	vld [tilespmem:s16+$0xFFFFFF60];
	v11 =	vadd.f32 v16, v17  }
.Ltmp7:
0x734: {  	v19 =	vld [tilespmem:s16+$0xFFFFFF70];
	v10 =	vmul.f32 v10, v10;
	(pc) =	sbr.rel @p0 .LBB2_16-.Ltmp7, $4  }
0x735: {  	v16 =	vld [tilespmem:s16+$0xFFFFFFE0];
	v17 =	vmul.f32 v11, v11;
	v14 =	vsub.f32 v4, v21  }
0x736: {  	v18 =	vld [tilespmem:s16+$0xFFFFFFF0];
	v11 =	vadd.f32 v10, v23  }
0x737: {  	v10 =	vadd.f32 v17, v24;
	v17 =	vld [tilespmem:s16+$0x60];
	v15 =	vsub.f32 v22, v15  }
0x738: {  	v21 =	vadd.f32 v20, v25;
	v20 =	vld [tilespmem:s16+$0x70];
	s16 =	sadd.s32 $0x200, s16  }
0x739: {  	v4 =	vadd.f32 v9, v19  }
0x73a: {  	v9 =	vmul.f32 v21, v21;
	v12 =	vadd.f32 v12, v16  }
0x73b: {  	v4 =	vmul.f32 v4, v4;
	v13 =	vadd.f32 v13, v18  }
0x73c: {  	v6 =	vadd.f32 v9, v6;
	v9 =	vmul.f32 v12, v12;
	v12 =	vadd.f32 v14, v17  }
0x73d: {  	v4 =	vadd.f32 v4, v5;
	v5 =	vmul.f32 v13, v13;
	v13 =	vadd.f32 v15, v20  }
0x73e: {  	v8 =	vadd.f32 v9, v8;
	v9 =	vmul.f32 v12, v12  }
0x73f: {  	v4 =	vadd.f32 v4, v6;
	v5 =	vadd.f32 v5, v7;
	v6 =	vmul.f32 v13, v13  }
0x740: {  	v7 =	vadd.f32 v9, v11  }
0x741: {  	v9 =	vperm.xlane v4, v0;
	v5 =	vadd.f32 v5, v8;
	v6 =	vadd.f32 v6, v10;
	_ =	sdelay $0x1  }
0x742: {  	v4 =	vadd.f32 v4, v9;
	v8 =	vperm.xlane v5, v0;
	v6 =	vadd.f32 v6, v7;
	_ =	sdelay $0x1  }
0x743: {  	v7 =	vperm.xlane v4, v1;
	v5 =	vadd.f32 v5, v8;
	v8 =	vperm.xlane v6, v0;
	_ =	sdelay $0x1  }
0x744: {  	v4 =	vadd.f32 v4, v7;
	v7 =	vperm.xlane v5, v1;
	v6 =	vadd.f32 v6, v8;
	_ =	sdelay $0x1  }
0x745: {  	s5 =	sadd.s32 $0x306, s15;
	v8 =	vperm.xlane v4, v2;
	v5 =	vadd.f32 v5, v7;
	v7 =	vperm.xlane v6, v1  }
0x746: {  	s0 =	sadd.s32 $0x304, s15;
	v10 =	vmov s5  }
0x747: {  	s17 =	sadd.s32 $0x305, s15;
	v9 =	vmov s0;
	v4 =	vadd.f32 v4, v8;
	v6 =	vadd.f32 v6, v7  }
0x748: {  	v8 =	vperm.xlane v5, v2;
	v7 =	vand.u32 $0xFFFFFFFC, v9;
	v9 =	vmov s17  }
0x749: {  	v9 =	vand.u32 $0xFFFFFFFD, v9;
	v7 =	vbroadcast v7, $0x0;
	v11 =	vperm.xlane v6, v2  }
0x74a: {  	v10 =	vand.u32 $0xFFFFFFFE, v10;
	v9 =	vbroadcast v9, $0x0;
	v5 =	vadd.f32 v5, v8  }
0x74b: {  	v10 =	vbroadcast v10, $0x0;
	v8 =	vperm.xlane v4, v3;
	v6 =	vadd.f32 v6, v11  }
0x74c: {  	v11 =	vperm.xlane v5, v3  }
0x74d: {  	v4 =	vadd.f32 v4, v8;
	v12 =	vperm.xlane v6, v3  }
0x74e: {  	v5 =	vadd.f32 v5, v11  }
0x74f: {  	[tilespmem:v7+s30+$0x0] =	vst.idx.msk $0x1, v4;
	v4 =	vadd.f32 v6, v12  }
0x750: {  	[tilespmem:v9+s30+$0x0] =	vst.idx.msk $0x1, v5  }
0x751: {  	[tilespmem:v10+s30+$0x0] =	vst.idx.msk $0x1, v4  }
0x752: {  	_ =	swait.ge [sflag:s24], $0x4000  }
0x753: {  	[sflag:s24] =	ssyncset.done $0x0  }
0x754: {  	[sflag:s24] =	ssyncadd.s32 $0xFFFFC000  }
0x755: {  	_ =	swait.ge [sflag:s24], $0x4000  }
0x756: {  	[sflag:s24] =	ssyncset.done $0x0  }
0x757: {  	[sflag:s24] =	ssyncadd.s32 $0xFFFFC000  }
0x758: {  	_ =	swait.ge [sflag:s24], $0x4000  }
0x759: {  	[sflag:s24] =	ssyncset.done $0x0  }
0x75a: {  	s14 =	simm.s32 $0x0;
	[sflag:s24] =	ssyncadd.s32 $0xFFFFC000  }
0x75b: {  	v4 =	vld [tilespmem:s14+$0xCDE0]  }
0x75c: {  	v5 =	vld [tilespmem:s14+$0x4DE0]  }
0x75d: {  	v6 =	vld [tilespmem:s14+$0x14DE0]  }
0x75e: {  	v7 =	vld [tilespmem:s14+$0x4DF0]  }
0x75f: {  	v8 =	vld [tilespmem:s14+$0x14DF0]  }
0x760: {  	v9 =	vld [tilespmem:s14+$0xCD80]  }
0x761: {  	v10 =	vld [tilespmem:s14+$0xCD90]  }
0x762: {  	v11 =	vld [tilespmem:s14+$0x4DC0]  }
0x763: {  	v12 =	vld [tilespmem:s14+$0x14DC0]  }
0x764: {  	v13 =	vld [tilespmem:s14+$0x4DD0]  }
0x765: {  	v14 =	vld [tilespmem:s14+$0x14DD0]  }
0x766: {  	v15 =	vld [tilespmem:s14+$0x4D80]  }
0x767: {  	v16 =	vld [tilespmem:s14+$0x14D80]  }
0x768: {  	v17 =	vld [tilespmem:s14+$0x4D90]  }
0x769: {  	v18 =	vld [tilespmem:s14+$0x14D90]  }
0x76a: {  	v19 =	vld [tilespmem:s14+$0x4DA0]  }
0x76b: {  	v20 =	vld [tilespmem:s14+$0x14DA0]  }
0x76c: {  	v21 =	vld [tilespmem:s14+$0x4DB0]  }
0x76d: {  	v22 =	vld [tilespmem:s14+$0x14DB0]  }
0x76e: {  	v23 =	vld [tilespmem:s14+$0xCDA0]  }
0x76f: {  	v24 =	vld [tilespmem:s14+$0xCDB0]  }
0x770: {  	v25 =	vld [tilespmem:s14+$0xCDC0]  }
0x771: {  	v26 =	vld [tilespmem:s14+$0xCDD0]  }
0x772: {  	v27 =	vld [tilespmem:s14+$0xCDF0]  }
0x773: {  	v28 =	vld [tilespmem:s14+$0x4C00]  }
0x774: {  	v29 =	vld [tilespmem:s14+$0x14C00]  }
0x775: {  	v30 =	vld [tilespmem:s14+$0x4C10]  }
0x776: {  	v31 =	vld [tilespmem:s14+$0x14C10]  }
0x777: {  	v32 =	vld [tilespmem:s14+$0x4C20]  }
0x778: {  	v33 =	vld [tilespmem:s14+$0x14C20]  }
0x779: {  	v34 =	vld [tilespmem:s14+$0x4C30]  }
0x77a: {  	v35 =	vld [tilespmem:s14+$0x14C30]  }
0x77b: {  	v36 =	vld [tilespmem:s14+$0x4C80]  }
0x77c: {  	v37 =	vld [tilespmem:s14+$0x14C80]  }
0x77d: {  	v38 =	vld [tilespmem:s14+$0x4C90]  }
0x77e: {  	v39 =	vld [tilespmem:s14+$0x14C90]  }
0x77f: {  	v40 =	vld [tilespmem:s14+$0x4CA0]  }
0x780: {  	v41 =	vld [tilespmem:s14+$0x14CA0]  }
0x781: {  	v55 =	vld [tilespmem:s14+$0xCC80]  }
0x782: {  	v56 =	vld [tilespmem:s14+$0xCCA0]  }
0x783: {  	v58 =	vld [tilespmem:s14+$0xCCB0]  }
0x784: {  	v42 =	vld [tilespmem:s14+$0x4CC0]  }
0x785: {  	v59 =	vld [tilespmem:s14+$0x14CC0]  }
0x786: {  	v43 =	vld [tilespmem:s14+$0x4CD0]  }
0x787: {  	v44 =	vld [tilespmem:s14+$0x14CD0]  }
0x788: {  	v62 =	vld [tilespmem:s14+$0xCD00]  }
0x789: {  	v45 =	vld [tilespmem:s14+$0xCD10];
	v5 =	vsub.f32 v5, v6;
	v6 =	vsub.f32 v7, v8  }
0x78a: {  	v48 =	vld [tilespmem:s14+$0xCD20];
	v8 =	vsub.f32 v11, v12;
	v11 =	vsub.f32 v13, v14  }
0x78b: {  	v50 =	vld [tilespmem:s14+$0xCD30];
	v13 =	vsub.f32 v15, v16;
	v14 =	vsub.f32 v17, v18  }
0x78c: {  	v51 =	vld [tilespmem:s14+$0xCC50];
	v16 =	vsub.f32 v19, v20;
	v17 =	vsub.f32 v21, v22  }
0x78d: {  	v52 =	vld [tilespmem:s14+$0x4C60];
	v9 =	vadd.f32 v13, v9;
	v10 =	vadd.f32 v14, v10  }
0x78e: {  	v53 =	vld [tilespmem:s14+$0x14C60];
	v14 =	vadd.f32 v16, v23;
	v16 =	vadd.f32 v17, v24  }
0x78f: {  	v54 =	vld [tilespmem:s14+$0x14C70];
	v8 =	vadd.f32 v8, v25;
	v9 =	vmul.f32 v9, v9;
	v10 =	vmul.f32 v10, v10  }
0x790: {  	v7 =	vld [tilespmem:s14+$0x4CB0];
	v11 =	vadd.f32 v11, v26;
	v14 =	vmul.f32 v14, v14;
	v16 =	vmul.f32 v16, v16  }
0x791: {  	v12 =	vld [tilespmem:s14+$0x14CB0];
	v4 =	vadd.f32 v5, v4;
	v5 =	vadd.f32 v6, v27;
	v8 =	vmul.f32 v8, v8  }
0x792: {  	v15 =	vld [tilespmem:s14+$0x4D00];
	v11 =	vmul.f32 v11, v11;
	v9 =	vadd.f32 v14, v9;
	v10 =	vadd.f32 v16, v10  }
0x793: {  	v18 =	vld [tilespmem:s14+$0x14D00];
	v4 =	vmul.f32 v4, v4  }
0x794: {  	v19 =	vld [tilespmem:s14+$0x4D20];
	v5 =	vmul.f32 v5, v5;
	v8 =	vadd.f32 v8, v9;
	v9 =	vadd.f32 v11, v10  }
0x795: {  	v20 =	vld [tilespmem:s14+$0x14D20]  }
0x796: {  	v21 =	vld [tilespmem:s14+$0x4C50];
	v4 =	vadd.f32 v4, v8;
	v5 =	vadd.f32 v5, v9  }
0x797: {  	v13 =	vld [tilespmem:s14+$0x4D10]  }
0x798: {  	v17 =	vld [tilespmem:s14+$0x14D10];
	v4 =	vadd.f32 v5, v4  }
0x799: {  	v46 =	vsub.f32 v36, v37;
	v6 =	vld [tilespmem:s14+$0x4D30]  }
0x79a: {  	v23 =	vld [tilespmem:s14+$0x14C50];
	v15 =	vsub.f32 v15, v18;
	v22 =	vperm.xlane v4, v0  }
0x79b: {  	v18 =	vsub.f32 v19, v20;
	v19 =	vadd.f32 v46, v55;
	v55 =	vld [tilespmem:s14+$0xCCC0]  }
0x79c: {  	v14 =	vld [tilespmem:s14+$0x14D30];
	v4 =	vadd.f32 v4, v22  }
0x79d: {  	v16 =	vld [tilespmem:s14+$0xCC00]  }
0x79e: {  	v28 =	vsub.f32 v28, v29;
	v30 =	vsub.f32 v30, v31;
	v10 =	vld [tilespmem:s14+$0xCC10];
	v57 =	vperm.xlane v4, v1  }
0x79f: {  	v61 =	vsub.f32 v32, v33;
	v63 =	vsub.f32 v34, v35;
	v11 =	vld [tilespmem:s14+$0xCC20]  }
0x7a0: {  	v49 =	vsub.f32 v40, v41;
	v8 =	vld [tilespmem:s14+$0xCC30];
	v4 =	vadd.f32 v4, v57  }
0x7a1: {  	v47 =	vsub.f32 v38, v39;
	v7 =	vsub.f32 v7, v12;
	v9 =	vld [tilespmem:s14+$0x4C40]  }
0x7a2: {  	v25 =	vadd.f32 v49, v56;
	v13 =	vsub.f32 v13, v17;
	v5 =	vld [tilespmem:s14+$0x14C40];
	v60 =	vperm.xlane v4, v2  }
0x7a3: {  	v17 =	vld [tilespmem:s14+$0x4D40];
	v7 =	vadd.f32 v7, v58;
	v21 =	vsub.f32 v21, v23  }
0x7a4: {  	v23 =	vsub.f32 v42, v59;
	v58 =	vld [tilespmem:s14+$0x4CF0];
	v4 =	vadd.f32 v4, v60  }
0x7a5: {  	v18 =	vadd.f32 v18, v48;
	v13 =	vadd.f32 v13, v45;
	v22 =	vld [tilespmem:s14+$0xCC90]  }
0x7a6: {  	v59 =	vld [tilespmem:s14+$0x14CF0];
	v10 =	vadd.f32 v30, v10;
	v11 =	vadd.f32 v61, v11;
	v12 =	vperm.xlane v4, v3  }
0x7a7: {  	v7 =	vmul.f32 v7, v7;
	v8 =	vadd.f32 v63, v8;
	v5 =	vsub.f32 v9, v5;
	v9 =	vld [tilespmem:s14+$0xCC40]  }
0x7a8: {  	v13 =	vmul.f32 v13, v13;
	v20 =	vadd.f32 v4, v12;
	v4 =	vld [tilespmem:s14+$0x14D40];
	v12 =	vadd.f32 v28, v16  }
0x7a9: {  	v6 =	vsub.f32 v6, v14;
	v14 =	vld [tilespmem:s14+$0x4D50];
	v10 =	vmul.f32 v10, v10;
	v8 =	vmul.f32 v8, v8  }
0x7aa: {  	v61 =	vld [tilespmem:s14+$0x4D70];
	v11 =	vmul.f32 v11, v11;
	v22 =	vadd.f32 v47, v22;
	v12 =	vmul.f32 v12, v12  }
0x7ab: {  	v6 =	vadd.f32 v6, v50;
	v10 =	vadd.f32 v8, v10;
	v8 =	vmul.f32 v25, v25;
	v16 =	vld [tilespmem:s14+$0x14D50]  }
0x7ac: {  	v11 =	vadd.f32 v11, v12;
	v12 =	vmul.f32 v19, v19;
	v19 =	vmul.f32 v22, v22;
	v22 =	vld [tilespmem:s14+$0x4C70]  }
0x7ad: {  	v6 =	vmul.f32 v6, v6;
	v5 =	vadd.f32 v5, v9;
	v9 =	vsub.f32 v17, v4;
	v17 =	vld [tilespmem:s14+$0xCD40]  }
0x7ae: {  	v18 =	vmul.f32 v18, v18;
	v4 =	vadd.f32 v21, v51;
	v56 =	vadd.f32 v8, v12;
	v12 =	vld [tilespmem:s14+$0xCCD0]  }
0x7af: {  	v5 =	vmul.f32 v5, v5;
	v21 =	vadd.f32 v6, v13;
	v6 =	vld [tilespmem:s14+$0xCD50];
	v8 =	vadd.f32 v15, v62  }
0x7b0: {  	v57 =	vsub.f32 v43, v44;
	v13 =	vsub.f32 v14, v16;
	v15 =	vld [tilespmem:s14+$0x4CE0];
	v14 =	vmul.f32 v4, v4  }
0x7b1: {  	v7 =	vadd.f32 v7, v19;
	v19 =	vld [tilespmem:s14+$0x14CE0];
	v4 =	vadd.f32 v5, v11;
	v8 =	vmul.f32 v8, v8  }
0x7b2: {  	s18 =	simm.s32 $0x383;
	v60 =	vld [tilespmem:s14+$0x4D60];
	v11 =	vadd.f32 v23, v55;
	v5 =	vadd.f32 v14, v10  }
0x7b3: {  	v62 =	vmov s18;
	v23 =	vld [tilespmem:s14+$0x14D60];
	v18 =	vadd.f32 v18, v8;
	v10 =	vadd.f32 v57, v12  }
0x7b4: {  	v63 =	vld [tilespmem:s14+$0x14D70];
	v11 =	vmul.f32 v11, v11;
	v8 =	vsub.f32 v52, v53;
	v14 =	vadd.f32 v9, v17  }
0x7b5: {  	v9 =	vsub.f32 v22, v54;
	v22 =	vadd.f32 v13, v6;
	v17 =	vld [tilespmem:s14+$0xCC60];
	v10 =	vmul.f32 v10, v10  }
0x7b6: {  	v12 =	vsub.f32 v15, v19;
	v6 =	vadd.f32 v11, v56;
	v15 =	vld [tilespmem:s14+$0xCC70];
	v11 =	vmul.f32 v14, v14  }
0x7b7: {  	v16 =	vld [tilespmem:s14+$0xCCE0];
	v13 =	vsub.f32 v58, v59;
	v7 =	vadd.f32 v10, v7;
	v10 =	vmul.f32 v22, v22  }
0x7b8: {  	s28 =	simm.s32 $0xFFFFFFFC;
	s15 =	simm.s32 $0x0;
	v19 =	vld [tilespmem:s14+$0xCCF0];
	v14 =	vsub.f32 v60, v23;
	v11 =	vadd.f32 v11, v18  }
0x7b9: {  	s16 =	simm.s32 $0x0;
	s0 =	simm.s32 $0x18E30;
	s17 =	simm.s32 $0x800;
	[tilespmem:v62+s30+$0x0] =	vst.idx.msk $0x1, v20;
	v20 =	vld [tilespmem:s14+$0xCD60];
	v18 =	vsub.f32 v61, v63;
	v10 =	vadd.f32 v10, v21  }
.LBB2_18:
0x7ba: {  	v8 =	vadd.f32 v8, v17;
	v17 =	vld [tilespmem:s14+$0xCD70];
	s14 =	sshra.s32 s17, $0x2;
	s5 =	smov.u32 s16  }
0x7bb: {  	v21 =	vld [tilespmem:s14+$0xCDE0];
	v9 =	vadd.f32 v9, v15  }
0x7bc: {  	v15 =	vld [tilespmem:s14+$0x4DE0];
	v8 =	vmul.f32 v8, v8;
	v12 =	vadd.f32 v12, v16  }
0x7bd: {  	v16 =	vld [tilespmem:s14+$0x14DE0];
	v9 =	vmul.f32 v9, v9;
	v13 =	vadd.f32 v13, v19  }
0x7be: {  	v19 =	vld [tilespmem:s14+$0x4DF0];
	v4 =	vadd.f32 v8, v4;
	v8 =	vmul.f32 v12, v12;
	v12 =	vadd.f32 v14, v20  }
0x7bf: {  	v14 =	vld [tilespmem:s14+$0x14DF0];
	v5 =	vadd.f32 v9, v5;
	v9 =	vmul.f32 v13, v13;
	v13 =	vadd.f32 v18, v17  }
0x7c0: {  	v17 =	vld [tilespmem:s14+$0xCD80];
	v6 =	vadd.f32 v8, v6;
	v8 =	vmul.f32 v12, v12  }
0x7c1: {  	v12 =	vld [tilespmem:s14+$0xCD90];
	v4 =	vadd.f32 v5, v4;
	v5 =	vadd.f32 v9, v7;
	v7 =	vmul.f32 v13, v13  }
0x7c2: {  	v9 =	vld [tilespmem:s14+$0x4DC0];
	v8 =	vadd.f32 v8, v11  }
0x7c3: {  	v11 =	vld [tilespmem:s14+$0x14DC0];
	v13 =	vperm.xlane v4, v0;
	v5 =	vadd.f32 v5, v6;
	v6 =	vadd.f32 v7, v10  }
0x7c4: {  	v7 =	vld [tilespmem:s14+$0x4DD0]  }
0x7c5: {  	v10 =	vld [tilespmem:s14+$0x14DD0];
	v4 =	vadd.f32 v4, v13;
	v13 =	vperm.xlane v5, v0;
	v6 =	vadd.f32 v6, v8  }
0x7c6: {  	v8 =	vld [tilespmem:s14+$0x4D80]  }
0x7c7: {  	v18 =	vld [tilespmem:s14+$0x14D80];
	v20 =	vperm.xlane v4, v1;
	v5 =	vadd.f32 v5, v13;
	v13 =	vperm.xlane v6, v0  }
0x7c8: {  	v22 =	vld [tilespmem:s14+$0x4D90]  }
0x7c9: {  	v23 =	vld [tilespmem:s14+$0x14D90];
	v4 =	vadd.f32 v4, v20;
	v20 =	vperm.xlane v5, v1;
	v6 =	vadd.f32 v6, v13  }
0x7ca: {  	v13 =	vld [tilespmem:s14+$0x4DA0]  }
0x7cb: {  	s6 =	sadd.s32 $0x384, s28;
	s7 =	sadd.s32 $0x385, s28;
	v24 =	vld [tilespmem:s14+$0x14DA0];
	v25 =	vperm.xlane v4, v2;
	v5 =	vadd.f32 v5, v20;
	v20 =	vperm.xlane v6, v1  }
0x7cc: {  	s16 =	sadd.s32 $0x4, s16;
	v27 =	vmov s6;
	v28 =	vmov s7;
	v26 =	vld [tilespmem:s14+$0x4DB0]  }
0x7cd: {  	p0 =	slt.u32 s16, $0x7C;
	s6 =	sadd.s32 $0x386, s28;
	s28 =	smov.u32 s5;
	v29 =	vld [tilespmem:s14+$0x14DB0];
	v4 =	vadd.f32 v4, v25;
	v25 =	vperm.xlane v5, v2;
	v6 =	vadd.f32 v6, v20  }
0x7ce: {  	v27 =	vand.u32 $0xFFFFFFFC, v27;
	v28 =	vand.u32 $0xFFFFFFFD, v28;
	v30 =	vmov s6;
	v20 =	vld [tilespmem:s14+$0xCDA0]  }
0x7cf: {  	v15 =	vsub.f32 v15, v16;
	v14 =	vsub.f32 v19, v14;
	v31 =	vld [tilespmem:s14+$0xCDB0];
	v16 =	vperm.xlane v6, v2  }
0x7d0: {  	v9 =	vsub.f32 v9, v11;
	v7 =	vsub.f32 v7, v10;
	v10 =	vperm.xlane v4, v3;
	v19 =	vld [tilespmem:s14+$0xCDC0]  }
0x7d1: {  	v8 =	vsub.f32 v8, v18;
	v11 =	vsub.f32 v22, v23;
	v22 =	vand.u32 $0xFFFFFFFE, v30;
	v18 =	vld [tilespmem:s14+$0xCDD0]  }
0x7d2: {  	v13 =	vsub.f32 v13, v24;
	v23 =	vsub.f32 v26, v29;
	v24 =	vld [tilespmem:s14+$0xCDF0];
	v26 =	vbroadcast v27, $0x0  }
0x7d3: {  	v8 =	vadd.f32 v8, v17;
	v11 =	vadd.f32 v11, v12;
	v12 =	vbroadcast v28, $0x0;
	v27 =	vld [tilespmem:s14+$0x4C00]  }
0x7d4: {  	v22 =	vbroadcast v22, $0x0;
	v13 =	vadd.f32 v13, v20;
	v17 =	vld [tilespmem:s14+$0x14C00];
	v20 =	vadd.f32 v23, v31  }
0x7d5: {  	v8 =	vmul.f32 v8, v8;
	v11 =	vmul.f32 v11, v11;
	v23 =	vld [tilespmem:s14+$0x4C10];
	v9 =	vadd.f32 v9, v19  }
0x7d6: {  	v13 =	vmul.f32 v13, v13;
	v19 =	vld [tilespmem:s14+$0x14C10];
	v20 =	vmul.f32 v20, v20;
	v7 =	vadd.f32 v7, v18  }
0x7d7: {  	v15 =	vadd.f32 v15, v21;
	v18 =	vld [tilespmem:s14+$0x4C20];
	v9 =	vmul.f32 v9, v9;
	v14 =	vadd.f32 v14, v24  }
0x7d8: {  	v8 =	vadd.f32 v13, v8;
	v21 =	vld [tilespmem:s14+$0x14C20];
	v11 =	vadd.f32 v20, v11;
	v7 =	vmul.f32 v7, v7  }
0x7d9: {  	v15 =	vmul.f32 v15, v15;
	v5 =	vadd.f32 v5, v25;
	v13 =	vsub.f32 v27, v17;
	v17 =	vld [tilespmem:s14+$0x4C30]  }
0x7da: {  	v8 =	vadd.f32 v9, v8;
	v9 =	vmul.f32 v14, v14;
	v20 =	vld [tilespmem:s14+$0x14C30];
	v7 =	vadd.f32 v7, v11  }
0x7db: {  	v6 =	vadd.f32 v6, v16;
	v11 =	vsub.f32 v23, v19;
	v14 =	vld [tilespmem:s14+$0x4C80];
	v19 =	vperm.xlane v5, v3  }
0x7dc: {  	v8 =	vadd.f32 v15, v8;
	v16 =	vld [tilespmem:s14+$0x14C80];
	v7 =	vadd.f32 v9, v7  }
0x7dd: {  	v4 =	vadd.f32 v4, v10;
	v10 =	vperm.xlane v6, v3;
	v9 =	vsub.f32 v18, v21;
	v15 =	vld [tilespmem:s14+$0x4C90]  }
0x7de: {  	v5 =	vadd.f32 v5, v19;
	v18 =	vld [tilespmem:s14+$0x14C90];
	v7 =	vadd.f32 v7, v8  }
0x7df: {  	v8 =	vsub.f32 v17, v20;
	v17 =	vld [tilespmem:s14+$0x4CA0];
	[tilespmem:v26+s30+$0x0] =	vst.idx.msk $0x1, v4;
	v4 =	vadd.f32 v6, v10  }
0x7e0: {  	v6 =	vld [tilespmem:s14+$0x14CA0];
	v10 =	vperm.xlane v7, v0;
	[tilespmem:v12+s30+$0x0] =	vst.idx.msk $0x1, v5  }
0x7e1: {  	v5 =	vsub.f32 v14, v16;
	v12 =	vld [tilespmem:s14+$0x4CB0];
	[tilespmem:v22+s30+$0x0] =	vst.idx.msk $0x1, v4  }
0x7e2: {  	v4 =	vld [tilespmem:s14+$0x14CB0];
	v7 =	vadd.f32 v7, v10  }
0x7e3: {  	v10 =	vsub.f32 v15, v18;
	v14 =	vld [tilespmem:s14+$0x4D00]  }
0x7e4: {  	v15 =	vld [tilespmem:s14+$0x14D00];
	v16 =	vperm.xlane v7, v1  }
0x7e5: {  	v6 =	vsub.f32 v17, v6;
	v17 =	vld [tilespmem:s14+$0x4D10]  }
0x7e6: {  	v18 =	vld [tilespmem:s14+$0x14D10];
	v7 =	vadd.f32 v7, v16  }
0x7e7: {  	v4 =	vsub.f32 v12, v4;
	v12 =	vld [tilespmem:s14+$0x4D20]  }
0x7e8: {  	v16 =	vld [tilespmem:s14+$0x14D20];
	v19 =	vperm.xlane v7, v2  }
0x7e9: {  	v14 =	vsub.f32 v14, v15;
	v15 =	vld [tilespmem:s14+$0x4D30]  }
0x7ea: {  	s5 =	sadd.s32 $0x387, s28;
	v20 =	vld [tilespmem:s14+$0x14D30];
	v7 =	vadd.f32 v7, v19  }
0x7eb: {  	v19 =	vld [tilespmem:s14+$0xCC00];
	v17 =	vsub.f32 v17, v18;
	v18 =	vmov s5  }
0x7ec: {  	v21 =	vld [tilespmem:s14+$0xCC10];
	v22 =	vperm.xlane v7, v3  }
0x7ed: {  	v23 =	vld [tilespmem:s14+$0xCC20];
	v12 =	vsub.f32 v12, v16  }
0x7ee: {  	v16 =	vld [tilespmem:s14+$0xCC30];
	v7 =	vadd.f32 v7, v22  }
0x7ef: {  	v22 =	vld [tilespmem:s14+$0x4C40];
	v15 =	vsub.f32 v15, v20  }
0x7f0: {  	v13 =	vadd.f32 v13, v19;
	v19 =	vld [tilespmem:s14+$0x14C40];
	[tilespmem:v18+s30+$0x0] =	vst.idx.msk $0x1, v7  }
0x7f1: {  	v7 =	vadd.f32 v11, v21;
	v11 =	vld [tilespmem:s14+$0x4C50]  }
0x7f2: {  	v13 =	vmul.f32 v13, v13;
	v9 =	vadd.f32 v9, v23;
	v18 =	vld [tilespmem:s14+$0x14C50]  }
0x7f3: {  	v7 =	vmul.f32 v7, v7;
	v8 =	vadd.f32 v8, v16;
	v16 =	vld [tilespmem:s14+$0xCC80]  }
0x7f4: {  	v9 =	vmul.f32 v9, v9;
	v20 =	vld [tilespmem:s14+$0xCC90]  }
0x7f5: {  	v8 =	vmul.f32 v8, v8;
	v19 =	vsub.f32 v22, v19;
	v21 =	vld [tilespmem:s14+$0xCCA0]  }
0x7f6: {  	v9 =	vadd.f32 v9, v13;
	v13 =	vld [tilespmem:s14+$0xCCB0]  }
0x7f7: {  	v7 =	vadd.f32 v8, v7;
	v8 =	vsub.f32 v11, v18;
	v11 =	vld [tilespmem:s14+$0x4CC0]  }
0x7f8: {  	v5 =	vadd.f32 v5, v16;
	v16 =	vld [tilespmem:s14+$0x14CC0]  }
0x7f9: {  	v10 =	vadd.f32 v10, v20;
	v18 =	vld [tilespmem:s14+$0x4CD0]  }
0x7fa: {  	v5 =	vmul.f32 v5, v5;
	v6 =	vadd.f32 v6, v21;
	v20 =	vld [tilespmem:s14+$0x14CD0]  }
0x7fb: {  	v10 =	vmul.f32 v10, v10;
	v4 =	vadd.f32 v4, v13;
	v13 =	vld [tilespmem:s14+$0xCD00]  }
0x7fc: {  	v6 =	vmul.f32 v6, v6;
	v21 =	vld [tilespmem:s14+$0xCD10]  }
0x7fd: {  	v4 =	vmul.f32 v4, v4;
	v11 =	vsub.f32 v11, v16;
	v16 =	vld [tilespmem:s14+$0xCD20]  }
0x7fe: {  	v6 =	vadd.f32 v6, v5;
	v5 =	vld [tilespmem:s14+$0xCD30]  }
0x7ff: {  	v10 =	vadd.f32 v4, v10;
	v18 =	vsub.f32 v18, v20;
	v4 =	vld [tilespmem:s14+$0x4D40]  }
0x800: {  	v13 =	vadd.f32 v14, v13;
	v14 =	vld [tilespmem:s14+$0x14D40]  }
0x801: {  	v17 =	vadd.f32 v17, v21;
	v20 =	vld [tilespmem:s14+$0x4D50]  }
0x802: {  	v13 =	vmul.f32 v13, v13;
	v12 =	vadd.f32 v12, v16;
	v16 =	vld [tilespmem:s14+$0x14D50]  }
0x803: {  	v21 =	vld [tilespmem:s14+$0xCC40];
	v17 =	vmul.f32 v17, v17;
	v5 =	vadd.f32 v15, v5  }
0x804: {  	v15 =	vld [tilespmem:s14+$0xCC50];
	v12 =	vmul.f32 v12, v12  }
0x805: {  	v22 =	vld [tilespmem:s14+$0x4C60];
	v5 =	vmul.f32 v5, v5;
	v14 =	vsub.f32 v4, v14  }
0x806: {  	v4 =	vld [tilespmem:s14+$0x14C60];
	v23 =	vadd.f32 v12, v13  }
0x807: {  	v12 =	vld [tilespmem:s14+$0x4C70];
	v24 =	vadd.f32 v5, v17;
	v16 =	vsub.f32 v20, v16  }
0x808: {  	v5 =	vadd.f32 v19, v21;
	v13 =	vld [tilespmem:s14+$0x14C70]  }
0x809: {  	v8 =	vadd.f32 v8, v15;
	v15 =	vld [tilespmem:s14+$0xCCC0]  }
0x80a: {  	v5 =	vmul.f32 v5, v5;
	v17 =	vld [tilespmem:s14+$0xCCD0]  }
0x80b: {  	v19 =	vmul.f32 v8, v8;
	v8 =	vsub.f32 v22, v4;
	v20 =	vld [tilespmem:s14+$0x4CE0]  }
0x80c: {  	v4 =	vadd.f32 v5, v9;
	v21 =	vld [tilespmem:s14+$0x14CE0]  }
0x80d: {  	v5 =	vadd.f32 v19, v7;
	v9 =	vsub.f32 v12, v13;
	v13 =	vld [tilespmem:s14+$0x4CF0]  }
0x80e: {  	v7 =	vadd.f32 v11, v15;
	v11 =	vld [tilespmem:s14+$0x14CF0]  }
0x80f: {  	v12 =	vadd.f32 v18, v17;
	v15 =	vld [tilespmem:s14+$0xCD40]  }
0x810: {  	v7 =	vmul.f32 v7, v7;
	v18 =	vld [tilespmem:s14+$0xCD50]  }
0x811: {  	v17 =	vmul.f32 v12, v12;
	v12 =	vsub.f32 v20, v21;
	v19 =	vld [tilespmem:s14+$0x4D60]  }
0x812: {  	v6 =	vadd.f32 v7, v6;
	v20 =	vld [tilespmem:s14+$0x14D60]  }
0x813: {  	v7 =	vadd.f32 v17, v10;
	v13 =	vsub.f32 v13, v11;
	v21 =	vld [tilespmem:s14+$0x4D70]  }
0x814: {  	v10 =	vadd.f32 v14, v15;
	v22 =	vld [tilespmem:s14+$0x14D70]  }
.Ltmp8:
0x815: {  	v17 =	vld [tilespmem:s14+$0xCC60];
	v11 =	vadd.f32 v16, v18;
	(pc) =	sbr.rel @p0 .LBB2_18-.Ltmp8, $4  }
0x816: {  	v15 =	vld [tilespmem:s14+$0xCC70];
	v10 =	vmul.f32 v10, v10  }
0x817: {  	v16 =	vld [tilespmem:s14+$0xCCE0];
	v18 =	vmul.f32 v11, v11;
	v14 =	vsub.f32 v19, v20  }
0x818: {  	v19 =	vld [tilespmem:s14+$0xCCF0];
	v11 =	vadd.f32 v10, v23  }
0x819: {  	s17 =	sadd.s32 $0x800, s17;
	v10 =	vadd.f32 v18, v24;
	v20 =	vld [tilespmem:s14+$0xCD60];
	v18 =	vsub.f32 v21, v22  }
0x81a: {  	v8 =	vadd.f32 v8, v17;
	v17 =	vld [tilespmem:s14+$0xCD70]  }
0x81b: {  	v9 =	vadd.f32 v9, v15  }
0x81c: {  	v8 =	vmul.f32 v8, v8  }
0x81d: {  	v12 =	vadd.f32 v12, v16;
	v9 =	vmul.f32 v9, v9;
	v13 =	vadd.f32 v13, v19  }
0x81e: {  	v4 =	vadd.f32 v8, v4;
	v8 =	vadd.f32 v14, v20  }
0x81f: {  	v5 =	vadd.f32 v9, v5;
	v9 =	vadd.f32 v18, v17  }
0x820: {  	v12 =	vmul.f32 v12, v12;
	v13 =	vmul.f32 v13, v13  }
0x821: {  	v8 =	vmul.f32 v8, v8;
	v4 =	vadd.f32 v5, v4;
	v5 =	vmul.f32 v9, v9  }
0x822: {  	v6 =	vadd.f32 v12, v6;
	v7 =	vadd.f32 v13, v7  }
0x823: {  	v8 =	vadd.f32 v8, v11;
	v5 =	vadd.f32 v5, v10  }
0x824: {  	v9 =	vperm.xlane v4, v0;
	v6 =	vadd.f32 v7, v6  }
0x825: {  	v5 =	vadd.f32 v5, v8  }
0x826: {  	v4 =	vadd.f32 v4, v9;
	v7 =	vperm.xlane v6, v0  }
0x827: {  	v9 =	vperm.xlane v5, v0  }
0x828: {  	v8 =	vperm.xlane v4, v1;
	v6 =	vadd.f32 v6, v7  }
0x829: {  	v5 =	vadd.f32 v5, v9  }
0x82a: {  	v4 =	vadd.f32 v4, v8;
	v7 =	vperm.xlane v6, v1  }
0x82b: {  	s5 =	sadd.s32 $0x384, s28;
	v9 =	vperm.xlane v5, v1  }
0x82c: {  	s6 =	sadd.s32 $0x385, s28;
	v8 =	vperm.xlane v4, v2;
	v6 =	vadd.f32 v6, v7;
	v7 =	vmov s5  }
0x82d: {  	v10 =	vmov s6;
	v7 =	vand.u32 $0xFFFFFFFC, v7;
	v5 =	vadd.f32 v5, v9  }
0x82e: {  	s14 =	sadd.s32 $0x386, s28;
	v4 =	vadd.f32 v4, v8;
	v8 =	vperm.xlane v6, v2;
	v9 =	vand.u32 $0xFFFFFFFD, v10  }
0x82f: {  	v10 =	vmov s14;
	v7 =	vbroadcast v7, $0x0;
	v11 =	vperm.xlane v5, v2  }
0x830: {  	v10 =	vand.u32 $0xFFFFFFFE, v10;
	v9 =	vbroadcast v9, $0x0;
	v6 =	vadd.f32 v6, v8  }
0x831: {  	v8 =	vperm.xlane v4, v3;
	v10 =	vbroadcast v10, $0x0;
	v5 =	vadd.f32 v5, v11  }
0x832: {  	v11 =	vperm.xlane v6, v3  }
0x833: {  	v4 =	vadd.f32 v4, v8;
	v8 =	vperm.xlane v5, v3  }
0x834: {  	v6 =	vadd.f32 v6, v11  }
0x835: {  	[tilespmem:v7+s30+$0x0] =	vst.idx.msk $0x1, v4;
	v4 =	vadd.f32 v5, v8  }
0x836: {  	[tilespmem:v9+s30+$0x0] =	vst.idx.msk $0x1, v6  }
0x837: {  	[tilespmem:v10+s30+$0x0] =	vst.idx.msk $0x1, v4  }
0x838: {  	s6 =	sand.u32 $0x1C0, s15;
	v7 =	vld [tilespmem:s0+$0x0]  }
0x839: {  	v8 =	vld [tilespmem:s6+$0x18E00];
	_ =	sdelay $0x3  }
0x83a: {  	v4 =	vshrl.u32 v7, $0x1  }
0x83b: {  	v5 =	vshrl.u32 v8, $0x1;
	v4 =	vadd.s32 $0x1FBD1DF5, v4  }
0x83c: {  	v5 =	vadd.s32 $0x1FBD1DF5, v5;
	(erf) = vrcp.f32 v4  }
0x83d: {  	v10 =	vld [tilespmem:s0+$0xFFFFFFE0];
	(erf) = vrcp.f32 v5;
	_ =	sdelay $0x1  }
0x83e: {  	v13 =	vld [tilespmem:s0+$0xFFFFFFF0]  }
0x83f: {  	s14 =	simm.s32 $0x18E70  }
0x840: {  	v11 =	vld [tilespmem:s14+$0x0]  }
0x841: {  	s16 =	simm.s32 $0x40;
	v6 =	vshrl.u32 v10, $0x1  }
0x842: {  	s7 =	sand.u32 $0x1C0, s16;
	v6 =	vadd.s32 $0x1FBD1DF5, v6  }
0x843: {  	v14 =	vld [tilespmem:s7+$0x18E00];
	v9 =	vshrl.u32 v13, $0x1;
	(erf) = vrcp.f32 v6  }
0x844: {  	v9 =	vadd.s32 $0x1FBD1DF5, v9;
	v12 =	vpop (erf)  }
0x845: {  	v15 =	vshrl.u32 v11, $0x1;
	(erf) = vrcp.f32 v9;
	v16 =	vpop (erf)  }
0x846: {  	v15 =	vadd.s32 $0x1FBD1DF5, v15;
	v12 =	vmul.f32 v12, v7;
	v16 =	vmul.f32 v16, v8  }
0x847: {  	(erf) = vrcp.f32 v15  }
0x848: {  	v4 =	vadd.f32 v4, v12;
	v12 =	vshrl.u32 v14, $0x1;
	v5 =	vadd.f32 v5, v16  }
0x849: {  	v12 =	vadd.s32 $0x1FBD1DF5, v12  }
0x84a: {  	v18 =	vld [tilespmem:s14+$0xFFFFFFE0];
	(erf) = vrcp.f32 v12  }
0x84b: {  	v16 =	vmul.f32 $5.000000000e-01, v4;
	v4 =	vld [tilespmem:s14+$0xFFFFFFF0]  }
0x84c: {  	s15 =	simm.s32 $0x18EB0;
	v17 =	vmul.f32 $5.000000000e-01, v5;
	v5 =	vpop (erf)  }
0x84d: {  	v21 =	vld [tilespmem:s15+$0x0];
	(erf) = vrcp.f32 v16;
	v5 =	vmul.f32 v5, v10  }
0x84e: {  	s17 =	simm.s32 $0x80  }
0x84f: {  	s17 =	sand.u32 $0x1C0, s17;
	v19 =	vshrl.u32 v18, $0x1;
	(erf) = vrcp.f32 v17;
	v5 =	vadd.f32 v6, v5;
	v6 =	vpop (erf)  }
0x850: {  	v22 =	vld [tilespmem:s17+$0x18E00];
	v19 =	vadd.s32 $0x1FBD1DF5, v19;
	v20 =	vshrl.u32 v4, $0x1;
	v6 =	vmul.f32 v6, v13  }
0x851: {  	(erf) = vrcp.f32 v19;
	v20 =	vadd.s32 $0x1FBD1DF5, v20;
	v23 =	vpop (erf);
	v24 =	vmul.f32 $5.000000000e-01, v5  }
0x852: {  	v5 =	vshrl.u32 v21, $0x1;
	v23 =	vmul.f32 v23, v11;
	v9 =	vadd.f32 v9, v6  }
0x853: {  	(erf) = vrcp.f32 v20;
	v25 =	vpop (erf);
	v26 =	vadd.s32 $0x1FBD1DF5, v5  }
0x854: {  	v6 =	vld [tilespmem:s15+$0xFFFFFFE0];
	(erf) = vrcp.f32 v24;
	v25 =	vmul.f32 v25, v14;
	v15 =	vadd.f32 v15, v23  }
0x855: {  	v5 =	vld [tilespmem:s15+$0xFFFFFFF0];
	v23 =	vshrl.u32 v22, $0x1;
	v27 =	vmul.f32 $5.000000000e-01, v9;
	(erf) = vrcp.f32 v26  }
0x856: {  	v23 =	vadd.s32 $0x1FBD1DF5, v23;
	v12 =	vadd.f32 v12, v25;
	v15 =	vmul.f32 $5.000000000e-01, v15;
	v9 =	vpop (erf)  }
0x857: {  	(erf) = vrcp.f32 v23;
	v7 =	vmul.f32 v9, v7  }
0x858: {  	v28 =	vpop (erf);
	v25 =	vmul.f32 $5.000000000e-01, v12;
	(erf) = vrcp.f32 v15  }
0x859: {  	v12 =	vshrl.u32 v6, $0x1;
	v8 =	vmul.f32 v28, v8;
	v7 =	vadd.f32 v7, v16  }
0x85a: {  	s16 =	simm.s32 $0x18EF0;
	v9 =	vpop (erf);
	v29 =	vadd.s32 $0x1FBD1DF5, v12;
	v16 =	vshrl.u32 v5, $0x1  }
0x85b: {  	s18 =	simm.s32 $0xC0;
	(erf) = vrcp.f32 v25;
	v8 =	vadd.f32 v8, v17;
	v17 =	vmul.f32 v9, v18;
	v9 =	vld [tilespmem:s16+$0x0]  }
0x85c: {  	s28 =	sand.u32 $0x1C0, s18;
	v16 =	vadd.s32 $0x1FBD1DF5, v16;
	(erf) = vrcp.f32 v29  }
0x85d: {  	v12 =	vld [tilespmem:s28+$0x18E00];
	v28 =	vmul.f32 $5.000000000e-01, v7;
	v30 =	vmul.f32 $5.000000000e-01, v8;
	v8 =	vadd.f32 v19, v17;
	v7 =	vpop (erf)  }
0x85e: {  	(erf) = vrcp.f32 v16;
	v17 =	vmul.f32 v7, v4;
	v7 =	vpop (erf)  }
0x85f: {  	v31 =	vmul.f32 $5.000000000e-01, v8;
	v19 =	vmul.f32 v7, v10;
	v7 =	vpop (erf)  }
0x860: {  	(erf) = vrcp.f32 v27;
	v8 =	vshrl.u32 v9, $0x1;
	v7 =	vmul.f32 v7, v21;
	v10 =	vpop (erf)  }
0x861: {  	(erf) = vrcp.f32 v31;
	v32 =	vadd.s32 $0x1FBD1DF5, v8;
	v8 =	vld [tilespmem:s16+$0xFFFFFFE0];
	v10 =	vmul.f32 v10, v22  }
0x862: {  	v34 =	vshrl.u32 v12, $0x1;
	v33 =	vpop (erf);
	(erf) = vrcp.f32 v32;
	v26 =	vadd.f32 v26, v7  }
0x863: {  	v59 =	vadd.s32 $0x1FBD1DF5, v34;
	v11 =	vmul.f32 v33, v11;
	v10 =	vadd.f32 v23, v10  }
0x864: {  	v17 =	vadd.f32 v20, v17;
	v7 =	vld [tilespmem:s16+$0xFFFFFFF0];
	v20 =	vpop (erf);
	(erf) = vrcp.f32 v59;
	v26 =	vmul.f32 $5.000000000e-01, v26  }
0x865: {  	v14 =	vmul.f32 v20, v14;
	v20 =	vpop (erf);
	v11 =	vadd.f32 v11, v15;
	v60 =	vmul.f32 $5.000000000e-01, v10  }
0x866: {  	v20 =	vmul.f32 v20, v6;
	v15 =	vshrl.u32 v8, $0x1;
	(erf) = vrcp.f32 v26  }
0x867: {  	v19 =	vadd.f32 v19, v24;
	v10 =	vmul.f32 $5.000000000e-01, v17;
	(erf) = vrcp.f32 v60  }
0x868: {  	v14 =	vadd.f32 v14, v25;
	v25 =	vpop (erf);
	v35 =	vmul.f32 $5.000000000e-01, v11;
	v23 =	vadd.s32 $0x1FBD1DF5, v15  }
0x869: {  	v20 =	vadd.f32 v29, v20;
	v17 =	vshrl.u32 v7, $0x1;
	v24 =	vmul.f32 v25, v5;
	v15 =	vpop (erf)  }
0x86a: {  	s18 =	simm.s32 $0x18F30;
	v36 =	vmul.f32 $5.000000000e-01, v14;
	v17 =	vadd.s32 $0x1FBD1DF5, v17;
	(erf) = vrcp.f32 v23;
	v11 =	vpop (erf)  }
0x86b: {  	s8 =	simm.s32 $0x100;
	v14 =	vld [tilespmem:s18+$0x0];
	(erf) = vrcp.f32 v17;
	v24 =	vadd.f32 v16, v24;
	v16 =	vmul.f32 $5.000000000e-01, v20;
	v25 =	vpop (erf)  }
0x86c: {  	s5 =	sand.u32 $0x1C0, s8;
	v18 =	vmul.f32 v11, v18;
	v25 =	vmul.f32 v25, v9  }
0x86d: {  	v37 =	vmul.f32 v15, v13;
	v15 =	vld [tilespmem:s5+$0x18E00];
	(erf) = vrcp.f32 v10  }
0x86e: {  	v29 =	vmul.f32 $5.000000000e-01, v19;
	v20 =	vld [tilespmem:s18+$0xFFFFFFF0];
	v13 =	vpop (erf);
	(erf) = vrcp.f32 v16;
	v19 =	vadd.f32 v18, v31  }
0x86f: {  	v11 =	vld [tilespmem:s18+$0xFFFFFFE0];
	v31 =	vmul.f32 v13, v12;
	v13 =	vmul.f32 $5.000000000e-01, v24;
	v18 =	vadd.f32 v37, v27;
	v24 =	vpop (erf)  }
0x870: {  	v27 =	vadd.f32 v32, v25;
	v21 =	vmul.f32 v24, v21;
	v24 =	vshrl.u32 v14, $0x1;
	v25 =	vpop (erf)  }
0x871: {  	v31 =	vadd.f32 v59, v31;
	v61 =	vmul.f32 v25, v22;
	v25 =	vadd.s32 $0x1FBD1DF5, v24  }
0x872: {  	[tilespmem:s0+$0x0] =	vst v28;
	v26 =	vadd.f32 v21, v26;
	v21 =	vshrl.u32 v15, $0x1;
	(erf) = vrcp.f32 v25  }
0x873: {  	[tilespmem:s6+$0x18E00] =	vst v30;
	v30 =	vshrl.u32 v20, $0x1;
	v22 =	vmul.f32 $5.000000000e-01, v27;
	v24 =	vadd.s32 $0x1FBD1DF5, v21  }
0x874: {  	[tilespmem:s14+$0x0] =	vst v35;
	v62 =	vshrl.u32 v11, $0x1;
	v21 =	vmul.f32 $5.000000000e-01, v31;
	(erf) = vrcp.f32 v24  }
0x875: {  	[tilespmem:s0+$0xFFFFFFE0] =	vst v29;
	v28 =	vadd.f32 v61, v60;
	v31 =	vpop (erf);
	v63 =	vmul.f32 $5.000000000e-01, v26;
	(erf) = vrcp.f32 v22  }
0x876: {  	[tilespmem:s7+$0x18E00] =	vst v36;
	v27 =	vadd.s32 $0x1FBD1DF5, v62;
	v29 =	vpop (erf);
	v31 =	vmul.f32 v31, v8;
	(erf) = vrcp.f32 v21  }
0x877: {  	s6 =	simm.s32 $0x10;
	s7 =	simm.s32 $0x18F70;
	v30 =	vadd.s32 $0x1FBD1DF5, v30;
	v28 =	vmul.f32 $5.000000000e-01, v28;
	v26 =	vpop (erf);
	[tilespmem:s15+$0x0] =	vst v63;
	(erf) = vrcp.f32 v27  }
.LBB2_20:
0x878: {  	(erf) = vrcp.f32 v30  }
0x879: {  	v32 =	vld [tilespmem:s7+$0x0];
	v29 =	vmul.f32 v29, v7;
	[tilespmem:s17+$0x18E00] =	vst v28;
	v28 =	vpop (erf);
	v33 =	vmov v17;
	v17 =	vmov v30;
	s17 =	smov.u32 s28;
	s28 =	smov.u32 s5  }
0x87a: {  	s8 =	sadd.s32 $0x40, s8;
	v35 =	vadd.f32 v23, v31;
	v28 =	vmul.f32 v28, v6;
	(erf) = vrcp.f32 v13;
	v6 =	vmovc v8;
	v8 =	vmovc v11;
	v11 =	vld [tilespmem:s7+$0xFFFFFFE0]  }
0x87b: {  	s6 =	sadd.s32 $0x4, s6;
	v26 =	vmul.f32 v26, v4;
	s5 =	sand.u32 $0x1C0, s8;
	v30 =	vld [tilespmem:s7+$0xFFFFFFF0];
	v31 =	vpop (erf);
	v29 =	vadd.f32 v33, v29;
	v33 =	vmul.f32 $5.000000000e-01, v19  }
0x87c: {  	v4 =	vmovc v5;
	v5 =	vmovc v7;
	p0 =	slt.u32 s6, $0x1C;
	v34 =	vld [tilespmem:s5+$0x18E00];
	v19 =	vadd.f32 v28, v16;
	v16 =	vmul.f32 $5.000000000e-01, v35;
	v28 =	vmul.f32 $5.000000000e-01, v18  }
0x87d: {  	v7 =	vmovc v20;
	v23 =	vmovc v27;
	v18 =	vadd.f32 v26, v10;
	v10 =	vmov v13;
	[tilespmem:s14+$0xFFFFFFE0] =	vst v33;
	v13 =	vmul.f32 $5.000000000e-01, v29  }
0x87e: {  	v29 =	vmul.f32 v31, v14;
	v20 =	vshrl.u32 v32, $0x1;
	v27 =	vpop (erf);
	(erf) = vrcp.f32 v16;
	[tilespmem:s0+$0xFFFFFFF0] =	vst v28;
	s0 =	smov.u32 s14;
	s14 =	smov.u32 s15;
	s15 =	smov.u32 s16  }
0x87f: {  	s16 =	smov.u32 s18;
	s18 =	smov.u32 s7;
	v28 =	vshrl.u32 v11, $0x1;
	v33 =	vadd.s32 $0x1FBD1DF5, v20;
	v20 =	vmul.f32 v27, v15;
	v27 =	vpop (erf)  }
0x880: {  	v25 =	vadd.f32 v25, v29;
	(erf) = vrcp.f32 v33;
	v9 =	vmul.f32 v27, v9;
	v26 =	vpop (erf)  }
0x881: {  	v27 =	vshrl.u32 v34, $0x1;
	v20 =	vadd.f32 v24, v20;
	v31 =	vpop (erf);
	v12 =	vmul.f32 v26, v12  }
.Ltmp9:
0x882: {  	v24 =	vadd.s32 $0x1FBD1DF5, v27;
	v29 =	vpop (erf);
	v27 =	vadd.f32 v9, v22;
	v22 =	vmul.f32 $5.000000000e-01, v25;
	(pc) =	sbr.rel @p0 .LBB2_20-.Ltmp9, $4  }
0x883: {  	(erf) = vrcp.f32 v24;
	v36 =	vadd.f32 v12, v21;
	v21 =	vmul.f32 $5.000000000e-01, v20;
	v26 =	vpop (erf)  }
0x884: {  	v37 =	vshrl.u32 v30, $0x1;
	(erf) = vrcp.f32 v22;
	v35 =	vmul.f32 $5.000000000e-01, v27;
	v9 =	vmovc v14;
	v14 =	vmovc v32  }
0x885: {  	v27 =	vadd.s32 $0x1FBD1DF5, v28;
	(erf) = vrcp.f32 v21;
	v28 =	vmul.f32 $5.000000000e-01, v36;
	v20 =	vmovc v30;
	v12 =	vmovc v15  }
0x886: {  	s7 =	sadd.s32 $0x40, s7;
	v31 =	vmul.f32 v31, v8;
	v25 =	vmovc v33;
	v30 =	vadd.s32 $0x1FBD1DF5, v37;
	v15 =	vmovc v34;
	(erf) = vrcp.f32 v27;
	[tilespmem:s15+$0x0] =	vst v35  }
0x887: {  	_ = 	snop  }
0x888: {  	(erf) = vrcp.f32 v30;
	_ =	sdelay $0x1  }
0x889: {  	v32 =	vpop (erf)  }
0x88a: {  	v33 =	vpop (erf)  }
0x88b: {  	v33 =	vmul.f32 v33, v14;
	v34 =	vpop (erf)  }
0x88c: {  	v23 =	vadd.f32 v23, v31;
	v39 =	vmul.f32 v34, v15;
	v40 =	vpop (erf)  }
0x88d: {  	v29 =	vmul.f32 v29, v7;
	v25 =	vadd.f32 v25, v33;
	v41 =	vpop (erf)  }
0x88e: {  	v23 =	vmul.f32 $5.000000000e-01, v23;
	(erf) = vrcp.f32 v13;
	v24 =	vadd.f32 v24, v39;
	v42 =	vpop (erf)  }
0x88f: {  	v25 =	vmul.f32 $5.000000000e-01, v25;
	v31 =	vmul.f32 v42, v11  }
0x890: {  	v17 =	vadd.f32 v17, v29;
	(erf) = vrcp.f32 v23;
	v43 =	vpop (erf);
	v24 =	vmul.f32 $5.000000000e-01, v24  }
0x891: {  	(erf) = vrcp.f32 v25;
	v29 =	vmul.f32 v43, v20;
	v27 =	vadd.f32 v27, v31  }
0x892: {  	v17 =	vmul.f32 $5.000000000e-01, v17;
	(erf) = vrcp.f32 v24  }
0x893: {  	v29 =	vadd.f32 v30, v29;
	v27 =	vmul.f32 $5.000000000e-01, v27  }
0x894: {  	(erf) = vrcp.f32 v17  }
0x895: {  	v29 =	vmul.f32 $5.000000000e-01, v29;
	(erf) = vrcp.f32 v27;
	_ =	sdelay $0x1  }
0x896: {  	v4 =	vmul.f32 v26, v4;
	(erf) = vrcp.f32 v29  }
0x897: {  	v6 =	vmul.f32 v32, v6;
	v44 =	vpop (erf)  }
0x898: {  	v19 =	vmul.f32 $5.000000000e-01, v19;
	v4 =	vadd.f32 v4, v10;
	v9 =	vmul.f32 v40, v9;
	v45 =	vpop (erf)  }
0x899: {  	[tilespmem:s17+$0x18E00] =	vst v28;
	v18 =	vmul.f32 $5.000000000e-01, v18;
	v6 =	vadd.f32 v6, v16;
	v12 =	vmul.f32 v41, v12;
	v46 =	vpop (erf)  }
0x89a: {  	[tilespmem:s14+$0xFFFFFFE0] =	vst v19;
	v4 =	vmul.f32 $5.000000000e-01, v4;
	v9 =	vadd.f32 v9, v22;
	v8 =	vmul.f32 v45, v8;
	v48 =	vpop (erf)  }
0x89b: {  	[tilespmem:s0+$0xFFFFFFF0] =	vst v18;
	v6 =	vmul.f32 $5.000000000e-01, v6;
	v12 =	vadd.f32 v12, v21;
	v50 =	vmul.f32 v48, v15  }
0x89c: {  	[tilespmem:s14+$0xFFFFFFF0] =	vst v4;
	v9 =	vmul.f32 $5.000000000e-01, v9;
	v47 =	vmul.f32 v46, v14;
	v8 =	vadd.f32 v8, v23;
	v52 =	vpop (erf)  }
0x89d: {  	[tilespmem:s15+$0xFFFFFFE0] =	vst v6;
	v49 =	vmul.f32 $5.000000000e-01, v12;
	v5 =	vmul.f32 v44, v5;
	v53 =	vadd.f32 v50, v24;
	v54 =	vpop (erf)  }
0x89e: {  	[tilespmem:s16+$0x0] =	vst v9;
	v51 =	vadd.f32 v47, v25;
	v59 =	vmul.f32 $5.000000000e-01, v8;
	v56 =	vmul.f32 v54, v11  }
0x89f: {  	[tilespmem:s28+$0x18E00] =	vst v49;
	v5 =	vadd.f32 v5, v13;
	v57 =	vmul.f32 v52, v7;
	v58 =	vpop (erf);
	v4 =	vmul.f32 $5.000000000e-01, v53  }
0x8a0: {  	v55 =	vmul.f32 $5.000000000e-01, v51;
	[tilespmem:s16+$0xFFFFFFE0] =	vst v59;
	v61 =	vmul.f32 v58, v20;
	v60 =	vadd.f32 v56, v27  }
0x8a1: {  	[tilespmem:s5+$0x18E00] =	vst v4;
	v4 =	vmul.f32 $5.000000000e-01, v5;
	v5 =	vadd.f32 v57, v17  }
0x8a2: {  	[tilespmem:s18+$0x0] =	vst v55;
	v63 =	vadd.f32 v61, v29;
	v62 =	vmul.f32 $5.000000000e-01, v60  }
0x8a3: {  	[tilespmem:s15+$0xFFFFFFF0] =	vst v4;
	v4 =	vmul.f32 $5.000000000e-01, v5  }
0x8a4: {  	v5 =	vmul.f32 $5.000000000e-01, v63;
	[tilespmem:s18+$0xFFFFFFE0] =	vst v62  }
0x8a5: {  	[tilespmem:s16+$0xFFFFFFF0] =	vst v4  }
0x8a6: {  	s31 =	sadd.s32 $0x1, s31;
	s28 =	simm.s32 $0x18E00;
	[tilespmem:s18+$0xFFFFFFF0] =	vst v5  }
0x8a7: {  	[hbm4b:s12+s4] =	stream.linear.scatter [tilespmem:s28], [sflag:$0x3], $0x200, $0x38;
	[tilespmem:$0x19000] =	vst v63  }
0x8a8: {  	p0 =	sne.s32 s31, s13;
	_ =	swait.ge [sflag:s3], $0x200  }
.Ltmp10:
0x8a9: {  	[sflag:s3] =	ssyncset.done $0x0;
	(pc) =	sbr.rel @p0 .LBB2_1-.Ltmp10, $4  }
0x8aa: {  	[sflag:s3] =	ssyncadd.s32 $0xFFFFFE00  }
0x8ab: {  	_ =	swait.ge [sflag:s3], $0x200  }
0x8ac: {  	[sflag:s3] =	ssyncset.done $0x0  }
0x8ad: {  	s8 =	simm.s32 $0x200;
	s18 =	simm.s32 $0x600;
	[sflag:s3] =	ssyncadd.s32 $0xFFFFFE00  }
0x8ae: {  	_ =	sfence.sel $0x180000  }
0x8af: {  	[bflag:$0x0] =	sbarrier.arrive $0xFFFF  }
0x8b0: {  	_ =	strace $0x90000047  }
0x8b1: {  	s0 =	stileid.u32;
	[bflag:$0x2] =	sbarrier.arrive $0xFFFF  }
0x8b2: {  	p0 =	sne.s32 s0, $0x0;
	s0 =	rddreg [dreg:$0xa]  }
0x8b3: {  	s0 =	sadd.s32 @!p0 $0x100000, s0  }
0x8b4: {  	[sflag:s0] =	ssyncadd.tile.s32 @!p0 $0x1;
	_ =	shalt  }
.Lfunc_end2:
_tile_overlayer_lowered:
.L_overlay_start_2:
0x8b5: {  	(tag) =	ssettag $0x2  }
0x8b6: {  	s0 =	rddreg [dreg:$0x0];
	s2 =	stileid.u32  }
0x8b7: {  	s1 =	rddreg [dreg:$0x1];
	p0 =	sne.s32 s2, $0x0  }
0x8b8: {  	s3 =	rddreg [dreg:$0x2];
	[bflag:$0x3] =	sbarrier.arrive $0xFFFF;
	s2 =	simm.s32 @!p0 $0x1C04  }
0x8b9: {  	[timem:s3], [sflag:s2] =	dma.local @!p0 [hbm:s0], s1  }
0x8ba: {  	s0 =	simm.s32 @!p0 $0x4  }
0x8bb: {  	_ =	swait.ge @!p0 [sflag:s0], s1  }
0x8bc: {  	s1 =	ssub.s32 @!p0 $0x0, s1;
	[sflag:s0] =	ssyncset.done @!p0 $0x0  }
0x8bd: {  	[sflag:s0] =	ssyncadd.s32 @!p0 s1  }
0x8be: {  	[bflag:$0x3] =	sbarrier.arrive $0xFFFF  }
0x8bf: {  	_ =	shalt  }

</sc_bundles>
